<compile_context>
chip_gen: v7x
topology: tpu7x:2x2x1
jax: 0.10.2.dev20260603
libtpu: 0.0.44.dev20260713+nightly
codegen_flags: <defaults>
</compile_context>

<pallas_src>
import dataclasses
import functools

import jax
import jax.numpy as jnp
from jax import lax
from jax.experimental import pallas as pl
from jax.experimental.pallas import tpu as pltpu
from jax.experimental.pallas import tpu_sc as plsc

N_FACES = 100000
N_EDGES = 150000
NNZ = 300000
D = 128

NSUB = 16
NCORE = 2
LANES = 16
K = 128
CHUNK = 8192
ROWS_PER_TILE = CHUNK // NSUB
NCH1 = -(-N_EDGES // CHUNK)
NCH2 = -(-N_FACES // CHUNK)
P1 = NCH1 * CHUNK
P2 = NCH2 * CHUNK
NQ = 2
SB = 8
BIGDEST = 1 << 29

f32 = jnp.float32
i32 = jnp.int32



def _mm_pm_body(sigmoid_in, x_ref, w_ref, o_ref):
    xb = x_ref[...]
    if sigmoid_in:
        xb = jax.nn.sigmoid(xb)
    r = jnp.dot(xb, w_ref[...], preferred_element_type=f32)
    o_ref[0] = r
    o_ref[1] = -r


def _mm_pm(x, w, bm, sigmoid_in):
    n = x.shape[0]
    nblk = n // bm
    out = pl.pallas_call(
        functools.partial(_mm_pm_body, sigmoid_in),
        grid=(nblk,),
        in_specs=[
            pl.BlockSpec((bm, D), lambda i: (i, 0)),
            pl.BlockSpec((D, D), lambda i: (0, 0)),
        ],
        out_specs=pl.BlockSpec((2, bm, D), lambda i: (0, i, 0)),
        out_shape=jax.ShapeDtypeStruct((2, n, D), f32),
    )(x, w)
    return out.reshape(2 * n, D)


def _sigmoid_body(x_ref, o_ref):
    o_ref[...] = jax.nn.sigmoid(x_ref[...])


def _sigmoid_head(x, n, bm):
    return pl.pallas_call(
        _sigmoid_body,
        grid=(n // bm,),
        in_specs=[pl.BlockSpec((bm, D), lambda i: (i, 0))],
        out_specs=pl.BlockSpec((bm, D), lambda i: (i, 0)),
        out_shape=jax.ShapeDtypeStruct((n, D), f32),
    )(x)



def _vext(vec, c):
    sel = jnp.where(lax.iota(i32, LANES) == c, vec, -(1 << 30))
    return jnp.max(sel)


def _make_spmm(nch, out_rows):
    mesh = plsc.VectorSubcoreMesh(core_axis_name="c", subcore_axis_name="s")
    nloop = -(-nch // NCORE)
    cp = pltpu.CompilerParams()
    if "needs_layout_passes" in pltpu.CompilerParams.__dataclass_fields__:
        cp = dataclasses.replace(cp, needs_layout_passes=False)

    @functools.partial(
        pl.kernel,
        mesh=mesh,
        compiler_params=cp,
        out_type=jax.ShapeDtypeStruct((out_rows, D), f32),
        scratch_types=[
            pltpu.VMEM((32,), i32),
            pltpu.VMEM((NQ * K,), i32),
            pltpu.VMEM((NQ * K,), i32),
        ] + [pltpu.VMEM((K,), i32)] * NQ + [
            pltpu.VMEM((K, D), f32),
            pltpu.VMEM((K, D), f32),
            pltpu.VMEM((K, D), f32),
            pltpu.VMEM_SHARED((CHUNK + 8, D), f32),
            pltpu.SemaphoreType.DMA,
            pltpu.SemaphoreType.DMA,
            pltpu.SemaphoreType.DMA,
        ],
    )
    def spmm(src_hbm, gidx_hbm, didx_hbm, bounds_hbm, zeros_hbm, out_hbm,
             bnd_v, gi_v, di_v, r0, r1,
             gat_0, gat_1, zero_v, acc, sem_g, sem_s0, sem_s1):
        rel_refs = (r0, r1)
        gat_refs = (gat_0, gat_1)
        sc_sems = (sem_s0, sem_s1)
        core = lax.axis_index("c")
        sub = lax.axis_index("s")

        pltpu.sync_copy(bounds_hbm, bnd_v)
        pltpu.sync_copy(zeros_hbm, zero_v)
        b0 = bnd_v[pl.ds(0, LANES)]
        b1 = bnd_v[pl.ds(LANES, LANES)]

        def bound(c):
            return jnp.where(c < LANES, _vext(b0, c), _vext(b1, c - LANES))

        def chunk_body(it, carry):
            c = core + NCORE * it

            @pl.when(c < nch)
            def _():
                base = pl.multiple_of(c * CHUNK, CHUNK)
                for q in range(ROWS_PER_TILE // K):
                    pltpu.sync_copy(
                        zero_v,
                        acc.at[pl.ds(pl.multiple_of(
                            sub * ROWS_PER_TILE + q * K, K), K)])
                plsc.subcore_barrier()

                lo_c = pl.multiple_of(bound(c) & ~7, 8)
                hi_c = pl.multiple_of((bound(c + 1) + 7) & ~7, 8)
                ln = hi_c - lo_c
                lo = pl.multiple_of(lo_c + ((ln * sub) // NSUB & ~7), 8)
                hi = pl.multiple_of(lo_c + ((ln * (sub + 1)) // NSUB & ~7), 8)
                nb = (hi - lo + NQ * K - 1) // (NQ * K)

                def batch(t, carry2):
                    pos = pl.multiple_of(lo + t * (NQ * K), 8)
                    pltpu.sync_copy(gidx_hbm.at[pl.ds(pos, NQ * K)], gi_v)
                    pltpu.sync_copy(didx_hbm.at[pl.ds(pos, NQ * K)], di_v)
                    gh = [pltpu.async_copy(
                        src_hbm.at[gi_v.at[pl.ds(q * K, K)]],
                        gat_refs[q], sem_g) for q in range(NQ)]
                    for q in range(NQ):
                        for kk in range(K // LANES):
                            o = q * K + kk * LANES
                            d = di_v[pl.ds(o, LANES)]
                            gpos = pos + o + lax.iota(i32, LANES)
                            rel = d - (base + 1)
                            ok = (rel >= 0) & (rel < CHUNK) & (gpos < hi)
                            rel_refs[q][pl.ds(kk * LANES, LANES)] = (
                                jnp.where(ok, rel, CHUNK))
                    sh = []
                    for q in range(NQ):
                        gh[q].wait()
                        sh.append(pltpu.async_copy(
                            gat_refs[q], acc.at[rel_refs[q]],
                            sc_sems[q], add=True))
                    for h in sh:
                        h.wait()
                    return carry2

                lax.fori_loop(0, nb, batch, 0)
                plsc.subcore_barrier()

                pltpu.sync_copy(
                    acc.at[pl.ds(pl.multiple_of(sub * ROWS_PER_TILE,
                                                ROWS_PER_TILE), ROWS_PER_TILE)],
                    out_hbm.at[pl.ds(pl.multiple_of(
                        base + sub * ROWS_PER_TILE, ROWS_PER_TILE),
                        ROWS_PER_TILE)])
            return carry

        lax.fori_loop(0, nloop, chunk_body, 0)

    return spmm


@functools.cache
def _get_spmm(nch, out_rows):
    return _make_spmm(nch, out_rows)


RB = 256
RSUB = 8
SHIFT = 13
NBKT = 32
NNZ2 = 2 * NNZ
RBLK = -(-NNZ2 // (RB * RSUB))
NNZR = RBLK * RB * RSUB
NNZP2 = NNZ2 + 1088


def _rank_body(d_ref, rank_ref, tot_ref, run_ref):
    step = pl.program_id(0)

    @pl.when(step == 0)
    def _():
        run_ref[...] = jnp.zeros((1, NBKT), f32)

    r2d = lax.broadcasted_iota(i32, (RB, RB), 0)
    c2d = lax.broadcasted_iota(i32, (RB, RB), 1)
    sut = (r2d < c2d).astype(jnp.bfloat16)
    kblk = d_ref[...]
    b = jnp.minimum(lax.shift_right_logical(kblk, SHIFT), NBKT - 1)
    c3 = lax.broadcasted_iota(i32, (RSUB, NBKT, RB), 1)
    y = (b[:, None, :] == c3)
    yf = y.astype(f32)
    xt = y.reshape(RB, RB).astype(jnp.bfloat16)
    csum_t = jnp.dot(xt, sut, preferred_element_type=f32)
    tj = jnp.sum(yf, axis=2)
    acc = run_ref[...]
    goffs_rows = []
    for j in range(RSUB):
        goffs_rows.append(acc)
        acc = acc + tj[j:j + 1, :]
    goffs = jnp.concatenate(goffs_rows, axis=0)
    csum3 = csum_t.reshape(RSUB, NBKT, RB)
    rank = jnp.sum((csum3 + goffs[:, :, None]) * yf, axis=1)
    rank_ref[...] = rank.astype(i32)
    run_ref[...] = acc

    @pl.when(step == pl.num_programs(0) - 1)
    def _():
        tot_ref[...] = run_ref[...].astype(i32)


def _rank(keys):
    kpad = jnp.concatenate(
        [keys, jnp.full((NNZR - NNZ2,), BIGDEST, i32)])
    kpad = kpad.reshape(RBLK * RSUB, RB)
    rank, tot = pl.pallas_call(
        _rank_body,
        grid=(RBLK,),
        in_specs=[pl.BlockSpec((RSUB, RB), lambda i: (i, 0))],
        out_specs=[pl.BlockSpec((RSUB, RB), lambda i: (i, 0)),
                   pl.BlockSpec((1, NBKT), lambda i: (0, 0))],
        out_shape=[jax.ShapeDtypeStruct((RBLK * RSUB, RB), i32),
                   jax.ShapeDtypeStruct((1, NBKT), i32)],
        scratch_shapes=[pltpu.VMEM((1, NBKT), f32)],
    )(kpad)
    return rank.reshape(NNZR)[:NNZ2], tot[0]


def _bucket2(rows, cols, vals):
    rows = rows.astype(i32)
    cols = cols.astype(i32)
    keys = jnp.concatenate([rows, cols + 19 * CHUNK])
    rank, tot = _rank(keys)
    offs = jnp.concatenate([jnp.zeros((1,), i32),
                            jnp.cumsum(tot, dtype=i32)[:-1]])
    b = jnp.minimum(lax.shift_right_logical(keys, SHIFT), NBKT - 1)
    pos = offs[b] + rank
    neg = (vals < 0).astype(i32)
    gall = jnp.concatenate([cols + N_FACES * neg, rows + P1 * neg])
    dall = jnp.concatenate([rows, cols])
    d = jnp.zeros((NNZP2,), i32).at[pos].add(dall + 1, unique_indices=True)
    g = jnp.zeros((NNZP2,), i32).at[pos].add(gall, unique_indices=True)
    bounds1 = jnp.concatenate(
        [offs[:NCH1 + 1], jnp.full((32 - NCH1 - 1,), NNZ, i32)])
    bounds2 = jnp.concatenate(
        [offs[19:], jnp.full((32 - 13,), NNZR, i32)])
    return g, d, bounds1, bounds2


def kernel(x, rows, cols, vals, W1, W2):
    gidx, didx, bounds1, bounds2 = _bucket2(rows, cols, vals)
    zeros = jnp.zeros((K, D), f32)

    hpm = _mm_pm(x, W1, 1000, sigmoid_in=False)
    he = _get_spmm(NCH1, P1)(hpm, gidx, didx, bounds1, zeros)
    h2pm = _mm_pm(he, W2, 512, sigmoid_in=True)
    out = _get_spmm(NCH2, P2)(h2pm, gidx, didx, bounds2, zeros)
    return _sigmoid_head(out, N_FACES, 1000)

# --- scband reference (transcript-rebuilt; emitter-appended) ---
"""Pipeline reference for scband-template-layer-2516850835707 (READ-ONLY COPY).

The authoritative reference and input builder live on the scoring server;
editing this copy changes nothing except your own understanding.
"""

import jax, jax.numpy as jnp
import numpy as np

N_FACES = 100000
N_EDGES = 150000
NNZ = 300000
D_IN = 128
D_MID = 128
D_OUT = 128


def setup_inputs(seed: int = 0) -> dict:
    key = jax.random.key(seed)
    k1, k2, k3, k4, k5, k6 = jax.random.split(key, 6)
    x = jax.random.normal(k1, (N_FACES, D_IN), dtype=jnp.float32)
    # sparse incidence_matrix_2: shape [N_EDGES, N_FACES], COO with +/-1 values
    rows = jax.random.randint(k2, (NNZ,), 0, N_EDGES)
    cols = jax.random.randint(k3, (NNZ,), 0, N_FACES)
    vals = jnp.where(jax.random.bernoulli(k4, 0.5, (NNZ,)), 1.0, -1.0).astype(jnp.float32)
    lim1 = float(np.sqrt(6.0 / (D_IN + D_MID)))
    W1 = jax.random.uniform(k5, (D_IN, D_MID), minval=-lim1, maxval=lim1, dtype=jnp.float32)
    lim2 = float(np.sqrt(6.0 / (D_MID + D_OUT)))
    W2 = jax.random.uniform(k6, (D_MID, D_OUT), minval=-lim2, maxval=lim2, dtype=jnp.float32)
    return {"x": x, "rows": rows, "cols": cols, "vals": vals, "W1": W1, "W2": W2}


def _spmm(rows, cols, vals, mat, n_out):
    # (sparse [n_out, n_in]) @ (dense [n_in, d]) via gather + scatter-add
    gathered = jnp.take(mat, cols, axis=0) * vals[:, None]
    return jnp.zeros((n_out, mat.shape[1]), dtype=mat.dtype).at[rows].add(gathered)


def reference(x, rows, cols, vals, W1, W2):
    # level1: MessagePassingConv(in->mid, update='sigmoid') with neighborhood = incidence_matrix_2
    h = x @ W1
    h = _spmm(rows, cols, vals, h, N_EDGES)
    h = jax.nn.sigmoid(h)
    # level2: MessagePassingConv(mid->out, update='sigmoid') with neighborhood = incidence_matrix_2^T
    h2 = h @ W2
    out = _spmm(cols, rows, vals, h2, N_FACES)
    return jax.nn.sigmoid(out)

if __name__ == "__main__":
    import jax
    _d = setup_inputs()
    print(jax.jit(kernel)(*tuple(_d.values())))

</pallas_src>

<mosaic_0001>
#map = affine_map<(d0, d1) -> (0, 0)>
#map1 = affine_map<(d0, d1) -> (0)>
module attributes {stable_mosaic.version = 14 : i64} {
  func.func @spmm(%arg0: i32, %arg1: i32, %arg2: memref<200000x128xf32, #tpu.memory_space<hbm>>, %arg3: memref<601088xi32, #tpu.memory_space<hbm>>, %arg4: memref<601088xi32, #tpu.memory_space<hbm>>, %arg5: memref<32xi32, #tpu.memory_space<hbm>>, %arg6: memref<128x128xf32, #tpu.memory_space<hbm>>, %arg7: memref<155648x128xf32, #tpu.memory_space<hbm>>, %arg8: memref<32xi32, #tpu.memory_space<vmem>>, %arg9: memref<256xi32, #tpu.memory_space<vmem>>, %arg10: memref<256xi32, #tpu.memory_space<vmem>>, %arg11: memref<128xi32, #tpu.memory_space<vmem>>, %arg12: memref<128xi32, #tpu.memory_space<vmem>>, %arg13: memref<128x128xf32, #tpu.memory_space<vmem>>, %arg14: memref<128x128xf32, #tpu.memory_space<vmem>>, %arg15: memref<128x128xf32, #tpu.memory_space<vmem>>, %arg16: memref<8200x128xf32, #tpu.memory_space<vmem_shared>>, %arg17: memref<!tpu.dma_semaphore, #tpu.memory_space<semaphore_mem>>, %arg18: memref<!tpu.dma_semaphore, #tpu.memory_space<semaphore_mem>>, %arg19: memref<!tpu.dma_semaphore, #tpu.memory_space<semaphore_mem>>) attributes {dimension_semantics = [#tpu.dimension_semantics<core_parallel>, #tpu.dimension_semantics<subcore_parallel>], iteration_bounds = array<i64: 2, 16>, scalar_prefetch = 0 : i64, scratch_operands = 12 : i64, tpu.core_type = #tpu.core_type<sc_vector_subcore>, window_params = [{transform_indices = #map}, {transform_indices = #map1}, {transform_indices = #map1}, {transform_indices = #map1}, {transform_indices = #map}, {transform_indices = #map}]} {
    "tpu.region"() ({
      %run_scoped3A = tpu.sem_alloc : memref<!tpu.dma_semaphore, #tpu.memory_space<semaphore_mem>>
      tpu.enqueue_dma source(%arg5 : memref<32xi32, #tpu.memory_space<hbm>>) target(%arg8 : memref<32xi32, #tpu.memory_space<vmem>>) target_semaphore(%run_scoped3A : memref<!tpu.dma_semaphore, #tpu.memory_space<semaphore_mem>>)
      tpu.wait_dma2 semaphore(%run_scoped3A : memref<!tpu.dma_semaphore, #tpu.memory_space<semaphore_mem>>) src(%arg5 : memref<32xi32, #tpu.memory_space<hbm>>) dst(%arg8 : memref<32xi32, #tpu.memory_space<vmem>>)
      tpu.yield
    }) : () -> ()
    "tpu.region"() ({
      %run_scoped3A = tpu.sem_alloc : memref<!tpu.dma_semaphore, #tpu.memory_space<semaphore_mem>>
      tpu.enqueue_dma source(%arg6 : memref<128x128xf32, #tpu.memory_space<hbm>>) target(%arg15 : memref<128x128xf32, #tpu.memory_space<vmem>>) target_semaphore(%run_scoped3A : memref<!tpu.dma_semaphore, #tpu.memory_space<semaphore_mem>>)
      tpu.wait_dma2 semaphore(%run_scoped3A : memref<!tpu.dma_semaphore, #tpu.memory_space<semaphore_mem>>) src(%arg6 : memref<128x128xf32, #tpu.memory_space<hbm>>) dst(%arg15 : memref<128x128xf32, #tpu.memory_space<vmem>>)
      tpu.yield
    }) : () -> ()
    %get3A = arith.constant 0 : index
    %get3A_0 = tpu.vector_load %arg8[%get3A] {strides = array<i32>} : memref<32xi32, #tpu.memory_space<vmem>>, vector<16xi32>,
    %get3A_1 = arith.constant 16 : index
    %get3A_2 = tpu.vector_load %arg8[%get3A_1] {strides = array<i32>} : memref<32xi32, #tpu.memory_space<vmem>>, vector<16xi32>,
    %scan3A = arith.constant 0 : i32
    %scan3A_3 = arith.constant 0 : i32
    %scan3A_4 = arith.constant 10 : i32
    %scan3A_5 = arith.addi %scan3A_3, %scan3A_4 : i32
    %scan3A_6 = arith.constant 1 : i32
    scf.for %scan3A_8 = %scan3A_3 to %scan3A_5 step %scan3A_6  : i32 {
      %mul3A = arith.constant 2 : i32
      %mul3A_9 = arith.muli %mul3A, %scan3A_8 : i32
      %add3A = arith.addi %arg0, %mul3A_9 : i32
      %lt3A = arith.constant 19 : i32
      %lt3A_10 = arith.cmpi slt, %add3A, %lt3A : i32
      %convert_element_type3A = arith.extui %lt3A_10 : i1 to i32
      %cond3A = arith.constant 0 : i32
      %cond3A_11 = arith.cmpi ne, %convert_element_type3A, %cond3A : i32
      scf.if %cond3A_11 {
        %mul3A_12 = arith.constant 8192 : i32
        %mul3A_13 = arith.muli %add3A, %mul3A_12 : i32
        %multiple_of3A = tpu.assume_multiple %mul3A_13, 8192 : i32
        %mul3A_14 = arith.constant 512 : i32
        %mul3A_15 = arith.muli %arg1, %mul3A_14 : i32
        %add3A_16 = arith.constant 0 : i32
        %add3A_17 = arith.addi %mul3A_15, %add3A_16 : i32
        %multiple_of3A_18 = tpu.assume_multiple %add3A_17, 128 : i32
        "tpu.region"() ({
          %run_scoped3A = tpu.sem_alloc : memref<!tpu.dma_semaphore, #tpu.memory_space<semaphore_mem>>
          %dma_start3A = arith.constant 0 : i32
          %dma_start3A_205 = tpu.memref_slice %arg16[%multiple_of3A_18, %dma_start3A] : memref<8200x128xf32, #tpu.memory_space<vmem_shared>> -> memref<128x128xf32, #tpu.memory_space<vmem_shared>>
          %dma_start3A_206 = arith.constant 0 : i32
          %dma_start3A_207 = tpu.memref_slice %arg16[%multiple_of3A_18, %dma_start3A_206] : memref<8200x128xf32, #tpu.memory_space<vmem_shared>> -> memref<128x128xf32, #tpu.memory_space<vmem_shared>>
          tpu.enqueue_dma source(%arg15 : memref<128x128xf32, #tpu.memory_space<vmem>>) target(%dma_start3A_207 : memref<128x128xf32, #tpu.memory_space<vmem_shared>>) target_semaphore(%run_scoped3A : memref<!tpu.dma_semaphore, #tpu.memory_space<semaphore_mem>>)
          %dma_wait3A = arith.constant 0 : i32
          %dma_wait3A_208 = tpu.memref_slice %arg16[%multiple_of3A_18, %dma_wait3A] : memref<8200x128xf32, #tpu.memory_space<vmem_shared>> -> memref<128x128xf32, #tpu.memory_space<vmem_shared>>
          %dma_wait3A_209 = arith.constant 0 : i32
          %dma_wait3A_210 = tpu.memref_slice %arg16[%multiple_of3A_18, %dma_wait3A_209] : memref<8200x128xf32, #tpu.memory_space<vmem_shared>> -> memref<128x128xf32, #tpu.memory_space<vmem_shared>>
          tpu.wait_dma2 semaphore(%run_scoped3A : memref<!tpu.dma_semaphore, #tpu.memory_space<semaphore_mem>>) src(%arg15 : memref<128x128xf32, #tpu.memory_space<vmem>>) dst(%dma_wait3A_210 : memref<128x128xf32, #tpu.memory_space<vmem_shared>>)
          tpu.yield
        }) : () -> ()
        %mul3A_19 = arith.constant 512 : i32
        %mul3A_20 = arith.muli %arg1, %mul3A_19 : i32
        %add3A_21 = arith.constant 128 : i32
        %add3A_22 = arith.addi %mul3A_20, %add3A_21 : i32
        %multiple_of3A_23 = tpu.assume_multiple %add3A_22, 128 : i32
        "tpu.region"() ({
          %run_scoped3A = tpu.sem_alloc : memref<!tpu.dma_semaphore, #tpu.memory_space<semaphore_mem>>
          %dma_start3A = arith.constant 0 : i32
          %dma_start3A_205 = tpu.memref_slice %arg16[%multiple_of3A_23, %dma_start3A] : memref<8200x128xf32, #tpu.memory_space<vmem_shared>> -> memref<128x128xf32, #tpu.memory_space<vmem_shared>>
          %dma_start3A_206 = arith.constant 0 : i32
          %dma_start3A_207 = tpu.memref_slice %arg16[%multiple_of3A_23, %dma_start3A_206] : memref<8200x128xf32, #tpu.memory_space<vmem_shared>> -> memref<128x128xf32, #tpu.memory_space<vmem_shared>>
          tpu.enqueue_dma source(%arg15 : memref<128x128xf32, #tpu.memory_space<vmem>>) target(%dma_start3A_207 : memref<128x128xf32, #tpu.memory_space<vmem_shared>>) target_semaphore(%run_scoped3A : memref<!tpu.dma_semaphore, #tpu.memory_space<semaphore_mem>>)
          %dma_wait3A = arith.constant 0 : i32
          %dma_wait3A_208 = tpu.memref_slice %arg16[%multiple_of3A_23, %dma_wait3A] : memref<8200x128xf32, #tpu.memory_space<vmem_shared>> -> memref<128x128xf32, #tpu.memory_space<vmem_shared>>
          %dma_wait3A_209 = arith.constant 0 : i32
          %dma_wait3A_210 = tpu.memref_slice %arg16[%multiple_of3A_23, %dma_wait3A_209] : memref<8200x128xf32, #tpu.memory_space<vmem_shared>> -> memref<128x128xf32, #tpu.memory_space<vmem_shared>>
          tpu.wait_dma2 semaphore(%run_scoped3A : memref<!tpu.dma_semaphore, #tpu.memory_space<semaphore_mem>>) src(%arg15 : memref<128x128xf32, #tpu.memory_space<vmem>>) dst(%dma_wait3A_210 : memref<128x128xf32, #tpu.memory_space<vmem_shared>>)
          tpu.yield
        }) : () -> ()
        %mul3A_24 = arith.constant 512 : i32
        %mul3A_25 = arith.muli %arg1, %mul3A_24 : i32
        %add3A_26 = arith.constant 256 : i32
        %add3A_27 = arith.addi %mul3A_25, %add3A_26 : i32
        %multiple_of3A_28 = tpu.assume_multiple %add3A_27, 128 : i32
        "tpu.region"() ({
          %run_scoped3A = tpu.sem_alloc : memref<!tpu.dma_semaphore, #tpu.memory_space<semaphore_mem>>
          %dma_start3A = arith.constant 0 : i32
          %dma_start3A_205 = tpu.memref_slice %arg16[%multiple_of3A_28, %dma_start3A] : memref<8200x128xf32, #tpu.memory_space<vmem_shared>> -> memref<128x128xf32, #tpu.memory_space<vmem_shared>>
          %dma_start3A_206 = arith.constant 0 : i32
          %dma_start3A_207 = tpu.memref_slice %arg16[%multiple_of3A_28, %dma_start3A_206] : memref<8200x128xf32, #tpu.memory_space<vmem_shared>> -> memref<128x128xf32, #tpu.memory_space<vmem_shared>>
          tpu.enqueue_dma source(%arg15 : memref<128x128xf32, #tpu.memory_space<vmem>>) target(%dma_start3A_207 : memref<128x128xf32, #tpu.memory_space<vmem_shared>>) target_semaphore(%run_scoped3A : memref<!tpu.dma_semaphore, #tpu.memory_space<semaphore_mem>>)
          %dma_wait3A = arith.constant 0 : i32
          %dma_wait3A_208 = tpu.memref_slice %arg16[%multiple_of3A_28, %dma_wait3A] : memref<8200x128xf32, #tpu.memory_space<vmem_shared>> -> memref<128x128xf32, #tpu.memory_space<vmem_shared>>
          %dma_wait3A_209 = arith.constant 0 : i32
          %dma_wait3A_210 = tpu.memref_slice %arg16[%multiple_of3A_28, %dma_wait3A_209] : memref<8200x128xf32, #tpu.memory_space<vmem_shared>> -> memref<128x128xf32, #tpu.memory_space<vmem_shared>>
          tpu.wait_dma2 semaphore(%run_scoped3A : memref<!tpu.dma_semaphore, #tpu.memory_space<semaphore_mem>>) src(%arg15 : memref<128x128xf32, #tpu.memory_space<vmem>>) dst(%dma_wait3A_210 : memref<128x128xf32, #tpu.memory_space<vmem_shared>>)
          tpu.yield
        }) : () -> ()
        %mul3A_29 = arith.constant 512 : i32
        %mul3A_30 = arith.muli %arg1, %mul3A_29 : i32
        %add3A_31 = arith.constant 384 : i32
        %add3A_32 = arith.addi %mul3A_30, %add3A_31 : i32
        %multiple_of3A_33 = tpu.assume_multiple %add3A_32, 128 : i32
        "tpu.region"() ({
          %run_scoped3A = tpu.sem_alloc : memref<!tpu.dma_semaphore, #tpu.memory_space<semaphore_mem>>
          %dma_start3A = arith.constant 0 : i32
          %dma_start3A_205 = tpu.memref_slice %arg16[%multiple_of3A_33, %dma_start3A] : memref<8200x128xf32, #tpu.memory_space<vmem_shared>> -> memref<128x128xf32, #tpu.memory_space<vmem_shared>>
          %dma_start3A_206 = arith.constant 0 : i32
          %dma_start3A_207 = tpu.memref_slice %arg16[%multiple_of3A_33, %dma_start3A_206] : memref<8200x128xf32, #tpu.memory_space<vmem_shared>> -> memref<128x128xf32, #tpu.memory_space<vmem_shared>>
          tpu.enqueue_dma source(%arg15 : memref<128x128xf32, #tpu.memory_space<vmem>>) target(%dma_start3A_207 : memref<128x128xf32, #tpu.memory_space<vmem_shared>>) target_semaphore(%run_scoped3A : memref<!tpu.dma_semaphore, #tpu.memory_space<semaphore_mem>>)
          %dma_wait3A = arith.constant 0 : i32
          %dma_wait3A_208 = tpu.memref_slice %arg16[%multiple_of3A_33, %dma_wait3A] : memref<8200x128xf32, #tpu.memory_space<vmem_shared>> -> memref<128x128xf32, #tpu.memory_space<vmem_shared>>
          %dma_wait3A_209 = arith.constant 0 : i32
          %dma_wait3A_210 = tpu.memref_slice %arg16[%multiple_of3A_33, %dma_wait3A_209] : memref<8200x128xf32, #tpu.memory_space<vmem_shared>> -> memref<128x128xf32, #tpu.memory_space<vmem_shared>>
          tpu.wait_dma2 semaphore(%run_scoped3A : memref<!tpu.dma_semaphore, #tpu.memory_space<semaphore_mem>>) src(%arg15 : memref<128x128xf32, #tpu.memory_space<vmem>>) dst(%dma_wait3A_210 : memref<128x128xf32, #tpu.memory_space<vmem_shared>>)
          tpu.yield
        }) : () -> ()
        %barrier3A = arith.constant 0 : index
        tpu.barrier barrier_id(%barrier3A)
        %lt3A_34 = arith.constant 16 : i32
        %lt3A_35 = arith.cmpi slt, %add3A, %lt3A_34 : i32
        %iota3A = tpu.iota {dimensions = array<i32: 0>} : vector<16xi32>
        %eq3A = vector.broadcast %add3A : i32 to vector<16xi32>
        %eq3A_36 = arith.cmpi eq, %iota3A, %eq3A : vector<16xi32>
        %jit3A = arith.constant -1073741824 : i32
        %broadcast_in_dim3A = vector.broadcast %jit3A : i32 to vector<16xi32>
        %select_n3A = arith.select %eq3A_36, %get3A_0, %broadcast_in_dim3A : vector<16xi1>, vector<16xi32>
        %reduce_max3A = arith.constant true
        %reduce_max3A_37 = vector.broadcast %reduce_max3A : i1 to vector<16xi1>
        %reduce_max3A_38 = arith.constant -2147483648 : i32
        %reduce_max3A_39 = vector.broadcast %reduce_max3A_38 : i32 to vector<16xi32>
        %reduce_max3A_40 = arith.xori %select_n3A, %reduce_max3A_39 : vector<16xi32>
        %reduce_max3A_41 = tpu.scan <max>, %reduce_max3A_40 masked %reduce_max3A_37 : vector<16xi32>, vector<16xi1> -> vector<16xi32>
        %reduce_max3A_42 = arith.xori %reduce_max3A_41, %reduce_max3A_39 : vector<16xi32>
        %reduce_max3A_43 = vector.extract %reduce_max3A_42[15] : i32 from vector<16xi32>
        %sub3A = arith.constant 16 : i32
        %sub3A_44 = arith.subi %add3A, %sub3A : i32
        %iota3A_45 = tpu.iota {dimensions = array<i32: 0>} : vector<16xi32>
        %eq3A_46 = vector.broadcast %sub3A_44 : i32 to vector<16xi32>
        %eq3A_47 = arith.cmpi eq, %iota3A_45, %eq3A_46 : vector<16xi32>
        %jit3A_48 = arith.constant -1073741824 : i32
        %broadcast_in_dim3A_49 = vector.broadcast %jit3A_48 : i32 to vector<16xi32>
        %select_n3A_50 = arith.select %eq3A_47, %get3A_2, %broadcast_in_dim3A_49 : vector<16xi1>, vector<16xi32>
        %reduce_max3A_51 = arith.constant true
        %reduce_max3A_52 = vector.broadcast %reduce_max3A_51 : i1 to vector<16xi1>
        %reduce_max3A_53 = arith.constant -2147483648 : i32
        %reduce_max3A_54 = vector.broadcast %reduce_max3A_53 : i32 to vector<16xi32>
        %reduce_max3A_55 = arith.xori %select_n3A_50, %reduce_max3A_54 : vector<16xi32>
        %reduce_max3A_56 = tpu.scan <max>, %reduce_max3A_55 masked %reduce_max3A_52 : vector<16xi32>, vector<16xi1> -> vector<16xi32>
        %reduce_max3A_57 = arith.xori %reduce_max3A_56, %reduce_max3A_54 : vector<16xi32>
        %reduce_max3A_58 = vector.extract %reduce_max3A_57[15] : i32 from vector<16xi32>
        %select_n3A_59 = arith.select %lt3A_35, %reduce_max3A_43, %reduce_max3A_58 : i32
        %and3A = arith.constant -8 : i32
        %and3A_60 = arith.andi %select_n3A_59, %and3A : i32
        %multiple_of3A_61 = tpu.assume_multiple %and3A_60, 8 : i32
        %add3A_62 = arith.constant 1 : i32
        %add3A_63 = arith.addi %add3A, %add3A_62 : i32
        %lt3A_64 = arith.constant 16 : i32
        %lt3A_65 = arith.cmpi slt, %add3A_63, %lt3A_64 : i32
        %iota3A_66 = tpu.iota {dimensions = array<i32: 0>} : vector<16xi32>
        %eq3A_67 = vector.broadcast %add3A_63 : i32 to vector<16xi32>
        %eq3A_68 = arith.cmpi eq, %iota3A_66, %eq3A_67 : vector<16xi32>
        %jit3A_69 = arith.constant -1073741824 : i32
        %broadcast_in_dim3A_70 = vector.broadcast %jit3A_69 : i32 to vector<16xi32>
        %select_n3A_71 = arith.select %eq3A_68, %get3A_0, %broadcast_in_dim3A_70 : vector<16xi1>, vector<16xi32>
        %reduce_max3A_72 = arith.constant true
        %reduce_max3A_73 = vector.broadcast %reduce_max3A_72 : i1 to vector<16xi1>
        %reduce_max3A_74 = arith.constant -2147483648 : i32
        %reduce_max3A_75 = vector.broadcast %reduce_max3A_74 : i32 to vector<16xi32>
        %reduce_max3A_76 = arith.xori %select_n3A_71, %reduce_max3A_75 : vector<16xi32>
        %reduce_max3A_77 = tpu.scan <max>, %reduce_max3A_76 masked %reduce_max3A_73 : vector<16xi32>, vector<16xi1> -> vector<16xi32>
        %reduce_max3A_78 = arith.xori %reduce_max3A_77, %reduce_max3A_75 : vector<16xi32>
        %reduce_max3A_79 = vector.extract %reduce_max3A_78[15] : i32 from vector<16xi32>
        %sub3A_80 = arith.constant 16 : i32
        %sub3A_81 = arith.subi %add3A_63, %sub3A_80 : i32
        %iota3A_82 = tpu.iota {dimensions = array<i32: 0>} : vector<16xi32>
        %eq3A_83 = vector.broadcast %sub3A_81 : i32 to vector<16xi32>
        %eq3A_84 = arith.cmpi eq, %iota3A_82, %eq3A_83 : vector<16xi32>
        %jit3A_85 = arith.constant -1073741824 : i32
        %broadcast_in_dim3A_86 = vector.broadcast %jit3A_85 : i32 to vector<16xi32>
        %select_n3A_87 = arith.select %eq3A_84, %get3A_2, %broadcast_in_dim3A_86 : vector<16xi1>, vector<16xi32>
        %reduce_max3A_88 = arith.constant true
        %reduce_max3A_89 = vector.broadcast %reduce_max3A_88 : i1 to vector<16xi1>
        %reduce_max3A_90 = arith.constant -2147483648 : i32
        %reduce_max3A_91 = vector.broadcast %reduce_max3A_90 : i32 to vector<16xi32>
        %reduce_max3A_92 = arith.xori %select_n3A_87, %reduce_max3A_91 : vector<16xi32>
        %reduce_max3A_93 = tpu.scan <max>, %reduce_max3A_92 masked %reduce_max3A_89 : vector<16xi32>, vector<16xi1> -> vector<16xi32>
        %reduce_max3A_94 = arith.xori %reduce_max3A_93, %reduce_max3A_91 : vector<16xi32>
        %reduce_max3A_95 = vector.extract %reduce_max3A_94[15] : i32 from vector<16xi32>
        %select_n3A_96 = arith.select %lt3A_65, %reduce_max3A_79, %reduce_max3A_95 : i32
        %add3A_97 = arith.constant 7 : i32
        %add3A_98 = arith.addi %select_n3A_96, %add3A_97 : i32
        %and3A_99 = arith.constant -8 : i32
        %and3A_100 = arith.andi %add3A_98, %and3A_99 : i32
        %multiple_of3A_101 = tpu.assume_multiple %and3A_100, 8 : i32
        %sub3A_102 = arith.subi %multiple_of3A_101, %multiple_of3A_61 : i32
        %mul3A_103 = arith.muli %sub3A_102, %arg1 : i32
        %jit3A_104 = arith.constant 16 : i32
        %div3A = arith.divsi %mul3A_103, %jit3A_104 : i32
        %sign3A = arith.constant 0 : i32
        %sign3A_105 = arith.cmpi sgt, %mul3A_103, %sign3A : i32
        %sign3A_106 = arith.extui %sign3A_105 : i1 to i32
        %sign3A_107 = arith.constant 0 : i32
        %sign3A_108 = arith.cmpi slt, %mul3A_103, %sign3A_107 : i32
        %sign3A_109 = arith.extui %sign3A_108 : i1 to i32
        %sign3A_110 = arith.subi %sign3A_106, %sign3A_109 : i32
        %sign3A_111 = arith.constant 0 : i32
        %sign3A_112 = arith.cmpi sgt, %jit3A_104, %sign3A_111 : i32
        %sign3A_113 = arith.extui %sign3A_112 : i1 to i32
        %sign3A_114 = arith.constant 0 : i32
        %sign3A_115 = arith.cmpi slt, %jit3A_104, %sign3A_114 : i32
        %sign3A_116 = arith.extui %sign3A_115 : i1 to i32
        %sign3A_117 = arith.subi %sign3A_113, %sign3A_116 : i32
        %ne3A = arith.cmpi ne, %sign3A_110, %sign3A_117 : i32
        %rem3A = arith.remsi %mul3A_103, %jit3A_104 : i32
        %ne3A_118 = arith.constant 0 : i32
        %ne3A_119 = arith.cmpi ne, %rem3A, %ne3A_118 : i32
        %and3A_120 = arith.andi %ne3A, %ne3A_119 : i1
        %sub3A_121 = arith.constant 1 : i32
        %sub3A_122 = arith.subi %div3A, %sub3A_121 : i32
        %select_n3A_123 = arith.select %and3A_120, %sub3A_122, %div3A : i32
        %and3A_124 = arith.constant -8 : i32
        %and3A_125 = arith.andi %select_n3A_123, %and3A_124 : i32
        %add3A_126 = arith.addi %multiple_of3A_61, %and3A_125 : i32
        %multiple_of3A_127 = tpu.assume_multiple %add3A_126, 8 : i32
        %add3A_128 = arith.constant 1 : i32
        %add3A_129 = arith.addi %arg1, %add3A_128 : i32
        %mul3A_130 = arith.muli %sub3A_102, %add3A_129 : i32
        %jit3A_131 = arith.constant 16 : i32
        %div3A_132 = arith.divsi %mul3A_130, %jit3A_131 : i32
        %sign3A_133 = arith.constant 0 : i32
        %sign3A_134 = arith.cmpi sgt, %mul3A_130, %sign3A_133 : i32
        %sign3A_135 = arith.extui %sign3A_134 : i1 to i32
        %sign3A_136 = arith.constant 0 : i32
        %sign3A_137 = arith.cmpi slt, %mul3A_130, %sign3A_136 : i32
        %sign3A_138 = arith.extui %sign3A_137 : i1 to i32
        %sign3A_139 = arith.subi %sign3A_135, %sign3A_138 : i32
        %sign3A_140 = arith.constant 0 : i32
        %sign3A_141 = arith.cmpi sgt, %jit3A_131, %sign3A_140 : i32
        %sign3A_142 = arith.extui %sign3A_141 : i1 to i32
        %sign3A_143 = arith.constant 0 : i32
        %sign3A_144 = arith.cmpi slt, %jit3A_131, %sign3A_143 : i32
        %sign3A_145 = arith.extui %sign3A_144 : i1 to i32
        %sign3A_146 = arith.subi %sign3A_142, %sign3A_145 : i32
        %ne3A_147 = arith.cmpi ne, %sign3A_139, %sign3A_146 : i32
        %rem3A_148 = arith.remsi %mul3A_130, %jit3A_131 : i32
        %ne3A_149 = arith.constant 0 : i32
        %ne3A_150 = arith.cmpi ne, %rem3A_148, %ne3A_149 : i32
        %and3A_151 = arith.andi %ne3A_147, %ne3A_150 : i1
        %sub3A_152 = arith.constant 1 : i32
        %sub3A_153 = arith.subi %div3A_132, %sub3A_152 : i32
        %select_n3A_154 = arith.select %and3A_151, %sub3A_153, %div3A_132 : i32
        %and3A_155 = arith.constant -8 : i32
        %and3A_156 = arith.andi %select_n3A_154, %and3A_155 : i32
        %add3A_157 = arith.addi %multiple_of3A_61, %and3A_156 : i32
        %multiple_of3A_158 = tpu.assume_multiple %add3A_157, 8 : i32
        %sub3A_159 = arith.subi %multiple_of3A_158, %multiple_of3A_127 : i32
        %add3A_160 = arith.constant 256 : i32
        %add3A_161 = arith.addi %sub3A_159, %add3A_160 : i32
        %sub3A_162 = arith.constant 1 : i32
        %sub3A_163 = arith.subi %add3A_161, %sub3A_162 : i32
        %jit3A_164 = arith.constant 256 : i32
        %div3A_165 = arith.divsi %sub3A_163, %jit3A_164 : i32
        %sign3A_166 = arith.constant 0 : i32
        %sign3A_167 = arith.cmpi sgt, %sub3A_163, %sign3A_166 : i32
        %sign3A_168 = arith.extui %sign3A_167 : i1 to i32
        %sign3A_169 = arith.constant 0 : i32
        %sign3A_170 = arith.cmpi slt, %sub3A_163, %sign3A_169 : i32
        %sign3A_171 = arith.extui %sign3A_170 : i1 to i32
        %sign3A_172 = arith.subi %sign3A_168, %sign3A_171 : i32
        %sign3A_173 = arith.constant 0 : i32
        %sign3A_174 = arith.cmpi sgt, %jit3A_164, %sign3A_173 : i32
        %sign3A_175 = arith.extui %sign3A_174 : i1 to i32
        %sign3A_176 = arith.constant 0 : i32
        %sign3A_177 = arith.cmpi slt, %jit3A_164, %sign3A_176 : i32
        %sign3A_178 = arith.extui %sign3A_177 : i1 to i32
        %sign3A_179 = arith.subi %sign3A_175, %sign3A_178 : i32
        %ne3A_180 = arith.cmpi ne, %sign3A_172, %sign3A_179 : i32
        %rem3A_181 = arith.remsi %sub3A_163, %jit3A_164 : i32
        %ne3A_182 = arith.constant 0 : i32
        %ne3A_183 = arith.cmpi ne, %rem3A_181, %ne3A_182 : i32
        %and3A_184 = arith.andi %ne3A_180, %ne3A_183 : i1
        %sub3A_185 = arith.constant 1 : i32
        %sub3A_186 = arith.subi %div3A_165, %sub3A_185 : i32
        %select_n3A_187 = arith.select %and3A_184, %sub3A_186, %div3A_165 : i32
        %while3A = arith.constant 0 : i32
        %while3A_188 = arith.constant 0 : i32
        %while3A_189 = arith.subi %select_n3A_187, %while3A_188 : i32
        %while3A_190 = arith.addi %while3A_188, %while3A_189 : i32
        %while3A_191 = arith.constant 1 : i32
        %while3A_192 = arith.divsi %while3A_189, %while3A_191 : i32
        %while3A_193 = arith.muli %while3A_192, %while3A_191 : i32
        %while3A_194 = arith.addi %while3A_188, %while3A_193 : i32
        %while3A_195 = arith.constant 1 : i32
        scf.for %while3A_205 = %while3A_188 to %while3A_194 step %while3A_195  : i32 {
          %mul3A_206 = arith.constant 256 : i32
          %mul3A_207 = arith.muli %while3A_205, %mul3A_206 : i32
          %add3A_208 = arith.addi %multiple_of3A_127, %mul3A_207 : i32
          %multiple_of3A_209 = tpu.assume_multiple %add3A_208, 8 : i32
          "tpu.region"() ({
            %run_scoped3A = tpu.sem_alloc : memref<!tpu.dma_semaphore, #tpu.memory_space<semaphore_mem>>
            %dma_start3A_654 = tpu.memref_slice %arg3[%multiple_of3A_209] : memref<601088xi32, #tpu.memory_space<hbm>> -> memref<256xi32, #tpu.memory_space<hbm>>
            %dma_start3A_655 = tpu.memref_slice %arg3[%multiple_of3A_209] : memref<601088xi32, #tpu.memory_space<hbm>> -> memref<256xi32, #tpu.memory_space<hbm>>
            tpu.enqueue_dma source(%dma_start3A_655 : memref<256xi32, #tpu.memory_space<hbm>>) target(%arg9 : memref<256xi32, #tpu.memory_space<vmem>>) target_semaphore(%run_scoped3A : memref<!tpu.dma_semaphore, #tpu.memory_space<semaphore_mem>>)
            %dma_wait3A_656 = tpu.memref_slice %arg3[%multiple_of3A_209] : memref<601088xi32, #tpu.memory_space<hbm>> -> memref<256xi32, #tpu.memory_space<hbm>>
            %dma_wait3A_657 = tpu.memref_slice %arg3[%multiple_of3A_209] : memref<601088xi32, #tpu.memory_space<hbm>> -> memref<256xi32, #tpu.memory_space<hbm>>
            tpu.wait_dma2 semaphore(%run_scoped3A : memref<!tpu.dma_semaphore, #tpu.memory_space<semaphore_mem>>) src(%dma_wait3A_657 : memref<256xi32, #tpu.memory_space<hbm>>) dst(%arg9 : memref<256xi32, #tpu.memory_space<vmem>>)
            tpu.yield
          }) : () -> ()
          "tpu.region"() ({
            %run_scoped3A = tpu.sem_alloc : memref<!tpu.dma_semaphore, #tpu.memory_space<semaphore_mem>>
            %dma_start3A_654 = tpu.memref_slice %arg4[%multiple_of3A_209] : memref<601088xi32, #tpu.memory_space<hbm>> -> memref<256xi32, #tpu.memory_space<hbm>>
            %dma_start3A_655 = tpu.memref_slice %arg4[%multiple_of3A_209] : memref<601088xi32, #tpu.memory_space<hbm>> -> memref<256xi32, #tpu.memory_space<hbm>>
            tpu.enqueue_dma source(%dma_start3A_655 : memref<256xi32, #tpu.memory_space<hbm>>) target(%arg10 : memref<256xi32, #tpu.memory_space<vmem>>) target_semaphore(%run_scoped3A : memref<!tpu.dma_semaphore, #tpu.memory_space<semaphore_mem>>)
            %dma_wait3A_656 = tpu.memref_slice %arg4[%multiple_of3A_209] : memref<601088xi32, #tpu.memory_space<hbm>> -> memref<256xi32, #tpu.memory_space<hbm>>
            %dma_wait3A_657 = tpu.memref_slice %arg4[%multiple_of3A_209] : memref<601088xi32, #tpu.memory_space<hbm>> -> memref<256xi32, #tpu.memory_space<hbm>>
            tpu.wait_dma2 semaphore(%run_scoped3A : memref<!tpu.dma_semaphore, #tpu.memory_space<semaphore_mem>>) src(%dma_wait3A_657 : memref<256xi32, #tpu.memory_space<hbm>>) dst(%arg10 : memref<256xi32, #tpu.memory_space<vmem>>)
            tpu.yield
          }) : () -> ()
          %dma_start3A = arith.constant 0 : i32
          %dma_start3A_210 = tpu.memref_slice %arg9[%dma_start3A] : memref<256xi32, #tpu.memory_space<vmem>> -> memref<128xi32, #tpu.memory_space<vmem>>
          %dma_start3A_211 = arith.constant 0 : i32
          %dma_start3A_212 = arith.constant 0 : i32
          %dma_start3A_213 = tpu.memref_slice %arg2[%dma_start3A_211, %dma_start3A_212] : memref<200000x128xf32, #tpu.memory_space<hbm>> -> memref<200000x128xf32, #tpu.memory_space<hbm>>
          tpu.enqueue_indirect_dma source(%dma_start3A_213 : memref<200000x128xf32, #tpu.memory_space<hbm>>) target(%arg13 : memref<128x128xf32, #tpu.memory_space<vmem>>) offsets(%dma_start3A_210 : memref<128xi32, #tpu.memory_space<vmem>>) semaphore(%arg17 : memref<!tpu.dma_semaphore, #tpu.memory_space<semaphore_mem>>)
          %dma_start3A_214 = arith.constant 128 : i32
          %dma_start3A_215 = tpu.memref_slice %arg9[%dma_start3A_214] : memref<256xi32, #tpu.memory_space<vmem>> -> memref<128xi32, #tpu.memory_space<vmem>>
          %dma_start3A_216 = arith.constant 0 : i32
          %dma_start3A_217 = arith.constant 0 : i32
          %dma_start3A_218 = tpu.memref_slice %arg2[%dma_start3A_216, %dma_start3A_217] : memref<200000x128xf32, #tpu.memory_space<hbm>> -> memref<200000x128xf32, #tpu.memory_space<hbm>>
          tpu.enqueue_indirect_dma source(%dma_start3A_218 : memref<200000x128xf32, #tpu.memory_space<hbm>>) target(%arg14 : memref<128x128xf32, #tpu.memory_space<vmem>>) offsets(%dma_start3A_215 : memref<128xi32, #tpu.memory_space<vmem>>) semaphore(%arg17 : memref<!tpu.dma_semaphore, #tpu.memory_space<semaphore_mem>>)
          %get3A_219 = arith.constant 0 : index
          %get3A_220 = tpu.vector_load %arg10[%get3A_219] {strides = array<i32>} : memref<256xi32, #tpu.memory_space<vmem>>, vector<16xi32>,
          %add3A_221 = arith.constant 0 : i32
          %add3A_222 = arith.addi %multiple_of3A_209, %add3A_221 : i32
          %iota3A_223 = tpu.iota {dimensions = array<i32: 0>} : vector<16xi32>
          %add3A_224 = vector.broadcast %add3A_222 : i32 to vector<16xi32>
          %add3A_225 = arith.addi %add3A_224, %iota3A_223 : vector<16xi32>
          %add3A_226 = arith.constant 1 : i32
          %add3A_227 = arith.addi %multiple_of3A, %add3A_226 : i32
          %sub3A_228 = vector.broadcast %add3A_227 : i32 to vector<16xi32>
          %sub3A_229 = arith.subi %get3A_220, %sub3A_228 : vector<16xi32>
          %ge3A = arith.constant 0 : i32
          %ge3A_230 = vector.broadcast %ge3A : i32 to vector<16xi32>
          %ge3A_231 = arith.cmpi sge, %sub3A_229, %ge3A_230 : vector<16xi32>
          %lt3A_232 = arith.constant 8192 : i32
          %lt3A_233 = vector.broadcast %lt3A_232 : i32 to vector<16xi32>
          %lt3A_234 = arith.cmpi slt, %sub3A_229, %lt3A_233 : vector<16xi32>
          %and3A_235 = arith.andi %ge3A_231, %lt3A_234 : vector<16xi1>
          %lt3A_236 = vector.broadcast %multiple_of3A_158 : i32 to vector<16xi32>
          %lt3A_237 = arith.cmpi slt, %add3A_225, %lt3A_236 : vector<16xi32>
          %and3A_238 = arith.andi %and3A_235, %lt3A_237 : vector<16xi1>
          %jit3A_239 = arith.constant 8192 : i32
          %broadcast_in_dim3A_240 = vector.broadcast %jit3A_239 : i32 to vector<16xi32>
          %select_n3A_241 = arith.select %and3A_238, %sub3A_229, %broadcast_in_dim3A_240 : vector<16xi1>, vector<16xi32>
          %swap3A = arith.constant 0 : index
          %swap3A_242 = tpu.vector_load %arg11[%swap3A] {strides = array<i32>} : memref<128xi32, #tpu.memory_space<vmem>>, vector<16xi32>,
          tpu.vector_store %arg11[%swap3A], %select_n3A_241 {strides = array<i32>} : memref<128xi32, #tpu.memory_space<vmem>>, vector<16xi32>,
          %get3A_243 = arith.constant 16 : index
          %get3A_244 = tpu.vector_load %arg10[%get3A_243] {strides = array<i32>} : memref<256xi32, #tpu.memory_space<vmem>>, vector<16xi32>,
          %add3A_245 = arith.constant 16 : i32
          %add3A_246 = arith.addi %multiple_of3A_209, %add3A_245 : i32
          %iota3A_247 = tpu.iota {dimensions = array<i32: 0>} : vector<16xi32>
          %add3A_248 = vector.broadcast %add3A_246 : i32 to vector<16xi32>
          %add3A_249 = arith.addi %add3A_248, %iota3A_247 : vector<16xi32>
          %add3A_250 = arith.constant 1 : i32
          %add3A_251 = arith.addi %multiple_of3A, %add3A_250 : i32
          %sub3A_252 = vector.broadcast %add3A_251 : i32 to vector<16xi32>
          %sub3A_253 = arith.subi %get3A_244, %sub3A_252 : vector<16xi32>
          %ge3A_254 = arith.constant 0 : i32
          %ge3A_255 = vector.broadcast %ge3A_254 : i32 to vector<16xi32>
          %ge3A_256 = arith.cmpi sge, %sub3A_253, %ge3A_255 : vector<16xi32>
          %lt3A_257 = arith.constant 8192 : i32
          %lt3A_258 = vector.broadcast %lt3A_257 : i32 to vector<16xi32>
          %lt3A_259 = arith.cmpi slt, %sub3A_253, %lt3A_258 : vector<16xi32>
          %and3A_260 = arith.andi %ge3A_256, %lt3A_259 : vector<16xi1>
          %lt3A_261 = vector.broadcast %multiple_of3A_158 : i32 to vector<16xi32>
          %lt3A_262 = arith.cmpi slt, %add3A_249, %lt3A_261 : vector<16xi32>
          %and3A_263 = arith.andi %and3A_260, %lt3A_262 : vector<16xi1>
          %jit3A_264 = arith.constant 8192 : i32
          %broadcast_in_dim3A_265 = vector.broadcast %jit3A_264 : i32 to vector<16xi32>
          %select_n3A_266 = arith.select %and3A_263, %sub3A_253, %broadcast_in_dim3A_265 : vector<16xi1>, vector<16xi32>
          %swap3A_267 = arith.constant 16 : index
          %swap3A_268 = tpu.vector_load %arg11[%swap3A_267] {strides = array<i32>} : memref<128xi32, #tpu.memory_space<vmem>>, vector<16xi32>,
          tpu.vector_store %arg11[%swap3A_267], %select_n3A_266 {strides = array<i32>} : memref<128xi32, #tpu.memory_space<vmem>>, vector<16xi32>,
          %get3A_269 = arith.constant 32 : index
          %get3A_270 = tpu.vector_load %arg10[%get3A_269] {strides = array<i32>} : memref<256xi32, #tpu.memory_space<vmem>>, vector<16xi32>,
          %add3A_271 = arith.constant 32 : i32
          %add3A_272 = arith.addi %multiple_of3A_209, %add3A_271 : i32
          %iota3A_273 = tpu.iota {dimensions = array<i32: 0>} : vector<16xi32>
          %add3A_274 = vector.broadcast %add3A_272 : i32 to vector<16xi32>
          %add3A_275 = arith.addi %add3A_274, %iota3A_273 : vector<16xi32>
          %add3A_276 = arith.constant 1 : i32
          %add3A_277 = arith.addi %multiple_of3A, %add3A_276 : i32
          %sub3A_278 = vector.broadcast %add3A_277 : i32 to vector<16xi32>
          %sub3A_279 = arith.subi %get3A_270, %sub3A_278 : vector<16xi32>
          %ge3A_280 = arith.constant 0 : i32
          %ge3A_281 = vector.broadcast %ge3A_280 : i32 to vector<16xi32>
          %ge3A_282 = arith.cmpi sge, %sub3A_279, %ge3A_281 : vector<16xi32>
          %lt3A_283 = arith.constant 8192 : i32
          %lt3A_284 = vector.broadcast %lt3A_283 : i32 to vector<16xi32>
          %lt3A_285 = arith.cmpi slt, %sub3A_279, %lt3A_284 : vector<16xi32>
          %and3A_286 = arith.andi %ge3A_282, %lt3A_285 : vector<16xi1>
          %lt3A_287 = vector.broadcast %multiple_of3A_158 : i32 to vector<16xi32>
          %lt3A_288 = arith.cmpi slt, %add3A_275, %lt3A_287 : vector<16xi32>
          %and3A_289 = arith.andi %and3A_286, %lt3A_288 : vector<16xi1>
          %jit3A_290 = arith.constant 8192 : i32
          %broadcast_in_dim3A_291 = vector.broadcast %jit3A_290 : i32 to vector<16xi32>
          %select_n3A_292 = arith.select %and3A_289, %sub3A_279, %broadcast_in_dim3A_291 : vector<16xi1>, vector<16xi32>
          %swap3A_293 = arith.constant 32 : index
          %swap3A_294 = tpu.vector_load %arg11[%swap3A_293] {strides = array<i32>} : memref<128xi32, #tpu.memory_space<vmem>>, vector<16xi32>,
          tpu.vector_store %arg11[%swap3A_293], %select_n3A_292 {strides = array<i32>} : memref<128xi32, #tpu.memory_space<vmem>>, vector<16xi32>,
          %get3A_295 = arith.constant 48 : index
          %get3A_296 = tpu.vector_load %arg10[%get3A_295] {strides = array<i32>} : memref<256xi32, #tpu.memory_space<vmem>>, vector<16xi32>,
          %add3A_297 = arith.constant 48 : i32
          %add3A_298 = arith.addi %multiple_of3A_209, %add3A_297 : i32
          %iota3A_299 = tpu.iota {dimensions = array<i32: 0>} : vector<16xi32>
          %add3A_300 = vector.broadcast %add3A_298 : i32 to vector<16xi32>
          %add3A_301 = arith.addi %add3A_300, %iota3A_299 : vector<16xi32>
          %add3A_302 = arith.constant 1 : i32
          %add3A_303 = arith.addi %multiple_of3A, %add3A_302 : i32
          %sub3A_304 = vector.broadcast %add3A_303 : i32 to vector<16xi32>
          %sub3A_305 = arith.subi %get3A_296, %sub3A_304 : vector<16xi32>
          %ge3A_306 = arith.constant 0 : i32
          %ge3A_307 = vector.broadcast %ge3A_306 : i32 to vector<16xi32>
          %ge3A_308 = arith.cmpi sge, %sub3A_305, %ge3A_307 : vector<16xi32>
          %lt3A_309 = arith.constant 8192 : i32
          %lt3A_310 = vector.broadcast %lt3A_309 : i32 to vector<16xi32>
          %lt3A_311 = arith.cmpi slt, %sub3A_305, %lt3A_310 : vector<16xi32>
          %and3A_312 = arith.andi %ge3A_308, %lt3A_311 : vector<16xi1>
          %lt3A_313 = vector.broadcast %multiple_of3A_158 : i32 to vector<16xi32>
          %lt3A_314 = arith.cmpi slt, %add3A_301, %lt3A_313 : vector<16xi32>
          %and3A_315 = arith.andi %and3A_312, %lt3A_314 : vector<16xi1>
          %jit3A_316 = arith.constant 8192 : i32
          %broadcast_in_dim3A_317 = vector.broadcast %jit3A_316 : i32 to vector<16xi32>
          %select_n3A_318 = arith.select %and3A_315, %sub3A_305, %broadcast_in_dim3A_317 : vector<16xi1>, vector<16xi32>
          %swap3A_319 = arith.constant 48 : index
          %swap3A_320 = tpu.vector_load %arg11[%swap3A_319] {strides = array<i32>} : memref<128xi32, #tpu.memory_space<vmem>>, vector<16xi32>,
          tpu.vector_store %arg11[%swap3A_319], %select_n3A_318 {strides = array<i32>} : memref<128xi32, #tpu.memory_space<vmem>>, vector<16xi32>,
          %get3A_321 = arith.constant 64 : index
          %get3A_322 = tpu.vector_load %arg10[%get3A_321] {strides = array<i32>} : memref<256xi32, #tpu.memory_space<vmem>>, vector<16xi32>,
          %add3A_323 = arith.constant 64 : i32
          %add3A_324 = arith.addi %multiple_of3A_209, %add3A_323 : i32
          %iota3A_325 = tpu.iota {dimensions = array<i32: 0>} : vector<16xi32>
          %add3A_326 = vector.broadcast %add3A_324 : i32 to vector<16xi32>
          %add3A_327 = arith.addi %add3A_326, %iota3A_325 : vector<16xi32>
          %add3A_328 = arith.constant 1 : i32
          %add3A_329 = arith.addi %multiple_of3A, %add3A_328 : i32
          %sub3A_330 = vector.broadcast %add3A_329 : i32 to vector<16xi32>
          %sub3A_331 = arith.subi %get3A_322, %sub3A_330 : vector<16xi32>
          %ge3A_332 = arith.constant 0 : i32
          %ge3A_333 = vector.broadcast %ge3A_332 : i32 to vector<16xi32>
          %ge3A_334 = arith.cmpi sge, %sub3A_331, %ge3A_333 : vector<16xi32>
          %lt3A_335 = arith.constant 8192 : i32
          %lt3A_336 = vector.broadcast %lt3A_335 : i32 to vector<16xi32>
          %lt3A_337 = arith.cmpi slt, %sub3A_331, %lt3A_336 : vector<16xi32>
          %and3A_338 = arith.andi %ge3A_334, %lt3A_337 : vector<16xi1>
          %lt3A_339 = vector.broadcast %multiple_of3A_158 : i32 to vector<16xi32>
          %lt3A_340 = arith.cmpi slt, %add3A_327, %lt3A_339 : vector<16xi32>
          %and3A_341 = arith.andi %and3A_338, %lt3A_340 : vector<16xi1>
          %jit3A_342 = arith.constant 8192 : i32
          %broadcast_in_dim3A_343 = vector.broadcast %jit3A_342 : i32 to vector<16xi32>
          %select_n3A_344 = arith.select %and3A_341, %sub3A_331, %broadcast_in_dim3A_343 : vector<16xi1>, vector<16xi32>
          %swap3A_345 = arith.constant 64 : index
          %swap3A_346 = tpu.vector_load %arg11[%swap3A_345] {strides = array<i32>} : memref<128xi32, #tpu.memory_space<vmem>>, vector<16xi32>,
          tpu.vector_store %arg11[%swap3A_345], %select_n3A_344 {strides = array<i32>} : memref<128xi32, #tpu.memory_space<vmem>>, vector<16xi32>,
          %get3A_347 = arith.constant 80 : index
          %get3A_348 = tpu.vector_load %arg10[%get3A_347] {strides = array<i32>} : memref<256xi32, #tpu.memory_space<vmem>>, vector<16xi32>,
          %add3A_349 = arith.constant 80 : i32
          %add3A_350 = arith.addi %multiple_of3A_209, %add3A_349 : i32
          %iota3A_351 = tpu.iota {dimensions = array<i32: 0>} : vector<16xi32>
          %add3A_352 = vector.broadcast %add3A_350 : i32 to vector<16xi32>
          %add3A_353 = arith.addi %add3A_352, %iota3A_351 : vector<16xi32>
          %add3A_354 = arith.constant 1 : i32
          %add3A_355 = arith.addi %multiple_of3A, %add3A_354 : i32
          %sub3A_356 = vector.broadcast %add3A_355 : i32 to vector<16xi32>
          %sub3A_357 = arith.subi %get3A_348, %sub3A_356 : vector<16xi32>
          %ge3A_358 = arith.constant 0 : i32
          %ge3A_359 = vector.broadcast %ge3A_358 : i32 to vector<16xi32>
          %ge3A_360 = arith.cmpi sge, %sub3A_357, %ge3A_359 : vector<16xi32>
          %lt3A_361 = arith.constant 8192 : i32
          %lt3A_362 = vector.broadcast %lt3A_361 : i32 to vector<16xi32>
          %lt3A_363 = arith.cmpi slt, %sub3A_357, %lt3A_362 : vector<16xi32>
          %and3A_364 = arith.andi %ge3A_360, %lt3A_363 : vector<16xi1>
          %lt3A_365 = vector.broadcast %multiple_of3A_158 : i32 to vector<16xi32>
          %lt3A_366 = arith.cmpi slt, %add3A_353, %lt3A_365 : vector<16xi32>
          %and3A_367 = arith.andi %and3A_364, %lt3A_366 : vector<16xi1>
          %jit3A_368 = arith.constant 8192 : i32
          %broadcast_in_dim3A_369 = vector.broadcast %jit3A_368 : i32 to vector<16xi32>
          %select_n3A_370 = arith.select %and3A_367, %sub3A_357, %broadcast_in_dim3A_369 : vector<16xi1>, vector<16xi32>
          %swap3A_371 = arith.constant 80 : index
          %swap3A_372 = tpu.vector_load %arg11[%swap3A_371] {strides = array<i32>} : memref<128xi32, #tpu.memory_space<vmem>>, vector<16xi32>,
          tpu.vector_store %arg11[%swap3A_371], %select_n3A_370 {strides = array<i32>} : memref<128xi32, #tpu.memory_space<vmem>>, vector<16xi32>,
          %get3A_373 = arith.constant 96 : index
          %get3A_374 = tpu.vector_load %arg10[%get3A_373] {strides = array<i32>} : memref<256xi32, #tpu.memory_space<vmem>>, vector<16xi32>,
          %add3A_375 = arith.constant 96 : i32
          %add3A_376 = arith.addi %multiple_of3A_209, %add3A_375 : i32
          %iota3A_377 = tpu.iota {dimensions = array<i32: 0>} : vector<16xi32>
          %add3A_378 = vector.broadcast %add3A_376 : i32 to vector<16xi32>
          %add3A_379 = arith.addi %add3A_378, %iota3A_377 : vector<16xi32>
          %add3A_380 = arith.constant 1 : i32
          %add3A_381 = arith.addi %multiple_of3A, %add3A_380 : i32
          %sub3A_382 = vector.broadcast %add3A_381 : i32 to vector<16xi32>
          %sub3A_383 = arith.subi %get3A_374, %sub3A_382 : vector<16xi32>
          %ge3A_384 = arith.constant 0 : i32
          %ge3A_385 = vector.broadcast %ge3A_384 : i32 to vector<16xi32>
          %ge3A_386 = arith.cmpi sge, %sub3A_383, %ge3A_385 : vector<16xi32>
          %lt3A_387 = arith.constant 8192 : i32
          %lt3A_388 = vector.broadcast %lt3A_387 : i32 to vector<16xi32>
          %lt3A_389 = arith.cmpi slt, %sub3A_383, %lt3A_388 : vector<16xi32>
          %and3A_390 = arith.andi %ge3A_386, %lt3A_389 : vector<16xi1>
          %lt3A_391 = vector.broadcast %multiple_of3A_158 : i32 to vector<16xi32>
          %lt3A_392 = arith.cmpi slt, %add3A_379, %lt3A_391 : vector<16xi32>
          %and3A_393 = arith.andi %and3A_390, %lt3A_392 : vector<16xi1>
          %jit3A_394 = arith.constant 8192 : i32
          %broadcast_in_dim3A_395 = vector.broadcast %jit3A_394 : i32 to vector<16xi32>
          %select_n3A_396 = arith.select %and3A_393, %sub3A_383, %broadcast_in_dim3A_395 : vector<16xi1>, vector<16xi32>
          %swap3A_397 = arith.constant 96 : index
          %swap3A_398 = tpu.vector_load %arg11[%swap3A_397] {strides = array<i32>} : memref<128xi32, #tpu.memory_space<vmem>>, vector<16xi32>,
          tpu.vector_store %arg11[%swap3A_397], %select_n3A_396 {strides = array<i32>} : memref<128xi32, #tpu.memory_space<vmem>>, vector<16xi32>,
          %get3A_399 = arith.constant 112 : index
          %get3A_400 = tpu.vector_load %arg10[%get3A_399] {strides = array<i32>} : memref<256xi32, #tpu.memory_space<vmem>>, vector<16xi32>,
          %add3A_401 = arith.constant 112 : i32
          %add3A_402 = arith.addi %multiple_of3A_209, %add3A_401 : i32
          %iota3A_403 = tpu.iota {dimensions = array<i32: 0>} : vector<16xi32>
          %add3A_404 = vector.broadcast %add3A_402 : i32 to vector<16xi32>
          %add3A_405 = arith.addi %add3A_404, %iota3A_403 : vector<16xi32>
          %add3A_406 = arith.constant 1 : i32
          %add3A_407 = arith.addi %multiple_of3A, %add3A_406 : i32
          %sub3A_408 = vector.broadcast %add3A_407 : i32 to vector<16xi32>
          %sub3A_409 = arith.subi %get3A_400, %sub3A_408 : vector<16xi32>
          %ge3A_410 = arith.constant 0 : i32
          %ge3A_411 = vector.broadcast %ge3A_410 : i32 to vector<16xi32>
          %ge3A_412 = arith.cmpi sge, %sub3A_409, %ge3A_411 : vector<16xi32>
          %lt3A_413 = arith.constant 8192 : i32
          %lt3A_414 = vector.broadcast %lt3A_413 : i32 to vector<16xi32>
          %lt3A_415 = arith.cmpi slt, %sub3A_409, %lt3A_414 : vector<16xi32>
          %and3A_416 = arith.andi %ge3A_412, %lt3A_415 : vector<16xi1>
          %lt3A_417 = vector.broadcast %multiple_of3A_158 : i32 to vector<16xi32>
          %lt3A_418 = arith.cmpi slt, %add3A_405, %lt3A_417 : vector<16xi32>
          %and3A_419 = arith.andi %and3A_416, %lt3A_418 : vector<16xi1>
          %jit3A_420 = arith.constant 8192 : i32
          %broadcast_in_dim3A_421 = vector.broadcast %jit3A_420 : i32 to vector<16xi32>
          %select_n3A_422 = arith.select %and3A_419, %sub3A_409, %broadcast_in_dim3A_421 : vector<16xi1>, vector<16xi32>
          %swap3A_423 = arith.constant 112 : index
          %swap3A_424 = tpu.vector_load %arg11[%swap3A_423] {strides = array<i32>} : memref<128xi32, #tpu.memory_space<vmem>>, vector<16xi32>,
          tpu.vector_store %arg11[%swap3A_423], %select_n3A_422 {strides = array<i32>} : memref<128xi32, #tpu.memory_space<vmem>>, vector<16xi32>,
          %get3A_425 = arith.constant 128 : index
          %get3A_426 = tpu.vector_load %arg10[%get3A_425] {strides = array<i32>} : memref<256xi32, #tpu.memory_space<vmem>>, vector<16xi32>,
          %add3A_427 = arith.constant 128 : i32
          %add3A_428 = arith.addi %multiple_of3A_209, %add3A_427 : i32
          %iota3A_429 = tpu.iota {dimensions = array<i32: 0>} : vector<16xi32>
          %add3A_430 = vector.broadcast %add3A_428 : i32 to vector<16xi32>
          %add3A_431 = arith.addi %add3A_430, %iota3A_429 : vector<16xi32>
          %add3A_432 = arith.constant 1 : i32
          %add3A_433 = arith.addi %multiple_of3A, %add3A_432 : i32
          %sub3A_434 = vector.broadcast %add3A_433 : i32 to vector<16xi32>
          %sub3A_435 = arith.subi %get3A_426, %sub3A_434 : vector<16xi32>
          %ge3A_436 = arith.constant 0 : i32
          %ge3A_437 = vector.broadcast %ge3A_436 : i32 to vector<16xi32>
          %ge3A_438 = arith.cmpi sge, %sub3A_435, %ge3A_437 : vector<16xi32>
          %lt3A_439 = arith.constant 8192 : i32
          %lt3A_440 = vector.broadcast %lt3A_439 : i32 to vector<16xi32>
          %lt3A_441 = arith.cmpi slt, %sub3A_435, %lt3A_440 : vector<16xi32>
          %and3A_442 = arith.andi %ge3A_438, %lt3A_441 : vector<16xi1>
          %lt3A_443 = vector.broadcast %multiple_of3A_158 : i32 to vector<16xi32>
          %lt3A_444 = arith.cmpi slt, %add3A_431, %lt3A_443 : vector<16xi32>
          %and3A_445 = arith.andi %and3A_442, %lt3A_444 : vector<16xi1>
          %jit3A_446 = arith.constant 8192 : i32
          %broadcast_in_dim3A_447 = vector.broadcast %jit3A_446 : i32 to vector<16xi32>
          %select_n3A_448 = arith.select %and3A_445, %sub3A_435, %broadcast_in_dim3A_447 : vector<16xi1>, vector<16xi32>
          %swap3A_449 = arith.constant 0 : index
          %swap3A_450 = tpu.vector_load %arg12[%swap3A_449] {strides = array<i32>} : memref<128xi32, #tpu.memory_space<vmem>>, vector<16xi32>,
          tpu.vector_store %arg12[%swap3A_449], %select_n3A_448 {strides = array<i32>} : memref<128xi32, #tpu.memory_space<vmem>>, vector<16xi32>,
          %get3A_451 = arith.constant 144 : index
          %get3A_452 = tpu.vector_load %arg10[%get3A_451] {strides = array<i32>} : memref<256xi32, #tpu.memory_space<vmem>>, vector<16xi32>,
          %add3A_453 = arith.constant 144 : i32
          %add3A_454 = arith.addi %multiple_of3A_209, %add3A_453 : i32
          %iota3A_455 = tpu.iota {dimensions = array<i32: 0>} : vector<16xi32>
          %add3A_456 = vector.broadcast %add3A_454 : i32 to vector<16xi32>
          %add3A_457 = arith.addi %add3A_456, %iota3A_455 : vector<16xi32>
          %add3A_458 = arith.constant 1 : i32
          %add3A_459 = arith.addi %multiple_of3A, %add3A_458 : i32
          %sub3A_460 = vector.broadcast %add3A_459 : i32 to vector<16xi32>
          %sub3A_461 = arith.subi %get3A_452, %sub3A_460 : vector<16xi32>
          %ge3A_462 = arith.constant 0 : i32
          %ge3A_463 = vector.broadcast %ge3A_462 : i32 to vector<16xi32>
          %ge3A_464 = arith.cmpi sge, %sub3A_461, %ge3A_463 : vector<16xi32>
          %lt3A_465 = arith.constant 8192 : i32
          %lt3A_466 = vector.broadcast %lt3A_465 : i32 to vector<16xi32>
          %lt3A_467 = arith.cmpi slt, %sub3A_461, %lt3A_466 : vector<16xi32>
          %and3A_468 = arith.andi %ge3A_464, %lt3A_467 : vector<16xi1>
          %lt3A_469 = vector.broadcast %multiple_of3A_158 : i32 to vector<16xi32>
          %lt3A_470 = arith.cmpi slt, %add3A_457, %lt3A_469 : vector<16xi32>
          %and3A_471 = arith.andi %and3A_468, %lt3A_470 : vector<16xi1>
          %jit3A_472 = arith.constant 8192 : i32
          %broadcast_in_dim3A_473 = vector.broadcast %jit3A_472 : i32 to vector<16xi32>
          %select_n3A_474 = arith.select %and3A_471, %sub3A_461, %broadcast_in_dim3A_473 : vector<16xi1>, vector<16xi32>
          %swap3A_475 = arith.constant 16 : index
          %swap3A_476 = tpu.vector_load %arg12[%swap3A_475] {strides = array<i32>} : memref<128xi32, #tpu.memory_space<vmem>>, vector<16xi32>,
          tpu.vector_store %arg12[%swap3A_475], %select_n3A_474 {strides = array<i32>} : memref<128xi32, #tpu.memory_space<vmem>>, vector<16xi32>,
          %get3A_477 = arith.constant 160 : index
          %get3A_478 = tpu.vector_load %arg10[%get3A_477] {strides = array<i32>} : memref<256xi32, #tpu.memory_space<vmem>>, vector<16xi32>,
          %add3A_479 = arith.constant 160 : i32
          %add3A_480 = arith.addi %multiple_of3A_209, %add3A_479 : i32
          %iota3A_481 = tpu.iota {dimensions = array<i32: 0>} : vector<16xi32>
          %add3A_482 = vector.broadcast %add3A_480 : i32 to vector<16xi32>
          %add3A_483 = arith.addi %add3A_482, %iota3A_481 : vector<16xi32>
          %add3A_484 = arith.constant 1 : i32
          %add3A_485 = arith.addi %multiple_of3A, %add3A_484 : i32
          %sub3A_486 = vector.broadcast %add3A_485 : i32 to vector<16xi32>
          %sub3A_487 = arith.subi %get3A_478, %sub3A_486 : vector<16xi32>
          %ge3A_488 = arith.constant 0 : i32
          %ge3A_489 = vector.broadcast %ge3A_488 : i32 to vector<16xi32>
          %ge3A_490 = arith.cmpi sge, %sub3A_487, %ge3A_489 : vector<16xi32>
          %lt3A_491 = arith.constant 8192 : i32
          %lt3A_492 = vector.broadcast %lt3A_491 : i32 to vector<16xi32>
          %lt3A_493 = arith.cmpi slt, %sub3A_487, %lt3A_492 : vector<16xi32>
          %and3A_494 = arith.andi %ge3A_490, %lt3A_493 : vector<16xi1>
          %lt3A_495 = vector.broadcast %multiple_of3A_158 : i32 to vector<16xi32>
          %lt3A_496 = arith.cmpi slt, %add3A_483, %lt3A_495 : vector<16xi32>
          %and3A_497 = arith.andi %and3A_494, %lt3A_496 : vector<16xi1>
          %jit3A_498 = arith.constant 8192 : i32
          %broadcast_in_dim3A_499 = vector.broadcast %jit3A_498 : i32 to vector<16xi32>
          %select_n3A_500 = arith.select %and3A_497, %sub3A_487, %broadcast_in_dim3A_499 : vector<16xi1>, vector<16xi32>
          %swap3A_501 = arith.constant 32 : index
          %swap3A_502 = tpu.vector_load %arg12[%swap3A_501] {strides = array<i32>} : memref<128xi32, #tpu.memory_space<vmem>>, vector<16xi32>,
          tpu.vector_store %arg12[%swap3A_501], %select_n3A_500 {strides = array<i32>} : memref<128xi32, #tpu.memory_space<vmem>>, vector<16xi32>,
          %get3A_503 = arith.constant 176 : index
          %get3A_504 = tpu.vector_load %arg10[%get3A_503] {strides = array<i32>} : memref<256xi32, #tpu.memory_space<vmem>>, vector<16xi32>,
          %add3A_505 = arith.constant 176 : i32
          %add3A_506 = arith.addi %multiple_of3A_209, %add3A_505 : i32
          %iota3A_507 = tpu.iota {dimensions = array<i32: 0>} : vector<16xi32>
          %add3A_508 = vector.broadcast %add3A_506 : i32 to vector<16xi32>
          %add3A_509 = arith.addi %add3A_508, %iota3A_507 : vector<16xi32>
          %add3A_510 = arith.constant 1 : i32
          %add3A_511 = arith.addi %multiple_of3A, %add3A_510 : i32
          %sub3A_512 = vector.broadcast %add3A_511 : i32 to vector<16xi32>
          %sub3A_513 = arith.subi %get3A_504, %sub3A_512 : vector<16xi32>
          %ge3A_514 = arith.constant 0 : i32
          %ge3A_515 = vector.broadcast %ge3A_514 : i32 to vector<16xi32>
          %ge3A_516 = arith.cmpi sge, %sub3A_513, %ge3A_515 : vector<16xi32>
          %lt3A_517 = arith.constant 8192 : i32
          %lt3A_518 = vector.broadcast %lt3A_517 : i32 to vector<16xi32>
          %lt3A_519 = arith.cmpi slt, %sub3A_513, %lt3A_518 : vector<16xi32>
          %and3A_520 = arith.andi %ge3A_516, %lt3A_519 : vector<16xi1>
          %lt3A_521 = vector.broadcast %multiple_of3A_158 : i32 to vector<16xi32>
          %lt3A_522 = arith.cmpi slt, %add3A_509, %lt3A_521 : vector<16xi32>
          %and3A_523 = arith.andi %and3A_520, %lt3A_522 : vector<16xi1>
          %jit3A_524 = arith.constant 8192 : i32
          %broadcast_in_dim3A_525 = vector.broadcast %jit3A_524 : i32 to vector<16xi32>
          %select_n3A_526 = arith.select %and3A_523, %sub3A_513, %broadcast_in_dim3A_525 : vector<16xi1>, vector<16xi32>
          %swap3A_527 = arith.constant 48 : index
          %swap3A_528 = tpu.vector_load %arg12[%swap3A_527] {strides = array<i32>} : memref<128xi32, #tpu.memory_space<vmem>>, vector<16xi32>,
          tpu.vector_store %arg12[%swap3A_527], %select_n3A_526 {strides = array<i32>} : memref<128xi32, #tpu.memory_space<vmem>>, vector<16xi32>,
          %get3A_529 = arith.constant 192 : index
          %get3A_530 = tpu.vector_load %arg10[%get3A_529] {strides = array<i32>} : memref<256xi32, #tpu.memory_space<vmem>>, vector<16xi32>,
          %add3A_531 = arith.constant 192 : i32
          %add3A_532 = arith.addi %multiple_of3A_209, %add3A_531 : i32
          %iota3A_533 = tpu.iota {dimensions = array<i32: 0>} : vector<16xi32>
          %add3A_534 = vector.broadcast %add3A_532 : i32 to vector<16xi32>
          %add3A_535 = arith.addi %add3A_534, %iota3A_533 : vector<16xi32>
          %add3A_536 = arith.constant 1 : i32
          %add3A_537 = arith.addi %multiple_of3A, %add3A_536 : i32
          %sub3A_538 = vector.broadcast %add3A_537 : i32 to vector<16xi32>
          %sub3A_539 = arith.subi %get3A_530, %sub3A_538 : vector<16xi32>
          %ge3A_540 = arith.constant 0 : i32
          %ge3A_541 = vector.broadcast %ge3A_540 : i32 to vector<16xi32>
          %ge3A_542 = arith.cmpi sge, %sub3A_539, %ge3A_541 : vector<16xi32>
          %lt3A_543 = arith.constant 8192 : i32
          %lt3A_544 = vector.broadcast %lt3A_543 : i32 to vector<16xi32>
          %lt3A_545 = arith.cmpi slt, %sub3A_539, %lt3A_544 : vector<16xi32>
          %and3A_546 = arith.andi %ge3A_542, %lt3A_545 : vector<16xi1>
          %lt3A_547 = vector.broadcast %multiple_of3A_158 : i32 to vector<16xi32>
          %lt3A_548 = arith.cmpi slt, %add3A_535, %lt3A_547 : vector<16xi32>
          %and3A_549 = arith.andi %and3A_546, %lt3A_548 : vector<16xi1>
          %jit3A_550 = arith.constant 8192 : i32
          %broadcast_in_dim3A_551 = vector.broadcast %jit3A_550 : i32 to vector<16xi32>
          %select_n3A_552 = arith.select %and3A_549, %sub3A_539, %broadcast_in_dim3A_551 : vector<16xi1>, vector<16xi32>
          %swap3A_553 = arith.constant 64 : index
          %swap3A_554 = tpu.vector_load %arg12[%swap3A_553] {strides = array<i32>} : memref<128xi32, #tpu.memory_space<vmem>>, vector<16xi32>,
          tpu.vector_store %arg12[%swap3A_553], %select_n3A_552 {strides = array<i32>} : memref<128xi32, #tpu.memory_space<vmem>>, vector<16xi32>,
          %get3A_555 = arith.constant 208 : index
          %get3A_556 = tpu.vector_load %arg10[%get3A_555] {strides = array<i32>} : memref<256xi32, #tpu.memory_space<vmem>>, vector<16xi32>,
          %add3A_557 = arith.constant 208 : i32
          %add3A_558 = arith.addi %multiple_of3A_209, %add3A_557 : i32
          %iota3A_559 = tpu.iota {dimensions = array<i32: 0>} : vector<16xi32>
          %add3A_560 = vector.broadcast %add3A_558 : i32 to vector<16xi32>
          %add3A_561 = arith.addi %add3A_560, %iota3A_559 : vector<16xi32>
          %add3A_562 = arith.constant 1 : i32
          %add3A_563 = arith.addi %multiple_of3A, %add3A_562 : i32
          %sub3A_564 = vector.broadcast %add3A_563 : i32 to vector<16xi32>
          %sub3A_565 = arith.subi %get3A_556, %sub3A_564 : vector<16xi32>
          %ge3A_566 = arith.constant 0 : i32
          %ge3A_567 = vector.broadcast %ge3A_566 : i32 to vector<16xi32>
          %ge3A_568 = arith.cmpi sge, %sub3A_565, %ge3A_567 : vector<16xi32>
          %lt3A_569 = arith.constant 8192 : i32
          %lt3A_570 = vector.broadcast %lt3A_569 : i32 to vector<16xi32>
          %lt3A_571 = arith.cmpi slt, %sub3A_565, %lt3A_570 : vector<16xi32>
          %and3A_572 = arith.andi %ge3A_568, %lt3A_571 : vector<16xi1>
          %lt3A_573 = vector.broadcast %multiple_of3A_158 : i32 to vector<16xi32>
          %lt3A_574 = arith.cmpi slt, %add3A_561, %lt3A_573 : vector<16xi32>
          %and3A_575 = arith.andi %and3A_572, %lt3A_574 : vector<16xi1>
          %jit3A_576 = arith.constant 8192 : i32
          %broadcast_in_dim3A_577 = vector.broadcast %jit3A_576 : i32 to vector<16xi32>
          %select_n3A_578 = arith.select %and3A_575, %sub3A_565, %broadcast_in_dim3A_577 : vector<16xi1>, vector<16xi32>
          %swap3A_579 = arith.constant 80 : index
          %swap3A_580 = tpu.vector_load %arg12[%swap3A_579] {strides = array<i32>} : memref<128xi32, #tpu.memory_space<vmem>>, vector<16xi32>,
          tpu.vector_store %arg12[%swap3A_579], %select_n3A_578 {strides = array<i32>} : memref<128xi32, #tpu.memory_space<vmem>>, vector<16xi32>,
          %get3A_581 = arith.constant 224 : index
          %get3A_582 = tpu.vector_load %arg10[%get3A_581] {strides = array<i32>} : memref<256xi32, #tpu.memory_space<vmem>>, vector<16xi32>,
          %add3A_583 = arith.constant 224 : i32
          %add3A_584 = arith.addi %multiple_of3A_209, %add3A_583 : i32
          %iota3A_585 = tpu.iota {dimensions = array<i32: 0>} : vector<16xi32>
          %add3A_586 = vector.broadcast %add3A_584 : i32 to vector<16xi32>
          %add3A_587 = arith.addi %add3A_586, %iota3A_585 : vector<16xi32>
          %add3A_588 = arith.constant 1 : i32
          %add3A_589 = arith.addi %multiple_of3A, %add3A_588 : i32
          %sub3A_590 = vector.broadcast %add3A_589 : i32 to vector<16xi32>
          %sub3A_591 = arith.subi %get3A_582, %sub3A_590 : vector<16xi32>
          %ge3A_592 = arith.constant 0 : i32
          %ge3A_593 = vector.broadcast %ge3A_592 : i32 to vector<16xi32>
          %ge3A_594 = arith.cmpi sge, %sub3A_591, %ge3A_593 : vector<16xi32>
          %lt3A_595 = arith.constant 8192 : i32
          %lt3A_596 = vector.broadcast %lt3A_595 : i32 to vector<16xi32>
          %lt3A_597 = arith.cmpi slt, %sub3A_591, %lt3A_596 : vector<16xi32>
          %and3A_598 = arith.andi %ge3A_594, %lt3A_597 : vector<16xi1>
          %lt3A_599 = vector.broadcast %multiple_of3A_158 : i32 to vector<16xi32>
          %lt3A_600 = arith.cmpi slt, %add3A_587, %lt3A_599 : vector<16xi32>
          %and3A_601 = arith.andi %and3A_598, %lt3A_600 : vector<16xi1>
          %jit3A_602 = arith.constant 8192 : i32
          %broadcast_in_dim3A_603 = vector.broadcast %jit3A_602 : i32 to vector<16xi32>
          %select_n3A_604 = arith.select %and3A_601, %sub3A_591, %broadcast_in_dim3A_603 : vector<16xi1>, vector<16xi32>
          %swap3A_605 = arith.constant 96 : index
          %swap3A_606 = tpu.vector_load %arg12[%swap3A_605] {strides = array<i32>} : memref<128xi32, #tpu.memory_space<vmem>>, vector<16xi32>,
          tpu.vector_store %arg12[%swap3A_605], %select_n3A_604 {strides = array<i32>} : memref<128xi32, #tpu.memory_space<vmem>>, vector<16xi32>,
          %get3A_607 = arith.constant 240 : index
          %get3A_608 = tpu.vector_load %arg10[%get3A_607] {strides = array<i32>} : memref<256xi32, #tpu.memory_space<vmem>>, vector<16xi32>,
          %add3A_609 = arith.constant 240 : i32
          %add3A_610 = arith.addi %multiple_of3A_209, %add3A_609 : i32
          %iota3A_611 = tpu.iota {dimensions = array<i32: 0>} : vector<16xi32>
          %add3A_612 = vector.broadcast %add3A_610 : i32 to vector<16xi32>
          %add3A_613 = arith.addi %add3A_612, %iota3A_611 : vector<16xi32>
          %add3A_614 = arith.constant 1 : i32
          %add3A_615 = arith.addi %multiple_of3A, %add3A_614 : i32
          %sub3A_616 = vector.broadcast %add3A_615 : i32 to vector<16xi32>
          %sub3A_617 = arith.subi %get3A_608, %sub3A_616 : vector<16xi32>
          %ge3A_618 = arith.constant 0 : i32
          %ge3A_619 = vector.broadcast %ge3A_618 : i32 to vector<16xi32>
          %ge3A_620 = arith.cmpi sge, %sub3A_617, %ge3A_619 : vector<16xi32>
          %lt3A_621 = arith.constant 8192 : i32
          %lt3A_622 = vector.broadcast %lt3A_621 : i32 to vector<16xi32>
          %lt3A_623 = arith.cmpi slt, %sub3A_617, %lt3A_622 : vector<16xi32>
          %and3A_624 = arith.andi %ge3A_620, %lt3A_623 : vector<16xi1>
          %lt3A_625 = vector.broadcast %multiple_of3A_158 : i32 to vector<16xi32>
          %lt3A_626 = arith.cmpi slt, %add3A_613, %lt3A_625 : vector<16xi32>
          %and3A_627 = arith.andi %and3A_624, %lt3A_626 : vector<16xi1>
          %jit3A_628 = arith.constant 8192 : i32
          %broadcast_in_dim3A_629 = vector.broadcast %jit3A_628 : i32 to vector<16xi32>
          %select_n3A_630 = arith.select %and3A_627, %sub3A_617, %broadcast_in_dim3A_629 : vector<16xi1>, vector<16xi32>
          %swap3A_631 = arith.constant 112 : index
          %swap3A_632 = tpu.vector_load %arg12[%swap3A_631] {strides = array<i32>} : memref<128xi32, #tpu.memory_space<vmem>>, vector<16xi32>,
          tpu.vector_store %arg12[%swap3A_631], %select_n3A_630 {strides = array<i32>} : memref<128xi32, #tpu.memory_space<vmem>>, vector<16xi32>,
          %dma_wait3A = arith.constant 0 : i32
          %dma_wait3A_633 = tpu.memref_slice %arg9[%dma_wait3A] : memref<256xi32, #tpu.memory_space<vmem>> -> memref<128xi32, #tpu.memory_space<vmem>>
          %dma_wait3A_634 = arith.constant 0 : i32
          %dma_wait3A_635 = arith.constant 0 : i32
          %dma_wait3A_636 = tpu.memref_slice %arg2[%dma_wait3A_634, %dma_wait3A_635] : memref<200000x128xf32, #tpu.memory_space<hbm>> -> memref<200000x128xf32, #tpu.memory_space<hbm>>
          tpu.wait_indirect_dma semaphore(%arg17 : memref<!tpu.dma_semaphore, #tpu.memory_space<semaphore_mem>>) src(%dma_wait3A_636 : memref<200000x128xf32, #tpu.memory_space<hbm>>) dst(%arg13 : memref<128x128xf32, #tpu.memory_space<vmem>>)
          %dma_start3A_637 = arith.constant 0 : i32
          %dma_start3A_638 = arith.constant 0 : i32
          %dma_start3A_639 = tpu.memref_slice %arg16[%dma_start3A_637, %dma_start3A_638] : memref<8200x128xf32, #tpu.memory_space<vmem_shared>> -> memref<8200x128xf32, #tpu.memory_space<vmem_shared>>
          tpu.enqueue_indirect_dma source(%arg13 : memref<128x128xf32, #tpu.memory_space<vmem>>) target(%dma_start3A_639 : memref<8200x128xf32, #tpu.memory_space<vmem_shared>>) offsets(%arg11 : memref<128xi32, #tpu.memory_space<vmem>>) semaphore(%arg18 : memref<!tpu.dma_semaphore, #tpu.memory_space<semaphore_mem>>) {add = true}
          %dma_wait3A_640 = arith.constant 128 : i32
          %dma_wait3A_641 = tpu.memref_slice %arg9[%dma_wait3A_640] : memref<256xi32, #tpu.memory_space<vmem>> -> memref<128xi32, #tpu.memory_space<vmem>>
          %dma_wait3A_642 = arith.constant 0 : i32
          %dma_wait3A_643 = arith.constant 0 : i32
          %dma_wait3A_644 = tpu.memref_slice %arg2[%dma_wait3A_642, %dma_wait3A_643] : memref<200000x128xf32, #tpu.memory_space<hbm>> -> memref<200000x128xf32, #tpu.memory_space<hbm>>
          tpu.wait_indirect_dma semaphore(%arg17 : memref<!tpu.dma_semaphore, #tpu.memory_space<semaphore_mem>>) src(%dma_wait3A_644 : memref<200000x128xf32, #tpu.memory_space<hbm>>) dst(%arg14 : memref<128x128xf32, #tpu.memory_space<vmem>>)
          %dma_start3A_645 = arith.constant 0 : i32
          %dma_start3A_646 = arith.constant 0 : i32
          %dma_start3A_647 = tpu.memref_slice %arg16[%dma_start3A_645, %dma_start3A_646] : memref<8200x128xf32, #tpu.memory_space<vmem_shared>> -> memref<8200x128xf32, #tpu.memory_space<vmem_shared>>
          tpu.enqueue_indirect_dma source(%arg14 : memref<128x128xf32, #tpu.memory_space<vmem>>) target(%dma_start3A_647 : memref<8200x128xf32, #tpu.memory_space<vmem_shared>>) offsets(%arg12 : memref<128xi32, #tpu.memory_space<vmem>>) semaphore(%arg19 : memref<!tpu.dma_semaphore, #tpu.memory_space<semaphore_mem>>) {add = true}
          %dma_wait3A_648 = arith.constant 0 : i32
          %dma_wait3A_649 = arith.constant 0 : i32
          %dma_wait3A_650 = tpu.memref_slice %arg16[%dma_wait3A_648, %dma_wait3A_649] : memref<8200x128xf32, #tpu.memory_space<vmem_shared>> -> memref<8200x128xf32, #tpu.memory_space<vmem_shared>>
          tpu.wait_indirect_dma semaphore(%arg18 : memref<!tpu.dma_semaphore, #tpu.memory_space<semaphore_mem>>) src(%arg13 : memref<128x128xf32, #tpu.memory_space<vmem>>) dst(%dma_wait3A_650 : memref<8200x128xf32, #tpu.memory_space<vmem_shared>>)
          %dma_wait3A_651 = arith.constant 0 : i32
          %dma_wait3A_652 = arith.constant 0 : i32
          %dma_wait3A_653 = tpu.memref_slice %arg16[%dma_wait3A_651, %dma_wait3A_652] : memref<8200x128xf32, #tpu.memory_space<vmem_shared>> -> memref<8200x128xf32, #tpu.memory_space<vmem_shared>>
          tpu.wait_indirect_dma semaphore(%arg19 : memref<!tpu.dma_semaphore, #tpu.memory_space<semaphore_mem>>) src(%arg14 : memref<128x128xf32, #tpu.memory_space<vmem>>) dst(%dma_wait3A_653 : memref<8200x128xf32, #tpu.memory_space<vmem_shared>>)
        }
        %while3A_196 = arith.constant 1 : i32
        scf.for %while3A_205 = %while3A_194 to %while3A_190 step %while3A_196  : i32 {
          %mul3A_206 = arith.constant 256 : i32
          %mul3A_207 = arith.muli %while3A_205, %mul3A_206 : i32
          %add3A_208 = arith.addi %multiple_of3A_127, %mul3A_207 : i32
          %multiple_of3A_209 = tpu.assume_multiple %add3A_208, 8 : i32
          "tpu.region"() ({
            %run_scoped3A = tpu.sem_alloc : memref<!tpu.dma_semaphore, #tpu.memory_space<semaphore_mem>>
            %dma_start3A_654 = tpu.memref_slice %arg3[%multiple_of3A_209] : memref<601088xi32, #tpu.memory_space<hbm>> -> memref<256xi32, #tpu.memory_space<hbm>>
            %dma_start3A_655 = tpu.memref_slice %arg3[%multiple_of3A_209] : memref<601088xi32, #tpu.memory_space<hbm>> -> memref<256xi32, #tpu.memory_space<hbm>>
            tpu.enqueue_dma source(%dma_start3A_655 : memref<256xi32, #tpu.memory_space<hbm>>) target(%arg9 : memref<256xi32, #tpu.memory_space<vmem>>) target_semaphore(%run_scoped3A : memref<!tpu.dma_semaphore, #tpu.memory_space<semaphore_mem>>)
            %dma_wait3A_656 = tpu.memref_slice %arg3[%multiple_of3A_209] : memref<601088xi32, #tpu.memory_space<hbm>> -> memref<256xi32, #tpu.memory_space<hbm>>
            %dma_wait3A_657 = tpu.memref_slice %arg3[%multiple_of3A_209] : memref<601088xi32, #tpu.memory_space<hbm>> -> memref<256xi32, #tpu.memory_space<hbm>>
            tpu.wait_dma2 semaphore(%run_scoped3A : memref<!tpu.dma_semaphore, #tpu.memory_space<semaphore_mem>>) src(%dma_wait3A_657 : memref<256xi32, #tpu.memory_space<hbm>>) dst(%arg9 : memref<256xi32, #tpu.memory_space<vmem>>)
            tpu.yield
          }) : () -> ()
          "tpu.region"() ({
            %run_scoped3A = tpu.sem_alloc : memref<!tpu.dma_semaphore, #tpu.memory_space<semaphore_mem>>
            %dma_start3A_654 = tpu.memref_slice %arg4[%multiple_of3A_209] : memref<601088xi32, #tpu.memory_space<hbm>> -> memref<256xi32, #tpu.memory_space<hbm>>
            %dma_start3A_655 = tpu.memref_slice %arg4[%multiple_of3A_209] : memref<601088xi32, #tpu.memory_space<hbm>> -> memref<256xi32, #tpu.memory_space<hbm>>
            tpu.enqueue_dma source(%dma_start3A_655 : memref<256xi32, #tpu.memory_space<hbm>>) target(%arg10 : memref<256xi32, #tpu.memory_space<vmem>>) target_semaphore(%run_scoped3A : memref<!tpu.dma_semaphore, #tpu.memory_space<semaphore_mem>>)
            %dma_wait3A_656 = tpu.memref_slice %arg4[%multiple_of3A_209] : memref<601088xi32, #tpu.memory_space<hbm>> -> memref<256xi32, #tpu.memory_space<hbm>>
            %dma_wait3A_657 = tpu.memref_slice %arg4[%multiple_of3A_209] : memref<601088xi32, #tpu.memory_space<hbm>> -> memref<256xi32, #tpu.memory_space<hbm>>
            tpu.wait_dma2 semaphore(%run_scoped3A : memref<!tpu.dma_semaphore, #tpu.memory_space<semaphore_mem>>) src(%dma_wait3A_657 : memref<256xi32, #tpu.memory_space<hbm>>) dst(%arg10 : memref<256xi32, #tpu.memory_space<vmem>>)
            tpu.yield
          }) : () -> ()
          %dma_start3A = arith.constant 0 : i32
          %dma_start3A_210 = tpu.memref_slice %arg9[%dma_start3A] : memref<256xi32, #tpu.memory_space<vmem>> -> memref<128xi32, #tpu.memory_space<vmem>>
          %dma_start3A_211 = arith.constant 0 : i32
          %dma_start3A_212 = arith.constant 0 : i32
          %dma_start3A_213 = tpu.memref_slice %arg2[%dma_start3A_211, %dma_start3A_212] : memref<200000x128xf32, #tpu.memory_space<hbm>> -> memref<200000x128xf32, #tpu.memory_space<hbm>>
          tpu.enqueue_indirect_dma source(%dma_start3A_213 : memref<200000x128xf32, #tpu.memory_space<hbm>>) target(%arg13 : memref<128x128xf32, #tpu.memory_space<vmem>>) offsets(%dma_start3A_210 : memref<128xi32, #tpu.memory_space<vmem>>) semaphore(%arg17 : memref<!tpu.dma_semaphore, #tpu.memory_space<semaphore_mem>>)
          %dma_start3A_214 = arith.constant 128 : i32
          %dma_start3A_215 = tpu.memref_slice %arg9[%dma_start3A_214] : memref<256xi32, #tpu.memory_space<vmem>> -> memref<128xi32, #tpu.memory_space<vmem>>
          %dma_start3A_216 = arith.constant 0 : i32
          %dma_start3A_217 = arith.constant 0 : i32
          %dma_start3A_218 = tpu.memref_slice %arg2[%dma_start3A_216, %dma_start3A_217] : memref<200000x128xf32, #tpu.memory_space<hbm>> -> memref<200000x128xf32, #tpu.memory_space<hbm>>
          tpu.enqueue_indirect_dma source(%dma_start3A_218 : memref<200000x128xf32, #tpu.memory_space<hbm>>) target(%arg14 : memref<128x128xf32, #tpu.memory_space<vmem>>) offsets(%dma_start3A_215 : memref<128xi32, #tpu.memory_space<vmem>>) semaphore(%arg17 : memref<!tpu.dma_semaphore, #tpu.memory_space<semaphore_mem>>)
          %get3A_219 = arith.constant 0 : index
          %get3A_220 = tpu.vector_load %arg10[%get3A_219] {strides = array<i32>} : memref<256xi32, #tpu.memory_space<vmem>>, vector<16xi32>,
          %add3A_221 = arith.constant 0 : i32
          %add3A_222 = arith.addi %multiple_of3A_209, %add3A_221 : i32
          %iota3A_223 = tpu.iota {dimensions = array<i32: 0>} : vector<16xi32>
          %add3A_224 = vector.broadcast %add3A_222 : i32 to vector<16xi32>
          %add3A_225 = arith.addi %add3A_224, %iota3A_223 : vector<16xi32>
          %add3A_226 = arith.constant 1 : i32
          %add3A_227 = arith.addi %multiple_of3A, %add3A_226 : i32
          %sub3A_228 = vector.broadcast %add3A_227 : i32 to vector<16xi32>
          %sub3A_229 = arith.subi %get3A_220, %sub3A_228 : vector<16xi32>
          %ge3A = arith.constant 0 : i32
          %ge3A_230 = vector.broadcast %ge3A : i32 to vector<16xi32>
          %ge3A_231 = arith.cmpi sge, %sub3A_229, %ge3A_230 : vector<16xi32>
          %lt3A_232 = arith.constant 8192 : i32
          %lt3A_233 = vector.broadcast %lt3A_232 : i32 to vector<16xi32>
          %lt3A_234 = arith.cmpi slt, %sub3A_229, %lt3A_233 : vector<16xi32>
          %and3A_235 = arith.andi %ge3A_231, %lt3A_234 : vector<16xi1>
          %lt3A_236 = vector.broadcast %multiple_of3A_158 : i32 to vector<16xi32>
          %lt3A_237 = arith.cmpi slt, %add3A_225, %lt3A_236 : vector<16xi32>
          %and3A_238 = arith.andi %and3A_235, %lt3A_237 : vector<16xi1>
          %jit3A_239 = arith.constant 8192 : i32
          %broadcast_in_dim3A_240 = vector.broadcast %jit3A_239 : i32 to vector<16xi32>
          %select_n3A_241 = arith.select %and3A_238, %sub3A_229, %broadcast_in_dim3A_240 : vector<16xi1>, vector<16xi32>
          %swap3A = arith.constant 0 : index
          %swap3A_242 = tpu.vector_load %arg11[%swap3A] {strides = array<i32>} : memref<128xi32, #tpu.memory_space<vmem>>, vector<16xi32>,
          tpu.vector_store %arg11[%swap3A], %select_n3A_241 {strides = array<i32>} : memref<128xi32, #tpu.memory_space<vmem>>, vector<16xi32>,
          %get3A_243 = arith.constant 16 : index
          %get3A_244 = tpu.vector_load %arg10[%get3A_243] {strides = array<i32>} : memref<256xi32, #tpu.memory_space<vmem>>, vector<16xi32>,
          %add3A_245 = arith.constant 16 : i32
          %add3A_246 = arith.addi %multiple_of3A_209, %add3A_245 : i32
          %iota3A_247 = tpu.iota {dimensions = array<i32: 0>} : vector<16xi32>
          %add3A_248 = vector.broadcast %add3A_246 : i32 to vector<16xi32>
          %add3A_249 = arith.addi %add3A_248, %iota3A_247 : vector<16xi32>
          %add3A_250 = arith.constant 1 : i32
          %add3A_251 = arith.addi %multiple_of3A, %add3A_250 : i32
          %sub3A_252 = vector.broadcast %add3A_251 : i32 to vector<16xi32>
          %sub3A_253 = arith.subi %get3A_244, %sub3A_252 : vector<16xi32>
          %ge3A_254 = arith.constant 0 : i32
          %ge3A_255 = vector.broadcast %ge3A_254 : i32 to vector<16xi32>
          %ge3A_256 = arith.cmpi sge, %sub3A_253, %ge3A_255 : vector<16xi32>
          %lt3A_257 = arith.constant 8192 : i32
          %lt3A_258 = vector.broadcast %lt3A_257 : i32 to vector<16xi32>
          %lt3A_259 = arith.cmpi slt, %sub3A_253, %lt3A_258 : vector<16xi32>
          %and3A_260 = arith.andi %ge3A_256, %lt3A_259 : vector<16xi1>
          %lt3A_261 = vector.broadcast %multiple_of3A_158 : i32 to vector<16xi32>
          %lt3A_262 = arith.cmpi slt, %add3A_249, %lt3A_261 : vector<16xi32>
          %and3A_263 = arith.andi %and3A_260, %lt3A_262 : vector<16xi1>
          %jit3A_264 = arith.constant 8192 : i32
          %broadcast_in_dim3A_265 = vector.broadcast %jit3A_264 : i32 to vector<16xi32>
          %select_n3A_266 = arith.select %and3A_263, %sub3A_253, %broadcast_in_dim3A_265 : vector<16xi1>, vector<16xi32>
          %swap3A_267 = arith.constant 16 : index
          %swap3A_268 = tpu.vector_load %arg11[%swap3A_267] {strides = array<i32>} : memref<128xi32, #tpu.memory_space<vmem>>, vector<16xi32>,
          tpu.vector_store %arg11[%swap3A_267], %select_n3A_266 {strides = array<i32>} : memref<128xi32, #tpu.memory_space<vmem>>, vector<16xi32>,
          %get3A_269 = arith.constant 32 : index
          %get3A_270 = tpu.vector_load %arg10[%get3A_269] {strides = array<i32>} : memref<256xi32, #tpu.memory_space<vmem>>, vector<16xi32>,
          %add3A_271 = arith.constant 32 : i32
          %add3A_272 = arith.addi %multiple_of3A_209, %add3A_271 : i32
          %iota3A_273 = tpu.iota {dimensions = array<i32: 0>} : vector<16xi32>
          %add3A_274 = vector.broadcast %add3A_272 : i32 to vector<16xi32>
          %add3A_275 = arith.addi %add3A_274, %iota3A_273 : vector<16xi32>
          %add3A_276 = arith.constant 1 : i32
          %add3A_277 = arith.addi %multiple_of3A, %add3A_276 : i32
          %sub3A_278 = vector.broadcast %add3A_277 : i32 to vector<16xi32>
          %sub3A_279 = arith.subi %get3A_270, %sub3A_278 : vector<16xi32>
          %ge3A_280 = arith.constant 0 : i32
          %ge3A_281 = vector.broadcast %ge3A_280 : i32 to vector<16xi32>
          %ge3A_282 = arith.cmpi sge, %sub3A_279, %ge3A_281 : vector<16xi32>
          %lt3A_283 = arith.constant 8192 : i32
          %lt3A_284 = vector.broadcast %lt3A_283 : i32 to vector<16xi32>
          %lt3A_285 = arith.cmpi slt, %sub3A_279, %lt3A_284 : vector<16xi32>
          %and3A_286 = arith.andi %ge3A_282, %lt3A_285 : vector<16xi1>
          %lt3A_287 = vector.broadcast %multiple_of3A_158 : i32 to vector<16xi32>
          %lt3A_288 = arith.cmpi slt, %add3A_275, %lt3A_287 : vector<16xi32>
          %and3A_289 = arith.andi %and3A_286, %lt3A_288 : vector<16xi1>
          %jit3A_290 = arith.constant 8192 : i32
          %broadcast_in_dim3A_291 = vector.broadcast %jit3A_290 : i32 to vector<16xi32>
          %select_n3A_292 = arith.select %and3A_289, %sub3A_279, %broadcast_in_dim3A_291 : vector<16xi1>, vector<16xi32>
          %swap3A_293 = arith.constant 32 : index
          %swap3A_294 = tpu.vector_load %arg11[%swap3A_293] {strides = array<i32>} : memref<128xi32, #tpu.memory_space<vmem>>, vector<16xi32>,
          tpu.vector_store %arg11[%swap3A_293], %select_n3A_292 {strides = array<i32>} : memref<128xi32, #tpu.memory_space<vmem>>, vector<16xi32>,
          %get3A_295 = arith.constant 48 : index
          %get3A_296 = tpu.vector_load %arg10[%get3A_295] {strides = array<i32>} : memref<256xi32, #tpu.memory_space<vmem>>, vector<16xi32>,
          %add3A_297 = arith.constant 48 : i32
          %add3A_298 = arith.addi %multiple_of3A_209, %add3A_297 : i32
          %iota3A_299 = tpu.iota {dimensions = array<i32: 0>} : vector<16xi32>
          %add3A_300 = vector.broadcast %add3A_298 : i32 to vector<16xi32>
          %add3A_301 = arith.addi %add3A_300, %iota3A_299 : vector<16xi32>
          %add3A_302 = arith.constant 1 : i32
          %add3A_303 = arith.addi %multiple_of3A, %add3A_302 : i32
          %sub3A_304 = vector.broadcast %add3A_303 : i32 to vector<16xi32>
          %sub3A_305 = arith.subi %get3A_296, %sub3A_304 : vector<16xi32>
          %ge3A_306 = arith.constant 0 : i32
          %ge3A_307 = vector.broadcast %ge3A_306 : i32 to vector<16xi32>
          %ge3A_308 = arith.cmpi sge, %sub3A_305, %ge3A_307 : vector<16xi32>
          %lt3A_309 = arith.constant 8192 : i32
          %lt3A_310 = vector.broadcast %lt3A_309 : i32 to vector<16xi32>
          %lt3A_311 = arith.cmpi slt, %sub3A_305, %lt3A_310 : vector<16xi32>
          %and3A_312 = arith.andi %ge3A_308, %lt3A_311 : vector<16xi1>
          %lt3A_313 = vector.broadcast %multiple_of3A_158 : i32 to vector<16xi32>
          %lt3A_314 = arith.cmpi slt, %add3A_301, %lt3A_313 : vector<16xi32>
          %and3A_315 = arith.andi %and3A_312, %lt3A_314 : vector<16xi1>
          %jit3A_316 = arith.constant 8192 : i32
          %broadcast_in_dim3A_317 = vector.broadcast %jit3A_316 : i32 to vector<16xi32>
          %select_n3A_318 = arith.select %and3A_315, %sub3A_305, %broadcast_in_dim3A_317 : vector<16xi1>, vector<16xi32>
          %swap3A_319 = arith.constant 48 : index
          %swap3A_320 = tpu.vector_load %arg11[%swap3A_319] {strides = array<i32>} : memref<128xi32, #tpu.memory_space<vmem>>, vector<16xi32>,
          tpu.vector_store %arg11[%swap3A_319], %select_n3A_318 {strides = array<i32>} : memref<128xi32, #tpu.memory_space<vmem>>, vector<16xi32>,
          %get3A_321 = arith.constant 64 : index
          %get3A_322 = tpu.vector_load %arg10[%get3A_321] {strides = array<i32>} : memref<256xi32, #tpu.memory_space<vmem>>, vector<16xi32>,
          %add3A_323 = arith.constant 64 : i32
          %add3A_324 = arith.addi %multiple_of3A_209, %add3A_323 : i32
          %iota3A_325 = tpu.iota {dimensions = array<i32: 0>} : vector<16xi32>
          %add3A_326 = vector.broadcast %add3A_324 : i32 to vector<16xi32>
          %add3A_327 = arith.addi %add3A_326, %iota3A_325 : vector<16xi32>
          %add3A_328 = arith.constant 1 : i32
          %add3A_329 = arith.addi %multiple_of3A, %add3A_328 : i32
          %sub3A_330 = vector.broadcast %add3A_329 : i32 to vector<16xi32>
          %sub3A_331 = arith.subi %get3A_322, %sub3A_330 : vector<16xi32>
          %ge3A_332 = arith.constant 0 : i32
          %ge3A_333 = vector.broadcast %ge3A_332 : i32 to vector<16xi32>
          %ge3A_334 = arith.cmpi sge, %sub3A_331, %ge3A_333 : vector<16xi32>
          %lt3A_335 = arith.constant 8192 : i32
          %lt3A_336 = vector.broadcast %lt3A_335 : i32 to vector<16xi32>
          %lt3A_337 = arith.cmpi slt, %sub3A_331, %lt3A_336 : vector<16xi32>
          %and3A_338 = arith.andi %ge3A_334, %lt3A_337 : vector<16xi1>
          %lt3A_339 = vector.broadcast %multiple_of3A_158 : i32 to vector<16xi32>
          %lt3A_340 = arith.cmpi slt, %add3A_327, %lt3A_339 : vector<16xi32>
          %and3A_341 = arith.andi %and3A_338, %lt3A_340 : vector<16xi1>
          %jit3A_342 = arith.constant 8192 : i32
          %broadcast_in_dim3A_343 = vector.broadcast %jit3A_342 : i32 to vector<16xi32>
          %select_n3A_344 = arith.select %and3A_341, %sub3A_331, %broadcast_in_dim3A_343 : vector<16xi1>, vector<16xi32>
          %swap3A_345 = arith.constant 64 : index
          %swap3A_346 = tpu.vector_load %arg11[%swap3A_345] {strides = array<i32>} : memref<128xi32, #tpu.memory_space<vmem>>, vector<16xi32>,
          tpu.vector_store %arg11[%swap3A_345], %select_n3A_344 {strides = array<i32>} : memref<128xi32, #tpu.memory_space<vmem>>, vector<16xi32>,
          %get3A_347 = arith.constant 80 : index
          %get3A_348 = tpu.vector_load %arg10[%get3A_347] {strides = array<i32>} : memref<256xi32, #tpu.memory_space<vmem>>, vector<16xi32>,
          %add3A_349 = arith.constant 80 : i32
          %add3A_350 = arith.addi %multiple_of3A_209, %add3A_349 : i32
          %iota3A_351 = tpu.iota {dimensions = array<i32: 0>} : vector<16xi32>
          %add3A_352 = vector.broadcast %add3A_350 : i32 to vector<16xi32>
          %add3A_353 = arith.addi %add3A_352, %iota3A_351 : vector<16xi32>
          %add3A_354 = arith.constant 1 : i32
          %add3A_355 = arith.addi %multiple_of3A, %add3A_354 : i32
          %sub3A_356 = vector.broadcast %add3A_355 : i32 to vector<16xi32>
          %sub3A_357 = arith.subi %get3A_348, %sub3A_356 : vector<16xi32>
          %ge3A_358 = arith.constant 0 : i32
          %ge3A_359 = vector.broadcast %ge3A_358 : i32 to vector<16xi32>
          %ge3A_360 = arith.cmpi sge, %sub3A_357, %ge3A_359 : vector<16xi32>
          %lt3A_361 = arith.constant 8192 : i32
          %lt3A_362 = vector.broadcast %lt3A_361 : i32 to vector<16xi32>
          %lt3A_363 = arith.cmpi slt, %sub3A_357, %lt3A_362 : vector<16xi32>
          %and3A_364 = arith.andi %ge3A_360, %lt3A_363 : vector<16xi1>
          %lt3A_365 = vector.broadcast %multiple_of3A_158 : i32 to vector<16xi32>
          %lt3A_366 = arith.cmpi slt, %add3A_353, %lt3A_365 : vector<16xi32>
          %and3A_367 = arith.andi %and3A_364, %lt3A_366 : vector<16xi1>
          %jit3A_368 = arith.constant 8192 : i32
          %broadcast_in_dim3A_369 = vector.broadcast %jit3A_368 : i32 to vector<16xi32>
          %select_n3A_370 = arith.select %and3A_367, %sub3A_357, %broadcast_in_dim3A_369 : vector<16xi1>, vector<16xi32>
          %swap3A_371 = arith.constant 80 : index
          %swap3A_372 = tpu.vector_load %arg11[%swap3A_371] {strides = array<i32>} : memref<128xi32, #tpu.memory_space<vmem>>, vector<16xi32>,
          tpu.vector_store %arg11[%swap3A_371], %select_n3A_370 {strides = array<i32>} : memref<128xi32, #tpu.memory_space<vmem>>, vector<16xi32>,
          %get3A_373 = arith.constant 96 : index
          %get3A_374 = tpu.vector_load %arg10[%get3A_373] {strides = array<i32>} : memref<256xi32, #tpu.memory_space<vmem>>, vector<16xi32>,
          %add3A_375 = arith.constant 96 : i32
          %add3A_376 = arith.addi %multiple_of3A_209, %add3A_375 : i32
          %iota3A_377 = tpu.iota {dimensions = array<i32: 0>} : vector<16xi32>
          %add3A_378 = vector.broadcast %add3A_376 : i32 to vector<16xi32>
          %add3A_379 = arith.addi %add3A_378, %iota3A_377 : vector<16xi32>
          %add3A_380 = arith.constant 1 : i32
          %add3A_381 = arith.addi %multiple_of3A, %add3A_380 : i32
          %sub3A_382 = vector.broadcast %add3A_381 : i32 to vector<16xi32>
          %sub3A_383 = arith.subi %get3A_374, %sub3A_382 : vector<16xi32>
          %ge3A_384 = arith.constant 0 : i32
          %ge3A_385 = vector.broadcast %ge3A_384 : i32 to vector<16xi32>
          %ge3A_386 = arith.cmpi sge, %sub3A_383, %ge3A_385 : vector<16xi32>
          %lt3A_387 = arith.constant 8192 : i32
          %lt3A_388 = vector.broadcast %lt3A_387 : i32 to vector<16xi32>
          %lt3A_389 = arith.cmpi slt, %sub3A_383, %lt3A_388 : vector<16xi32>
          %and3A_390 = arith.andi %ge3A_386, %lt3A_389 : vector<16xi1>
          %lt3A_391 = vector.broadcast %multiple_of3A_158 : i32 to vector<16xi32>
          %lt3A_392 = arith.cmpi slt, %add3A_379, %lt3A_391 : vector<16xi32>
          %and3A_393 = arith.andi %and3A_390, %lt3A_392 : vector<16xi1>
          %jit3A_394 = arith.constant 8192 : i32
          %broadcast_in_dim3A_395 = vector.broadcast %jit3A_394 : i32 to vector<16xi32>
          %select_n3A_396 = arith.select %and3A_393, %sub3A_383, %broadcast_in_dim3A_395 : vector<16xi1>, vector<16xi32>
          %swap3A_397 = arith.constant 96 : index
          %swap3A_398 = tpu.vector_load %arg11[%swap3A_397] {strides = array<i32>} : memref<128xi32, #tpu.memory_space<vmem>>, vector<16xi32>,
          tpu.vector_store %arg11[%swap3A_397], %select_n3A_396 {strides = array<i32>} : memref<128xi32, #tpu.memory_space<vmem>>, vector<16xi32>,
          %get3A_399 = arith.constant 112 : index
          %get3A_400 = tpu.vector_load %arg10[%get3A_399] {strides = array<i32>} : memref<256xi32, #tpu.memory_space<vmem>>, vector<16xi32>,
          %add3A_401 = arith.constant 112 : i32
          %add3A_402 = arith.addi %multiple_of3A_209, %add3A_401 : i32
          %iota3A_403 = tpu.iota {dimensions = array<i32: 0>} : vector<16xi32>
          %add3A_404 = vector.broadcast %add3A_402 : i32 to vector<16xi32>
          %add3A_405 = arith.addi %add3A_404, %iota3A_403 : vector<16xi32>
          %add3A_406 = arith.constant 1 : i32
          %add3A_407 = arith.addi %multiple_of3A, %add3A_406 : i32
          %sub3A_408 = vector.broadcast %add3A_407 : i32 to vector<16xi32>
          %sub3A_409 = arith.subi %get3A_400, %sub3A_408 : vector<16xi32>
          %ge3A_410 = arith.constant 0 : i32
          %ge3A_411 = vector.broadcast %ge3A_410 : i32 to vector<16xi32>
          %ge3A_412 = arith.cmpi sge, %sub3A_409, %ge3A_411 : vector<16xi32>
          %lt3A_413 = arith.constant 8192 : i32
          %lt3A_414 = vector.broadcast %lt3A_413 : i32 to vector<16xi32>
          %lt3A_415 = arith.cmpi slt, %sub3A_409, %lt3A_414 : vector<16xi32>
          %and3A_416 = arith.andi %ge3A_412, %lt3A_415 : vector<16xi1>
          %lt3A_417 = vector.broadcast %multiple_of3A_158 : i32 to vector<16xi32>
          %lt3A_418 = arith.cmpi slt, %add3A_405, %lt3A_417 : vector<16xi32>
          %and3A_419 = arith.andi %and3A_416, %lt3A_418 : vector<16xi1>
          %jit3A_420 = arith.constant 8192 : i32
          %broadcast_in_dim3A_421 = vector.broadcast %jit3A_420 : i32 to vector<16xi32>
          %select_n3A_422 = arith.select %and3A_419, %sub3A_409, %broadcast_in_dim3A_421 : vector<16xi1>, vector<16xi32>
          %swap3A_423 = arith.constant 112 : index
          %swap3A_424 = tpu.vector_load %arg11[%swap3A_423] {strides = array<i32>} : memref<128xi32, #tpu.memory_space<vmem>>, vector<16xi32>,
          tpu.vector_store %arg11[%swap3A_423], %select_n3A_422 {strides = array<i32>} : memref<128xi32, #tpu.memory_space<vmem>>, vector<16xi32>,
          %get3A_425 = arith.constant 128 : index
          %get3A_426 = tpu.vector_load %arg10[%get3A_425] {strides = array<i32>} : memref<256xi32, #tpu.memory_space<vmem>>, vector<16xi32>,
          %add3A_427 = arith.constant 128 : i32
          %add3A_428 = arith.addi %multiple_of3A_209, %add3A_427 : i32
          %iota3A_429 = tpu.iota {dimensions = array<i32: 0>} : vector<16xi32>
          %add3A_430 = vector.broadcast %add3A_428 : i32 to vector<16xi32>
          %add3A_431 = arith.addi %add3A_430, %iota3A_429 : vector<16xi32>
          %add3A_432 = arith.constant 1 : i32
          %add3A_433 = arith.addi %multiple_of3A, %add3A_432 : i32
          %sub3A_434 = vector.broadcast %add3A_433 : i32 to vector<16xi32>
          %sub3A_435 = arith.subi %get3A_426, %sub3A_434 : vector<16xi32>
          %ge3A_436 = arith.constant 0 : i32
          %ge3A_437 = vector.broadcast %ge3A_436 : i32 to vector<16xi32>
          %ge3A_438 = arith.cmpi sge, %sub3A_435, %ge3A_437 : vector<16xi32>
          %lt3A_439 = arith.constant 8192 : i32
          %lt3A_440 = vector.broadcast %lt3A_439 : i32 to vector<16xi32>
          %lt3A_441 = arith.cmpi slt, %sub3A_435, %lt3A_440 : vector<16xi32>
          %and3A_442 = arith.andi %ge3A_438, %lt3A_441 : vector<16xi1>
          %lt3A_443 = vector.broadcast %multiple_of3A_158 : i32 to vector<16xi32>
          %lt3A_444 = arith.cmpi slt, %add3A_431, %lt3A_443 : vector<16xi32>
          %and3A_445 = arith.andi %and3A_442, %lt3A_444 : vector<16xi1>
          %jit3A_446 = arith.constant 8192 : i32
          %broadcast_in_dim3A_447 = vector.broadcast %jit3A_446 : i32 to vector<16xi32>
          %select_n3A_448 = arith.select %and3A_445, %sub3A_435, %broadcast_in_dim3A_447 : vector<16xi1>, vector<16xi32>
          %swap3A_449 = arith.constant 0 : index
          %swap3A_450 = tpu.vector_load %arg12[%swap3A_449] {strides = array<i32>} : memref<128xi32, #tpu.memory_space<vmem>>, vector<16xi32>,
          tpu.vector_store %arg12[%swap3A_449], %select_n3A_448 {strides = array<i32>} : memref<128xi32, #tpu.memory_space<vmem>>, vector<16xi32>,
          %get3A_451 = arith.constant 144 : index
          %get3A_452 = tpu.vector_load %arg10[%get3A_451] {strides = array<i32>} : memref<256xi32, #tpu.memory_space<vmem>>, vector<16xi32>,
          %add3A_453 = arith.constant 144 : i32
          %add3A_454 = arith.addi %multiple_of3A_209, %add3A_453 : i32
          %iota3A_455 = tpu.iota {dimensions = array<i32: 0>} : vector<16xi32>
          %add3A_456 = vector.broadcast %add3A_454 : i32 to vector<16xi32>
          %add3A_457 = arith.addi %add3A_456, %iota3A_455 : vector<16xi32>
          %add3A_458 = arith.constant 1 : i32
          %add3A_459 = arith.addi %multiple_of3A, %add3A_458 : i32
          %sub3A_460 = vector.broadcast %add3A_459 : i32 to vector<16xi32>
          %sub3A_461 = arith.subi %get3A_452, %sub3A_460 : vector<16xi32>
          %ge3A_462 = arith.constant 0 : i32
          %ge3A_463 = vector.broadcast %ge3A_462 : i32 to vector<16xi32>
          %ge3A_464 = arith.cmpi sge, %sub3A_461, %ge3A_463 : vector<16xi32>
          %lt3A_465 = arith.constant 8192 : i32
          %lt3A_466 = vector.broadcast %lt3A_465 : i32 to vector<16xi32>
          %lt3A_467 = arith.cmpi slt, %sub3A_461, %lt3A_466 : vector<16xi32>
          %and3A_468 = arith.andi %ge3A_464, %lt3A_467 : vector<16xi1>
          %lt3A_469 = vector.broadcast %multiple_of3A_158 : i32 to vector<16xi32>
          %lt3A_470 = arith.cmpi slt, %add3A_457, %lt3A_469 : vector<16xi32>
          %and3A_471 = arith.andi %and3A_468, %lt3A_470 : vector<16xi1>
          %jit3A_472 = arith.constant 8192 : i32
          %broadcast_in_dim3A_473 = vector.broadcast %jit3A_472 : i32 to vector<16xi32>
          %select_n3A_474 = arith.select %and3A_471, %sub3A_461, %broadcast_in_dim3A_473 : vector<16xi1>, vector<16xi32>
          %swap3A_475 = arith.constant 16 : index
          %swap3A_476 = tpu.vector_load %arg12[%swap3A_475] {strides = array<i32>} : memref<128xi32, #tpu.memory_space<vmem>>, vector<16xi32>,
          tpu.vector_store %arg12[%swap3A_475], %select_n3A_474 {strides = array<i32>} : memref<128xi32, #tpu.memory_space<vmem>>, vector<16xi32>,
          %get3A_477 = arith.constant 160 : index
          %get3A_478 = tpu.vector_load %arg10[%get3A_477] {strides = array<i32>} : memref<256xi32, #tpu.memory_space<vmem>>, vector<16xi32>,
          %add3A_479 = arith.constant 160 : i32
          %add3A_480 = arith.addi %multiple_of3A_209, %add3A_479 : i32
          %iota3A_481 = tpu.iota {dimensions = array<i32: 0>} : vector<16xi32>
          %add3A_482 = vector.broadcast %add3A_480 : i32 to vector<16xi32>
          %add3A_483 = arith.addi %add3A_482, %iota3A_481 : vector<16xi32>
          %add3A_484 = arith.constant 1 : i32
          %add3A_485 = arith.addi %multiple_of3A, %add3A_484 : i32
          %sub3A_486 = vector.broadcast %add3A_485 : i32 to vector<16xi32>
          %sub3A_487 = arith.subi %get3A_478, %sub3A_486 : vector<16xi32>
          %ge3A_488 = arith.constant 0 : i32
          %ge3A_489 = vector.broadcast %ge3A_488 : i32 to vector<16xi32>
          %ge3A_490 = arith.cmpi sge, %sub3A_487, %ge3A_489 : vector<16xi32>
          %lt3A_491 = arith.constant 8192 : i32
          %lt3A_492 = vector.broadcast %lt3A_491 : i32 to vector<16xi32>
          %lt3A_493 = arith.cmpi slt, %sub3A_487, %lt3A_492 : vector<16xi32>
          %and3A_494 = arith.andi %ge3A_490, %lt3A_493 : vector<16xi1>
          %lt3A_495 = vector.broadcast %multiple_of3A_158 : i32 to vector<16xi32>
          %lt3A_496 = arith.cmpi slt, %add3A_483, %lt3A_495 : vector<16xi32>
          %and3A_497 = arith.andi %and3A_494, %lt3A_496 : vector<16xi1>
          %jit3A_498 = arith.constant 8192 : i32
          %broadcast_in_dim3A_499 = vector.broadcast %jit3A_498 : i32 to vector<16xi32>
          %select_n3A_500 = arith.select %and3A_497, %sub3A_487, %broadcast_in_dim3A_499 : vector<16xi1>, vector<16xi32>
          %swap3A_501 = arith.constant 32 : index
          %swap3A_502 = tpu.vector_load %arg12[%swap3A_501] {strides = array<i32>} : memref<128xi32, #tpu.memory_space<vmem>>, vector<16xi32>,
          tpu.vector_store %arg12[%swap3A_501], %select_n3A_500 {strides = array<i32>} : memref<128xi32, #tpu.memory_space<vmem>>, vector<16xi32>,
          %get3A_503 = arith.constant 176 : index
          %get3A_504 = tpu.vector_load %arg10[%get3A_503] {strides = array<i32>} : memref<256xi32, #tpu.memory_space<vmem>>, vector<16xi32>,
          %add3A_505 = arith.constant 176 : i32
          %add3A_506 = arith.addi %multiple_of3A_209, %add3A_505 : i32
          %iota3A_507 = tpu.iota {dimensions = array<i32: 0>} : vector<16xi32>
          %add3A_508 = vector.broadcast %add3A_506 : i32 to vector<16xi32>
          %add3A_509 = arith.addi %add3A_508, %iota3A_507 : vector<16xi32>
          %add3A_510 = arith.constant 1 : i32
          %add3A_511 = arith.addi %multiple_of3A, %add3A_510 : i32
          %sub3A_512 = vector.broadcast %add3A_511 : i32 to vector<16xi32>
          %sub3A_513 = arith.subi %get3A_504, %sub3A_512 : vector<16xi32>
          %ge3A_514 = arith.constant 0 : i32
          %ge3A_515 = vector.broadcast %ge3A_514 : i32 to vector<16xi32>
          %ge3A_516 = arith.cmpi sge, %sub3A_513, %ge3A_515 : vector<16xi32>
          %lt3A_517 = arith.constant 8192 : i32
          %lt3A_518 = vector.broadcast %lt3A_517 : i32 to vector<16xi32>
          %lt3A_519 = arith.cmpi slt, %sub3A_513, %lt3A_518 : vector<16xi32>
          %and3A_520 = arith.andi %ge3A_516, %lt3A_519 : vector<16xi1>
          %lt3A_521 = vector.broadcast %multiple_of3A_158 : i32 to vector<16xi32>
          %lt3A_522 = arith.cmpi slt, %add3A_509, %lt3A_521 : vector<16xi32>
          %and3A_523 = arith.andi %and3A_520, %lt3A_522 : vector<16xi1>
          %jit3A_524 = arith.constant 8192 : i32
          %broadcast_in_dim3A_525 = vector.broadcast %jit3A_524 : i32 to vector<16xi32>
          %select_n3A_526 = arith.select %and3A_523, %sub3A_513, %broadcast_in_dim3A_525 : vector<16xi1>, vector<16xi32>
          %swap3A_527 = arith.constant 48 : index
          %swap3A_528 = tpu.vector_load %arg12[%swap3A_527] {strides = array<i32>} : memref<128xi32, #tpu.memory_space<vmem>>, vector<16xi32>,
          tpu.vector_store %arg12[%swap3A_527], %select_n3A_526 {strides = array<i32>} : memref<128xi32, #tpu.memory_space<vmem>>, vector<16xi32>,
          %get3A_529 = arith.constant 192 : index
          %get3A_530 = tpu.vector_load %arg10[%get3A_529] {strides = array<i32>} : memref<256xi32, #tpu.memory_space<vmem>>, vector<16xi32>,
          %add3A_531 = arith.constant 192 : i32
          %add3A_532 = arith.addi %multiple_of3A_209, %add3A_531 : i32
          %iota3A_533 = tpu.iota {dimensions = array<i32: 0>} : vector<16xi32>
          %add3A_534 = vector.broadcast %add3A_532 : i32 to vector<16xi32>
          %add3A_535 = arith.addi %add3A_534, %iota3A_533 : vector<16xi32>
          %add3A_536 = arith.constant 1 : i32
          %add3A_537 = arith.addi %multiple_of3A, %add3A_536 : i32
          %sub3A_538 = vector.broadcast %add3A_537 : i32 to vector<16xi32>
          %sub3A_539 = arith.subi %get3A_530, %sub3A_538 : vector<16xi32>
          %ge3A_540 = arith.constant 0 : i32
          %ge3A_541 = vector.broadcast %ge3A_540 : i32 to vector<16xi32>
          %ge3A_542 = arith.cmpi sge, %sub3A_539, %ge3A_541 : vector<16xi32>
          %lt3A_543 = arith.constant 8192 : i32
          %lt3A_544 = vector.broadcast %lt3A_543 : i32 to vector<16xi32>
          %lt3A_545 = arith.cmpi slt, %sub3A_539, %lt3A_544 : vector<16xi32>
          %and3A_546 = arith.andi %ge3A_542, %lt3A_545 : vector<16xi1>
          %lt3A_547 = vector.broadcast %multiple_of3A_158 : i32 to vector<16xi32>
          %lt3A_548 = arith.cmpi slt, %add3A_535, %lt3A_547 : vector<16xi32>
          %and3A_549 = arith.andi %and3A_546, %lt3A_548 : vector<16xi1>
          %jit3A_550 = arith.constant 8192 : i32
          %broadcast_in_dim3A_551 = vector.broadcast %jit3A_550 : i32 to vector<16xi32>
          %select_n3A_552 = arith.select %and3A_549, %sub3A_539, %broadcast_in_dim3A_551 : vector<16xi1>, vector<16xi32>
          %swap3A_553 = arith.constant 64 : index
          %swap3A_554 = tpu.vector_load %arg12[%swap3A_553] {strides = array<i32>} : memref<128xi32, #tpu.memory_space<vmem>>, vector<16xi32>,
          tpu.vector_store %arg12[%swap3A_553], %select_n3A_552 {strides = array<i32>} : memref<128xi32, #tpu.memory_space<vmem>>, vector<16xi32>,
          %get3A_555 = arith.constant 208 : index
          %get3A_556 = tpu.vector_load %arg10[%get3A_555] {strides = array<i32>} : memref<256xi32, #tpu.memory_space<vmem>>, vector<16xi32>,
          %add3A_557 = arith.constant 208 : i32
          %add3A_558 = arith.addi %multiple_of3A_209, %add3A_557 : i32
          %iota3A_559 = tpu.iota {dimensions = array<i32: 0>} : vector<16xi32>
          %add3A_560 = vector.broadcast %add3A_558 : i32 to vector<16xi32>
          %add3A_561 = arith.addi %add3A_560, %iota3A_559 : vector<16xi32>
          %add3A_562 = arith.constant 1 : i32
          %add3A_563 = arith.addi %multiple_of3A, %add3A_562 : i32
          %sub3A_564 = vector.broadcast %add3A_563 : i32 to vector<16xi32>
          %sub3A_565 = arith.subi %get3A_556, %sub3A_564 : vector<16xi32>
          %ge3A_566 = arith.constant 0 : i32
          %ge3A_567 = vector.broadcast %ge3A_566 : i32 to vector<16xi32>
          %ge3A_568 = arith.cmpi sge, %sub3A_565, %ge3A_567 : vector<16xi32>
          %lt3A_569 = arith.constant 8192 : i32
          %lt3A_570 = vector.broadcast %lt3A_569 : i32 to vector<16xi32>
          %lt3A_571 = arith.cmpi slt, %sub3A_565, %lt3A_570 : vector<16xi32>
          %and3A_572 = arith.andi %ge3A_568, %lt3A_571 : vector<16xi1>
          %lt3A_573 = vector.broadcast %multiple_of3A_158 : i32 to vector<16xi32>
          %lt3A_574 = arith.cmpi slt, %add3A_561, %lt3A_573 : vector<16xi32>
          %and3A_575 = arith.andi %and3A_572, %lt3A_574 : vector<16xi1>
          %jit3A_576 = arith.constant 8192 : i32
          %broadcast_in_dim3A_577 = vector.broadcast %jit3A_576 : i32 to vector<16xi32>
          %select_n3A_578 = arith.select %and3A_575, %sub3A_565, %broadcast_in_dim3A_577 : vector<16xi1>, vector<16xi32>
          %swap3A_579 = arith.constant 80 : index
          %swap3A_580 = tpu.vector_load %arg12[%swap3A_579] {strides = array<i32>} : memref<128xi32, #tpu.memory_space<vmem>>, vector<16xi32>,
          tpu.vector_store %arg12[%swap3A_579], %select_n3A_578 {strides = array<i32>} : memref<128xi32, #tpu.memory_space<vmem>>, vector<16xi32>,
          %get3A_581 = arith.constant 224 : index
          %get3A_582 = tpu.vector_load %arg10[%get3A_581] {strides = array<i32>} : memref<256xi32, #tpu.memory_space<vmem>>, vector<16xi32>,
          %add3A_583 = arith.constant 224 : i32
          %add3A_584 = arith.addi %multiple_of3A_209, %add3A_583 : i32
          %iota3A_585 = tpu.iota {dimensions = array<i32: 0>} : vector<16xi32>
          %add3A_586 = vector.broadcast %add3A_584 : i32 to vector<16xi32>
          %add3A_587 = arith.addi %add3A_586, %iota3A_585 : vector<16xi32>
          %add3A_588 = arith.constant 1 : i32
          %add3A_589 = arith.addi %multiple_of3A, %add3A_588 : i32
          %sub3A_590 = vector.broadcast %add3A_589 : i32 to vector<16xi32>
          %sub3A_591 = arith.subi %get3A_582, %sub3A_590 : vector<16xi32>
          %ge3A_592 = arith.constant 0 : i32
          %ge3A_593 = vector.broadcast %ge3A_592 : i32 to vector<16xi32>
          %ge3A_594 = arith.cmpi sge, %sub3A_591, %ge3A_593 : vector<16xi32>
          %lt3A_595 = arith.constant 8192 : i32
          %lt3A_596 = vector.broadcast %lt3A_595 : i32 to vector<16xi32>
          %lt3A_597 = arith.cmpi slt, %sub3A_591, %lt3A_596 : vector<16xi32>
          %and3A_598 = arith.andi %ge3A_594, %lt3A_597 : vector<16xi1>
          %lt3A_599 = vector.broadcast %multiple_of3A_158 : i32 to vector<16xi32>
          %lt3A_600 = arith.cmpi slt, %add3A_587, %lt3A_599 : vector<16xi32>
          %and3A_601 = arith.andi %and3A_598, %lt3A_600 : vector<16xi1>
          %jit3A_602 = arith.constant 8192 : i32
          %broadcast_in_dim3A_603 = vector.broadcast %jit3A_602 : i32 to vector<16xi32>
          %select_n3A_604 = arith.select %and3A_601, %sub3A_591, %broadcast_in_dim3A_603 : vector<16xi1>, vector<16xi32>
          %swap3A_605 = arith.constant 96 : index
          %swap3A_606 = tpu.vector_load %arg12[%swap3A_605] {strides = array<i32>} : memref<128xi32, #tpu.memory_space<vmem>>, vector<16xi32>,
          tpu.vector_store %arg12[%swap3A_605], %select_n3A_604 {strides = array<i32>} : memref<128xi32, #tpu.memory_space<vmem>>, vector<16xi32>,
          %get3A_607 = arith.constant 240 : index
          %get3A_608 = tpu.vector_load %arg10[%get3A_607] {strides = array<i32>} : memref<256xi32, #tpu.memory_space<vmem>>, vector<16xi32>,
          %add3A_609 = arith.constant 240 : i32
          %add3A_610 = arith.addi %multiple_of3A_209, %add3A_609 : i32
          %iota3A_611 = tpu.iota {dimensions = array<i32: 0>} : vector<16xi32>
          %add3A_612 = vector.broadcast %add3A_610 : i32 to vector<16xi32>
          %add3A_613 = arith.addi %add3A_612, %iota3A_611 : vector<16xi32>
          %add3A_614 = arith.constant 1 : i32
          %add3A_615 = arith.addi %multiple_of3A, %add3A_614 : i32
          %sub3A_616 = vector.broadcast %add3A_615 : i32 to vector<16xi32>
          %sub3A_617 = arith.subi %get3A_608, %sub3A_616 : vector<16xi32>
          %ge3A_618 = arith.constant 0 : i32
          %ge3A_619 = vector.broadcast %ge3A_618 : i32 to vector<16xi32>
          %ge3A_620 = arith.cmpi sge, %sub3A_617, %ge3A_619 : vector<16xi32>
          %lt3A_621 = arith.constant 8192 : i32
          %lt3A_622 = vector.broadcast %lt3A_621 : i32 to vector<16xi32>
          %lt3A_623 = arith.cmpi slt, %sub3A_617, %lt3A_622 : vector<16xi32>
          %and3A_624 = arith.andi %ge3A_620, %lt3A_623 : vector<16xi1>
          %lt3A_625 = vector.broadcast %multiple_of3A_158 : i32 to vector<16xi32>
          %lt3A_626 = arith.cmpi slt, %add3A_613, %lt3A_625 : vector<16xi32>
          %and3A_627 = arith.andi %and3A_624, %lt3A_626 : vector<16xi1>
          %jit3A_628 = arith.constant 8192 : i32
          %broadcast_in_dim3A_629 = vector.broadcast %jit3A_628 : i32 to vector<16xi32>
          %select_n3A_630 = arith.select %and3A_627, %sub3A_617, %broadcast_in_dim3A_629 : vector<16xi1>, vector<16xi32>
          %swap3A_631 = arith.constant 112 : index
          %swap3A_632 = tpu.vector_load %arg12[%swap3A_631] {strides = array<i32>} : memref<128xi32, #tpu.memory_space<vmem>>, vector<16xi32>,
          tpu.vector_store %arg12[%swap3A_631], %select_n3A_630 {strides = array<i32>} : memref<128xi32, #tpu.memory_space<vmem>>, vector<16xi32>,
          %dma_wait3A = arith.constant 0 : i32
          %dma_wait3A_633 = tpu.memref_slice %arg9[%dma_wait3A] : memref<256xi32, #tpu.memory_space<vmem>> -> memref<128xi32, #tpu.memory_space<vmem>>
          %dma_wait3A_634 = arith.constant 0 : i32
          %dma_wait3A_635 = arith.constant 0 : i32
          %dma_wait3A_636 = tpu.memref_slice %arg2[%dma_wait3A_634, %dma_wait3A_635] : memref<200000x128xf32, #tpu.memory_space<hbm>> -> memref<200000x128xf32, #tpu.memory_space<hbm>>
          tpu.wait_indirect_dma semaphore(%arg17 : memref<!tpu.dma_semaphore, #tpu.memory_space<semaphore_mem>>) src(%dma_wait3A_636 : memref<200000x128xf32, #tpu.memory_space<hbm>>) dst(%arg13 : memref<128x128xf32, #tpu.memory_space<vmem>>)
          %dma_start3A_637 = arith.constant 0 : i32
          %dma_start3A_638 = arith.constant 0 : i32
          %dma_start3A_639 = tpu.memref_slice %arg16[%dma_start3A_637, %dma_start3A_638] : memref<8200x128xf32, #tpu.memory_space<vmem_shared>> -> memref<8200x128xf32, #tpu.memory_space<vmem_shared>>
          tpu.enqueue_indirect_dma source(%arg13 : memref<128x128xf32, #tpu.memory_space<vmem>>) target(%dma_start3A_639 : memref<8200x128xf32, #tpu.memory_space<vmem_shared>>) offsets(%arg11 : memref<128xi32, #tpu.memory_space<vmem>>) semaphore(%arg18 : memref<!tpu.dma_semaphore, #tpu.memory_space<semaphore_mem>>) {add = true}
          %dma_wait3A_640 = arith.constant 128 : i32
          %dma_wait3A_641 = tpu.memref_slice %arg9[%dma_wait3A_640] : memref<256xi32, #tpu.memory_space<vmem>> -> memref<128xi32, #tpu.memory_space<vmem>>
          %dma_wait3A_642 = arith.constant 0 : i32
          %dma_wait3A_643 = arith.constant 0 : i32
          %dma_wait3A_644 = tpu.memref_slice %arg2[%dma_wait3A_642, %dma_wait3A_643] : memref<200000x128xf32, #tpu.memory_space<hbm>> -> memref<200000x128xf32, #tpu.memory_space<hbm>>
          tpu.wait_indirect_dma semaphore(%arg17 : memref<!tpu.dma_semaphore, #tpu.memory_space<semaphore_mem>>) src(%dma_wait3A_644 : memref<200000x128xf32, #tpu.memory_space<hbm>>) dst(%arg14 : memref<128x128xf32, #tpu.memory_space<vmem>>)
          %dma_start3A_645 = arith.constant 0 : i32
          %dma_start3A_646 = arith.constant 0 : i32
          %dma_start3A_647 = tpu.memref_slice %arg16[%dma_start3A_645, %dma_start3A_646] : memref<8200x128xf32, #tpu.memory_space<vmem_shared>> -> memref<8200x128xf32, #tpu.memory_space<vmem_shared>>
          tpu.enqueue_indirect_dma source(%arg14 : memref<128x128xf32, #tpu.memory_space<vmem>>) target(%dma_start3A_647 : memref<8200x128xf32, #tpu.memory_space<vmem_shared>>) offsets(%arg12 : memref<128xi32, #tpu.memory_space<vmem>>) semaphore(%arg19 : memref<!tpu.dma_semaphore, #tpu.memory_space<semaphore_mem>>) {add = true}
          %dma_wait3A_648 = arith.constant 0 : i32
          %dma_wait3A_649 = arith.constant 0 : i32
          %dma_wait3A_650 = tpu.memref_slice %arg16[%dma_wait3A_648, %dma_wait3A_649] : memref<8200x128xf32, #tpu.memory_space<vmem_shared>> -> memref<8200x128xf32, #tpu.memory_space<vmem_shared>>
          tpu.wait_indirect_dma semaphore(%arg18 : memref<!tpu.dma_semaphore, #tpu.memory_space<semaphore_mem>>) src(%arg13 : memref<128x128xf32, #tpu.memory_space<vmem>>) dst(%dma_wait3A_650 : memref<8200x128xf32, #tpu.memory_space<vmem_shared>>)
          %dma_wait3A_651 = arith.constant 0 : i32
          %dma_wait3A_652 = arith.constant 0 : i32
          %dma_wait3A_653 = tpu.memref_slice %arg16[%dma_wait3A_651, %dma_wait3A_652] : memref<8200x128xf32, #tpu.memory_space<vmem_shared>> -> memref<8200x128xf32, #tpu.memory_space<vmem_shared>>
          tpu.wait_indirect_dma semaphore(%arg19 : memref<!tpu.dma_semaphore, #tpu.memory_space<semaphore_mem>>) src(%arg14 : memref<128x128xf32, #tpu.memory_space<vmem>>) dst(%dma_wait3A_653 : memref<8200x128xf32, #tpu.memory_space<vmem_shared>>)
        }
        %barrier3A_197 = arith.constant 0 : index
        tpu.barrier barrier_id(%barrier3A_197)
        %mul3A_198 = arith.constant 512 : i32
        %mul3A_199 = arith.muli %arg1, %mul3A_198 : i32
        %multiple_of3A_200 = tpu.assume_multiple %mul3A_199, 512 : i32
        %mul3A_201 = arith.constant 512 : i32
        %mul3A_202 = arith.muli %arg1, %mul3A_201 : i32
        %add3A_203 = arith.addi %multiple_of3A, %mul3A_202 : i32
        %multiple_of3A_204 = tpu.assume_multiple %add3A_203, 512 : i32
        "tpu.region"() ({
          %run_scoped3A = tpu.sem_alloc : memref<!tpu.dma_semaphore, #tpu.memory_space<semaphore_mem>>
          %dma_start3A = arith.constant 0 : i32
          %dma_start3A_205 = tpu.memref_slice %arg7[%multiple_of3A_204, %dma_start3A] : memref<155648x128xf32, #tpu.memory_space<hbm>> -> memref<512x128xf32, #tpu.memory_space<hbm>>
          %dma_start3A_206 = arith.constant 0 : i32
          %dma_start3A_207 = tpu.memref_slice %arg16[%multiple_of3A_200, %dma_start3A_206] : memref<8200x128xf32, #tpu.memory_space<vmem_shared>> -> memref<512x128xf32, #tpu.memory_space<vmem_shared>>
          tpu.enqueue_dma source(%dma_start3A_207 : memref<512x128xf32, #tpu.memory_space<vmem_shared>>) target(%dma_start3A_205 : memref<512x128xf32, #tpu.memory_space<hbm>>) target_semaphore(%run_scoped3A : memref<!tpu.dma_semaphore, #tpu.memory_space<semaphore_mem>>)
          %dma_wait3A = arith.constant 0 : i32
          %dma_wait3A_208 = tpu.memref_slice %arg7[%multiple_of3A_204, %dma_wait3A] : memref<155648x128xf32, #tpu.memory_space<hbm>> -> memref<512x128xf32, #tpu.memory_space<hbm>>
          %dma_wait3A_209 = arith.constant 0 : i32
          %dma_wait3A_210 = tpu.memref_slice %arg16[%multiple_of3A_200, %dma_wait3A_209] : memref<8200x128xf32, #tpu.memory_space<vmem_shared>> -> memref<512x128xf32, #tpu.memory_space<vmem_shared>>
          tpu.wait_dma2 semaphore(%run_scoped3A : memref<!tpu.dma_semaphore, #tpu.memory_space<semaphore_mem>>) src(%dma_wait3A_210 : memref<512x128xf32, #tpu.memory_space<vmem_shared>>) dst(%dma_wait3A_208 : memref<512x128xf32, #tpu.memory_space<hbm>>)
          tpu.yield
        }) : () -> ()
      } else {
      }
    }
    %scan3A_7 = arith.constant 10 : i32
    return
  }
}

#map = affine_map<(d0, d1) -> (0, 0)>
#map1 = affine_map<(d0, d1) -> (0)>
module attributes {stable_mosaic.version = 14 : i64} {
  func.func @spmm(%arg0: i32, %arg1: i32, %arg2: memref<311296x128xf32, #tpu.memory_space<hbm>>, %arg3: memref<601088xi32, #tpu.memory_space<hbm>>, %arg4: memref<601088xi32, #tpu.memory_space<hbm>>, %arg5: memref<32xi32, #tpu.memory_space<hbm>>, %arg6: memref<128x128xf32, #tpu.memory_space<hbm>>, %arg7: memref<106496x128xf32, #tpu.memory_space<hbm>>, %arg8: memref<32xi32, #tpu.memory_space<vmem>>, %arg9: memref<256xi32, #tpu.memory_space<vmem>>, %arg10: memref<256xi32, #tpu.memory_space<vmem>>, %arg11: memref<128xi32, #tpu.memory_space<vmem>>, %arg12: memref<128xi32, #tpu.memory_space<vmem>>, %arg13: memref<128x128xf32, #tpu.memory_space<vmem>>, %arg14: memref<128x128xf32, #tpu.memory_space<vmem>>, %arg15: memref<128x128xf32, #tpu.memory_space<vmem>>, %arg16: memref<8200x128xf32, #tpu.memory_space<vmem_shared>>, %arg17: memref<!tpu.dma_semaphore, #tpu.memory_space<semaphore_mem>>, %arg18: memref<!tpu.dma_semaphore, #tpu.memory_space<semaphore_mem>>, %arg19: memref<!tpu.dma_semaphore, #tpu.memory_space<semaphore_mem>>) attributes {dimension_semantics = [#tpu.dimension_semantics<core_parallel>, #tpu.dimension_semantics<subcore_parallel>], iteration_bounds = array<i64: 2, 16>, scalar_prefetch = 0 : i64, scratch_operands = 12 : i64, tpu.core_type = #tpu.core_type<sc_vector_subcore>, window_params = [{transform_indices = #map}, {transform_indices = #map1}, {transform_indices = #map1}, {transform_indices = #map1}, {transform_indices = #map}, {transform_indices = #map}]} {
    "tpu.region"() ({
      %run_scoped3A = tpu.sem_alloc : memref<!tpu.dma_semaphore, #tpu.memory_space<semaphore_mem>>
      tpu.enqueue_dma source(%arg5 : memref<32xi32, #tpu.memory_space<hbm>>) target(%arg8 : memref<32xi32, #tpu.memory_space<vmem>>) target_semaphore(%run_scoped3A : memref<!tpu.dma_semaphore, #tpu.memory_space<semaphore_mem>>)
      tpu.wait_dma2 semaphore(%run_scoped3A : memref<!tpu.dma_semaphore, #tpu.memory_space<semaphore_mem>>) src(%arg5 : memref<32xi32, #tpu.memory_space<hbm>>) dst(%arg8 : memref<32xi32, #tpu.memory_space<vmem>>)
      tpu.yield
    }) : () -> ()
    "tpu.region"() ({
      %run_scoped3A = tpu.sem_alloc : memref<!tpu.dma_semaphore, #tpu.memory_space<semaphore_mem>>
      tpu.enqueue_dma source(%arg6 : memref<128x128xf32, #tpu.memory_space<hbm>>) target(%arg15 : memref<128x128xf32, #tpu.memory_space<vmem>>) target_semaphore(%run_scoped3A : memref<!tpu.dma_semaphore, #tpu.memory_space<semaphore_mem>>)
      tpu.wait_dma2 semaphore(%run_scoped3A : memref<!tpu.dma_semaphore, #tpu.memory_space<semaphore_mem>>) src(%arg6 : memref<128x128xf32, #tpu.memory_space<hbm>>) dst(%arg15 : memref<128x128xf32, #tpu.memory_space<vmem>>)
      tpu.yield
    }) : () -> ()
    %get3A = arith.constant 0 : index
    %get3A_0 = tpu.vector_load %arg8[%get3A] {strides = array<i32>} : memref<32xi32, #tpu.memory_space<vmem>>, vector<16xi32>,
    %get3A_1 = arith.constant 16 : index
    %get3A_2 = tpu.vector_load %arg8[%get3A_1] {strides = array<i32>} : memref<32xi32, #tpu.memory_space<vmem>>, vector<16xi32>,
    %scan3A = arith.constant 0 : i32
    %scan3A_3 = arith.constant 0 : i32
    %scan3A_4 = arith.constant 7 : i32
    %scan3A_5 = arith.addi %scan3A_3, %scan3A_4 : i32
    %scan3A_6 = arith.constant 1 : i32
    scf.for %scan3A_8 = %scan3A_3 to %scan3A_5 step %scan3A_6  : i32 {
      %mul3A = arith.constant 2 : i32
      %mul3A_9 = arith.muli %mul3A, %scan3A_8 : i32
      %add3A = arith.addi %arg0, %mul3A_9 : i32
      %lt3A = arith.constant 13 : i32
      %lt3A_10 = arith.cmpi slt, %add3A, %lt3A : i32
      %convert_element_type3A = arith.extui %lt3A_10 : i1 to i32
      %cond3A = arith.constant 0 : i32
      %cond3A_11 = arith.cmpi ne, %convert_element_type3A, %cond3A : i32
      scf.if %cond3A_11 {
        %mul3A_12 = arith.constant 8192 : i32
        %mul3A_13 = arith.muli %add3A, %mul3A_12 : i32
        %multiple_of3A = tpu.assume_multiple %mul3A_13, 8192 : i32
        %mul3A_14 = arith.constant 512 : i32
        %mul3A_15 = arith.muli %arg1, %mul3A_14 : i32
        %add3A_16 = arith.constant 0 : i32
        %add3A_17 = arith.addi %mul3A_15, %add3A_16 : i32
        %multiple_of3A_18 = tpu.assume_multiple %add3A_17, 128 : i32
        "tpu.region"() ({
          %run_scoped3A = tpu.sem_alloc : memref<!tpu.dma_semaphore, #tpu.memory_space<semaphore_mem>>
          %dma_start3A = arith.constant 0 : i32
          %dma_start3A_205 = tpu.memref_slice %arg16[%multiple_of3A_18, %dma_start3A] : memref<8200x128xf32, #tpu.memory_space<vmem_shared>> -> memref<128x128xf32, #tpu.memory_space<vmem_shared>>
          %dma_start3A_206 = arith.constant 0 : i32
          %dma_start3A_207 = tpu.memref_slice %arg16[%multiple_of3A_18, %dma_start3A_206] : memref<8200x128xf32, #tpu.memory_space<vmem_shared>> -> memref<128x128xf32, #tpu.memory_space<vmem_shared>>
          tpu.enqueue_dma source(%arg15 : memref<128x128xf32, #tpu.memory_space<vmem>>) target(%dma_start3A_207 : memref<128x128xf32, #tpu.memory_space<vmem_shared>>) target_semaphore(%run_scoped3A : memref<!tpu.dma_semaphore, #tpu.memory_space<semaphore_mem>>)
          %dma_wait3A = arith.constant 0 : i32
          %dma_wait3A_208 = tpu.memref_slice %arg16[%multiple_of3A_18, %dma_wait3A] : memref<8200x128xf32, #tpu.memory_space<vmem_shared>> -> memref<128x128xf32, #tpu.memory_space<vmem_shared>>
          %dma_wait3A_209 = arith.constant 0 : i32
          %dma_wait3A_210 = tpu.memref_slice %arg16[%multiple_of3A_18, %dma_wait3A_209] : memref<8200x128xf32, #tpu.memory_space<vmem_shared>> -> memref<128x128xf32, #tpu.memory_space<vmem_shared>>
          tpu.wait_dma2 semaphore(%run_scoped3A : memref<!tpu.dma_semaphore, #tpu.memory_space<semaphore_mem>>) src(%arg15 : memref<128x128xf32, #tpu.memory_space<vmem>>) dst(%dma_wait3A_210 : memref<128x128xf32, #tpu.memory_space<vmem_shared>>)
          tpu.yield
        }) : () -> ()
        %mul3A_19 = arith.constant 512 : i32
        %mul3A_20 = arith.muli %arg1, %mul3A_19 : i32
        %add3A_21 = arith.constant 128 : i32
        %add3A_22 = arith.addi %mul3A_20, %add3A_21 : i32
        %multiple_of3A_23 = tpu.assume_multiple %add3A_22, 128 : i32
        "tpu.region"() ({
          %run_scoped3A = tpu.sem_alloc : memref<!tpu.dma_semaphore, #tpu.memory_space<semaphore_mem>>
          %dma_start3A = arith.constant 0 : i32
          %dma_start3A_205 = tpu.memref_slice %arg16[%multiple_of3A_23, %dma_start3A] : memref<8200x128xf32, #tpu.memory_space<vmem_shared>> -> memref<128x128xf32, #tpu.memory_space<vmem_shared>>
          %dma_start3A_206 = arith.constant 0 : i32
          %dma_start3A_207 = tpu.memref_slice %arg16[%multiple_of3A_23, %dma_start3A_206] : memref<8200x128xf32, #tpu.memory_space<vmem_shared>> -> memref<128x128xf32, #tpu.memory_space<vmem_shared>>
          tpu.enqueue_dma source(%arg15 : memref<128x128xf32, #tpu.memory_space<vmem>>) target(%dma_start3A_207 : memref<128x128xf32, #tpu.memory_space<vmem_shared>>) target_semaphore(%run_scoped3A : memref<!tpu.dma_semaphore, #tpu.memory_space<semaphore_mem>>)
          %dma_wait3A = arith.constant 0 : i32
          %dma_wait3A_208 = tpu.memref_slice %arg16[%multiple_of3A_23, %dma_wait3A] : memref<8200x128xf32, #tpu.memory_space<vmem_shared>> -> memref<128x128xf32, #tpu.memory_space<vmem_shared>>
          %dma_wait3A_209 = arith.constant 0 : i32
          %dma_wait3A_210 = tpu.memref_slice %arg16[%multiple_of3A_23, %dma_wait3A_209] : memref<8200x128xf32, #tpu.memory_space<vmem_shared>> -> memref<128x128xf32, #tpu.memory_space<vmem_shared>>
          tpu.wait_dma2 semaphore(%run_scoped3A : memref<!tpu.dma_semaphore, #tpu.memory_space<semaphore_mem>>) src(%arg15 : memref<128x128xf32, #tpu.memory_space<vmem>>) dst(%dma_wait3A_210 : memref<128x128xf32, #tpu.memory_space<vmem_shared>>)
          tpu.yield
        }) : () -> ()
        %mul3A_24 = arith.constant 512 : i32
        %mul3A_25 = arith.muli %arg1, %mul3A_24 : i32
        %add3A_26 = arith.constant 256 : i32
        %add3A_27 = arith.addi %mul3A_25, %add3A_26 : i32
        %multiple_of3A_28 = tpu.assume_multiple %add3A_27, 128 : i32
        "tpu.region"() ({
          %run_scoped3A = tpu.sem_alloc : memref<!tpu.dma_semaphore, #tpu.memory_space<semaphore_mem>>
          %dma_start3A = arith.constant 0 : i32
          %dma_start3A_205 = tpu.memref_slice %arg16[%multiple_of3A_28, %dma_start3A] : memref<8200x128xf32, #tpu.memory_space<vmem_shared>> -> memref<128x128xf32, #tpu.memory_space<vmem_shared>>
          %dma_start3A_206 = arith.constant 0 : i32
          %dma_start3A_207 = tpu.memref_slice %arg16[%multiple_of3A_28, %dma_start3A_206] : memref<8200x128xf32, #tpu.memory_space<vmem_shared>> -> memref<128x128xf32, #tpu.memory_space<vmem_shared>>
          tpu.enqueue_dma source(%arg15 : memref<128x128xf32, #tpu.memory_space<vmem>>) target(%dma_start3A_207 : memref<128x128xf32, #tpu.memory_space<vmem_shared>>) target_semaphore(%run_scoped3A : memref<!tpu.dma_semaphore, #tpu.memory_space<semaphore_mem>>)
          %dma_wait3A = arith.constant 0 : i32
          %dma_wait3A_208 = tpu.memref_slice %arg16[%multiple_of3A_28, %dma_wait3A] : memref<8200x128xf32, #tpu.memory_space<vmem_shared>> -> memref<128x128xf32, #tpu.memory_space<vmem_shared>>
          %dma_wait3A_209 = arith.constant 0 : i32
          %dma_wait3A_210 = tpu.memref_slice %arg16[%multiple_of3A_28, %dma_wait3A_209] : memref<8200x128xf32, #tpu.memory_space<vmem_shared>> -> memref<128x128xf32, #tpu.memory_space<vmem_shared>>
          tpu.wait_dma2 semaphore(%run_scoped3A : memref<!tpu.dma_semaphore, #tpu.memory_space<semaphore_mem>>) src(%arg15 : memref<128x128xf32, #tpu.memory_space<vmem>>) dst(%dma_wait3A_210 : memref<128x128xf32, #tpu.memory_space<vmem_shared>>)
          tpu.yield
        }) : () -> ()
        %mul3A_29 = arith.constant 512 : i32
        %mul3A_30 = arith.muli %arg1, %mul3A_29 : i32
        %add3A_31 = arith.constant 384 : i32
        %add3A_32 = arith.addi %mul3A_30, %add3A_31 : i32
        %multiple_of3A_33 = tpu.assume_multiple %add3A_32, 128 : i32
        "tpu.region"() ({
          %run_scoped3A = tpu.sem_alloc : memref<!tpu.dma_semaphore, #tpu.memory_space<semaphore_mem>>
          %dma_start3A = arith.constant 0 : i32
          %dma_start3A_205 = tpu.memref_slice %arg16[%multiple_of3A_33, %dma_start3A] : memref<8200x128xf32, #tpu.memory_space<vmem_shared>> -> memref<128x128xf32, #tpu.memory_space<vmem_shared>>
          %dma_start3A_206 = arith.constant 0 : i32
          %dma_start3A_207 = tpu.memref_slice %arg16[%multiple_of3A_33, %dma_start3A_206] : memref<8200x128xf32, #tpu.memory_space<vmem_shared>> -> memref<128x128xf32, #tpu.memory_space<vmem_shared>>
          tpu.enqueue_dma source(%arg15 : memref<128x128xf32, #tpu.memory_space<vmem>>) target(%dma_start3A_207 : memref<128x128xf32, #tpu.memory_space<vmem_shared>>) target_semaphore(%run_scoped3A : memref<!tpu.dma_semaphore, #tpu.memory_space<semaphore_mem>>)
          %dma_wait3A = arith.constant 0 : i32
          %dma_wait3A_208 = tpu.memref_slice %arg16[%multiple_of3A_33, %dma_wait3A] : memref<8200x128xf32, #tpu.memory_space<vmem_shared>> -> memref<128x128xf32, #tpu.memory_space<vmem_shared>>
          %dma_wait3A_209 = arith.constant 0 : i32
          %dma_wait3A_210 = tpu.memref_slice %arg16[%multiple_of3A_33, %dma_wait3A_209] : memref<8200x128xf32, #tpu.memory_space<vmem_shared>> -> memref<128x128xf32, #tpu.memory_space<vmem_shared>>
          tpu.wait_dma2 semaphore(%run_scoped3A : memref<!tpu.dma_semaphore, #tpu.memory_space<semaphore_mem>>) src(%arg15 : memref<128x128xf32, #tpu.memory_space<vmem>>) dst(%dma_wait3A_210 : memref<128x128xf32, #tpu.memory_space<vmem_shared>>)
          tpu.yield
        }) : () -> ()
        %barrier3A = arith.constant 0 : index
        tpu.barrier barrier_id(%barrier3A)
        %lt3A_34 = arith.constant 16 : i32
        %lt3A_35 = arith.cmpi slt, %add3A, %lt3A_34 : i32
        %iota3A = tpu.iota {dimensions = array<i32: 0>} : vector<16xi32>
        %eq3A = vector.broadcast %add3A : i32 to vector<16xi32>
        %eq3A_36 = arith.cmpi eq, %iota3A, %eq3A : vector<16xi32>
        %jit3A = arith.constant -1073741824 : i32
        %broadcast_in_dim3A = vector.broadcast %jit3A : i32 to vector<16xi32>
        %select_n3A = arith.select %eq3A_36, %get3A_0, %broadcast_in_dim3A : vector<16xi1>, vector<16xi32>
        %reduce_max3A = arith.constant true
        %reduce_max3A_37 = vector.broadcast %reduce_max3A : i1 to vector<16xi1>
        %reduce_max3A_38 = arith.constant -2147483648 : i32
        %reduce_max3A_39 = vector.broadcast %reduce_max3A_38 : i32 to vector<16xi32>
        %reduce_max3A_40 = arith.xori %select_n3A, %reduce_max3A_39 : vector<16xi32>
        %reduce_max3A_41 = tpu.scan <max>, %reduce_max3A_40 masked %reduce_max3A_37 : vector<16xi32>, vector<16xi1> -> vector<16xi32>
        %reduce_max3A_42 = arith.xori %reduce_max3A_41, %reduce_max3A_39 : vector<16xi32>
        %reduce_max3A_43 = vector.extract %reduce_max3A_42[15] : i32 from vector<16xi32>
        %sub3A = arith.constant 16 : i32
        %sub3A_44 = arith.subi %add3A, %sub3A : i32
        %iota3A_45 = tpu.iota {dimensions = array<i32: 0>} : vector<16xi32>
        %eq3A_46 = vector.broadcast %sub3A_44 : i32 to vector<16xi32>
        %eq3A_47 = arith.cmpi eq, %iota3A_45, %eq3A_46 : vector<16xi32>
        %jit3A_48 = arith.constant -1073741824 : i32
        %broadcast_in_dim3A_49 = vector.broadcast %jit3A_48 : i32 to vector<16xi32>
        %select_n3A_50 = arith.select %eq3A_47, %get3A_2, %broadcast_in_dim3A_49 : vector<16xi1>, vector<16xi32>
        %reduce_max3A_51 = arith.constant true
        %reduce_max3A_52 = vector.broadcast %reduce_max3A_51 : i1 to vector<16xi1>
        %reduce_max3A_53 = arith.constant -2147483648 : i32
        %reduce_max3A_54 = vector.broadcast %reduce_max3A_53 : i32 to vector<16xi32>
        %reduce_max3A_55 = arith.xori %select_n3A_50, %reduce_max3A_54 : vector<16xi32>
        %reduce_max3A_56 = tpu.scan <max>, %reduce_max3A_55 masked %reduce_max3A_52 : vector<16xi32>, vector<16xi1> -> vector<16xi32>
        %reduce_max3A_57 = arith.xori %reduce_max3A_56, %reduce_max3A_54 : vector<16xi32>
        %reduce_max3A_58 = vector.extract %reduce_max3A_57[15] : i32 from vector<16xi32>
        %select_n3A_59 = arith.select %lt3A_35, %reduce_max3A_43, %reduce_max3A_58 : i32
        %and3A = arith.constant -8 : i32
        %and3A_60 = arith.andi %select_n3A_59, %and3A : i32
        %multiple_of3A_61 = tpu.assume_multiple %and3A_60, 8 : i32
        %add3A_62 = arith.constant 1 : i32
        %add3A_63 = arith.addi %add3A, %add3A_62 : i32
        %lt3A_64 = arith.constant 16 : i32
        %lt3A_65 = arith.cmpi slt, %add3A_63, %lt3A_64 : i32
        %iota3A_66 = tpu.iota {dimensions = array<i32: 0>} : vector<16xi32>
        %eq3A_67 = vector.broadcast %add3A_63 : i32 to vector<16xi32>
        %eq3A_68 = arith.cmpi eq, %iota3A_66, %eq3A_67 : vector<16xi32>
        %jit3A_69 = arith.constant -1073741824 : i32
        %broadcast_in_dim3A_70 = vector.broadcast %jit3A_69 : i32 to vector<16xi32>
        %select_n3A_71 = arith.select %eq3A_68, %get3A_0, %broadcast_in_dim3A_70 : vector<16xi1>, vector<16xi32>
        %reduce_max3A_72 = arith.constant true
        %reduce_max3A_73 = vector.broadcast %reduce_max3A_72 : i1 to vector<16xi1>
        %reduce_max3A_74 = arith.constant -2147483648 : i32
        %reduce_max3A_75 = vector.broadcast %reduce_max3A_74 : i32 to vector<16xi32>
        %reduce_max3A_76 = arith.xori %select_n3A_71, %reduce_max3A_75 : vector<16xi32>
        %reduce_max3A_77 = tpu.scan <max>, %reduce_max3A_76 masked %reduce_max3A_73 : vector<16xi32>, vector<16xi1> -> vector<16xi32>
        %reduce_max3A_78 = arith.xori %reduce_max3A_77, %reduce_max3A_75 : vector<16xi32>
        %reduce_max3A_79 = vector.extract %reduce_max3A_78[15] : i32 from vector<16xi32>
        %sub3A_80 = arith.constant 16 : i32
        %sub3A_81 = arith.subi %add3A_63, %sub3A_80 : i32
        %iota3A_82 = tpu.iota {dimensions = array<i32: 0>} : vector<16xi32>
        %eq3A_83 = vector.broadcast %sub3A_81 : i32 to vector<16xi32>
        %eq3A_84 = arith.cmpi eq, %iota3A_82, %eq3A_83 : vector<16xi32>
        %jit3A_85 = arith.constant -1073741824 : i32
        %broadcast_in_dim3A_86 = vector.broadcast %jit3A_85 : i32 to vector<16xi32>
        %select_n3A_87 = arith.select %eq3A_84, %get3A_2, %broadcast_in_dim3A_86 : vector<16xi1>, vector<16xi32>
        %reduce_max3A_88 = arith.constant true
        %reduce_max3A_89 = vector.broadcast %reduce_max3A_88 : i1 to vector<16xi1>
        %reduce_max3A_90 = arith.constant -2147483648 : i32
        %reduce_max3A_91 = vector.broadcast %reduce_max3A_90 : i32 to vector<16xi32>
        %reduce_max3A_92 = arith.xori %select_n3A_87, %reduce_max3A_91 : vector<16xi32>
        %reduce_max3A_93 = tpu.scan <max>, %reduce_max3A_92 masked %reduce_max3A_89 : vector<16xi32>, vector<16xi1> -> vector<16xi32>
        %reduce_max3A_94 = arith.xori %reduce_max3A_93, %reduce_max3A_91 : vector<16xi32>
        %reduce_max3A_95 = vector.extract %reduce_max3A_94[15] : i32 from vector<16xi32>
        %select_n3A_96 = arith.select %lt3A_65, %reduce_max3A_79, %reduce_max3A_95 : i32
        %add3A_97 = arith.constant 7 : i32
        %add3A_98 = arith.addi %select_n3A_96, %add3A_97 : i32
        %and3A_99 = arith.constant -8 : i32
        %and3A_100 = arith.andi %add3A_98, %and3A_99 : i32
        %multiple_of3A_101 = tpu.assume_multiple %and3A_100, 8 : i32
        %sub3A_102 = arith.subi %multiple_of3A_101, %multiple_of3A_61 : i32
        %mul3A_103 = arith.muli %sub3A_102, %arg1 : i32
        %jit3A_104 = arith.constant 16 : i32
        %div3A = arith.divsi %mul3A_103, %jit3A_104 : i32
        %sign3A = arith.constant 0 : i32
        %sign3A_105 = arith.cmpi sgt, %mul3A_103, %sign3A : i32
        %sign3A_106 = arith.extui %sign3A_105 : i1 to i32
        %sign3A_107 = arith.constant 0 : i32
        %sign3A_108 = arith.cmpi slt, %mul3A_103, %sign3A_107 : i32
        %sign3A_109 = arith.extui %sign3A_108 : i1 to i32
        %sign3A_110 = arith.subi %sign3A_106, %sign3A_109 : i32
        %sign3A_111 = arith.constant 0 : i32
        %sign3A_112 = arith.cmpi sgt, %jit3A_104, %sign3A_111 : i32
        %sign3A_113 = arith.extui %sign3A_112 : i1 to i32
        %sign3A_114 = arith.constant 0 : i32
        %sign3A_115 = arith.cmpi slt, %jit3A_104, %sign3A_114 : i32
        %sign3A_116 = arith.extui %sign3A_115 : i1 to i32
        %sign3A_117 = arith.subi %sign3A_113, %sign3A_116 : i32
        %ne3A = arith.cmpi ne, %sign3A_110, %sign3A_117 : i32
        %rem3A = arith.remsi %mul3A_103, %jit3A_104 : i32
        %ne3A_118 = arith.constant 0 : i32
        %ne3A_119 = arith.cmpi ne, %rem3A, %ne3A_118 : i32
        %and3A_120 = arith.andi %ne3A, %ne3A_119 : i1
        %sub3A_121 = arith.constant 1 : i32
        %sub3A_122 = arith.subi %div3A, %sub3A_121 : i32
        %select_n3A_123 = arith.select %and3A_120, %sub3A_122, %div3A : i32
        %and3A_124 = arith.constant -8 : i32
        %and3A_125 = arith.andi %select_n3A_123, %and3A_124 : i32
        %add3A_126 = arith.addi %multiple_of3A_61, %and3A_125 : i32
        %multiple_of3A_127 = tpu.assume_multiple %add3A_126, 8 : i32
        %add3A_128 = arith.constant 1 : i32
        %add3A_129 = arith.addi %arg1, %add3A_128 : i32
        %mul3A_130 = arith.muli %sub3A_102, %add3A_129 : i32
        %jit3A_131 = arith.constant 16 : i32
        %div3A_132 = arith.divsi %mul3A_130, %jit3A_131 : i32
        %sign3A_133 = arith.constant 0 : i32
        %sign3A_134 = arith.cmpi sgt, %mul3A_130, %sign3A_133 : i32
        %sign3A_135 = arith.extui %sign3A_134 : i1 to i32
        %sign3A_136 = arith.constant 0 : i32
        %sign3A_137 = arith.cmpi slt, %mul3A_130, %sign3A_136 : i32
        %sign3A_138 = arith.extui %sign3A_137 : i1 to i32
        %sign3A_139 = arith.subi %sign3A_135, %sign3A_138 : i32
        %sign3A_140 = arith.constant 0 : i32
        %sign3A_141 = arith.cmpi sgt, %jit3A_131, %sign3A_140 : i32
        %sign3A_142 = arith.extui %sign3A_141 : i1 to i32
        %sign3A_143 = arith.constant 0 : i32
        %sign3A_144 = arith.cmpi slt, %jit3A_131, %sign3A_143 : i32
        %sign3A_145 = arith.extui %sign3A_144 : i1 to i32
        %sign3A_146 = arith.subi %sign3A_142, %sign3A_145 : i32
        %ne3A_147 = arith.cmpi ne, %sign3A_139, %sign3A_146 : i32
        %rem3A_148 = arith.remsi %mul3A_130, %jit3A_131 : i32
        %ne3A_149 = arith.constant 0 : i32
        %ne3A_150 = arith.cmpi ne, %rem3A_148, %ne3A_149 : i32
        %and3A_151 = arith.andi %ne3A_147, %ne3A_150 : i1
        %sub3A_152 = arith.constant 1 : i32
        %sub3A_153 = arith.subi %div3A_132, %sub3A_152 : i32
        %select_n3A_154 = arith.select %and3A_151, %sub3A_153, %div3A_132 : i32
        %and3A_155 = arith.constant -8 : i32
        %and3A_156 = arith.andi %select_n3A_154, %and3A_155 : i32
        %add3A_157 = arith.addi %multiple_of3A_61, %and3A_156 : i32
        %multiple_of3A_158 = tpu.assume_multiple %add3A_157, 8 : i32
        %sub3A_159 = arith.subi %multiple_of3A_158, %multiple_of3A_127 : i32
        %add3A_160 = arith.constant 256 : i32
        %add3A_161 = arith.addi %sub3A_159, %add3A_160 : i32
        %sub3A_162 = arith.constant 1 : i32
        %sub3A_163 = arith.subi %add3A_161, %sub3A_162 : i32
        %jit3A_164 = arith.constant 256 : i32
        %div3A_165 = arith.divsi %sub3A_163, %jit3A_164 : i32
        %sign3A_166 = arith.constant 0 : i32
        %sign3A_167 = arith.cmpi sgt, %sub3A_163, %sign3A_166 : i32
        %sign3A_168 = arith.extui %sign3A_167 : i1 to i32
        %sign3A_169 = arith.constant 0 : i32
        %sign3A_170 = arith.cmpi slt, %sub3A_163, %sign3A_169 : i32
        %sign3A_171 = arith.extui %sign3A_170 : i1 to i32
        %sign3A_172 = arith.subi %sign3A_168, %sign3A_171 : i32
        %sign3A_173 = arith.constant 0 : i32
        %sign3A_174 = arith.cmpi sgt, %jit3A_164, %sign3A_173 : i32
        %sign3A_175 = arith.extui %sign3A_174 : i1 to i32
        %sign3A_176 = arith.constant 0 : i32
        %sign3A_177 = arith.cmpi slt, %jit3A_164, %sign3A_176 : i32
        %sign3A_178 = arith.extui %sign3A_177 : i1 to i32
        %sign3A_179 = arith.subi %sign3A_175, %sign3A_178 : i32
        %ne3A_180 = arith.cmpi ne, %sign3A_172, %sign3A_179 : i32
        %rem3A_181 = arith.remsi %sub3A_163, %jit3A_164 : i32
        %ne3A_182 = arith.constant 0 : i32
        %ne3A_183 = arith.cmpi ne, %rem3A_181, %ne3A_182 : i32
        %and3A_184 = arith.andi %ne3A_180, %ne3A_183 : i1
        %sub3A_185 = arith.constant 1 : i32
        %sub3A_186 = arith.subi %div3A_165, %sub3A_185 : i32
        %select_n3A_187 = arith.select %and3A_184, %sub3A_186, %div3A_165 : i32
        %while3A = arith.constant 0 : i32
        %while3A_188 = arith.constant 0 : i32
        %while3A_189 = arith.subi %select_n3A_187, %while3A_188 : i32
        %while3A_190 = arith.addi %while3A_188, %while3A_189 : i32
        %while3A_191 = arith.constant 1 : i32
        %while3A_192 = arith.divsi %while3A_189, %while3A_191 : i32
        %while3A_193 = arith.muli %while3A_192, %while3A_191 : i32
        %while3A_194 = arith.addi %while3A_188, %while3A_193 : i32
        %while3A_195 = arith.constant 1 : i32
        scf.for %while3A_205 = %while3A_188 to %while3A_194 step %while3A_195  : i32 {
          %mul3A_206 = arith.constant 256 : i32
          %mul3A_207 = arith.muli %while3A_205, %mul3A_206 : i32
          %add3A_208 = arith.addi %multiple_of3A_127, %mul3A_207 : i32
          %multiple_of3A_209 = tpu.assume_multiple %add3A_208, 8 : i32
          "tpu.region"() ({
            %run_scoped3A = tpu.sem_alloc : memref<!tpu.dma_semaphore, #tpu.memory_space<semaphore_mem>>
            %dma_start3A_654 = tpu.memref_slice %arg3[%multiple_of3A_209] : memref<601088xi32, #tpu.memory_space<hbm>> -> memref<256xi32, #tpu.memory_space<hbm>>
            %dma_start3A_655 = tpu.memref_slice %arg3[%multiple_of3A_209] : memref<601088xi32, #tpu.memory_space<hbm>> -> memref<256xi32, #tpu.memory_space<hbm>>
            tpu.enqueue_dma source(%dma_start3A_655 : memref<256xi32, #tpu.memory_space<hbm>>) target(%arg9 : memref<256xi32, #tpu.memory_space<vmem>>) target_semaphore(%run_scoped3A : memref<!tpu.dma_semaphore, #tpu.memory_space<semaphore_mem>>)
            %dma_wait3A_656 = tpu.memref_slice %arg3[%multiple_of3A_209] : memref<601088xi32, #tpu.memory_space<hbm>> -> memref<256xi32, #tpu.memory_space<hbm>>
            %dma_wait3A_657 = tpu.memref_slice %arg3[%multiple_of3A_209] : memref<601088xi32, #tpu.memory_space<hbm>> -> memref<256xi32, #tpu.memory_space<hbm>>
            tpu.wait_dma2 semaphore(%run_scoped3A : memref<!tpu.dma_semaphore, #tpu.memory_space<semaphore_mem>>) src(%dma_wait3A_657 : memref<256xi32, #tpu.memory_space<hbm>>) dst(%arg9 : memref<256xi32, #tpu.memory_space<vmem>>)
            tpu.yield
          }) : () -> ()
          "tpu.region"() ({
            %run_scoped3A = tpu.sem_alloc : memref<!tpu.dma_semaphore, #tpu.memory_space<semaphore_mem>>
            %dma_start3A_654 = tpu.memref_slice %arg4[%multiple_of3A_209] : memref<601088xi32, #tpu.memory_space<hbm>> -> memref<256xi32, #tpu.memory_space<hbm>>
            %dma_start3A_655 = tpu.memref_slice %arg4[%multiple_of3A_209] : memref<601088xi32, #tpu.memory_space<hbm>> -> memref<256xi32, #tpu.memory_space<hbm>>
            tpu.enqueue_dma source(%dma_start3A_655 : memref<256xi32, #tpu.memory_space<hbm>>) target(%arg10 : memref<256xi32, #tpu.memory_space<vmem>>) target_semaphore(%run_scoped3A : memref<!tpu.dma_semaphore, #tpu.memory_space<semaphore_mem>>)
            %dma_wait3A_656 = tpu.memref_slice %arg4[%multiple_of3A_209] : memref<601088xi32, #tpu.memory_space<hbm>> -> memref<256xi32, #tpu.memory_space<hbm>>
            %dma_wait3A_657 = tpu.memref_slice %arg4[%multiple_of3A_209] : memref<601088xi32, #tpu.memory_space<hbm>> -> memref<256xi32, #tpu.memory_space<hbm>>
            tpu.wait_dma2 semaphore(%run_scoped3A : memref<!tpu.dma_semaphore, #tpu.memory_space<semaphore_mem>>) src(%dma_wait3A_657 : memref<256xi32, #tpu.memory_space<hbm>>) dst(%arg10 : memref<256xi32, #tpu.memory_space<vmem>>)
            tpu.yield
          }) : () -> ()
          %dma_start3A = arith.constant 0 : i32
          %dma_start3A_210 = tpu.memref_slice %arg9[%dma_start3A] : memref<256xi32, #tpu.memory_space<vmem>> -> memref<128xi32, #tpu.memory_space<vmem>>
          %dma_start3A_211 = arith.constant 0 : i32
          %dma_start3A_212 = arith.constant 0 : i32
          %dma_start3A_213 = tpu.memref_slice %arg2[%dma_start3A_211, %dma_start3A_212] : memref<311296x128xf32, #tpu.memory_space<hbm>> -> memref<311296x128xf32, #tpu.memory_space<hbm>>
          tpu.enqueue_indirect_dma source(%dma_start3A_213 : memref<311296x128xf32, #tpu.memory_space<hbm>>) target(%arg13 : memref<128x128xf32, #tpu.memory_space<vmem>>) offsets(%dma_start3A_210 : memref<128xi32, #tpu.memory_space<vmem>>) semaphore(%arg17 : memref<!tpu.dma_semaphore, #tpu.memory_space<semaphore_mem>>)
          %dma_start3A_214 = arith.constant 128 : i32
          %dma_start3A_215 = tpu.memref_slice %arg9[%dma_start3A_214] : memref<256xi32, #tpu.memory_space<vmem>> -> memref<128xi32, #tpu.memory_space<vmem>>
          %dma_start3A_216 = arith.constant 0 : i32
          %dma_start3A_217 = arith.constant 0 : i32
          %dma_start3A_218 = tpu.memref_slice %arg2[%dma_start3A_216, %dma_start3A_217] : memref<311296x128xf32, #tpu.memory_space<hbm>> -> memref<311296x128xf32, #tpu.memory_space<hbm>>
          tpu.enqueue_indirect_dma source(%dma_start3A_218 : memref<311296x128xf32, #tpu.memory_space<hbm>>) target(%arg14 : memref<128x128xf32, #tpu.memory_space<vmem>>) offsets(%dma_start3A_215 : memref<128xi32, #tpu.memory_space<vmem>>) semaphore(%arg17 : memref<!tpu.dma_semaphore, #tpu.memory_space<semaphore_mem>>)
          %get3A_219 = arith.constant 0 : index
          %get3A_220 = tpu.vector_load %arg10[%get3A_219] {strides = array<i32>} : memref<256xi32, #tpu.memory_space<vmem>>, vector<16xi32>,
          %add3A_221 = arith.constant 0 : i32
          %add3A_222 = arith.addi %multiple_of3A_209, %add3A_221 : i32
          %iota3A_223 = tpu.iota {dimensions = array<i32: 0>} : vector<16xi32>
          %add3A_224 = vector.broadcast %add3A_222 : i32 to vector<16xi32>
          %add3A_225 = arith.addi %add3A_224, %iota3A_223 : vector<16xi32>
          %add3A_226 = arith.constant 1 : i32
          %add3A_227 = arith.addi %multiple_of3A, %add3A_226 : i32
          %sub3A_228 = vector.broadcast %add3A_227 : i32 to vector<16xi32>
          %sub3A_229 = arith.subi %get3A_220, %sub3A_228 : vector<16xi32>
          %ge3A = arith.constant 0 : i32
          %ge3A_230 = vector.broadcast %ge3A : i32 to vector<16xi32>
          %ge3A_231 = arith.cmpi sge, %sub3A_229, %ge3A_230 : vector<16xi32>
          %lt3A_232 = arith.constant 8192 : i32
          %lt3A_233 = vector.broadcast %lt3A_232 : i32 to vector<16xi32>
          %lt3A_234 = arith.cmpi slt, %sub3A_229, %lt3A_233 : vector<16xi32>
          %and3A_235 = arith.andi %ge3A_231, %lt3A_234 : vector<16xi1>
          %lt3A_236 = vector.broadcast %multiple_of3A_158 : i32 to vector<16xi32>
          %lt3A_237 = arith.cmpi slt, %add3A_225, %lt3A_236 : vector<16xi32>
          %and3A_238 = arith.andi %and3A_235, %lt3A_237 : vector<16xi1>
          %jit3A_239 = arith.constant 8192 : i32
          %broadcast_in_dim3A_240 = vector.broadcast %jit3A_239 : i32 to vector<16xi32>
          %select_n3A_241 = arith.select %and3A_238, %sub3A_229, %broadcast_in_dim3A_240 : vector<16xi1>, vector<16xi32>
          %swap3A = arith.constant 0 : index
          %swap3A_242 = tpu.vector_load %arg11[%swap3A] {strides = array<i32>} : memref<128xi32, #tpu.memory_space<vmem>>, vector<16xi32>,
          tpu.vector_store %arg11[%swap3A], %select_n3A_241 {strides = array<i32>} : memref<128xi32, #tpu.memory_space<vmem>>, vector<16xi32>,
          %get3A_243 = arith.constant 16 : index
          %get3A_244 = tpu.vector_load %arg10[%get3A_243] {strides = array<i32>} : memref<256xi32, #tpu.memory_space<vmem>>, vector<16xi32>,
          %add3A_245 = arith.constant 16 : i32
          %add3A_246 = arith.addi %multiple_of3A_209, %add3A_245 : i32
          %iota3A_247 = tpu.iota {dimensions = array<i32: 0>} : vector<16xi32>
          %add3A_248 = vector.broadcast %add3A_246 : i32 to vector<16xi32>
          %add3A_249 = arith.addi %add3A_248, %iota3A_247 : vector<16xi32>
          %add3A_250 = arith.constant 1 : i32
          %add3A_251 = arith.addi %multiple_of3A, %add3A_250 : i32
          %sub3A_252 = vector.broadcast %add3A_251 : i32 to vector<16xi32>
          %sub3A_253 = arith.subi %get3A_244, %sub3A_252 : vector<16xi32>
          %ge3A_254 = arith.constant 0 : i32
          %ge3A_255 = vector.broadcast %ge3A_254 : i32 to vector<16xi32>
          %ge3A_256 = arith.cmpi sge, %sub3A_253, %ge3A_255 : vector<16xi32>
          %lt3A_257 = arith.constant 8192 : i32
          %lt3A_258 = vector.broadcast %lt3A_257 : i32 to vector<16xi32>
          %lt3A_259 = arith.cmpi slt, %sub3A_253, %lt3A_258 : vector<16xi32>
          %and3A_260 = arith.andi %ge3A_256, %lt3A_259 : vector<16xi1>
          %lt3A_261 = vector.broadcast %multiple_of3A_158 : i32 to vector<16xi32>
          %lt3A_262 = arith.cmpi slt, %add3A_249, %lt3A_261 : vector<16xi32>
          %and3A_263 = arith.andi %and3A_260, %lt3A_262 : vector<16xi1>
          %jit3A_264 = arith.constant 8192 : i32
          %broadcast_in_dim3A_265 = vector.broadcast %jit3A_264 : i32 to vector<16xi32>
          %select_n3A_266 = arith.select %and3A_263, %sub3A_253, %broadcast_in_dim3A_265 : vector<16xi1>, vector<16xi32>
          %swap3A_267 = arith.constant 16 : index
          %swap3A_268 = tpu.vector_load %arg11[%swap3A_267] {strides = array<i32>} : memref<128xi32, #tpu.memory_space<vmem>>, vector<16xi32>,
          tpu.vector_store %arg11[%swap3A_267], %select_n3A_266 {strides = array<i32>} : memref<128xi32, #tpu.memory_space<vmem>>, vector<16xi32>,
          %get3A_269 = arith.constant 32 : index
          %get3A_270 = tpu.vector_load %arg10[%get3A_269] {strides = array<i32>} : memref<256xi32, #tpu.memory_space<vmem>>, vector<16xi32>,
          %add3A_271 = arith.constant 32 : i32
          %add3A_272 = arith.addi %multiple_of3A_209, %add3A_271 : i32
          %iota3A_273 = tpu.iota {dimensions = array<i32: 0>} : vector<16xi32>
          %add3A_274 = vector.broadcast %add3A_272 : i32 to vector<16xi32>
          %add3A_275 = arith.addi %add3A_274, %iota3A_273 : vector<16xi32>
          %add3A_276 = arith.constant 1 : i32
          %add3A_277 = arith.addi %multiple_of3A, %add3A_276 : i32
          %sub3A_278 = vector.broadcast %add3A_277 : i32 to vector<16xi32>
          %sub3A_279 = arith.subi %get3A_270, %sub3A_278 : vector<16xi32>
          %ge3A_280 = arith.constant 0 : i32
          %ge3A_281 = vector.broadcast %ge3A_280 : i32 to vector<16xi32>
          %ge3A_282 = arith.cmpi sge, %sub3A_279, %ge3A_281 : vector<16xi32>
          %lt3A_283 = arith.constant 8192 : i32
          %lt3A_284 = vector.broadcast %lt3A_283 : i32 to vector<16xi32>
          %lt3A_285 = arith.cmpi slt, %sub3A_279, %lt3A_284 : vector<16xi32>
          %and3A_286 = arith.andi %ge3A_282, %lt3A_285 : vector<16xi1>
          %lt3A_287 = vector.broadcast %multiple_of3A_158 : i32 to vector<16xi32>
          %lt3A_288 = arith.cmpi slt, %add3A_275, %lt3A_287 : vector<16xi32>
          %and3A_289 = arith.andi %and3A_286, %lt3A_288 : vector<16xi1>
          %jit3A_290 = arith.constant 8192 : i32
          %broadcast_in_dim3A_291 = vector.broadcast %jit3A_290 : i32 to vector<16xi32>
          %select_n3A_292 = arith.select %and3A_289, %sub3A_279, %broadcast_in_dim3A_291 : vector<16xi1>, vector<16xi32>
          %swap3A_293 = arith.constant 32 : index
          %swap3A_294 = tpu.vector_load %arg11[%swap3A_293] {strides = array<i32>} : memref<128xi32, #tpu.memory_space<vmem>>, vector<16xi32>,
          tpu.vector_store %arg11[%swap3A_293], %select_n3A_292 {strides = array<i32>} : memref<128xi32, #tpu.memory_space<vmem>>, vector<16xi32>,
          %get3A_295 = arith.constant 48 : index
          %get3A_296 = tpu.vector_load %arg10[%get3A_295] {strides = array<i32>} : memref<256xi32, #tpu.memory_space<vmem>>, vector<16xi32>,
          %add3A_297 = arith.constant 48 : i32
          %add3A_298 = arith.addi %multiple_of3A_209, %add3A_297 : i32
          %iota3A_299 = tpu.iota {dimensions = array<i32: 0>} : vector<16xi32>
          %add3A_300 = vector.broadcast %add3A_298 : i32 to vector<16xi32>
          %add3A_301 = arith.addi %add3A_300, %iota3A_299 : vector<16xi32>
          %add3A_302 = arith.constant 1 : i32
          %add3A_303 = arith.addi %multiple_of3A, %add3A_302 : i32
          %sub3A_304 = vector.broadcast %add3A_303 : i32 to vector<16xi32>
          %sub3A_305 = arith.subi %get3A_296, %sub3A_304 : vector<16xi32>
          %ge3A_306 = arith.constant 0 : i32
          %ge3A_307 = vector.broadcast %ge3A_306 : i32 to vector<16xi32>
          %ge3A_308 = arith.cmpi sge, %sub3A_305, %ge3A_307 : vector<16xi32>
          %lt3A_309 = arith.constant 8192 : i32
          %lt3A_310 = vector.broadcast %lt3A_309 : i32 to vector<16xi32>
          %lt3A_311 = arith.cmpi slt, %sub3A_305, %lt3A_310 : vector<16xi32>
          %and3A_312 = arith.andi %ge3A_308, %lt3A_311 : vector<16xi1>
          %lt3A_313 = vector.broadcast %multiple_of3A_158 : i32 to vector<16xi32>
          %lt3A_314 = arith.cmpi slt, %add3A_301, %lt3A_313 : vector<16xi32>
          %and3A_315 = arith.andi %and3A_312, %lt3A_314 : vector<16xi1>
          %jit3A_316 = arith.constant 8192 : i32
          %broadcast_in_dim3A_317 = vector.broadcast %jit3A_316 : i32 to vector<16xi32>
          %select_n3A_318 = arith.select %and3A_315, %sub3A_305, %broadcast_in_dim3A_317 : vector<16xi1>, vector<16xi32>
          %swap3A_319 = arith.constant 48 : index
          %swap3A_320 = tpu.vector_load %arg11[%swap3A_319] {strides = array<i32>} : memref<128xi32, #tpu.memory_space<vmem>>, vector<16xi32>,
          tpu.vector_store %arg11[%swap3A_319], %select_n3A_318 {strides = array<i32>} : memref<128xi32, #tpu.memory_space<vmem>>, vector<16xi32>,
          %get3A_321 = arith.constant 64 : index
          %get3A_322 = tpu.vector_load %arg10[%get3A_321] {strides = array<i32>} : memref<256xi32, #tpu.memory_space<vmem>>, vector<16xi32>,
          %add3A_323 = arith.constant 64 : i32
          %add3A_324 = arith.addi %multiple_of3A_209, %add3A_323 : i32
          %iota3A_325 = tpu.iota {dimensions = array<i32: 0>} : vector<16xi32>
          %add3A_326 = vector.broadcast %add3A_324 : i32 to vector<16xi32>
          %add3A_327 = arith.addi %add3A_326, %iota3A_325 : vector<16xi32>
          %add3A_328 = arith.constant 1 : i32
          %add3A_329 = arith.addi %multiple_of3A, %add3A_328 : i32
          %sub3A_330 = vector.broadcast %add3A_329 : i32 to vector<16xi32>
          %sub3A_331 = arith.subi %get3A_322, %sub3A_330 : vector<16xi32>
          %ge3A_332 = arith.constant 0 : i32
          %ge3A_333 = vector.broadcast %ge3A_332 : i32 to vector<16xi32>
          %ge3A_334 = arith.cmpi sge, %sub3A_331, %ge3A_333 : vector<16xi32>
          %lt3A_335 = arith.constant 8192 : i32
          %lt3A_336 = vector.broadcast %lt3A_335 : i32 to vector<16xi32>
          %lt3A_337 = arith.cmpi slt, %sub3A_331, %lt3A_336 : vector<16xi32>
          %and3A_338 = arith.andi %ge3A_334, %lt3A_337 : vector<16xi1>
          %lt3A_339 = vector.broadcast %multiple_of3A_158 : i32 to vector<16xi32>
          %lt3A_340 = arith.cmpi slt, %add3A_327, %lt3A_339 : vector<16xi32>
          %and3A_341 = arith.andi %and3A_338, %lt3A_340 : vector<16xi1>
          %jit3A_342 = arith.constant 8192 : i32
          %broadcast_in_dim3A_343 = vector.broadcast %jit3A_342 : i32 to vector<16xi32>
          %select_n3A_344 = arith.select %and3A_341, %sub3A_331, %broadcast_in_dim3A_343 : vector<16xi1>, vector<16xi32>
          %swap3A_345 = arith.constant 64 : index
          %swap3A_346 = tpu.vector_load %arg11[%swap3A_345] {strides = array<i32>} : memref<128xi32, #tpu.memory_space<vmem>>, vector<16xi32>,
          tpu.vector_store %arg11[%swap3A_345], %select_n3A_344 {strides = array<i32>} : memref<128xi32, #tpu.memory_space<vmem>>, vector<16xi32>,
          %get3A_347 = arith.constant 80 : index
          %get3A_348 = tpu.vector_load %arg10[%get3A_347] {strides = array<i32>} : memref<256xi32, #tpu.memory_space<vmem>>, vector<16xi32>,
          %add3A_349 = arith.constant 80 : i32
          %add3A_350 = arith.addi %multiple_of3A_209, %add3A_349 : i32
          %iota3A_351 = tpu.iota {dimensions = array<i32: 0>} : vector<16xi32>
          %add3A_352 = vector.broadcast %add3A_350 : i32 to vector<16xi32>
          %add3A_353 = arith.addi %add3A_352, %iota3A_351 : vector<16xi32>
          %add3A_354 = arith.constant 1 : i32
          %add3A_355 = arith.addi %multiple_of3A, %add3A_354 : i32
          %sub3A_356 = vector.broadcast %add3A_355 : i32 to vector<16xi32>
          %sub3A_357 = arith.subi %get3A_348, %sub3A_356 : vector<16xi32>
          %ge3A_358 = arith.constant 0 : i32
          %ge3A_359 = vector.broadcast %ge3A_358 : i32 to vector<16xi32>
          %ge3A_360 = arith.cmpi sge, %sub3A_357, %ge3A_359 : vector<16xi32>
          %lt3A_361 = arith.constant 8192 : i32
          %lt3A_362 = vector.broadcast %lt3A_361 : i32 to vector<16xi32>
          %lt3A_363 = arith.cmpi slt, %sub3A_357, %lt3A_362 : vector<16xi32>
          %and3A_364 = arith.andi %ge3A_360, %lt3A_363 : vector<16xi1>
          %lt3A_365 = vector.broadcast %multiple_of3A_158 : i32 to vector<16xi32>
          %lt3A_366 = arith.cmpi slt, %add3A_353, %lt3A_365 : vector<16xi32>
          %and3A_367 = arith.andi %and3A_364, %lt3A_366 : vector<16xi1>
          %jit3A_368 = arith.constant 8192 : i32
          %broadcast_in_dim3A_369 = vector.broadcast %jit3A_368 : i32 to vector<16xi32>
          %select_n3A_370 = arith.select %and3A_367, %sub3A_357, %broadcast_in_dim3A_369 : vector<16xi1>, vector<16xi32>
          %swap3A_371 = arith.constant 80 : index
          %swap3A_372 = tpu.vector_load %arg11[%swap3A_371] {strides = array<i32>} : memref<128xi32, #tpu.memory_space<vmem>>, vector<16xi32>,
          tpu.vector_store %arg11[%swap3A_371], %select_n3A_370 {strides = array<i32>} : memref<128xi32, #tpu.memory_space<vmem>>, vector<16xi32>,
          %get3A_373 = arith.constant 96 : index
          %get3A_374 = tpu.vector_load %arg10[%get3A_373] {strides = array<i32>} : memref<256xi32, #tpu.memory_space<vmem>>, vector<16xi32>,
          %add3A_375 = arith.constant 96 : i32
          %add3A_376 = arith.addi %multiple_of3A_209, %add3A_375 : i32
          %iota3A_377 = tpu.iota {dimensions = array<i32: 0>} : vector<16xi32>
          %add3A_378 = vector.broadcast %add3A_376 : i32 to vector<16xi32>
          %add3A_379 = arith.addi %add3A_378, %iota3A_377 : vector<16xi32>
          %add3A_380 = arith.constant 1 : i32
          %add3A_381 = arith.addi %multiple_of3A, %add3A_380 : i32
          %sub3A_382 = vector.broadcast %add3A_381 : i32 to vector<16xi32>
          %sub3A_383 = arith.subi %get3A_374, %sub3A_382 : vector<16xi32>
          %ge3A_384 = arith.constant 0 : i32
          %ge3A_385 = vector.broadcast %ge3A_384 : i32 to vector<16xi32>
          %ge3A_386 = arith.cmpi sge, %sub3A_383, %ge3A_385 : vector<16xi32>
          %lt3A_387 = arith.constant 8192 : i32
          %lt3A_388 = vector.broadcast %lt3A_387 : i32 to vector<16xi32>
          %lt3A_389 = arith.cmpi slt, %sub3A_383, %lt3A_388 : vector<16xi32>
          %and3A_390 = arith.andi %ge3A_386, %lt3A_389 : vector<16xi1>
          %lt3A_391 = vector.broadcast %multiple_of3A_158 : i32 to vector<16xi32>
          %lt3A_392 = arith.cmpi slt, %add3A_379, %lt3A_391 : vector<16xi32>
          %and3A_393 = arith.andi %and3A_390, %lt3A_392 : vector<16xi1>
          %jit3A_394 = arith.constant 8192 : i32
          %broadcast_in_dim3A_395 = vector.broadcast %jit3A_394 : i32 to vector<16xi32>
          %select_n3A_396 = arith.select %and3A_393, %sub3A_383, %broadcast_in_dim3A_395 : vector<16xi1>, vector<16xi32>
          %swap3A_397 = arith.constant 96 : index
          %swap3A_398 = tpu.vector_load %arg11[%swap3A_397] {strides = array<i32>} : memref<128xi32, #tpu.memory_space<vmem>>, vector<16xi32>,
          tpu.vector_store %arg11[%swap3A_397], %select_n3A_396 {strides = array<i32>} : memref<128xi32, #tpu.memory_space<vmem>>, vector<16xi32>,
          %get3A_399 = arith.constant 112 : index
          %get3A_400 = tpu.vector_load %arg10[%get3A_399] {strides = array<i32>} : memref<256xi32, #tpu.memory_space<vmem>>, vector<16xi32>,
          %add3A_401 = arith.constant 112 : i32
          %add3A_402 = arith.addi %multiple_of3A_209, %add3A_401 : i32
          %iota3A_403 = tpu.iota {dimensions = array<i32: 0>} : vector<16xi32>
          %add3A_404 = vector.broadcast %add3A_402 : i32 to vector<16xi32>
          %add3A_405 = arith.addi %add3A_404, %iota3A_403 : vector<16xi32>
          %add3A_406 = arith.constant 1 : i32
          %add3A_407 = arith.addi %multiple_of3A, %add3A_406 : i32
          %sub3A_408 = vector.broadcast %add3A_407 : i32 to vector<16xi32>
          %sub3A_409 = arith.subi %get3A_400, %sub3A_408 : vector<16xi32>
          %ge3A_410 = arith.constant 0 : i32
          %ge3A_411 = vector.broadcast %ge3A_410 : i32 to vector<16xi32>
          %ge3A_412 = arith.cmpi sge, %sub3A_409, %ge3A_411 : vector<16xi32>
          %lt3A_413 = arith.constant 8192 : i32
          %lt3A_414 = vector.broadcast %lt3A_413 : i32 to vector<16xi32>
          %lt3A_415 = arith.cmpi slt, %sub3A_409, %lt3A_414 : vector<16xi32>
          %and3A_416 = arith.andi %ge3A_412, %lt3A_415 : vector<16xi1>
          %lt3A_417 = vector.broadcast %multiple_of3A_158 : i32 to vector<16xi32>
          %lt3A_418 = arith.cmpi slt, %add3A_405, %lt3A_417 : vector<16xi32>
          %and3A_419 = arith.andi %and3A_416, %lt3A_418 : vector<16xi1>
          %jit3A_420 = arith.constant 8192 : i32
          %broadcast_in_dim3A_421 = vector.broadcast %jit3A_420 : i32 to vector<16xi32>
          %select_n3A_422 = arith.select %and3A_419, %sub3A_409, %broadcast_in_dim3A_421 : vector<16xi1>, vector<16xi32>
          %swap3A_423 = arith.constant 112 : index
          %swap3A_424 = tpu.vector_load %arg11[%swap3A_423] {strides = array<i32>} : memref<128xi32, #tpu.memory_space<vmem>>, vector<16xi32>,
          tpu.vector_store %arg11[%swap3A_423], %select_n3A_422 {strides = array<i32>} : memref<128xi32, #tpu.memory_space<vmem>>, vector<16xi32>,
          %get3A_425 = arith.constant 128 : index
          %get3A_426 = tpu.vector_load %arg10[%get3A_425] {strides = array<i32>} : memref<256xi32, #tpu.memory_space<vmem>>, vector<16xi32>,
          %add3A_427 = arith.constant 128 : i32
          %add3A_428 = arith.addi %multiple_of3A_209, %add3A_427 : i32
          %iota3A_429 = tpu.iota {dimensions = array<i32: 0>} : vector<16xi32>
          %add3A_430 = vector.broadcast %add3A_428 : i32 to vector<16xi32>
          %add3A_431 = arith.addi %add3A_430, %iota3A_429 : vector<16xi32>
          %add3A_432 = arith.constant 1 : i32
          %add3A_433 = arith.addi %multiple_of3A, %add3A_432 : i32
          %sub3A_434 = vector.broadcast %add3A_433 : i32 to vector<16xi32>
          %sub3A_435 = arith.subi %get3A_426, %sub3A_434 : vector<16xi32>
          %ge3A_436 = arith.constant 0 : i32
          %ge3A_437 = vector.broadcast %ge3A_436 : i32 to vector<16xi32>
          %ge3A_438 = arith.cmpi sge, %sub3A_435, %ge3A_437 : vector<16xi32>
          %lt3A_439 = arith.constant 8192 : i32
          %lt3A_440 = vector.broadcast %lt3A_439 : i32 to vector<16xi32>
          %lt3A_441 = arith.cmpi slt, %sub3A_435, %lt3A_440 : vector<16xi32>
          %and3A_442 = arith.andi %ge3A_438, %lt3A_441 : vector<16xi1>
          %lt3A_443 = vector.broadcast %multiple_of3A_158 : i32 to vector<16xi32>
          %lt3A_444 = arith.cmpi slt, %add3A_431, %lt3A_443 : vector<16xi32>
          %and3A_445 = arith.andi %and3A_442, %lt3A_444 : vector<16xi1>
          %jit3A_446 = arith.constant 8192 : i32
          %broadcast_in_dim3A_447 = vector.broadcast %jit3A_446 : i32 to vector<16xi32>
          %select_n3A_448 = arith.select %and3A_445, %sub3A_435, %broadcast_in_dim3A_447 : vector<16xi1>, vector<16xi32>
          %swap3A_449 = arith.constant 0 : index
          %swap3A_450 = tpu.vector_load %arg12[%swap3A_449] {strides = array<i32>} : memref<128xi32, #tpu.memory_space<vmem>>, vector<16xi32>,
          tpu.vector_store %arg12[%swap3A_449], %select_n3A_448 {strides = array<i32>} : memref<128xi32, #tpu.memory_space<vmem>>, vector<16xi32>,
          %get3A_451 = arith.constant 144 : index
          %get3A_452 = tpu.vector_load %arg10[%get3A_451] {strides = array<i32>} : memref<256xi32, #tpu.memory_space<vmem>>, vector<16xi32>,
          %add3A_453 = arith.constant 144 : i32
          %add3A_454 = arith.addi %multiple_of3A_209, %add3A_453 : i32
          %iota3A_455 = tpu.iota {dimensions = array<i32: 0>} : vector<16xi32>
          %add3A_456 = vector.broadcast %add3A_454 : i32 to vector<16xi32>
          %add3A_457 = arith.addi %add3A_456, %iota3A_455 : vector<16xi32>
          %add3A_458 = arith.constant 1 : i32
          %add3A_459 = arith.addi %multiple_of3A, %add3A_458 : i32
          %sub3A_460 = vector.broadcast %add3A_459 : i32 to vector<16xi32>
          %sub3A_461 = arith.subi %get3A_452, %sub3A_460 : vector<16xi32>
          %ge3A_462 = arith.constant 0 : i32
          %ge3A_463 = vector.broadcast %ge3A_462 : i32 to vector<16xi32>
          %ge3A_464 = arith.cmpi sge, %sub3A_461, %ge3A_463 : vector<16xi32>
          %lt3A_465 = arith.constant 8192 : i32
          %lt3A_466 = vector.broadcast %lt3A_465 : i32 to vector<16xi32>
          %lt3A_467 = arith.cmpi slt, %sub3A_461, %lt3A_466 : vector<16xi32>
          %and3A_468 = arith.andi %ge3A_464, %lt3A_467 : vector<16xi1>
          %lt3A_469 = vector.broadcast %multiple_of3A_158 : i32 to vector<16xi32>
          %lt3A_470 = arith.cmpi slt, %add3A_457, %lt3A_469 : vector<16xi32>
          %and3A_471 = arith.andi %and3A_468, %lt3A_470 : vector<16xi1>
          %jit3A_472 = arith.constant 8192 : i32
          %broadcast_in_dim3A_473 = vector.broadcast %jit3A_472 : i32 to vector<16xi32>
          %select_n3A_474 = arith.select %and3A_471, %sub3A_461, %broadcast_in_dim3A_473 : vector<16xi1>, vector<16xi32>
          %swap3A_475 = arith.constant 16 : index
          %swap3A_476 = tpu.vector_load %arg12[%swap3A_475] {strides = array<i32>} : memref<128xi32, #tpu.memory_space<vmem>>, vector<16xi32>,
          tpu.vector_store %arg12[%swap3A_475], %select_n3A_474 {strides = array<i32>} : memref<128xi32, #tpu.memory_space<vmem>>, vector<16xi32>,
          %get3A_477 = arith.constant 160 : index
          %get3A_478 = tpu.vector_load %arg10[%get3A_477] {strides = array<i32>} : memref<256xi32, #tpu.memory_space<vmem>>, vector<16xi32>,
          %add3A_479 = arith.constant 160 : i32
          %add3A_480 = arith.addi %multiple_of3A_209, %add3A_479 : i32
          %iota3A_481 = tpu.iota {dimensions = array<i32: 0>} : vector<16xi32>
          %add3A_482 = vector.broadcast %add3A_480 : i32 to vector<16xi32>
          %add3A_483 = arith.addi %add3A_482, %iota3A_481 : vector<16xi32>
          %add3A_484 = arith.constant 1 : i32
          %add3A_485 = arith.addi %multiple_of3A, %add3A_484 : i32
          %sub3A_486 = vector.broadcast %add3A_485 : i32 to vector<16xi32>
          %sub3A_487 = arith.subi %get3A_478, %sub3A_486 : vector<16xi32>
          %ge3A_488 = arith.constant 0 : i32
          %ge3A_489 = vector.broadcast %ge3A_488 : i32 to vector<16xi32>
          %ge3A_490 = arith.cmpi sge, %sub3A_487, %ge3A_489 : vector<16xi32>
          %lt3A_491 = arith.constant 8192 : i32
          %lt3A_492 = vector.broadcast %lt3A_491 : i32 to vector<16xi32>
          %lt3A_493 = arith.cmpi slt, %sub3A_487, %lt3A_492 : vector<16xi32>
          %and3A_494 = arith.andi %ge3A_490, %lt3A_493 : vector<16xi1>
          %lt3A_495 = vector.broadcast %multiple_of3A_158 : i32 to vector<16xi32>
          %lt3A_496 = arith.cmpi slt, %add3A_483, %lt3A_495 : vector<16xi32>
          %and3A_497 = arith.andi %and3A_494, %lt3A_496 : vector<16xi1>
          %jit3A_498 = arith.constant 8192 : i32
          %broadcast_in_dim3A_499 = vector.broadcast %jit3A_498 : i32 to vector<16xi32>
          %select_n3A_500 = arith.select %and3A_497, %sub3A_487, %broadcast_in_dim3A_499 : vector<16xi1>, vector<16xi32>
          %swap3A_501 = arith.constant 32 : index
          %swap3A_502 = tpu.vector_load %arg12[%swap3A_501] {strides = array<i32>} : memref<128xi32, #tpu.memory_space<vmem>>, vector<16xi32>,
          tpu.vector_store %arg12[%swap3A_501], %select_n3A_500 {strides = array<i32>} : memref<128xi32, #tpu.memory_space<vmem>>, vector<16xi32>,
          %get3A_503 = arith.constant 176 : index
          %get3A_504 = tpu.vector_load %arg10[%get3A_503] {strides = array<i32>} : memref<256xi32, #tpu.memory_space<vmem>>, vector<16xi32>,
          %add3A_505 = arith.constant 176 : i32
          %add3A_506 = arith.addi %multiple_of3A_209, %add3A_505 : i32
          %iota3A_507 = tpu.iota {dimensions = array<i32: 0>} : vector<16xi32>
          %add3A_508 = vector.broadcast %add3A_506 : i32 to vector<16xi32>
          %add3A_509 = arith.addi %add3A_508, %iota3A_507 : vector<16xi32>
          %add3A_510 = arith.constant 1 : i32
          %add3A_511 = arith.addi %multiple_of3A, %add3A_510 : i32
          %sub3A_512 = vector.broadcast %add3A_511 : i32 to vector<16xi32>
          %sub3A_513 = arith.subi %get3A_504, %sub3A_512 : vector<16xi32>
          %ge3A_514 = arith.constant 0 : i32
          %ge3A_515 = vector.broadcast %ge3A_514 : i32 to vector<16xi32>
          %ge3A_516 = arith.cmpi sge, %sub3A_513, %ge3A_515 : vector<16xi32>
          %lt3A_517 = arith.constant 8192 : i32
          %lt3A_518 = vector.broadcast %lt3A_517 : i32 to vector<16xi32>
          %lt3A_519 = arith.cmpi slt, %sub3A_513, %lt3A_518 : vector<16xi32>
          %and3A_520 = arith.andi %ge3A_516, %lt3A_519 : vector<16xi1>
          %lt3A_521 = vector.broadcast %multiple_of3A_158 : i32 to vector<16xi32>
          %lt3A_522 = arith.cmpi slt, %add3A_509, %lt3A_521 : vector<16xi32>
          %and3A_523 = arith.andi %and3A_520, %lt3A_522 : vector<16xi1>
          %jit3A_524 = arith.constant 8192 : i32
          %broadcast_in_dim3A_525 = vector.broadcast %jit3A_524 : i32 to vector<16xi32>
          %select_n3A_526 = arith.select %and3A_523, %sub3A_513, %broadcast_in_dim3A_525 : vector<16xi1>, vector<16xi32>
          %swap3A_527 = arith.constant 48 : index
          %swap3A_528 = tpu.vector_load %arg12[%swap3A_527] {strides = array<i32>} : memref<128xi32, #tpu.memory_space<vmem>>, vector<16xi32>,
          tpu.vector_store %arg12[%swap3A_527], %select_n3A_526 {strides = array<i32>} : memref<128xi32, #tpu.memory_space<vmem>>, vector<16xi32>,
          %get3A_529 = arith.constant 192 : index
          %get3A_530 = tpu.vector_load %arg10[%get3A_529] {strides = array<i32>} : memref<256xi32, #tpu.memory_space<vmem>>, vector<16xi32>,
          %add3A_531 = arith.constant 192 : i32
          %add3A_532 = arith.addi %multiple_of3A_209, %add3A_531 : i32
          %iota3A_533 = tpu.iota {dimensions = array<i32: 0>} : vector<16xi32>
          %add3A_534 = vector.broadcast %add3A_532 : i32 to vector<16xi32>
          %add3A_535 = arith.addi %add3A_534, %iota3A_533 : vector<16xi32>
          %add3A_536 = arith.constant 1 : i32
          %add3A_537 = arith.addi %multiple_of3A, %add3A_536 : i32
          %sub3A_538 = vector.broadcast %add3A_537 : i32 to vector<16xi32>
          %sub3A_539 = arith.subi %get3A_530, %sub3A_538 : vector<16xi32>
          %ge3A_540 = arith.constant 0 : i32
          %ge3A_541 = vector.broadcast %ge3A_540 : i32 to vector<16xi32>
          %ge3A_542 = arith.cmpi sge, %sub3A_539, %ge3A_541 : vector<16xi32>
          %lt3A_543 = arith.constant 8192 : i32
          %lt3A_544 = vector.broadcast %lt3A_543 : i32 to vector<16xi32>
          %lt3A_545 = arith.cmpi slt, %sub3A_539, %lt3A_544 : vector<16xi32>
          %and3A_546 = arith.andi %ge3A_542, %lt3A_545 : vector<16xi1>
          %lt3A_547 = vector.broadcast %multiple_of3A_158 : i32 to vector<16xi32>
          %lt3A_548 = arith.cmpi slt, %add3A_535, %lt3A_547 : vector<16xi32>
          %and3A_549 = arith.andi %and3A_546, %lt3A_548 : vector<16xi1>
          %jit3A_550 = arith.constant 8192 : i32
          %broadcast_in_dim3A_551 = vector.broadcast %jit3A_550 : i32 to vector<16xi32>
          %select_n3A_552 = arith.select %and3A_549, %sub3A_539, %broadcast_in_dim3A_551 : vector<16xi1>, vector<16xi32>
          %swap3A_553 = arith.constant 64 : index
          %swap3A_554 = tpu.vector_load %arg12[%swap3A_553] {strides = array<i32>} : memref<128xi32, #tpu.memory_space<vmem>>, vector<16xi32>,
          tpu.vector_store %arg12[%swap3A_553], %select_n3A_552 {strides = array<i32>} : memref<128xi32, #tpu.memory_space<vmem>>, vector<16xi32>,
          %get3A_555 = arith.constant 208 : index
          %get3A_556 = tpu.vector_load %arg10[%get3A_555] {strides = array<i32>} : memref<256xi32, #tpu.memory_space<vmem>>, vector<16xi32>,
          %add3A_557 = arith.constant 208 : i32
          %add3A_558 = arith.addi %multiple_of3A_209, %add3A_557 : i32
          %iota3A_559 = tpu.iota {dimensions = array<i32: 0>} : vector<16xi32>
          %add3A_560 = vector.broadcast %add3A_558 : i32 to vector<16xi32>
          %add3A_561 = arith.addi %add3A_560, %iota3A_559 : vector<16xi32>
          %add3A_562 = arith.constant 1 : i32
          %add3A_563 = arith.addi %multiple_of3A, %add3A_562 : i32
          %sub3A_564 = vector.broadcast %add3A_563 : i32 to vector<16xi32>
          %sub3A_565 = arith.subi %get3A_556, %sub3A_564 : vector<16xi32>
          %ge3A_566 = arith.constant 0 : i32
          %ge3A_567 = vector.broadcast %ge3A_566 : i32 to vector<16xi32>
          %ge3A_568 = arith.cmpi sge, %sub3A_565, %ge3A_567 : vector<16xi32>
          %lt3A_569 = arith.constant 8192 : i32
          %lt3A_570 = vector.broadcast %lt3A_569 : i32 to vector<16xi32>
          %lt3A_571 = arith.cmpi slt, %sub3A_565, %lt3A_570 : vector<16xi32>
          %and3A_572 = arith.andi %ge3A_568, %lt3A_571 : vector<16xi1>
          %lt3A_573 = vector.broadcast %multiple_of3A_158 : i32 to vector<16xi32>
          %lt3A_574 = arith.cmpi slt, %add3A_561, %lt3A_573 : vector<16xi32>
          %and3A_575 = arith.andi %and3A_572, %lt3A_574 : vector<16xi1>
          %jit3A_576 = arith.constant 8192 : i32
          %broadcast_in_dim3A_577 = vector.broadcast %jit3A_576 : i32 to vector<16xi32>
          %select_n3A_578 = arith.select %and3A_575, %sub3A_565, %broadcast_in_dim3A_577 : vector<16xi1>, vector<16xi32>
          %swap3A_579 = arith.constant 80 : index
          %swap3A_580 = tpu.vector_load %arg12[%swap3A_579] {strides = array<i32>} : memref<128xi32, #tpu.memory_space<vmem>>, vector<16xi32>,
          tpu.vector_store %arg12[%swap3A_579], %select_n3A_578 {strides = array<i32>} : memref<128xi32, #tpu.memory_space<vmem>>, vector<16xi32>,
          %get3A_581 = arith.constant 224 : index
          %get3A_582 = tpu.vector_load %arg10[%get3A_581] {strides = array<i32>} : memref<256xi32, #tpu.memory_space<vmem>>, vector<16xi32>,
          %add3A_583 = arith.constant 224 : i32
          %add3A_584 = arith.addi %multiple_of3A_209, %add3A_583 : i32
          %iota3A_585 = tpu.iota {dimensions = array<i32: 0>} : vector<16xi32>
          %add3A_586 = vector.broadcast %add3A_584 : i32 to vector<16xi32>
          %add3A_587 = arith.addi %add3A_586, %iota3A_585 : vector<16xi32>
          %add3A_588 = arith.constant 1 : i32
          %add3A_589 = arith.addi %multiple_of3A, %add3A_588 : i32
          %sub3A_590 = vector.broadcast %add3A_589 : i32 to vector<16xi32>
          %sub3A_591 = arith.subi %get3A_582, %sub3A_590 : vector<16xi32>
          %ge3A_592 = arith.constant 0 : i32
          %ge3A_593 = vector.broadcast %ge3A_592 : i32 to vector<16xi32>
          %ge3A_594 = arith.cmpi sge, %sub3A_591, %ge3A_593 : vector<16xi32>
          %lt3A_595 = arith.constant 8192 : i32
          %lt3A_596 = vector.broadcast %lt3A_595 : i32 to vector<16xi32>
          %lt3A_597 = arith.cmpi slt, %sub3A_591, %lt3A_596 : vector<16xi32>
          %and3A_598 = arith.andi %ge3A_594, %lt3A_597 : vector<16xi1>
          %lt3A_599 = vector.broadcast %multiple_of3A_158 : i32 to vector<16xi32>
          %lt3A_600 = arith.cmpi slt, %add3A_587, %lt3A_599 : vector<16xi32>
          %and3A_601 = arith.andi %and3A_598, %lt3A_600 : vector<16xi1>
          %jit3A_602 = arith.constant 8192 : i32
          %broadcast_in_dim3A_603 = vector.broadcast %jit3A_602 : i32 to vector<16xi32>
          %select_n3A_604 = arith.select %and3A_601, %sub3A_591, %broadcast_in_dim3A_603 : vector<16xi1>, vector<16xi32>
          %swap3A_605 = arith.constant 96 : index
          %swap3A_606 = tpu.vector_load %arg12[%swap3A_605] {strides = array<i32>} : memref<128xi32, #tpu.memory_space<vmem>>, vector<16xi32>,
          tpu.vector_store %arg12[%swap3A_605], %select_n3A_604 {strides = array<i32>} : memref<128xi32, #tpu.memory_space<vmem>>, vector<16xi32>,
          %get3A_607 = arith.constant 240 : index
          %get3A_608 = tpu.vector_load %arg10[%get3A_607] {strides = array<i32>} : memref<256xi32, #tpu.memory_space<vmem>>, vector<16xi32>,
          %add3A_609 = arith.constant 240 : i32
          %add3A_610 = arith.addi %multiple_of3A_209, %add3A_609 : i32
          %iota3A_611 = tpu.iota {dimensions = array<i32: 0>} : vector<16xi32>
          %add3A_612 = vector.broadcast %add3A_610 : i32 to vector<16xi32>
          %add3A_613 = arith.addi %add3A_612, %iota3A_611 : vector<16xi32>
          %add3A_614 = arith.constant 1 : i32
          %add3A_615 = arith.addi %multiple_of3A, %add3A_614 : i32
          %sub3A_616 = vector.broadcast %add3A_615 : i32 to vector<16xi32>
          %sub3A_617 = arith.subi %get3A_608, %sub3A_616 : vector<16xi32>
          %ge3A_618 = arith.constant 0 : i32
          %ge3A_619 = vector.broadcast %ge3A_618 : i32 to vector<16xi32>
          %ge3A_620 = arith.cmpi sge, %sub3A_617, %ge3A_619 : vector<16xi32>
          %lt3A_621 = arith.constant 8192 : i32
          %lt3A_622 = vector.broadcast %lt3A_621 : i32 to vector<16xi32>
          %lt3A_623 = arith.cmpi slt, %sub3A_617, %lt3A_622 : vector<16xi32>
          %and3A_624 = arith.andi %ge3A_620, %lt3A_623 : vector<16xi1>
          %lt3A_625 = vector.broadcast %multiple_of3A_158 : i32 to vector<16xi32>
          %lt3A_626 = arith.cmpi slt, %add3A_613, %lt3A_625 : vector<16xi32>
          %and3A_627 = arith.andi %and3A_624, %lt3A_626 : vector<16xi1>
          %jit3A_628 = arith.constant 8192 : i32
          %broadcast_in_dim3A_629 = vector.broadcast %jit3A_628 : i32 to vector<16xi32>
          %select_n3A_630 = arith.select %and3A_627, %sub3A_617, %broadcast_in_dim3A_629 : vector<16xi1>, vector<16xi32>
          %swap3A_631 = arith.constant 112 : index
          %swap3A_632 = tpu.vector_load %arg12[%swap3A_631] {strides = array<i32>} : memref<128xi32, #tpu.memory_space<vmem>>, vector<16xi32>,
          tpu.vector_store %arg12[%swap3A_631], %select_n3A_630 {strides = array<i32>} : memref<128xi32, #tpu.memory_space<vmem>>, vector<16xi32>,
          %dma_wait3A = arith.constant 0 : i32
          %dma_wait3A_633 = tpu.memref_slice %arg9[%dma_wait3A] : memref<256xi32, #tpu.memory_space<vmem>> -> memref<128xi32, #tpu.memory_space<vmem>>
          %dma_wait3A_634 = arith.constant 0 : i32
          %dma_wait3A_635 = arith.constant 0 : i32
          %dma_wait3A_636 = tpu.memref_slice %arg2[%dma_wait3A_634, %dma_wait3A_635] : memref<311296x128xf32, #tpu.memory_space<hbm>> -> memref<311296x128xf32, #tpu.memory_space<hbm>>
          tpu.wait_indirect_dma semaphore(%arg17 : memref<!tpu.dma_semaphore, #tpu.memory_space<semaphore_mem>>) src(%dma_wait3A_636 : memref<311296x128xf32, #tpu.memory_space<hbm>>) dst(%arg13 : memref<128x128xf32, #tpu.memory_space<vmem>>)
          %dma_start3A_637 = arith.constant 0 : i32
          %dma_start3A_638 = arith.constant 0 : i32
          %dma_start3A_639 = tpu.memref_slice %arg16[%dma_start3A_637, %dma_start3A_638] : memref<8200x128xf32, #tpu.memory_space<vmem_shared>> -> memref<8200x128xf32, #tpu.memory_space<vmem_shared>>
          tpu.enqueue_indirect_dma source(%arg13 : memref<128x128xf32, #tpu.memory_space<vmem>>) target(%dma_start3A_639 : memref<8200x128xf32, #tpu.memory_space<vmem_shared>>) offsets(%arg11 : memref<128xi32, #tpu.memory_space<vmem>>) semaphore(%arg18 : memref<!tpu.dma_semaphore, #tpu.memory_space<semaphore_mem>>) {add = true}
          %dma_wait3A_640 = arith.constant 128 : i32
          %dma_wait3A_641 = tpu.memref_slice %arg9[%dma_wait3A_640] : memref<256xi32, #tpu.memory_space<vmem>> -> memref<128xi32, #tpu.memory_space<vmem>>
          %dma_wait3A_642 = arith.constant 0 : i32
          %dma_wait3A_643 = arith.constant 0 : i32
          %dma_wait3A_644 = tpu.memref_slice %arg2[%dma_wait3A_642, %dma_wait3A_643] : memref<311296x128xf32, #tpu.memory_space<hbm>> -> memref<311296x128xf32, #tpu.memory_space<hbm>>
          tpu.wait_indirect_dma semaphore(%arg17 : memref<!tpu.dma_semaphore, #tpu.memory_space<semaphore_mem>>) src(%dma_wait3A_644 : memref<311296x128xf32, #tpu.memory_space<hbm>>) dst(%arg14 : memref<128x128xf32, #tpu.memory_space<vmem>>)
          %dma_start3A_645 = arith.constant 0 : i32
          %dma_start3A_646 = arith.constant 0 : i32
          %dma_start3A_647 = tpu.memref_slice %arg16[%dma_start3A_645, %dma_start3A_646] : memref<8200x128xf32, #tpu.memory_space<vmem_shared>> -> memref<8200x128xf32, #tpu.memory_space<vmem_shared>>
          tpu.enqueue_indirect_dma source(%arg14 : memref<128x128xf32, #tpu.memory_space<vmem>>) target(%dma_start3A_647 : memref<8200x128xf32, #tpu.memory_space<vmem_shared>>) offsets(%arg12 : memref<128xi32, #tpu.memory_space<vmem>>) semaphore(%arg19 : memref<!tpu.dma_semaphore, #tpu.memory_space<semaphore_mem>>) {add = true}
          %dma_wait3A_648 = arith.constant 0 : i32
          %dma_wait3A_649 = arith.constant 0 : i32
          %dma_wait3A_650 = tpu.memref_slice %arg16[%dma_wait3A_648, %dma_wait3A_649] : memref<8200x128xf32, #tpu.memory_space<vmem_shared>> -> memref<8200x128xf32, #tpu.memory_space<vmem_shared>>
          tpu.wait_indirect_dma semaphore(%arg18 : memref<!tpu.dma_semaphore, #tpu.memory_space<semaphore_mem>>) src(%arg13 : memref<128x128xf32, #tpu.memory_space<vmem>>) dst(%dma_wait3A_650 : memref<8200x128xf32, #tpu.memory_space<vmem_shared>>)
          %dma_wait3A_651 = arith.constant 0 : i32
          %dma_wait3A_652 = arith.constant 0 : i32
          %dma_wait3A_653 = tpu.memref_slice %arg16[%dma_wait3A_651, %dma_wait3A_652] : memref<8200x128xf32, #tpu.memory_space<vmem_shared>> -> memref<8200x128xf32, #tpu.memory_space<vmem_shared>>
          tpu.wait_indirect_dma semaphore(%arg19 : memref<!tpu.dma_semaphore, #tpu.memory_space<semaphore_mem>>) src(%arg14 : memref<128x128xf32, #tpu.memory_space<vmem>>) dst(%dma_wait3A_653 : memref<8200x128xf32, #tpu.memory_space<vmem_shared>>)
        }
        %while3A_196 = arith.constant 1 : i32
        scf.for %while3A_205 = %while3A_194 to %while3A_190 step %while3A_196  : i32 {
          %mul3A_206 = arith.constant 256 : i32
          %mul3A_207 = arith.muli %while3A_205, %mul3A_206 : i32
          %add3A_208 = arith.addi %multiple_of3A_127, %mul3A_207 : i32
          %multiple_of3A_209 = tpu.assume_multiple %add3A_208, 8 : i32
          "tpu.region"() ({
            %run_scoped3A = tpu.sem_alloc : memref<!tpu.dma_semaphore, #tpu.memory_space<semaphore_mem>>
            %dma_start3A_654 = tpu.memref_slice %arg3[%multiple_of3A_209] : memref<601088xi32, #tpu.memory_space<hbm>> -> memref<256xi32, #tpu.memory_space<hbm>>
            %dma_start3A_655 = tpu.memref_slice %arg3[%multiple_of3A_209] : memref<601088xi32, #tpu.memory_space<hbm>> -> memref<256xi32, #tpu.memory_space<hbm>>
            tpu.enqueue_dma source(%dma_start3A_655 : memref<256xi32, #tpu.memory_space<hbm>>) target(%arg9 : memref<256xi32, #tpu.memory_space<vmem>>) target_semaphore(%run_scoped3A : memref<!tpu.dma_semaphore, #tpu.memory_space<semaphore_mem>>)
            %dma_wait3A_656 = tpu.memref_slice %arg3[%multiple_of3A_209] : memref<601088xi32, #tpu.memory_space<hbm>> -> memref<256xi32, #tpu.memory_space<hbm>>
            %dma_wait3A_657 = tpu.memref_slice %arg3[%multiple_of3A_209] : memref<601088xi32, #tpu.memory_space<hbm>> -> memref<256xi32, #tpu.memory_space<hbm>>
            tpu.wait_dma2 semaphore(%run_scoped3A : memref<!tpu.dma_semaphore, #tpu.memory_space<semaphore_mem>>) src(%dma_wait3A_657 : memref<256xi32, #tpu.memory_space<hbm>>) dst(%arg9 : memref<256xi32, #tpu.memory_space<vmem>>)
            tpu.yield
          }) : () -> ()
          "tpu.region"() ({
            %run_scoped3A = tpu.sem_alloc : memref<!tpu.dma_semaphore, #tpu.memory_space<semaphore_mem>>
            %dma_start3A_654 = tpu.memref_slice %arg4[%multiple_of3A_209] : memref<601088xi32, #tpu.memory_space<hbm>> -> memref<256xi32, #tpu.memory_space<hbm>>
            %dma_start3A_655 = tpu.memref_slice %arg4[%multiple_of3A_209] : memref<601088xi32, #tpu.memory_space<hbm>> -> memref<256xi32, #tpu.memory_space<hbm>>
            tpu.enqueue_dma source(%dma_start3A_655 : memref<256xi32, #tpu.memory_space<hbm>>) target(%arg10 : memref<256xi32, #tpu.memory_space<vmem>>) target_semaphore(%run_scoped3A : memref<!tpu.dma_semaphore, #tpu.memory_space<semaphore_mem>>)
            %dma_wait3A_656 = tpu.memref_slice %arg4[%multiple_of3A_209] : memref<601088xi32, #tpu.memory_space<hbm>> -> memref<256xi32, #tpu.memory_space<hbm>>
            %dma_wait3A_657 = tpu.memref_slice %arg4[%multiple_of3A_209] : memref<601088xi32, #tpu.memory_space<hbm>> -> memref<256xi32, #tpu.memory_space<hbm>>
            tpu.wait_dma2 semaphore(%run_scoped3A : memref<!tpu.dma_semaphore, #tpu.memory_space<semaphore_mem>>) src(%dma_wait3A_657 : memref<256xi32, #tpu.memory_space<hbm>>) dst(%arg10 : memref<256xi32, #tpu.memory_space<vmem>>)
            tpu.yield
          }) : () -> ()
          %dma_start3A = arith.constant 0 : i32
          %dma_start3A_210 = tpu.memref_slice %arg9[%dma_start3A] : memref<256xi32, #tpu.memory_space<vmem>> -> memref<128xi32, #tpu.memory_space<vmem>>
          %dma_start3A_211 = arith.constant 0 : i32
          %dma_start3A_212 = arith.constant 0 : i32
          %dma_start3A_213 = tpu.memref_slice %arg2[%dma_start3A_211, %dma_start3A_212] : memref<311296x128xf32, #tpu.memory_space<hbm>> -> memref<311296x128xf32, #tpu.memory_space<hbm>>
          tpu.enqueue_indirect_dma source(%dma_start3A_213 : memref<311296x128xf32, #tpu.memory_space<hbm>>) target(%arg13 : memref<128x128xf32, #tpu.memory_space<vmem>>) offsets(%dma_start3A_210 : memref<128xi32, #tpu.memory_space<vmem>>) semaphore(%arg17 : memref<!tpu.dma_semaphore, #tpu.memory_space<semaphore_mem>>)
          %dma_start3A_214 = arith.constant 128 : i32
          %dma_start3A_215 = tpu.memref_slice %arg9[%dma_start3A_214] : memref<256xi32, #tpu.memory_space<vmem>> -> memref<128xi32, #tpu.memory_space<vmem>>
          %dma_start3A_216 = arith.constant 0 : i32
          %dma_start3A_217 = arith.constant 0 : i32
          %dma_start3A_218 = tpu.memref_slice %arg2[%dma_start3A_216, %dma_start3A_217] : memref<311296x128xf32, #tpu.memory_space<hbm>> -> memref<311296x128xf32, #tpu.memory_space<hbm>>
          tpu.enqueue_indirect_dma source(%dma_start3A_218 : memref<311296x128xf32, #tpu.memory_space<hbm>>) target(%arg14 : memref<128x128xf32, #tpu.memory_space<vmem>>) offsets(%dma_start3A_215 : memref<128xi32, #tpu.memory_space<vmem>>) semaphore(%arg17 : memref<!tpu.dma_semaphore, #tpu.memory_space<semaphore_mem>>)
          %get3A_219 = arith.constant 0 : index
          %get3A_220 = tpu.vector_load %arg10[%get3A_219] {strides = array<i32>} : memref<256xi32, #tpu.memory_space<vmem>>, vector<16xi32>,
          %add3A_221 = arith.constant 0 : i32
          %add3A_222 = arith.addi %multiple_of3A_209, %add3A_221 : i32
          %iota3A_223 = tpu.iota {dimensions = array<i32: 0>} : vector<16xi32>
          %add3A_224 = vector.broadcast %add3A_222 : i32 to vector<16xi32>
          %add3A_225 = arith.addi %add3A_224, %iota3A_223 : vector<16xi32>
          %add3A_226 = arith.constant 1 : i32
          %add3A_227 = arith.addi %multiple_of3A, %add3A_226 : i32
          %sub3A_228 = vector.broadcast %add3A_227 : i32 to vector<16xi32>
          %sub3A_229 = arith.subi %get3A_220, %sub3A_228 : vector<16xi32>
          %ge3A = arith.constant 0 : i32
          %ge3A_230 = vector.broadcast %ge3A : i32 to vector<16xi32>
          %ge3A_231 = arith.cmpi sge, %sub3A_229, %ge3A_230 : vector<16xi32>
          %lt3A_232 = arith.constant 8192 : i32
          %lt3A_233 = vector.broadcast %lt3A_232 : i32 to vector<16xi32>
          %lt3A_234 = arith.cmpi slt, %sub3A_229, %lt3A_233 : vector<16xi32>
          %and3A_235 = arith.andi %ge3A_231, %lt3A_234 : vector<16xi1>
          %lt3A_236 = vector.broadcast %multiple_of3A_158 : i32 to vector<16xi32>
          %lt3A_237 = arith.cmpi slt, %add3A_225, %lt3A_236 : vector<16xi32>
          %and3A_238 = arith.andi %and3A_235, %lt3A_237 : vector<16xi1>
          %jit3A_239 = arith.constant 8192 : i32
          %broadcast_in_dim3A_240 = vector.broadcast %jit3A_239 : i32 to vector<16xi32>
          %select_n3A_241 = arith.select %and3A_238, %sub3A_229, %broadcast_in_dim3A_240 : vector<16xi1>, vector<16xi32>
          %swap3A = arith.constant 0 : index
          %swap3A_242 = tpu.vector_load %arg11[%swap3A] {strides = array<i32>} : memref<128xi32, #tpu.memory_space<vmem>>, vector<16xi32>,
          tpu.vector_store %arg11[%swap3A], %select_n3A_241 {strides = array<i32>} : memref<128xi32, #tpu.memory_space<vmem>>, vector<16xi32>,
          %get3A_243 = arith.constant 16 : index
          %get3A_244 = tpu.vector_load %arg10[%get3A_243] {strides = array<i32>} : memref<256xi32, #tpu.memory_space<vmem>>, vector<16xi32>,
          %add3A_245 = arith.constant 16 : i32
          %add3A_246 = arith.addi %multiple_of3A_209, %add3A_245 : i32
          %iota3A_247 = tpu.iota {dimensions = array<i32: 0>} : vector<16xi32>
          %add3A_248 = vector.broadcast %add3A_246 : i32 to vector<16xi32>
          %add3A_249 = arith.addi %add3A_248, %iota3A_247 : vector<16xi32>
          %add3A_250 = arith.constant 1 : i32
          %add3A_251 = arith.addi %multiple_of3A, %add3A_250 : i32
          %sub3A_252 = vector.broadcast %add3A_251 : i32 to vector<16xi32>
          %sub3A_253 = arith.subi %get3A_244, %sub3A_252 : vector<16xi32>
          %ge3A_254 = arith.constant 0 : i32
          %ge3A_255 = vector.broadcast %ge3A_254 : i32 to vector<16xi32>
          %ge3A_256 = arith.cmpi sge, %sub3A_253, %ge3A_255 : vector<16xi32>
          %lt3A_257 = arith.constant 8192 : i32
          %lt3A_258 = vector.broadcast %lt3A_257 : i32 to vector<16xi32>
          %lt3A_259 = arith.cmpi slt, %sub3A_253, %lt3A_258 : vector<16xi32>
          %and3A_260 = arith.andi %ge3A_256, %lt3A_259 : vector<16xi1>
          %lt3A_261 = vector.broadcast %multiple_of3A_158 : i32 to vector<16xi32>
          %lt3A_262 = arith.cmpi slt, %add3A_249, %lt3A_261 : vector<16xi32>
          %and3A_263 = arith.andi %and3A_260, %lt3A_262 : vector<16xi1>
          %jit3A_264 = arith.constant 8192 : i32
          %broadcast_in_dim3A_265 = vector.broadcast %jit3A_264 : i32 to vector<16xi32>
          %select_n3A_266 = arith.select %and3A_263, %sub3A_253, %broadcast_in_dim3A_265 : vector<16xi1>, vector<16xi32>
          %swap3A_267 = arith.constant 16 : index
          %swap3A_268 = tpu.vector_load %arg11[%swap3A_267] {strides = array<i32>} : memref<128xi32, #tpu.memory_space<vmem>>, vector<16xi32>,
          tpu.vector_store %arg11[%swap3A_267], %select_n3A_266 {strides = array<i32>} : memref<128xi32, #tpu.memory_space<vmem>>, vector<16xi32>,
          %get3A_269 = arith.constant 32 : index
          %get3A_270 = tpu.vector_load %arg10[%get3A_269] {strides = array<i32>} : memref<256xi32, #tpu.memory_space<vmem>>, vector<16xi32>,
          %add3A_271 = arith.constant 32 : i32
          %add3A_272 = arith.addi %multiple_of3A_209, %add3A_271 : i32
          %iota3A_273 = tpu.iota {dimensions = array<i32: 0>} : vector<16xi32>
          %add3A_274 = vector.broadcast %add3A_272 : i32 to vector<16xi32>
          %add3A_275 = arith.addi %add3A_274, %iota3A_273 : vector<16xi32>
          %add3A_276 = arith.constant 1 : i32
          %add3A_277 = arith.addi %multiple_of3A, %add3A_276 : i32
          %sub3A_278 = vector.broadcast %add3A_277 : i32 to vector<16xi32>
          %sub3A_279 = arith.subi %get3A_270, %sub3A_278 : vector<16xi32>
          %ge3A_280 = arith.constant 0 : i32
          %ge3A_281 = vector.broadcast %ge3A_280 : i32 to vector<16xi32>
          %ge3A_282 = arith.cmpi sge, %sub3A_279, %ge3A_281 : vector<16xi32>
          %lt3A_283 = arith.constant 8192 : i32
          %lt3A_284 = vector.broadcast %lt3A_283 : i32 to vector<16xi32>
          %lt3A_285 = arith.cmpi slt, %sub3A_279, %lt3A_284 : vector<16xi32>
          %and3A_286 = arith.andi %ge3A_282, %lt3A_285 : vector<16xi1>
          %lt3A_287 = vector.broadcast %multiple_of3A_158 : i32 to vector<16xi32>
          %lt3A_288 = arith.cmpi slt, %add3A_275, %lt3A_287 : vector<16xi32>
          %and3A_289 = arith.andi %and3A_286, %lt3A_288 : vector<16xi1>
          %jit3A_290 = arith.constant 8192 : i32
          %broadcast_in_dim3A_291 = vector.broadcast %jit3A_290 : i32 to vector<16xi32>
          %select_n3A_292 = arith.select %and3A_289, %sub3A_279, %broadcast_in_dim3A_291 : vector<16xi1>, vector<16xi32>
          %swap3A_293 = arith.constant 32 : index
          %swap3A_294 = tpu.vector_load %arg11[%swap3A_293] {strides = array<i32>} : memref<128xi32, #tpu.memory_space<vmem>>, vector<16xi32>,
          tpu.vector_store %arg11[%swap3A_293], %select_n3A_292 {strides = array<i32>} : memref<128xi32, #tpu.memory_space<vmem>>, vector<16xi32>,
          %get3A_295 = arith.constant 48 : index
          %get3A_296 = tpu.vector_load %arg10[%get3A_295] {strides = array<i32>} : memref<256xi32, #tpu.memory_space<vmem>>, vector<16xi32>,
          %add3A_297 = arith.constant 48 : i32
          %add3A_298 = arith.addi %multiple_of3A_209, %add3A_297 : i32
          %iota3A_299 = tpu.iota {dimensions = array<i32: 0>} : vector<16xi32>
          %add3A_300 = vector.broadcast %add3A_298 : i32 to vector<16xi32>
          %add3A_301 = arith.addi %add3A_300, %iota3A_299 : vector<16xi32>
          %add3A_302 = arith.constant 1 : i32
          %add3A_303 = arith.addi %multiple_of3A, %add3A_302 : i32
          %sub3A_304 = vector.broadcast %add3A_303 : i32 to vector<16xi32>
          %sub3A_305 = arith.subi %get3A_296, %sub3A_304 : vector<16xi32>
          %ge3A_306 = arith.constant 0 : i32
          %ge3A_307 = vector.broadcast %ge3A_306 : i32 to vector<16xi32>
          %ge3A_308 = arith.cmpi sge, %sub3A_305, %ge3A_307 : vector<16xi32>
          %lt3A_309 = arith.constant 8192 : i32
          %lt3A_310 = vector.broadcast %lt3A_309 : i32 to vector<16xi32>
          %lt3A_311 = arith.cmpi slt, %sub3A_305, %lt3A_310 : vector<16xi32>
          %and3A_312 = arith.andi %ge3A_308, %lt3A_311 : vector<16xi1>
          %lt3A_313 = vector.broadcast %multiple_of3A_158 : i32 to vector<16xi32>
          %lt3A_314 = arith.cmpi slt, %add3A_301, %lt3A_313 : vector<16xi32>
          %and3A_315 = arith.andi %and3A_312, %lt3A_314 : vector<16xi1>
          %jit3A_316 = arith.constant 8192 : i32
          %broadcast_in_dim3A_317 = vector.broadcast %jit3A_316 : i32 to vector<16xi32>
          %select_n3A_318 = arith.select %and3A_315, %sub3A_305, %broadcast_in_dim3A_317 : vector<16xi1>, vector<16xi32>
          %swap3A_319 = arith.constant 48 : index
          %swap3A_320 = tpu.vector_load %arg11[%swap3A_319] {strides = array<i32>} : memref<128xi32, #tpu.memory_space<vmem>>, vector<16xi32>,
          tpu.vector_store %arg11[%swap3A_319], %select_n3A_318 {strides = array<i32>} : memref<128xi32, #tpu.memory_space<vmem>>, vector<16xi32>,
          %get3A_321 = arith.constant 64 : index
          %get3A_322 = tpu.vector_load %arg10[%get3A_321] {strides = array<i32>} : memref<256xi32, #tpu.memory_space<vmem>>, vector<16xi32>,
          %add3A_323 = arith.constant 64 : i32
          %add3A_324 = arith.addi %multiple_of3A_209, %add3A_323 : i32
          %iota3A_325 = tpu.iota {dimensions = array<i32: 0>} : vector<16xi32>
          %add3A_326 = vector.broadcast %add3A_324 : i32 to vector<16xi32>
          %add3A_327 = arith.addi %add3A_326, %iota3A_325 : vector<16xi32>
          %add3A_328 = arith.constant 1 : i32
          %add3A_329 = arith.addi %multiple_of3A, %add3A_328 : i32
          %sub3A_330 = vector.broadcast %add3A_329 : i32 to vector<16xi32>
          %sub3A_331 = arith.subi %get3A_322, %sub3A_330 : vector<16xi32>
          %ge3A_332 = arith.constant 0 : i32
          %ge3A_333 = vector.broadcast %ge3A_332 : i32 to vector<16xi32>
          %ge3A_334 = arith.cmpi sge, %sub3A_331, %ge3A_333 : vector<16xi32>
          %lt3A_335 = arith.constant 8192 : i32
          %lt3A_336 = vector.broadcast %lt3A_335 : i32 to vector<16xi32>
          %lt3A_337 = arith.cmpi slt, %sub3A_331, %lt3A_336 : vector<16xi32>
          %and3A_338 = arith.andi %ge3A_334, %lt3A_337 : vector<16xi1>
          %lt3A_339 = vector.broadcast %multiple_of3A_158 : i32 to vector<16xi32>
          %lt3A_340 = arith.cmpi slt, %add3A_327, %lt3A_339 : vector<16xi32>
          %and3A_341 = arith.andi %and3A_338, %lt3A_340 : vector<16xi1>
          %jit3A_342 = arith.constant 8192 : i32
          %broadcast_in_dim3A_343 = vector.broadcast %jit3A_342 : i32 to vector<16xi32>
          %select_n3A_344 = arith.select %and3A_341, %sub3A_331, %broadcast_in_dim3A_343 : vector<16xi1>, vector<16xi32>
          %swap3A_345 = arith.constant 64 : index
          %swap3A_346 = tpu.vector_load %arg11[%swap3A_345] {strides = array<i32>} : memref<128xi32, #tpu.memory_space<vmem>>, vector<16xi32>,
          tpu.vector_store %arg11[%swap3A_345], %select_n3A_344 {strides = array<i32>} : memref<128xi32, #tpu.memory_space<vmem>>, vector<16xi32>,
          %get3A_347 = arith.constant 80 : index
          %get3A_348 = tpu.vector_load %arg10[%get3A_347] {strides = array<i32>} : memref<256xi32, #tpu.memory_space<vmem>>, vector<16xi32>,
          %add3A_349 = arith.constant 80 : i32
          %add3A_350 = arith.addi %multiple_of3A_209, %add3A_349 : i32
          %iota3A_351 = tpu.iota {dimensions = array<i32: 0>} : vector<16xi32>
          %add3A_352 = vector.broadcast %add3A_350 : i32 to vector<16xi32>
          %add3A_353 = arith.addi %add3A_352, %iota3A_351 : vector<16xi32>
          %add3A_354 = arith.constant 1 : i32
          %add3A_355 = arith.addi %multiple_of3A, %add3A_354 : i32
          %sub3A_356 = vector.broadcast %add3A_355 : i32 to vector<16xi32>
          %sub3A_357 = arith.subi %get3A_348, %sub3A_356 : vector<16xi32>
          %ge3A_358 = arith.constant 0 : i32
          %ge3A_359 = vector.broadcast %ge3A_358 : i32 to vector<16xi32>
          %ge3A_360 = arith.cmpi sge, %sub3A_357, %ge3A_359 : vector<16xi32>
          %lt3A_361 = arith.constant 8192 : i32
          %lt3A_362 = vector.broadcast %lt3A_361 : i32 to vector<16xi32>
          %lt3A_363 = arith.cmpi slt, %sub3A_357, %lt3A_362 : vector<16xi32>
          %and3A_364 = arith.andi %ge3A_360, %lt3A_363 : vector<16xi1>
          %lt3A_365 = vector.broadcast %multiple_of3A_158 : i32 to vector<16xi32>
          %lt3A_366 = arith.cmpi slt, %add3A_353, %lt3A_365 : vector<16xi32>
          %and3A_367 = arith.andi %and3A_364, %lt3A_366 : vector<16xi1>
          %jit3A_368 = arith.constant 8192 : i32
          %broadcast_in_dim3A_369 = vector.broadcast %jit3A_368 : i32 to vector<16xi32>
          %select_n3A_370 = arith.select %and3A_367, %sub3A_357, %broadcast_in_dim3A_369 : vector<16xi1>, vector<16xi32>
          %swap3A_371 = arith.constant 80 : index
          %swap3A_372 = tpu.vector_load %arg11[%swap3A_371] {strides = array<i32>} : memref<128xi32, #tpu.memory_space<vmem>>, vector<16xi32>,
          tpu.vector_store %arg11[%swap3A_371], %select_n3A_370 {strides = array<i32>} : memref<128xi32, #tpu.memory_space<vmem>>, vector<16xi32>,
          %get3A_373 = arith.constant 96 : index
          %get3A_374 = tpu.vector_load %arg10[%get3A_373] {strides = array<i32>} : memref<256xi32, #tpu.memory_space<vmem>>, vector<16xi32>,
          %add3A_375 = arith.constant 96 : i32
          %add3A_376 = arith.addi %multiple_of3A_209, %add3A_375 : i32
          %iota3A_377 = tpu.iota {dimensions = array<i32: 0>} : vector<16xi32>
          %add3A_378 = vector.broadcast %add3A_376 : i32 to vector<16xi32>
          %add3A_379 = arith.addi %add3A_378, %iota3A_377 : vector<16xi32>
          %add3A_380 = arith.constant 1 : i32
          %add3A_381 = arith.addi %multiple_of3A, %add3A_380 : i32
          %sub3A_382 = vector.broadcast %add3A_381 : i32 to vector<16xi32>
          %sub3A_383 = arith.subi %get3A_374, %sub3A_382 : vector<16xi32>
          %ge3A_384 = arith.constant 0 : i32
          %ge3A_385 = vector.broadcast %ge3A_384 : i32 to vector<16xi32>
          %ge3A_386 = arith.cmpi sge, %sub3A_383, %ge3A_385 : vector<16xi32>
          %lt3A_387 = arith.constant 8192 : i32
          %lt3A_388 = vector.broadcast %lt3A_387 : i32 to vector<16xi32>
          %lt3A_389 = arith.cmpi slt, %sub3A_383, %lt3A_388 : vector<16xi32>
          %and3A_390 = arith.andi %ge3A_386, %lt3A_389 : vector<16xi1>
          %lt3A_391 = vector.broadcast %multiple_of3A_158 : i32 to vector<16xi32>
          %lt3A_392 = arith.cmpi slt, %add3A_379, %lt3A_391 : vector<16xi32>
          %and3A_393 = arith.andi %and3A_390, %lt3A_392 : vector<16xi1>
          %jit3A_394 = arith.constant 8192 : i32
          %broadcast_in_dim3A_395 = vector.broadcast %jit3A_394 : i32 to vector<16xi32>
          %select_n3A_396 = arith.select %and3A_393, %sub3A_383, %broadcast_in_dim3A_395 : vector<16xi1>, vector<16xi32>
          %swap3A_397 = arith.constant 96 : index
          %swap3A_398 = tpu.vector_load %arg11[%swap3A_397] {strides = array<i32>} : memref<128xi32, #tpu.memory_space<vmem>>, vector<16xi32>,
          tpu.vector_store %arg11[%swap3A_397], %select_n3A_396 {strides = array<i32>} : memref<128xi32, #tpu.memory_space<vmem>>, vector<16xi32>,
          %get3A_399 = arith.constant 112 : index
          %get3A_400 = tpu.vector_load %arg10[%get3A_399] {strides = array<i32>} : memref<256xi32, #tpu.memory_space<vmem>>, vector<16xi32>,
          %add3A_401 = arith.constant 112 : i32
          %add3A_402 = arith.addi %multiple_of3A_209, %add3A_401 : i32
          %iota3A_403 = tpu.iota {dimensions = array<i32: 0>} : vector<16xi32>
          %add3A_404 = vector.broadcast %add3A_402 : i32 to vector<16xi32>
          %add3A_405 = arith.addi %add3A_404, %iota3A_403 : vector<16xi32>
          %add3A_406 = arith.constant 1 : i32
          %add3A_407 = arith.addi %multiple_of3A, %add3A_406 : i32
          %sub3A_408 = vector.broadcast %add3A_407 : i32 to vector<16xi32>
          %sub3A_409 = arith.subi %get3A_400, %sub3A_408 : vector<16xi32>
          %ge3A_410 = arith.constant 0 : i32
          %ge3A_411 = vector.broadcast %ge3A_410 : i32 to vector<16xi32>
          %ge3A_412 = arith.cmpi sge, %sub3A_409, %ge3A_411 : vector<16xi32>
          %lt3A_413 = arith.constant 8192 : i32
          %lt3A_414 = vector.broadcast %lt3A_413 : i32 to vector<16xi32>
          %lt3A_415 = arith.cmpi slt, %sub3A_409, %lt3A_414 : vector<16xi32>
          %and3A_416 = arith.andi %ge3A_412, %lt3A_415 : vector<16xi1>
          %lt3A_417 = vector.broadcast %multiple_of3A_158 : i32 to vector<16xi32>
          %lt3A_418 = arith.cmpi slt, %add3A_405, %lt3A_417 : vector<16xi32>
          %and3A_419 = arith.andi %and3A_416, %lt3A_418 : vector<16xi1>
          %jit3A_420 = arith.constant 8192 : i32
          %broadcast_in_dim3A_421 = vector.broadcast %jit3A_420 : i32 to vector<16xi32>
          %select_n3A_422 = arith.select %and3A_419, %sub3A_409, %broadcast_in_dim3A_421 : vector<16xi1>, vector<16xi32>
          %swap3A_423 = arith.constant 112 : index
          %swap3A_424 = tpu.vector_load %arg11[%swap3A_423] {strides = array<i32>} : memref<128xi32, #tpu.memory_space<vmem>>, vector<16xi32>,
          tpu.vector_store %arg11[%swap3A_423], %select_n3A_422 {strides = array<i32>} : memref<128xi32, #tpu.memory_space<vmem>>, vector<16xi32>,
          %get3A_425 = arith.constant 128 : index
          %get3A_426 = tpu.vector_load %arg10[%get3A_425] {strides = array<i32>} : memref<256xi32, #tpu.memory_space<vmem>>, vector<16xi32>,
          %add3A_427 = arith.constant 128 : i32
          %add3A_428 = arith.addi %multiple_of3A_209, %add3A_427 : i32
          %iota3A_429 = tpu.iota {dimensions = array<i32: 0>} : vector<16xi32>
          %add3A_430 = vector.broadcast %add3A_428 : i32 to vector<16xi32>
          %add3A_431 = arith.addi %add3A_430, %iota3A_429 : vector<16xi32>
          %add3A_432 = arith.constant 1 : i32
          %add3A_433 = arith.addi %multiple_of3A, %add3A_432 : i32
          %sub3A_434 = vector.broadcast %add3A_433 : i32 to vector<16xi32>
          %sub3A_435 = arith.subi %get3A_426, %sub3A_434 : vector<16xi32>
          %ge3A_436 = arith.constant 0 : i32
          %ge3A_437 = vector.broadcast %ge3A_436 : i32 to vector<16xi32>
          %ge3A_438 = arith.cmpi sge, %sub3A_435, %ge3A_437 : vector<16xi32>
          %lt3A_439 = arith.constant 8192 : i32
          %lt3A_440 = vector.broadcast %lt3A_439 : i32 to vector<16xi32>
          %lt3A_441 = arith.cmpi slt, %sub3A_435, %lt3A_440 : vector<16xi32>
          %and3A_442 = arith.andi %ge3A_438, %lt3A_441 : vector<16xi1>
          %lt3A_443 = vector.broadcast %multiple_of3A_158 : i32 to vector<16xi32>
          %lt3A_444 = arith.cmpi slt, %add3A_431, %lt3A_443 : vector<16xi32>
          %and3A_445 = arith.andi %and3A_442, %lt3A_444 : vector<16xi1>
          %jit3A_446 = arith.constant 8192 : i32
          %broadcast_in_dim3A_447 = vector.broadcast %jit3A_446 : i32 to vector<16xi32>
          %select_n3A_448 = arith.select %and3A_445, %sub3A_435, %broadcast_in_dim3A_447 : vector<16xi1>, vector<16xi32>
          %swap3A_449 = arith.constant 0 : index
          %swap3A_450 = tpu.vector_load %arg12[%swap3A_449] {strides = array<i32>} : memref<128xi32, #tpu.memory_space<vmem>>, vector<16xi32>,
          tpu.vector_store %arg12[%swap3A_449], %select_n3A_448 {strides = array<i32>} : memref<128xi32, #tpu.memory_space<vmem>>, vector<16xi32>,
          %get3A_451 = arith.constant 144 : index
          %get3A_452 = tpu.vector_load %arg10[%get3A_451] {strides = array<i32>} : memref<256xi32, #tpu.memory_space<vmem>>, vector<16xi32>,
          %add3A_453 = arith.constant 144 : i32
          %add3A_454 = arith.addi %multiple_of3A_209, %add3A_453 : i32
          %iota3A_455 = tpu.iota {dimensions = array<i32: 0>} : vector<16xi32>
          %add3A_456 = vector.broadcast %add3A_454 : i32 to vector<16xi32>
          %add3A_457 = arith.addi %add3A_456, %iota3A_455 : vector<16xi32>
          %add3A_458 = arith.constant 1 : i32
          %add3A_459 = arith.addi %multiple_of3A, %add3A_458 : i32
          %sub3A_460 = vector.broadcast %add3A_459 : i32 to vector<16xi32>
          %sub3A_461 = arith.subi %get3A_452, %sub3A_460 : vector<16xi32>
          %ge3A_462 = arith.constant 0 : i32
          %ge3A_463 = vector.broadcast %ge3A_462 : i32 to vector<16xi32>
          %ge3A_464 = arith.cmpi sge, %sub3A_461, %ge3A_463 : vector<16xi32>
          %lt3A_465 = arith.constant 8192 : i32
          %lt3A_466 = vector.broadcast %lt3A_465 : i32 to vector<16xi32>
          %lt3A_467 = arith.cmpi slt, %sub3A_461, %lt3A_466 : vector<16xi32>
          %and3A_468 = arith.andi %ge3A_464, %lt3A_467 : vector<16xi1>
          %lt3A_469 = vector.broadcast %multiple_of3A_158 : i32 to vector<16xi32>
          %lt3A_470 = arith.cmpi slt, %add3A_457, %lt3A_469 : vector<16xi32>
          %and3A_471 = arith.andi %and3A_468, %lt3A_470 : vector<16xi1>
          %jit3A_472 = arith.constant 8192 : i32
          %broadcast_in_dim3A_473 = vector.broadcast %jit3A_472 : i32 to vector<16xi32>
          %select_n3A_474 = arith.select %and3A_471, %sub3A_461, %broadcast_in_dim3A_473 : vector<16xi1>, vector<16xi32>
          %swap3A_475 = arith.constant 16 : index
          %swap3A_476 = tpu.vector_load %arg12[%swap3A_475] {strides = array<i32>} : memref<128xi32, #tpu.memory_space<vmem>>, vector<16xi32>,
          tpu.vector_store %arg12[%swap3A_475], %select_n3A_474 {strides = array<i32>} : memref<128xi32, #tpu.memory_space<vmem>>, vector<16xi32>,
          %get3A_477 = arith.constant 160 : index
          %get3A_478 = tpu.vector_load %arg10[%get3A_477] {strides = array<i32>} : memref<256xi32, #tpu.memory_space<vmem>>, vector<16xi32>,
          %add3A_479 = arith.constant 160 : i32
          %add3A_480 = arith.addi %multiple_of3A_209, %add3A_479 : i32
          %iota3A_481 = tpu.iota {dimensions = array<i32: 0>} : vector<16xi32>
          %add3A_482 = vector.broadcast %add3A_480 : i32 to vector<16xi32>
          %add3A_483 = arith.addi %add3A_482, %iota3A_481 : vector<16xi32>
          %add3A_484 = arith.constant 1 : i32
          %add3A_485 = arith.addi %multiple_of3A, %add3A_484 : i32
          %sub3A_486 = vector.broadcast %add3A_485 : i32 to vector<16xi32>
          %sub3A_487 = arith.subi %get3A_478, %sub3A_486 : vector<16xi32>
          %ge3A_488 = arith.constant 0 : i32
          %ge3A_489 = vector.broadcast %ge3A_488 : i32 to vector<16xi32>
          %ge3A_490 = arith.cmpi sge, %sub3A_487, %ge3A_489 : vector<16xi32>
          %lt3A_491 = arith.constant 8192 : i32
          %lt3A_492 = vector.broadcast %lt3A_491 : i32 to vector<16xi32>
          %lt3A_493 = arith.cmpi slt, %sub3A_487, %lt3A_492 : vector<16xi32>
          %and3A_494 = arith.andi %ge3A_490, %lt3A_493 : vector<16xi1>
          %lt3A_495 = vector.broadcast %multiple_of3A_158 : i32 to vector<16xi32>
          %lt3A_496 = arith.cmpi slt, %add3A_483, %lt3A_495 : vector<16xi32>
          %and3A_497 = arith.andi %and3A_494, %lt3A_496 : vector<16xi1>
          %jit3A_498 = arith.constant 8192 : i32
          %broadcast_in_dim3A_499 = vector.broadcast %jit3A_498 : i32 to vector<16xi32>
          %select_n3A_500 = arith.select %and3A_497, %sub3A_487, %broadcast_in_dim3A_499 : vector<16xi1>, vector<16xi32>
          %swap3A_501 = arith.constant 32 : index
          %swap3A_502 = tpu.vector_load %arg12[%swap3A_501] {strides = array<i32>} : memref<128xi32, #tpu.memory_space<vmem>>, vector<16xi32>,
          tpu.vector_store %arg12[%swap3A_501], %select_n3A_500 {strides = array<i32>} : memref<128xi32, #tpu.memory_space<vmem>>, vector<16xi32>,
          %get3A_503 = arith.constant 176 : index
          %get3A_504 = tpu.vector_load %arg10[%get3A_503] {strides = array<i32>} : memref<256xi32, #tpu.memory_space<vmem>>, vector<16xi32>,
          %add3A_505 = arith.constant 176 : i32
          %add3A_506 = arith.addi %multiple_of3A_209, %add3A_505 : i32
          %iota3A_507 = tpu.iota {dimensions = array<i32: 0>} : vector<16xi32>
          %add3A_508 = vector.broadcast %add3A_506 : i32 to vector<16xi32>
          %add3A_509 = arith.addi %add3A_508, %iota3A_507 : vector<16xi32>
          %add3A_510 = arith.constant 1 : i32
          %add3A_511 = arith.addi %multiple_of3A, %add3A_510 : i32
          %sub3A_512 = vector.broadcast %add3A_511 : i32 to vector<16xi32>
          %sub3A_513 = arith.subi %get3A_504, %sub3A_512 : vector<16xi32>
          %ge3A_514 = arith.constant 0 : i32
          %ge3A_515 = vector.broadcast %ge3A_514 : i32 to vector<16xi32>
          %ge3A_516 = arith.cmpi sge, %sub3A_513, %ge3A_515 : vector<16xi32>
          %lt3A_517 = arith.constant 8192 : i32
          %lt3A_518 = vector.broadcast %lt3A_517 : i32 to vector<16xi32>
          %lt3A_519 = arith.cmpi slt, %sub3A_513, %lt3A_518 : vector<16xi32>
          %and3A_520 = arith.andi %ge3A_516, %lt3A_519 : vector<16xi1>
          %lt3A_521 = vector.broadcast %multiple_of3A_158 : i32 to vector<16xi32>
          %lt3A_522 = arith.cmpi slt, %add3A_509, %lt3A_521 : vector<16xi32>
          %and3A_523 = arith.andi %and3A_520, %lt3A_522 : vector<16xi1>
          %jit3A_524 = arith.constant 8192 : i32
          %broadcast_in_dim3A_525 = vector.broadcast %jit3A_524 : i32 to vector<16xi32>
          %select_n3A_526 = arith.select %and3A_523, %sub3A_513, %broadcast_in_dim3A_525 : vector<16xi1>, vector<16xi32>
          %swap3A_527 = arith.constant 48 : index
          %swap3A_528 = tpu.vector_load %arg12[%swap3A_527] {strides = array<i32>} : memref<128xi32, #tpu.memory_space<vmem>>, vector<16xi32>,
          tpu.vector_store %arg12[%swap3A_527], %select_n3A_526 {strides = array<i32>} : memref<128xi32, #tpu.memory_space<vmem>>, vector<16xi32>,
          %get3A_529 = arith.constant 192 : index
          %get3A_530 = tpu.vector_load %arg10[%get3A_529] {strides = array<i32>} : memref<256xi32, #tpu.memory_space<vmem>>, vector<16xi32>,
          %add3A_531 = arith.constant 192 : i32
          %add3A_532 = arith.addi %multiple_of3A_209, %add3A_531 : i32
          %iota3A_533 = tpu.iota {dimensions = array<i32: 0>} : vector<16xi32>
          %add3A_534 = vector.broadcast %add3A_532 : i32 to vector<16xi32>
          %add3A_535 = arith.addi %add3A_534, %iota3A_533 : vector<16xi32>
          %add3A_536 = arith.constant 1 : i32
          %add3A_537 = arith.addi %multiple_of3A, %add3A_536 : i32
          %sub3A_538 = vector.broadcast %add3A_537 : i32 to vector<16xi32>
          %sub3A_539 = arith.subi %get3A_530, %sub3A_538 : vector<16xi32>
          %ge3A_540 = arith.constant 0 : i32
          %ge3A_541 = vector.broadcast %ge3A_540 : i32 to vector<16xi32>
          %ge3A_542 = arith.cmpi sge, %sub3A_539, %ge3A_541 : vector<16xi32>
          %lt3A_543 = arith.constant 8192 : i32
          %lt3A_544 = vector.broadcast %lt3A_543 : i32 to vector<16xi32>
          %lt3A_545 = arith.cmpi slt, %sub3A_539, %lt3A_544 : vector<16xi32>
          %and3A_546 = arith.andi %ge3A_542, %lt3A_545 : vector<16xi1>
          %lt3A_547 = vector.broadcast %multiple_of3A_158 : i32 to vector<16xi32>
          %lt3A_548 = arith.cmpi slt, %add3A_535, %lt3A_547 : vector<16xi32>
          %and3A_549 = arith.andi %and3A_546, %lt3A_548 : vector<16xi1>
          %jit3A_550 = arith.constant 8192 : i32
          %broadcast_in_dim3A_551 = vector.broadcast %jit3A_550 : i32 to vector<16xi32>
          %select_n3A_552 = arith.select %and3A_549, %sub3A_539, %broadcast_in_dim3A_551 : vector<16xi1>, vector<16xi32>
          %swap3A_553 = arith.constant 64 : index
          %swap3A_554 = tpu.vector_load %arg12[%swap3A_553] {strides = array<i32>} : memref<128xi32, #tpu.memory_space<vmem>>, vector<16xi32>,
          tpu.vector_store %arg12[%swap3A_553], %select_n3A_552 {strides = array<i32>} : memref<128xi32, #tpu.memory_space<vmem>>, vector<16xi32>,
          %get3A_555 = arith.constant 208 : index
          %get3A_556 = tpu.vector_load %arg10[%get3A_555] {strides = array<i32>} : memref<256xi32, #tpu.memory_space<vmem>>, vector<16xi32>,
          %add3A_557 = arith.constant 208 : i32
          %add3A_558 = arith.addi %multiple_of3A_209, %add3A_557 : i32
          %iota3A_559 = tpu.iota {dimensions = array<i32: 0>} : vector<16xi32>
          %add3A_560 = vector.broadcast %add3A_558 : i32 to vector<16xi32>
          %add3A_561 = arith.addi %add3A_560, %iota3A_559 : vector<16xi32>
          %add3A_562 = arith.constant 1 : i32
          %add3A_563 = arith.addi %multiple_of3A, %add3A_562 : i32
          %sub3A_564 = vector.broadcast %add3A_563 : i32 to vector<16xi32>
          %sub3A_565 = arith.subi %get3A_556, %sub3A_564 : vector<16xi32>
          %ge3A_566 = arith.constant 0 : i32
          %ge3A_567 = vector.broadcast %ge3A_566 : i32 to vector<16xi32>
          %ge3A_568 = arith.cmpi sge, %sub3A_565, %ge3A_567 : vector<16xi32>
          %lt3A_569 = arith.constant 8192 : i32
          %lt3A_570 = vector.broadcast %lt3A_569 : i32 to vector<16xi32>
          %lt3A_571 = arith.cmpi slt, %sub3A_565, %lt3A_570 : vector<16xi32>
          %and3A_572 = arith.andi %ge3A_568, %lt3A_571 : vector<16xi1>
          %lt3A_573 = vector.broadcast %multiple_of3A_158 : i32 to vector<16xi32>
          %lt3A_574 = arith.cmpi slt, %add3A_561, %lt3A_573 : vector<16xi32>
          %and3A_575 = arith.andi %and3A_572, %lt3A_574 : vector<16xi1>
          %jit3A_576 = arith.constant 8192 : i32
          %broadcast_in_dim3A_577 = vector.broadcast %jit3A_576 : i32 to vector<16xi32>
          %select_n3A_578 = arith.select %and3A_575, %sub3A_565, %broadcast_in_dim3A_577 : vector<16xi1>, vector<16xi32>
          %swap3A_579 = arith.constant 80 : index
          %swap3A_580 = tpu.vector_load %arg12[%swap3A_579] {strides = array<i32>} : memref<128xi32, #tpu.memory_space<vmem>>, vector<16xi32>,
          tpu.vector_store %arg12[%swap3A_579], %select_n3A_578 {strides = array<i32>} : memref<128xi32, #tpu.memory_space<vmem>>, vector<16xi32>,
          %get3A_581 = arith.constant 224 : index
          %get3A_582 = tpu.vector_load %arg10[%get3A_581] {strides = array<i32>} : memref<256xi32, #tpu.memory_space<vmem>>, vector<16xi32>,
          %add3A_583 = arith.constant 224 : i32
          %add3A_584 = arith.addi %multiple_of3A_209, %add3A_583 : i32
          %iota3A_585 = tpu.iota {dimensions = array<i32: 0>} : vector<16xi32>
          %add3A_586 = vector.broadcast %add3A_584 : i32 to vector<16xi32>
          %add3A_587 = arith.addi %add3A_586, %iota3A_585 : vector<16xi32>
          %add3A_588 = arith.constant 1 : i32
          %add3A_589 = arith.addi %multiple_of3A, %add3A_588 : i32
          %sub3A_590 = vector.broadcast %add3A_589 : i32 to vector<16xi32>
          %sub3A_591 = arith.subi %get3A_582, %sub3A_590 : vector<16xi32>
          %ge3A_592 = arith.constant 0 : i32
          %ge3A_593 = vector.broadcast %ge3A_592 : i32 to vector<16xi32>
          %ge3A_594 = arith.cmpi sge, %sub3A_591, %ge3A_593 : vector<16xi32>
          %lt3A_595 = arith.constant 8192 : i32
          %lt3A_596 = vector.broadcast %lt3A_595 : i32 to vector<16xi32>
          %lt3A_597 = arith.cmpi slt, %sub3A_591, %lt3A_596 : vector<16xi32>
          %and3A_598 = arith.andi %ge3A_594, %lt3A_597 : vector<16xi1>
          %lt3A_599 = vector.broadcast %multiple_of3A_158 : i32 to vector<16xi32>
          %lt3A_600 = arith.cmpi slt, %add3A_587, %lt3A_599 : vector<16xi32>
          %and3A_601 = arith.andi %and3A_598, %lt3A_600 : vector<16xi1>
          %jit3A_602 = arith.constant 8192 : i32
          %broadcast_in_dim3A_603 = vector.broadcast %jit3A_602 : i32 to vector<16xi32>
          %select_n3A_604 = arith.select %and3A_601, %sub3A_591, %broadcast_in_dim3A_603 : vector<16xi1>, vector<16xi32>
          %swap3A_605 = arith.constant 96 : index
          %swap3A_606 = tpu.vector_load %arg12[%swap3A_605] {strides = array<i32>} : memref<128xi32, #tpu.memory_space<vmem>>, vector<16xi32>,
          tpu.vector_store %arg12[%swap3A_605], %select_n3A_604 {strides = array<i32>} : memref<128xi32, #tpu.memory_space<vmem>>, vector<16xi32>,
          %get3A_607 = arith.constant 240 : index
          %get3A_608 = tpu.vector_load %arg10[%get3A_607] {strides = array<i32>} : memref<256xi32, #tpu.memory_space<vmem>>, vector<16xi32>,
          %add3A_609 = arith.constant 240 : i32
          %add3A_610 = arith.addi %multiple_of3A_209, %add3A_609 : i32
          %iota3A_611 = tpu.iota {dimensions = array<i32: 0>} : vector<16xi32>
          %add3A_612 = vector.broadcast %add3A_610 : i32 to vector<16xi32>
          %add3A_613 = arith.addi %add3A_612, %iota3A_611 : vector<16xi32>
          %add3A_614 = arith.constant 1 : i32
          %add3A_615 = arith.addi %multiple_of3A, %add3A_614 : i32
          %sub3A_616 = vector.broadcast %add3A_615 : i32 to vector<16xi32>
          %sub3A_617 = arith.subi %get3A_608, %sub3A_616 : vector<16xi32>
          %ge3A_618 = arith.constant 0 : i32
          %ge3A_619 = vector.broadcast %ge3A_618 : i32 to vector<16xi32>
          %ge3A_620 = arith.cmpi sge, %sub3A_617, %ge3A_619 : vector<16xi32>
          %lt3A_621 = arith.constant 8192 : i32
          %lt3A_622 = vector.broadcast %lt3A_621 : i32 to vector<16xi32>
          %lt3A_623 = arith.cmpi slt, %sub3A_617, %lt3A_622 : vector<16xi32>
          %and3A_624 = arith.andi %ge3A_620, %lt3A_623 : vector<16xi1>
          %lt3A_625 = vector.broadcast %multiple_of3A_158 : i32 to vector<16xi32>
          %lt3A_626 = arith.cmpi slt, %add3A_613, %lt3A_625 : vector<16xi32>
          %and3A_627 = arith.andi %and3A_624, %lt3A_626 : vector<16xi1>
          %jit3A_628 = arith.constant 8192 : i32
          %broadcast_in_dim3A_629 = vector.broadcast %jit3A_628 : i32 to vector<16xi32>
          %select_n3A_630 = arith.select %and3A_627, %sub3A_617, %broadcast_in_dim3A_629 : vector<16xi1>, vector<16xi32>
          %swap3A_631 = arith.constant 112 : index
          %swap3A_632 = tpu.vector_load %arg12[%swap3A_631] {strides = array<i32>} : memref<128xi32, #tpu.memory_space<vmem>>, vector<16xi32>,
          tpu.vector_store %arg12[%swap3A_631], %select_n3A_630 {strides = array<i32>} : memref<128xi32, #tpu.memory_space<vmem>>, vector<16xi32>,
          %dma_wait3A = arith.constant 0 : i32
          %dma_wait3A_633 = tpu.memref_slice %arg9[%dma_wait3A] : memref<256xi32, #tpu.memory_space<vmem>> -> memref<128xi32, #tpu.memory_space<vmem>>
          %dma_wait3A_634 = arith.constant 0 : i32
          %dma_wait3A_635 = arith.constant 0 : i32
          %dma_wait3A_636 = tpu.memref_slice %arg2[%dma_wait3A_634, %dma_wait3A_635] : memref<311296x128xf32, #tpu.memory_space<hbm>> -> memref<311296x128xf32, #tpu.memory_space<hbm>>
          tpu.wait_indirect_dma semaphore(%arg17 : memref<!tpu.dma_semaphore, #tpu.memory_space<semaphore_mem>>) src(%dma_wait3A_636 : memref<311296x128xf32, #tpu.memory_space<hbm>>) dst(%arg13 : memref<128x128xf32, #tpu.memory_space<vmem>>)
          %dma_start3A_637 = arith.constant 0 : i32
          %dma_start3A_638 = arith.constant 0 : i32
          %dma_start3A_639 = tpu.memref_slice %arg16[%dma_start3A_637, %dma_start3A_638] : memref<8200x128xf32, #tpu.memory_space<vmem_shared>> -> memref<8200x128xf32, #tpu.memory_space<vmem_shared>>
          tpu.enqueue_indirect_dma source(%arg13 : memref<128x128xf32, #tpu.memory_space<vmem>>) target(%dma_start3A_639 : memref<8200x128xf32, #tpu.memory_space<vmem_shared>>) offsets(%arg11 : memref<128xi32, #tpu.memory_space<vmem>>) semaphore(%arg18 : memref<!tpu.dma_semaphore, #tpu.memory_space<semaphore_mem>>) {add = true}
          %dma_wait3A_640 = arith.constant 128 : i32
          %dma_wait3A_641 = tpu.memref_slice %arg9[%dma_wait3A_640] : memref<256xi32, #tpu.memory_space<vmem>> -> memref<128xi32, #tpu.memory_space<vmem>>
          %dma_wait3A_642 = arith.constant 0 : i32
          %dma_wait3A_643 = arith.constant 0 : i32
          %dma_wait3A_644 = tpu.memref_slice %arg2[%dma_wait3A_642, %dma_wait3A_643] : memref<311296x128xf32, #tpu.memory_space<hbm>> -> memref<311296x128xf32, #tpu.memory_space<hbm>>
          tpu.wait_indirect_dma semaphore(%arg17 : memref<!tpu.dma_semaphore, #tpu.memory_space<semaphore_mem>>) src(%dma_wait3A_644 : memref<311296x128xf32, #tpu.memory_space<hbm>>) dst(%arg14 : memref<128x128xf32, #tpu.memory_space<vmem>>)
          %dma_start3A_645 = arith.constant 0 : i32
          %dma_start3A_646 = arith.constant 0 : i32
          %dma_start3A_647 = tpu.memref_slice %arg16[%dma_start3A_645, %dma_start3A_646] : memref<8200x128xf32, #tpu.memory_space<vmem_shared>> -> memref<8200x128xf32, #tpu.memory_space<vmem_shared>>
          tpu.enqueue_indirect_dma source(%arg14 : memref<128x128xf32, #tpu.memory_space<vmem>>) target(%dma_start3A_647 : memref<8200x128xf32, #tpu.memory_space<vmem_shared>>) offsets(%arg12 : memref<128xi32, #tpu.memory_space<vmem>>) semaphore(%arg19 : memref<!tpu.dma_semaphore, #tpu.memory_space<semaphore_mem>>) {add = true}
          %dma_wait3A_648 = arith.constant 0 : i32
          %dma_wait3A_649 = arith.constant 0 : i32
          %dma_wait3A_650 = tpu.memref_slice %arg16[%dma_wait3A_648, %dma_wait3A_649] : memref<8200x128xf32, #tpu.memory_space<vmem_shared>> -> memref<8200x128xf32, #tpu.memory_space<vmem_shared>>
          tpu.wait_indirect_dma semaphore(%arg18 : memref<!tpu.dma_semaphore, #tpu.memory_space<semaphore_mem>>) src(%arg13 : memref<128x128xf32, #tpu.memory_space<vmem>>) dst(%dma_wait3A_650 : memref<8200x128xf32, #tpu.memory_space<vmem_shared>>)
          %dma_wait3A_651 = arith.constant 0 : i32
          %dma_wait3A_652 = arith.constant 0 : i32
          %dma_wait3A_653 = tpu.memref_slice %arg16[%dma_wait3A_651, %dma_wait3A_652] : memref<8200x128xf32, #tpu.memory_space<vmem_shared>> -> memref<8200x128xf32, #tpu.memory_space<vmem_shared>>
          tpu.wait_indirect_dma semaphore(%arg19 : memref<!tpu.dma_semaphore, #tpu.memory_space<semaphore_mem>>) src(%arg14 : memref<128x128xf32, #tpu.memory_space<vmem>>) dst(%dma_wait3A_653 : memref<8200x128xf32, #tpu.memory_space<vmem_shared>>)
        }
        %barrier3A_197 = arith.constant 0 : index
        tpu.barrier barrier_id(%barrier3A_197)
        %mul3A_198 = arith.constant 512 : i32
        %mul3A_199 = arith.muli %arg1, %mul3A_198 : i32
        %multiple_of3A_200 = tpu.assume_multiple %mul3A_199, 512 : i32
        %mul3A_201 = arith.constant 512 : i32
        %mul3A_202 = arith.muli %arg1, %mul3A_201 : i32
        %add3A_203 = arith.addi %multiple_of3A, %mul3A_202 : i32
        %multiple_of3A_204 = tpu.assume_multiple %add3A_203, 512 : i32
        "tpu.region"() ({
          %run_scoped3A = tpu.sem_alloc : memref<!tpu.dma_semaphore, #tpu.memory_space<semaphore_mem>>
          %dma_start3A = arith.constant 0 : i32
          %dma_start3A_205 = tpu.memref_slice %arg7[%multiple_of3A_204, %dma_start3A] : memref<106496x128xf32, #tpu.memory_space<hbm>> -> memref<512x128xf32, #tpu.memory_space<hbm>>
          %dma_start3A_206 = arith.constant 0 : i32
          %dma_start3A_207 = tpu.memref_slice %arg16[%multiple_of3A_200, %dma_start3A_206] : memref<8200x128xf32, #tpu.memory_space<vmem_shared>> -> memref<512x128xf32, #tpu.memory_space<vmem_shared>>
          tpu.enqueue_dma source(%dma_start3A_207 : memref<512x128xf32, #tpu.memory_space<vmem_shared>>) target(%dma_start3A_205 : memref<512x128xf32, #tpu.memory_space<hbm>>) target_semaphore(%run_scoped3A : memref<!tpu.dma_semaphore, #tpu.memory_space<semaphore_mem>>)
          %dma_wait3A = arith.constant 0 : i32
          %dma_wait3A_208 = tpu.memref_slice %arg7[%multiple_of3A_204, %dma_wait3A] : memref<106496x128xf32, #tpu.memory_space<hbm>> -> memref<512x128xf32, #tpu.memory_space<hbm>>
          %dma_wait3A_209 = arith.constant 0 : i32
          %dma_wait3A_210 = tpu.memref_slice %arg16[%multiple_of3A_200, %dma_wait3A_209] : memref<8200x128xf32, #tpu.memory_space<vmem_shared>> -> memref<512x128xf32, #tpu.memory_space<vmem_shared>>
          tpu.wait_dma2 semaphore(%run_scoped3A : memref<!tpu.dma_semaphore, #tpu.memory_space<semaphore_mem>>) src(%dma_wait3A_210 : memref<512x128xf32, #tpu.memory_space<vmem_shared>>) dst(%dma_wait3A_208 : memref<512x128xf32, #tpu.memory_space<hbm>>)
          tpu.yield
        }) : () -> ()
      } else {
      }
    }
    %scan3A_7 = arith.constant 7 : i32
    return
  }
}

module attributes {stable_mosaic.version = 14 : i64} {
  func.func @_rank_body(%arg0: i32, %arg1: memref<8x256xi32, #tpu.memory_space<vmem>>, %arg2: memref<8x256xi32, #tpu.memory_space<vmem>>, %arg3: memref<1x32xi32, #tpu.memory_space<vmem>>, %arg4: memref<1x32xf32, #tpu.memory_space<vmem>>) attributes {dimension_semantics = [#tpu.dimension_semantics<arbitrary>], iteration_bounds = array<i64: 293>, scalar_prefetch = 0 : i64, scratch_operands = 1 : i64, tpu.core_type = #tpu.core_type<tc>, window_params = [{transform_indices = @transform_0, window_bounds = array<i64: 8, 256>}, {transform_indices = @transform_1, window_bounds = array<i64: 8, 256>}, {pipeline_mode = #tpu.pipeline_mode<synchronous>, transform_indices = @transform_2, window_bounds = array<i64: 1, 32>}]} {
    %eq3A = arith.constant 0 : i32
    %eq3A_0 = arith.cmpi eq, %arg0, %eq3A : i32
    %convert_element_type3A = arith.extui %eq3A_0 : i1 to i32
    %cond3A = arith.constant 0 : i32
    %cond3A_1 = arith.cmpi ne, %convert_element_type3A, %cond3A : i32
    scf.if %cond3A_1 {
      %broadcast_in_dim3A_56 = arith.constant 0.000000e+00 : f32
      %broadcast_in_dim3A_57 = vector.broadcast %broadcast_in_dim3A_56 : f32 to vector<1x32xf32>
      %swap3A_58 = arith.constant 0 : index
      %swap3A_59 = arith.constant 0 : index
      %swap3A_60 = vector.load %arg4[%swap3A_58, %swap3A_59] : memref<1x32xf32, #tpu.memory_space<vmem>>, vector<1x32xf32>
      tpu.vector_store %arg4[%swap3A_58, %swap3A_59], %broadcast_in_dim3A_57 {strides = array<i32>} : memref<1x32xf32, #tpu.memory_space<vmem>>, vector<1x32xf32>,
    } else {
    }
    %iota3A = tpu.iota {dimensions = array<i32: 0>} : vector<256x256xi32>
    %iota3A_2 = tpu.iota {dimensions = array<i32: 1>} : vector<256x256xi32>
    %lt3A = arith.cmpi slt, %iota3A, %iota3A_2 : vector<256x256xi32>
    %convert_element_type3A_3 = arith.extui %lt3A : vector<256x256xi1> to vector<256x256xi32>
    %convert_element_type3A_4 = arith.sitofp %convert_element_type3A_3 : vector<256x256xi32> to vector<256x256xf32>
    %convert_element_type3A_5 = arith.truncf %convert_element_type3A_4 : vector<256x256xf32> to vector<256x256xbf16>
    %get3A = arith.constant 0 : index
    %get3A_6 = arith.constant 0 : index
    %get3A_7 = vector.load %arg1[%get3A, %get3A_6] : memref<8x256xi32, #tpu.memory_space<vmem>>, vector<8x256xi32>
    %shift_right_logical3A = arith.constant 13 : i32
    %shift_right_logical3A_8 = vector.broadcast %shift_right_logical3A : i32 to vector<8x256xi32>
    %shift_right_logical3A_9 = arith.shrui %get3A_7, %shift_right_logical3A_8 : vector<8x256xi32>
    %min3A = arith.constant 31 : i32
    %min3A_10 = vector.broadcast %min3A : i32 to vector<8x256xi32>
    %min3A_11 = arith.minsi %shift_right_logical3A_9, %min3A_10 : vector<8x256xi32>
    %iota3A_12 = tpu.iota {dimensions = array<i32: 1>} : vector<8x32x256xi32>
    %broadcast_in_dim3A = vector.shape_cast %min3A_11 : vector<8x256xi32> to vector<8x1x256xi32>
    %eq3A_13 = vector.broadcast %broadcast_in_dim3A : vector<8x1x256xi32> to vector<8x32x256xi32>
    %eq3A_14 = arith.cmpi eq, %eq3A_13, %iota3A_12 : vector<8x32x256xi32>
    %convert_element_type3A_15 = arith.extui %eq3A_14 : vector<8x32x256xi1> to vector<8x32x256xi32>
    %convert_element_type3A_16 = arith.sitofp %convert_element_type3A_15 : vector<8x32x256xi32> to vector<8x32x256xf32>
    %reshape3A = vector.shape_cast %eq3A_14 : vector<8x32x256xi1> to vector<256x256xi1>
    %convert_element_type3A_17 = arith.extui %reshape3A : vector<256x256xi1> to vector<256x256xi32>
    %convert_element_type3A_18 = arith.sitofp %convert_element_type3A_17 : vector<256x256xi32> to vector<256x256xf32>
    %convert_element_type3A_19 = arith.truncf %convert_element_type3A_18 : vector<256x256xf32> to vector<256x256xbf16>
    %dot_general3A = arith.constant dense<0.000000e+00> : vector<256x256xf32>
    %dot_general3A_20 = tpu.matmul %convert_element_type3A_19, %convert_element_type3A_5, %dot_general3A {dimension_numbers = #tpu.dot_dimension_numbers<[1], [0], [0], [1], [0, 0, 1, 1], [], []>, transpose_lhs_hint = false} : vector<256x256xbf16>, vector<256x256xbf16>, vector<256x256xf32> -> vector<256x256xf32>
    %reduce_sum3A = arith.constant dense<0.000000e+00> : vector<8x32xf32>
    %reduce_sum3A_21 = vector.multi_reduction <add>, %convert_element_type3A_16, %reduce_sum3A [2] : vector<8x32x256xf32> to vector<8x32xf32>
    %get3A_22 = arith.constant 0 : index
    %get3A_23 = arith.constant 0 : index
    %get3A_24 = vector.load %arg4[%get3A_22, %get3A_23] : memref<1x32xf32, #tpu.memory_space<vmem>>, vector<1x32xf32>
    %slice3A = vector.extract_strided_slice %reduce_sum3A_21 {offsets = [0, 0], sizes = [1, 32], strides = [1, 1]} : vector<8x32xf32> to vector<1x32xf32>
    %add3A = arith.addf %get3A_24, %slice3A : vector<1x32xf32>
    %slice3A_25 = vector.extract_strided_slice %reduce_sum3A_21 {offsets = [1, 0], sizes = [1, 32], strides = [1, 1]} : vector<8x32xf32> to vector<1x32xf32>
    %add3A_26 = arith.addf %add3A, %slice3A_25 : vector<1x32xf32>
    %slice3A_27 = vector.extract_strided_slice %reduce_sum3A_21 {offsets = [2, 0], sizes = [1, 32], strides = [1, 1]} : vector<8x32xf32> to vector<1x32xf32>
    %add3A_28 = arith.addf %add3A_26, %slice3A_27 : vector<1x32xf32>
    %slice3A_29 = vector.extract_strided_slice %reduce_sum3A_21 {offsets = [3, 0], sizes = [1, 32], strides = [1, 1]} : vector<8x32xf32> to vector<1x32xf32>
    %add3A_30 = arith.addf %add3A_28, %slice3A_29 : vector<1x32xf32>
    %slice3A_31 = vector.extract_strided_slice %reduce_sum3A_21 {offsets = [4, 0], sizes = [1, 32], strides = [1, 1]} : vector<8x32xf32> to vector<1x32xf32>
    %add3A_32 = arith.addf %add3A_30, %slice3A_31 : vector<1x32xf32>
    %slice3A_33 = vector.extract_strided_slice %reduce_sum3A_21 {offsets = [5, 0], sizes = [1, 32], strides = [1, 1]} : vector<8x32xf32> to vector<1x32xf32>
    %add3A_34 = arith.addf %add3A_32, %slice3A_33 : vector<1x32xf32>
    %slice3A_35 = vector.extract_strided_slice %reduce_sum3A_21 {offsets = [6, 0], sizes = [1, 32], strides = [1, 1]} : vector<8x32xf32> to vector<1x32xf32>
    %add3A_36 = arith.addf %add3A_34, %slice3A_35 : vector<1x32xf32>
    %slice3A_37 = vector.extract_strided_slice %reduce_sum3A_21 {offsets = [7, 0], sizes = [1, 32], strides = [1, 1]} : vector<8x32xf32> to vector<1x32xf32>
    %add3A_38 = arith.addf %add3A_36, %slice3A_37 : vector<1x32xf32>
    %concatenate3A = tpu.concatenate %get3A_24, %add3A, %add3A_26, %add3A_28, %add3A_30, %add3A_32, %add3A_34, %add3A_36 in 0 : vector<1x32xf32>, vector<1x32xf32>, vector<1x32xf32>, vector<1x32xf32>, vector<1x32xf32>, vector<1x32xf32>, vector<1x32xf32>, vector<1x32xf32> -> vector<8x32xf32>
    %reshape3A_39 = vector.shape_cast %dot_general3A_20 : vector<256x256xf32> to vector<8x32x256xf32>
    %broadcast_in_dim3A_40 = vector.shape_cast %concatenate3A : vector<8x32xf32> to vector<8x32x1xf32>
    %add3A_41 = vector.broadcast %broadcast_in_dim3A_40 : vector<8x32x1xf32> to vector<8x32x256xf32>
    %add3A_42 = arith.addf %reshape3A_39, %add3A_41 : vector<8x32x256xf32>
    %mul3A = arith.mulf %add3A_42, %convert_element_type3A_16 : vector<8x32x256xf32>
    %reduce_sum3A_43 = arith.constant dense<0.000000e+00> : vector<8x256xf32>
    %reduce_sum3A_44 = vector.multi_reduction <add>, %mul3A, %reduce_sum3A_43 [1] : vector<8x32x256xf32> to vector<8x256xf32>
    %convert_element_type3A_45 = arith.fptosi %reduce_sum3A_44 : vector<8x256xf32> to vector<8x256xi32>
    %swap3A = arith.constant 0 : index
    %swap3A_46 = arith.constant 0 : index
    %swap3A_47 = vector.load %arg2[%swap3A, %swap3A_46] : memref<8x256xi32, #tpu.memory_space<vmem>>, vector<8x256xi32>
    tpu.vector_store %arg2[%swap3A, %swap3A_46], %convert_element_type3A_45 {strides = array<i32>} : memref<8x256xi32, #tpu.memory_space<vmem>>, vector<8x256xi32>,
    %swap3A_48 = arith.constant 0 : index
    %swap3A_49 = arith.constant 0 : index
    %swap3A_50 = vector.load %arg4[%swap3A_48, %swap3A_49] : memref<1x32xf32, #tpu.memory_space<vmem>>, vector<1x32xf32>
    tpu.vector_store %arg4[%swap3A_48, %swap3A_49], %add3A_38 {strides = array<i32>} : memref<1x32xf32, #tpu.memory_space<vmem>>, vector<1x32xf32>,
    %eq3A_51 = arith.constant 292 : i32
    %eq3A_52 = arith.cmpi eq, %arg0, %eq3A_51 : i32
    %convert_element_type3A_53 = arith.extui %eq3A_52 : i1 to i32
    %cond3A_54 = arith.constant 0 : i32
    %cond3A_55 = arith.cmpi ne, %convert_element_type3A_53, %cond3A_54 : i32
    scf.if %cond3A_55 {
      %get3A_56 = arith.constant 0 : index
      %get3A_57 = arith.constant 0 : index
      %get3A_58 = vector.load %arg4[%get3A_56, %get3A_57] : memref<1x32xf32, #tpu.memory_space<vmem>>, vector<1x32xf32>
      %convert_element_type3A_59 = arith.fptosi %get3A_58 : vector<1x32xf32> to vector<1x32xi32>
      %swap3A_60 = arith.constant 0 : index
      %swap3A_61 = arith.constant 0 : index
      %swap3A_62 = vector.load %arg3[%swap3A_60, %swap3A_61] : memref<1x32xi32, #tpu.memory_space<vmem>>, vector<1x32xi32>
      tpu.vector_store %arg3[%swap3A_60, %swap3A_61], %convert_element_type3A_59 {strides = array<i32>} : memref<1x32xi32, #tpu.memory_space<vmem>>, vector<1x32xi32>,
    } else {
    }
    return
  }
  func.func @transform_0(%arg0: i32) -> (i32, i32) {
    %c0_i32 = arith.constant 0 : i32
    %c0_i32_0 = arith.constant 0 : i32
    return %arg0, %c0_i32 : i32, i32
  }
  func.func @transform_1(%arg0: i32) -> (i32, i32) {
    %c0_i32 = arith.constant 0 : i32
    %c0_i32_0 = arith.constant 0 : i32
    return %arg0, %c0_i32 : i32, i32
  }
  func.func @transform_2(%arg0: i32) -> (i32, i32) {
    %c0_i32 = arith.constant 0 : i32
    %c0_i32_0 = arith.constant 0 : i32
    %c0_i32_1 = arith.constant 0 : i32
    return %c0_i32, %c0_i32_0 : i32, i32
  }
}

module attributes {stable_mosaic.version = 14 : i64} {
  func.func @_mm_pm_body(%arg0: i32, %arg1: memref<1000x128xf32, #tpu.memory_space<vmem>>, %arg2: memref<128x128xf32, #tpu.memory_space<vmem>>, %arg3: memref<2x1000x128xf32, #tpu.memory_space<vmem>>) attributes {dimension_semantics = [#tpu.dimension_semantics<arbitrary>], iteration_bounds = array<i64: 100>, scalar_prefetch = 0 : i64, scratch_operands = 0 : i64, tpu.core_type = #tpu.core_type<tc>, window_params = [{transform_indices = @transform_0, window_bounds = array<i64: 1000, 128>}, {pipeline_mode = #tpu.pipeline_mode<synchronous>, transform_indices = @transform_1, window_bounds = array<i64: 128, 128>}, {transform_indices = @transform_2, window_bounds = array<i64: 2, 1000, 128>}]} {
    %get3A = arith.constant 0 : index
    %get3A_0 = arith.constant 0 : index
    %get3A_1 = vector.load %arg1[%get3A, %get3A_0] : memref<1000x128xf32, #tpu.memory_space<vmem>>, vector<1000x128xf32>
    %get3A_2 = arith.constant 0 : index
    %get3A_3 = arith.constant 0 : index
    %get3A_4 = vector.load %arg2[%get3A_2, %get3A_3] : memref<128x128xf32, #tpu.memory_space<vmem>>, vector<128x128xf32>
    %dot_general3A = arith.constant dense<0.000000e+00> : vector<1000x128xf32>
    %dot_general3A_5 = tpu.matmul %get3A_1, %get3A_4, %dot_general3A {dimension_numbers = #tpu.dot_dimension_numbers<[1], [0], [0], [1], [0, 0, 1, 1], [], []>, transpose_lhs_hint = false} : vector<1000x128xf32>, vector<128x128xf32>, vector<1000x128xf32> -> vector<1000x128xf32>
    %swap3A = arith.constant 0 : index
    %swap3A_6 = arith.constant 0 : index
    %swap3A_7 = arith.constant 0 : index
    %swap3A_8 = vector.load %arg3[%swap3A, %swap3A_6, %swap3A_7] : memref<2x1000x128xf32, #tpu.memory_space<vmem>>, vector<1x1000x128xf32>
    %swap3A_9 = vector.shape_cast %swap3A_8 : vector<1x1000x128xf32> to vector<1000x128xf32>
    %swap3A_10 = vector.shape_cast %dot_general3A_5 : vector<1000x128xf32> to vector<1x1000x128xf32>
    tpu.vector_store %arg3[%swap3A, %swap3A_6, %swap3A_7], %swap3A_10 {strides = array<i32>} : memref<2x1000x128xf32, #tpu.memory_space<vmem>>, vector<1x1000x128xf32>,
    %neg3A = arith.constant 0.000000e+00 : f32
    %neg3A_11 = vector.broadcast %neg3A : f32 to vector<1000x128xf32>
    %neg3A_12 = arith.subf %neg3A_11, %dot_general3A_5 : vector<1000x128xf32>
    %swap3A_13 = arith.constant 1 : index
    %swap3A_14 = arith.constant 0 : index
    %swap3A_15 = arith.constant 0 : index
    %swap3A_16 = vector.load %arg3[%swap3A_13, %swap3A_14, %swap3A_15] : memref<2x1000x128xf32, #tpu.memory_space<vmem>>, vector<1x1000x128xf32>
    %swap3A_17 = vector.shape_cast %swap3A_16 : vector<1x1000x128xf32> to vector<1000x128xf32>
    %swap3A_18 = vector.shape_cast %neg3A_12 : vector<1000x128xf32> to vector<1x1000x128xf32>
    tpu.vector_store %arg3[%swap3A_13, %swap3A_14, %swap3A_15], %swap3A_18 {strides = array<i32>} : memref<2x1000x128xf32, #tpu.memory_space<vmem>>, vector<1x1000x128xf32>,
    return
  }
  func.func @transform_0(%arg0: i32) -> (i32, i32) {
    %c0_i32 = arith.constant 0 : i32
    %c0_i32_0 = arith.constant 0 : i32
    return %arg0, %c0_i32 : i32, i32
  }
  func.func @transform_1(%arg0: i32) -> (i32, i32) {
    %c0_i32 = arith.constant 0 : i32
    %c0_i32_0 = arith.constant 0 : i32
    %c0_i32_1 = arith.constant 0 : i32
    return %c0_i32, %c0_i32_0 : i32, i32
  }
  func.func @transform_2(%arg0: i32) -> (i32, i32, i32) {
    %c0_i32 = arith.constant 0 : i32
    %c0_i32_0 = arith.constant 0 : i32
    %c0_i32_1 = arith.constant 0 : i32
    return %c0_i32, %arg0, %c0_i32_0 : i32, i32, i32
  }
}

module attributes {stable_mosaic.version = 14 : i64} {
  func.func @_mm_pm_body(%arg0: i32, %arg1: memref<512x128xf32, #tpu.memory_space<vmem>>, %arg2: memref<128x128xf32, #tpu.memory_space<vmem>>, %arg3: memref<2x512x128xf32, #tpu.memory_space<vmem>>) attributes {dimension_semantics = [#tpu.dimension_semantics<arbitrary>], iteration_bounds = array<i64: 304>, scalar_prefetch = 0 : i64, scratch_operands = 0 : i64, tpu.core_type = #tpu.core_type<tc>, window_params = [{transform_indices = @transform_0, window_bounds = array<i64: 512, 128>}, {pipeline_mode = #tpu.pipeline_mode<synchronous>, transform_indices = @transform_1, window_bounds = array<i64: 128, 128>}, {transform_indices = @transform_2, window_bounds = array<i64: 2, 512, 128>}]} {
    %get3A = arith.constant 0 : index
    %get3A_0 = arith.constant 0 : index
    %get3A_1 = vector.load %arg1[%get3A, %get3A_0] : memref<512x128xf32, #tpu.memory_space<vmem>>, vector<512x128xf32>
    %logistic3A = arith.negf %get3A_1 : vector<512x128xf32>
    %logistic3A_2 = math.exp %logistic3A : vector<512x128xf32>
    %logistic3A_3 = arith.constant 1.000000e+00 : f32
    %logistic3A_4 = vector.broadcast %logistic3A_3 : f32 to vector<512x128xf32>
    %logistic3A_5 = arith.addf %logistic3A_4, %logistic3A_2 : vector<512x128xf32>
    %logistic3A_6 = arith.divf %logistic3A_4, %logistic3A_5 : vector<512x128xf32>
    %get3A_7 = arith.constant 0 : index
    %get3A_8 = arith.constant 0 : index
    %get3A_9 = vector.load %arg2[%get3A_7, %get3A_8] : memref<128x128xf32, #tpu.memory_space<vmem>>, vector<128x128xf32>
    %dot_general3A = arith.constant dense<0.000000e+00> : vector<512x128xf32>
    %dot_general3A_10 = tpu.matmul %logistic3A_6, %get3A_9, %dot_general3A {dimension_numbers = #tpu.dot_dimension_numbers<[1], [0], [0], [1], [0, 0, 1, 1], [], []>, transpose_lhs_hint = false} : vector<512x128xf32>, vector<128x128xf32>, vector<512x128xf32> -> vector<512x128xf32>
    %swap3A = arith.constant 0 : index
    %swap3A_11 = arith.constant 0 : index
    %swap3A_12 = arith.constant 0 : index
    %swap3A_13 = vector.load %arg3[%swap3A, %swap3A_11, %swap3A_12] : memref<2x512x128xf32, #tpu.memory_space<vmem>>, vector<1x512x128xf32>
    %swap3A_14 = vector.shape_cast %swap3A_13 : vector<1x512x128xf32> to vector<512x128xf32>
    %swap3A_15 = vector.shape_cast %dot_general3A_10 : vector<512x128xf32> to vector<1x512x128xf32>
    tpu.vector_store %arg3[%swap3A, %swap3A_11, %swap3A_12], %swap3A_15 {strides = array<i32>} : memref<2x512x128xf32, #tpu.memory_space<vmem>>, vector<1x512x128xf32>,
    %neg3A = arith.constant 0.000000e+00 : f32
    %neg3A_16 = vector.broadcast %neg3A : f32 to vector<512x128xf32>
    %neg3A_17 = arith.subf %neg3A_16, %dot_general3A_10 : vector<512x128xf32>
    %swap3A_18 = arith.constant 1 : index
    %swap3A_19 = arith.constant 0 : index
    %swap3A_20 = arith.constant 0 : index
    %swap3A_21 = vector.load %arg3[%swap3A_18, %swap3A_19, %swap3A_20] : memref<2x512x128xf32, #tpu.memory_space<vmem>>, vector<1x512x128xf32>
    %swap3A_22 = vector.shape_cast %swap3A_21 : vector<1x512x128xf32> to vector<512x128xf32>
    %swap3A_23 = vector.shape_cast %neg3A_17 : vector<512x128xf32> to vector<1x512x128xf32>
    tpu.vector_store %arg3[%swap3A_18, %swap3A_19, %swap3A_20], %swap3A_23 {strides = array<i32>} : memref<2x512x128xf32, #tpu.memory_space<vmem>>, vector<1x512x128xf32>,
    return
  }
  func.func @transform_0(%arg0: i32) -> (i32, i32) {
    %c0_i32 = arith.constant 0 : i32
    %c0_i32_0 = arith.constant 0 : i32
    return %arg0, %c0_i32 : i32, i32
  }
  func.func @transform_1(%arg0: i32) -> (i32, i32) {
    %c0_i32 = arith.constant 0 : i32
    %c0_i32_0 = arith.constant 0 : i32
    %c0_i32_1 = arith.constant 0 : i32
    return %c0_i32, %c0_i32_0 : i32, i32
  }
  func.func @transform_2(%arg0: i32) -> (i32, i32, i32) {
    %c0_i32 = arith.constant 0 : i32
    %c0_i32_0 = arith.constant 0 : i32
    %c0_i32_1 = arith.constant 0 : i32
    return %c0_i32, %arg0, %c0_i32_0 : i32, i32, i32
  }
}

module attributes {stable_mosaic.version = 14 : i64} {
  func.func @_sigmoid_body(%arg0: i32, %arg1: memref<1000x128xf32, #tpu.memory_space<vmem>>, %arg2: memref<1000x128xf32, #tpu.memory_space<vmem>>) attributes {dimension_semantics = [#tpu.dimension_semantics<arbitrary>], iteration_bounds = array<i64: 100>, scalar_prefetch = 0 : i64, scratch_operands = 0 : i64, tpu.core_type = #tpu.core_type<tc>, window_params = [{transform_indices = @transform_0, window_bounds = array<i64: 1000, 128>}, {transform_indices = @transform_1, window_bounds = array<i64: 1000, 128>}]} {
    %get3A = arith.constant 0 : index
    %get3A_0 = arith.constant 0 : index
    %get3A_1 = vector.load %arg1[%get3A, %get3A_0] : memref<1000x128xf32, #tpu.memory_space<vmem>>, vector<1000x128xf32>
    %logistic3A = arith.negf %get3A_1 : vector<1000x128xf32>
    %logistic3A_2 = math.exp %logistic3A : vector<1000x128xf32>
    %logistic3A_3 = arith.constant 1.000000e+00 : f32
    %logistic3A_4 = vector.broadcast %logistic3A_3 : f32 to vector<1000x128xf32>
    %logistic3A_5 = arith.addf %logistic3A_4, %logistic3A_2 : vector<1000x128xf32>
    %logistic3A_6 = arith.divf %logistic3A_4, %logistic3A_5 : vector<1000x128xf32>
    %swap3A = arith.constant 0 : index
    %swap3A_7 = arith.constant 0 : index
    %swap3A_8 = vector.load %arg2[%swap3A, %swap3A_7] : memref<1000x128xf32, #tpu.memory_space<vmem>>, vector<1000x128xf32>
    tpu.vector_store %arg2[%swap3A, %swap3A_7], %logistic3A_6 {strides = array<i32>} : memref<1000x128xf32, #tpu.memory_space<vmem>>, vector<1000x128xf32>,
    return
  }
  func.func @transform_0(%arg0: i32) -> (i32, i32) {
    %c0_i32 = arith.constant 0 : i32
    %c0_i32_0 = arith.constant 0 : i32
    return %arg0, %c0_i32 : i32, i32
  }
  func.func @transform_1(%arg0: i32) -> (i32, i32) {
    %c0_i32 = arith.constant 0 : i32
    %c0_i32_0 = arith.constant 0 : i32
    return %arg0, %c0_i32 : i32, i32
  }
}

</mosaic_0001>

<sc_bundles>
// kernel: kernel.11.cloned.1.call-start
scs
__scs_entry_jumppad:
0x0: {  	(pc) =	sbr.rel $0x88, $3  }
0x1: {  	(tag) =	ssettag $0x0;
	lr =	simm.s32 $0x1  }
0x2: {  	[smem:$0x3F9B] =	sst lr;
	_ =	strace $0xD0000000  }
0x3: {  	_ = 	snop  }
0x4: {  	_ = 	snop  }
0x5: {  	_ = 	snop  }
0x6: {  	_ = 	snop  }
0x7: {  	_ = 	snop  }
__scs_overlays_trampoline_lowered:
0x8: {  	[smem:$0x3FAA] =	sst s0  }
0x9: {  	[smem:$0x3FAB] =	sst s1  }
0xa: {  	[smem:$0x3FAC] =	sst s2  }
0xb: {  	[smem:$0x3FAD] =	sst s3  }
0xc: {  	[smem:$0x3FAE] =	sst s4  }
0xd: {  	[smem:$0x3FAF] =	sst s5  }
0xe: {  	[smem:$0x3FB0] =	sst s6  }
0xf: {  	[smem:$0x3FB1] =	sst s7  }
0x10: {  	[smem:$0x3FB2] =	sst s8  }
0x11: {  	[smem:$0x3FB3] =	sst s9;
	s0 =	simm.s32 @!p0 $0x0  }
0x12: {  	s1 =	sld [smem:$0x3F99];
	s0 =	simm.s32 @p0 $0x1  }
0x13: {  	[smem:$0x3FB4] =	sst s0;
	s0 =	simm.s32 @!p1 $0x0  }
0x14: {  	s2 =	sld [smem:$0x3F98];
	s0 =	simm.s32 @p1 $0x1  }
0x15: {  	[smem:$0x3FB5] =	sst s0;
	s0 =	simm.s32 @!p2 $0x0  }
0x16: {  	s3 =	sld [smem:$0x3FDB];
	s0 =	simm.s32 @p2 $0x1  }
0x17: {  	s4 =	simm.s32 $0x1BF5;
	[smem:$0x3FB7] =	sst s0  }
0x18: {  	s0 =	sld [smem:$0x3F9A];
	_ =	swait.ge [sflag:s4], $0x0  }
0x19: {  	s7 =	sld [smem:$0x3F9B]  }
0x1a: {  	s8 =	sadd.s32 $0xFFFFE003, lr  }
0x1b: {  	s9 =	sadd.s32 $0xFFFFFEF7, lr;
	s5 =	simm.s32 $0xFFFFFFFF;
	p2 =	slt.u32 s8, $0xFFFFF086  }
0x1c: {  	p1 =	slt.u32 s9, $0xF7A;
	s5 =	simm.s32 @!p2 $0x0  }
0x1d: {  	s5 =	simm.s32 @p1 $0x1;
	p0 =	seq.s32 s7, s2  }
0x1e: {  	s7 =	smul.u32 @!p0 $0xF7A, s2;
	p2 =	seq.s32 @!p0 s5, $0x0  }
0x1f: {  	s9 =	smul.u32 $0xF7A, s1;
	s8 =	simm.s32 @!p0 $0x1BF5;
	p2 =	por !p2, p0  }
0x20: {  	[sflag:s8] =	ssyncset.s32 @!p0 $0xFFFFF086;
	s6 =	sadd.s32 @!p0 s3, s7;
	s7 =	simm.s32 @!p0 $0x108  }
0x21: {  	s3 =	sadd.s32 s3, s9;
	s6 =	sadd.s32 @!p0 $0x88, s6;
	s7 =	simm.s32 @p2 $0x1082  }
0x22: {  	[simem:s7], [sflag:s8] =	dma.local @!p0 [hbm:s6], $0xF7A  }
0x23: {  	s9 =	sor.u32 $0xD0000000, s2;
	s6 =	simm.s32 $0x108;
	_ =	swait.ge @!p0 [sflag:s8], $0x0  }
0x24: {  	s3 =	sadd.s32 $0x88, s3;
	s6 =	simm.s32 @!p1 $0x1082;
	[sflag:s4] =	ssyncset.s32 $0xFFFFF086  }
0x25: {  	[simem:s6], [sflag:s4] =	dma.local [hbm:s3], $0xF7A  }
0x26: {  	[smem:$0x3F9B] =	sst s1;
	(tag) =	ssettag s2;
	_ =	strace s9  }
0x27: {  	s1 =	sld [smem:$0x3FAB]  }
0x28: {  	s2 =	sld [smem:$0x3FAC]  }
0x29: {  	s4 =	sld [smem:$0x3FAE]  }
0x2a: {  	p0 =	seq.s32 s5, $0x0;
	s5 =	sld [smem:$0x3FAF]  }
0x2b: {  	s6 =	sld [smem:$0x3FB0]  }
0x2c: {  	s7 =	sld [smem:$0x3FB1]  }
0x2d: {  	s3 =	simm.s32 $0x108;
	s8 =	sld [smem:$0x3FB2]  }
0x2e: {  	s3 =	simm.s32 @!p0 $0x1082;
	s9 =	sld [smem:$0x3FB3]  }
0x2f: {  	lr =	sadd.s32 s0, s3;
	s0 =	sld [smem:$0x3FAA]  }
0x30: {  	s3 =	sld [smem:$0x3FAD]  }
0x31: {  	[smem:$0x3FB6] =	sst s10  }
0x32: {  	s10 =	sld [smem:$0x3FB4];
	_ =	sdelay $0x3  }
0x33: {  	p0 =	seq.s32 s10, $0x1;
	s10 =	sld [smem:$0x3FB6];
	_ =	sdelay $0x3  }
0x34: {  	[smem:$0x3FB6] =	sst s10  }
0x35: {  	s10 =	sld [smem:$0x3FB5];
	_ =	sdelay $0x3  }
0x36: {  	p1 =	seq.s32 s10, $0x1;
	s10 =	sld [smem:$0x3FB6];
	_ =	sdelay $0x3  }
0x37: {  	[smem:$0x3FB6] =	sst s10  }
0x38: {  	s10 =	sld [smem:$0x3FB7]  }
0x39: {  	_ = 	snop;
	(pc) =	sbr.ind lr, $3  }
0x3a: {  	_ = 	snop  }
0x3b: {  	_ = 	snop  }
0x3c: {  	p2 =	seq.s32 s10, $0x1;
	s10 =	sld [smem:$0x3FB6]  }
0x3d: {  	_ =	shalt  }
0x3e: {  	_ =	shalt  }
0x3f: {  	_ =	shalt  }
0x40: {  	_ =	shalt  }
0x41: {  	_ =	shalt  }
0x42: {  	_ =	shalt  }
0x43: {  	_ =	shalt  }
0x44: {  	_ =	shalt  }
0x45: {  	_ =	shalt  }
0x46: {  	_ =	shalt  }
0x47: {  	_ =	shalt  }
0x48: {  	_ =	shalt  }
0x49: {  	_ =	shalt  }
0x4a: {  	_ =	shalt  }
0x4b: {  	_ =	shalt  }
0x4c: {  	_ =	shalt  }
0x4d: {  	_ =	shalt  }
0x4e: {  	_ =	shalt  }
0x4f: {  	_ =	shalt  }
0x50: {  	_ =	shalt  }
0x51: {  	_ =	shalt  }
0x52: {  	_ =	shalt  }
0x53: {  	_ =	shalt  }
0x54: {  	_ =	shalt  }
0x55: {  	_ =	shalt  }
0x56: {  	_ =	shalt  }
0x57: {  	_ =	shalt  }
0x58: {  	_ =	shalt  }
0x59: {  	_ =	shalt  }
0x5a: {  	_ =	shalt  }
0x5b: {  	_ =	shalt  }
0x5c: {  	_ =	shalt  }
0x5d: {  	_ =	shalt  }
0x5e: {  	_ =	shalt  }
0x5f: {  	_ =	shalt  }
0x60: {  	_ =	shalt  }
0x61: {  	_ =	shalt  }
0x62: {  	_ =	shalt  }
0x63: {  	_ =	shalt  }
0x64: {  	_ =	shalt  }
0x65: {  	_ =	shalt  }
0x66: {  	_ =	shalt  }
0x67: {  	_ =	shalt  }
0x68: {  	_ =	shalt  }
0x69: {  	_ =	shalt  }
0x6a: {  	_ =	shalt  }
0x6b: {  	_ =	shalt  }
0x6c: {  	_ =	shalt  }
0x6d: {  	_ =	shalt  }
0x6e: {  	_ =	shalt  }
0x6f: {  	_ =	shalt  }
0x70: {  	_ =	shalt  }
0x71: {  	_ =	shalt  }
0x72: {  	_ =	shalt  }
0x73: {  	_ =	shalt  }
0x74: {  	_ =	shalt  }
0x75: {  	_ =	shalt  }
0x76: {  	_ =	shalt  }
0x77: {  	_ =	shalt  }
0x78: {  	_ =	shalt  }
0x79: {  	_ =	shalt  }
0x7a: {  	_ =	shalt  }
0x7b: {  	_ =	shalt  }
0x7c: {  	_ =	shalt  }
0x7d: {  	_ =	shalt  }
0x7e: {  	_ =	shalt  }
0x7f: {  	_ =	shalt  }
0x80: {  	_ =	shalt  }
0x81: {  	_ =	shalt  }
0x82: {  	_ =	shalt  }
0x83: {  	_ =	shalt  }
0x84: {  	_ =	shalt  }
0x85: {  	_ =	shalt  }
0x86: {  	_ =	shalt  }
0x87: {  	_ =	shalt  }
.Lfunc_end0:
.L_simem_size_0:
called_computation.3_lowered:
.L_overlay_start_0:
0x88: {  	s2 =	sld [smem:$0x3FD9]  }
0x89: {  	s3 =	sld [smem:$0x3FFE];
	_ =	sdelay $0x1  }
0x8a: {  	s1 =	srdreg.scid  }
0x8b: {  	s0 =	sand.u32 $0x1, s1  }
0x8c: {  	s17 =	sshll.u32 s0, $0xA;
	s2 =	sadd.s32 s3, s2  }
0x8d: {  	s2 =	sadd.s32 s2, s17  }
0x8e: {  	[smem:$0x3FC2] =	sst s2  }
0x8f: {  	_ = 	snop  }
0x90: {  	s2 =	sld [smem:$0x3FD0];
	(tm) =	ssettm $0x1  }
0x91: {  	s18 =	sld [smem:$0x3FFB];
	_ =	sdelay $0x3  }
0x92: {  	_ =	strace s18  }
0x93: {  	s3 =	sld [smem:$0x3FFC];
	_ =	sdelay $0x3  }
0x94: {  	_ =	strace s3  }
0x95: {  	s3 =	sld [smem:$0x3FFD];
	_ =	sdelay $0x3  }
0x96: {  	_ =	strace s3  }
0x97: {  	_ =	strace $0x8FFFFFFF  }
0x98: {  	s19 =	sld [smem:$0x3FDB];
	_ =	sdelay $0x1  }
0x99: {  	s4 =	simm.s32 $_scs_section_size  }
0x9a: {  	s5 =	simm.s32 $_size__tile_overlayer_lowered;
	s6 =	simm.s32 $_tile_overlayer_lowered  }
0x9b: {  	s22 =	simm.s32 $0x1BFF;
	s21 =	sshll.u32 s6, $0x1;
	s3 =	sadd.s32 s4, s19  }
0x9c: {  	s7 =	simm.s32 $0x0;
	s20 =	sshll.u32 s5, $0x1;
	s5 =	sadd.s32 s21, s3  }
0x9d: {  	[timem:s7], [sflag:s22] =	dma.local [hbm:s5], s20  }
0x9e: {  	_ =	swait.ge [sflag:s22], s20  }
0x9f: {  	s4 =	ssub.s32 $0x0, s20;
	[sflag:s22] =	ssyncset.done $0x0  }
0xa0: {  	[sflag:s22] =	ssyncadd.s32 s4;
	_ =	sdelay $0x1  }
0xa1: {  	s23 =	simm.s32 $0x1B8B  }
0xa2: {  	_ =	swait.ge [sflag:s23], $0x1  }
0xa3: {  	[sflag:s23] =	ssyncset.done $0x0  }
0xa4: {  	s25 =	simm.s32 $0x1B8E;
	s24 =	sld [smem:$0x3FFE];
	[sflag:s23] =	ssyncadd.s32 $0xFFFFFFFF  }
0xa5: {  	s26 =	simm.s32 $execute0_lowered;
	[smem:$0x3FD2] =	sst s25  }
0xa6: {  	s5 =	sshll.u32 s26, $0x1;
	_ =	strace $0x80000055;
	[dreg:$0x1] =	wrdreg $0xFFFFFFFF  }
0xa7: {  	s28 =	simm.s32 $_size_execute0_lowered;
	s3 =	sadd.s32 s3, s5;
	[dreg:$0x0] =	wrdreg $0x0  }
0xa8: {  	s5 =	sshll.u32 s28, $0x1;
	[dreg:$0x2] =	wrdreg s3  }
0xa9: {  	[dreg:$0x3] =	wrdreg s5  }
0xaa: {  	[dreg:$0x4] =	wrdreg $0xC0  }
0xab: {  	_ =	task [dreg:s7], $0x5FFFF  }
0xac: {  	[dreg:$0x1] =	wrdreg $0xFFFFFFFF  }
0xad: {  	[dreg:$0x0] =	wrdreg $0x60  }
0xae: {  	[dreg:$0x2] =	wrdreg s24  }
0xaf: {  	[dreg:$0x3] =	wrdreg s2  }
0xb0: {  	[dreg:$0x4] =	wrdreg $0xC3800  }
0xb1: {  	[dreg:$0x5] =	wrdreg $0x9  }
0xb2: {  	_ =	task.clear_ibuf [dreg:s7], $0x6FFFF;
	_ =	strace $0x90000055  }
0xb3: {  	s29 =	simm.s32 $0x9;
	_ =	strace $0x80000057  }
0xb4: {  	_ =	swait.ge [sflag:s29], $0x1  }
0xb5: {  	[sflag:s29] =	ssyncadd.s32 $0xFFFFFFFF  }
0xb6: {  	_ =	strace $0x90000057  }
0xb7: {  	_ =	sfence  }
0xb8: {  	s30 =	sld [smem:$0x0];
	_ =	sdelay $0x2  }
0xb9: {  	s31 =	sshll.u32 s1, $0xD;
	s1 =	sshrl.u32 s1, $0x2  }
0xba: {  	s3 =	sand.u32 $0x4000, s31;
	s1 =	sadd.s32 s1, s30  }
0xbb: {  	s0 =	sor.u32 s3, s0;
	s1 =	sshll.u32 s1, $0x11  }
0xbc: {  	s0 =	sor.u32 s1, s0  }
0xbd: {  	s0 =	sadd.s32 $0x8F2B, s0  }
0xbe: {  	[sflag:s0] =	ssyncadd.remote.s32 $0x1  }
0xbf: {  	_ =	sfence.sel $0xFFFF  }
0xc0: {  	[dreg:$0x0] =	wrdreg $0xFFFFFFFF;
	(pc) =	sbr.abs _section_cstart, $3  }
0xc1: {  	[dreg:$0x1] =	wrdreg $0xFFFFFFFF  }
0xc2: {  	_ =	task.clear_ibuf [dreg:s7], $0x2FFFF;
	_ =	strace $0x9FFFFFFF  }
0xc3: {  	(tm) =	ssettm $0x7FFFFFFF  }
tec
execute0_lowered:
.L_overlay_start_1:
0x0: {  	(tag) =	ssettag $0x1  }
0x1: {  	s0 =	rddreg [dreg:$0x0]  }
0x2: {  	s2 =	rddreg [dreg:$0x2];
	s3 =	simm.s32 $0x0;
	s6 =	srdreg.scid  }
0x3: {  	s14 =	stileid.u32;
	s15 =	simm.s32 $0x4;
	s16 =	simm.s32 $0x8380  }
0x4: {  	s17 =	simm.s32 $0x5;
	s30 =	simm.s32 $0x180;
	s18 =	simm.s32 $0x1  }
0x5: {  	s31 =	simm.s32 $0x100;
	s19 =	simm.s32 $0x80;
	s20 =	simm.s32 $0x380  }
0x6: {  	s21 =	simm.s32 $0x4380;
	s22 =	simm.s32 $0x280;
	s23 =	simm.s32 $0x300  }
0x7: {  	s24 =	simm.s32 $0x2;
	[smem:$0x7FF] =	sst s3;
	s4 =	sadd.s32 $0x5CD000, s0  }
0x8: {  	s1 =	sadd.s32 $0x28A00, s0;
	s25 =	sadd.s32 $0x35AA00, s0;
	s6 =	sand.u32 $0x1, s6  }
0x9: {  	s26 =	sadd.s32 $0x3B000, s0;
	_ =	strace $0x80000056;
	[dreg:$0x4] =	wrdreg s1  }
0xa: {  	s7 =	sshll.u32 s14, $0x10;
	s9 =	sshll.u32 s14, $0xD;
	[dreg:$0x5] =	wrdreg s25  }
0xb: {  	s12 =	sadd.s32 $0x1, s14;
	[dreg:$0x8] =	wrdreg s26;
	s28 =	ssub.s32 $0x2, s6  }
.Ltmp0:
0xc: {  	s8 =	sadd.s32 s7, s2;
	[dreg:$0x6] =	wrdreg s30;
	(pc) =	sbr.rel .LBB2_1-.Ltmp0, $4  }
0xd: {  	s0 =	sadd.s32 s9, s0;
	[dreg:$0x7] =	wrdreg s31;
	s10 =	sshrl.u32 s28, $0x1  }
0xe: {  	s25 =	simm.s32 $0x3;
	s9 =	sadd.s32 $0x4000, s8;
	s1 =	ssub.s32 s28, s10  }
0xf: {  	s11 =	sadd.s32 $0xC000, s8;
	s13 =	sadd.s32 $0x36D000, s0;
	s29 =	smax.u32 s1, $0x1  }
0x10: {  	v0 =	vlaneseq.u32;
	s10 =	sadd.s32 $0x8000, s8;
	s1 =	simm.s32 $0x0;
	[dreg:$0x9] =	wrdreg s29  }
.LBB2_9:
0x11: {  	s1 =	rddreg [dreg:$0xa]  }
0x12: {  	s0 =	rddreg [dreg:$0x9];
	s1 =	sadd.s32 $0x1, s1  }
0x13: {  	p0 =	sne.s32 s1, s0  }
.Ltmp1:
0x14: {  	_ = 	snop;
	(pc) =	sbr.rel @!p0 .LBB2_10-.Ltmp1, $1  }
0x15: {  	_ =	sdelay $0x3  }
.LBB2_1:
0x16: {  	[dreg:$0xa] =	wrdreg s1  }
0x17: {  	s0 =	rddreg [dreg:$0x8]  }
0x18: {  	[tilespmem:s3], [sflag:$0x4] =	stream.linear.gather [hbm4b:s0+s3], $0x80, $0x38;
	[tilespmem:$0x1C3C0] =	vst v63  }
0x19: {  	_ =	swait.ge [sflag:s15], $0x80  }
0x1a: {  	[sflag:s15] =	ssyncset.done $0x0  }
0x1b: {  	[sflag:s15] =	ssyncadd.s32 $0xFFFFFF80  }
0x1c: {  	s31 =	rddreg [dreg:$0x1]  }
0x1d: {  	[tilespmem:s16], [sflag:$0x4] =	stream.linear.gather [hbm4b:s31+s3], $0x4000, $0x38;
	[tilespmem:$0x1C3C0] =	vst v63  }
0x1e: {  	_ =	swait.ge [sflag:s15], $0x4000  }
0x1f: {  	[sflag:s15] =	ssyncset.done $0x0  }
0x20: {  	[sflag:s15] =	ssyncadd.s32 $0xFFFFC000  }
0x21: {  	v1 =	vld [tilespmem:$0x0]  }
.Ltmp2:
0x22: {  	_ = 	snop;
	(pc) =	sbr.rel .LBB2_2-.Ltmp2, $2  }
0x23: {  	_ =	sdelay $0x2  }
0x24: {  	s28 =	simm.s32 $0x0;
	v1 =	vxor.u32 $0x80000000, v1  }
.LBB2_6:
0x25: {  	s1 =	sadd.s32 s1, s0  }
0x26: {  	[tilespmem:s19], [sflag:$0x5] =	stream.linear.gather [hbm4b:s1+s3], $0x100, $0x38;
	[tilespmem:$0x1C3C0] =	vst v63  }
0x27: {  	_ =	swait.ge [sflag:s17], $0x100  }
0x28: {  	s26 =	rddreg [dreg:$0x5];
	[sflag:s17] =	ssyncset.done $0x0  }
0x29: {  	s5 =	rddreg [dreg:$0x6];
	[sflag:s17] =	ssyncadd.s32 $0xFFFFFF00;
	s30 =	sadd.s32 s26, s0  }
0x2a: {  	[tilespmem:s5], [sflag:$0x5] =	stream.linear.gather [hbm4b:s30+s3], $0x100, $0x38;
	[tilespmem:$0x1C3C0] =	vst v63  }
0x2b: {  	_ =	swait.ge [sflag:s17], $0x100  }
0x2c: {  	[sflag:s17] =	ssyncset.done $0x0  }
0x2d: {  	[sflag:s17] =	ssyncadd.s32 $0xFFFFFF00  }
0x2e: {  	[tilespmem:s20], [sflag:$0x1] =	stream.indirect.gather [hbm4b:s4+s19], $0x80, s19, s19, $0xb8;
	[tilespmem:$0x1C3C0] =	vst v63  }
0x2f: {  	s31 =	rddreg [dreg:$0x7]  }
0x30: {  	[tilespmem:s21], [sflag:$0x1] =	stream.indirect.gather [hbm4b:s4+s19], $0x80, s31, s19, $0xb8;
	[tilespmem:$0x1C3C0] =	vst v63  }
0x31: {  	v20 =	vld [tilespmem:$0x1D0]  }
0x32: {  	vm1 =	vlt.s32 v18, v2;
	v21 =	vld [tilespmem:$0x210]  }
0x33: {  	vm0 =	vlt.s32 v19, v2;
	vm2 =	vlt.s32 v13, v2;
	vm3 =	vlt.s32 v17, v2;
	v22 =	vld [tilespmem:$0x190]  }
0x34: {  	vm6 =	vlt.s32 v11, v2;
	vm5 =	vlt.s32 v16, v2;
	vm8 =	vlt.s32 v7, v2;
	v37 =	vld [tilespmem:$0x1E0]  }
0x35: {  	vm4 =	vlt.s32 v14, v2;
	vm7 =	vlt.s32 v15, v2;
	vm10 =	vlt.s32 v8, v2;
	v38 =	vld [tilespmem:$0x200]  }
0x36: {  	vm11 =	vlt.s32 v10, v2;
	vm9 =	vlt.s32 v12, v2;
	vm12 =	vlt.s32 v6, v2;
	v39 =	vld [tilespmem:$0x180]  }
0x37: {  	vm13 =	vlt.s32 v9, v2;
	vm14 =	vlt.s32 v5, v2;
	v42 =	vld [tilespmem:$0x220];
	v41 =	vsub.s32 v21, v3  }
0x38: {  	v44 =	vld [tilespmem:$0x260];
	v40 =	vsub.s32 v20, v3;
	v43 =	vsub.s32 v22, v3;
	v10 =	vmin.u32 v41, $0x2000  }
0x39: {  	v45 =	vld [tilespmem:$0x240];
	v13 =	vsub.s32 v37, v3;
	v6 =	vmin.u32 v40, $0x2000;
	v10 =	vnsel vm13, $0x2000, v10  }
0x3a: {  	v46 =	vld [tilespmem:$0x270];
	v7 =	vsub.s32 v38, v3;
	v13 =	vmin.u32 v13, $0x2000;
	v6 =	vnsel vm10, $0x2000, v6;
	[tilespmem:$0x310] =	vst v10  }
0x3b: {  	v48 =	vld [tilespmem:$0x1A0];
	v8 =	vsub.s32 v39, v3;
	v9 =	vmin.u32 v43, $0x2000;
	v47 =	vnsel vm11, $0x2000, v13;
	[tilespmem:$0x2D0] =	vst v6  }
0x3c: {  	v50 =	vld [tilespmem:$0x1F0];
	v51 =	vsub.s32 v42, v3;
	v49 =	vmin.u32 v7, $0x2000;
	v9 =	vnsel vm12, $0x2000, v9;
	[tilespmem:$0x2E0] =	vst v47  }
0x3d: {  	v52 =	vld [tilespmem:$0x250];
	v53 =	vsub.s32 v44, v3;
	v8 =	vmin.u32 v8, $0x2000;
	v5 =	vnsel vm14, $0x2000, v49;
	[tilespmem:$0x290] =	vst v9  }
0x3e: {  	v54 =	vld [tilespmem:$0x1B0];
	v55 =	vsub.s32 v45, v3;
	v7 =	vmin.u32 v51, $0x2000;
	v8 =	vnsel vm8, $0x2000, v8;
	[tilespmem:$0x300] =	vst v5  }
0x3f: {  	v56 =	vld [tilespmem:$0x1C0];
	v11 =	vmin.u32 v53, $0x2000;
	v57 =	vmin.u32 v55, $0x2000;
	v7 =	vnsel vm9, $0x2000, v7;
	[tilespmem:$0x280] =	vst v8  }
0x40: {  	v58 =	vld [tilespmem:$0x230];
	v11 =	vnsel vm7, $0x2000, v11;
	v13 =	vsub.s32 v48, v3;
	[tilespmem:$0x320] =	vst v7;
	v10 =	vsub.s32 v46, v3  }
0x41: {  	v7 =	vnsel vm6, $0x2000, v57;
	[tilespmem:$0x360] =	vst v11;
	v6 =	vsub.s32 v50, v3;
	v59 =	vmin.u32 v13, $0x2000  }
0x42: {  	v9 =	vsub.s32 v52, v3;
	v10 =	vmin.u32 v10, $0x2000;
	[tilespmem:$0x340] =	vst v7;
	v61 =	vnsel vm3, $0x2000, v59  }
0x43: {  	v5 =	vsub.s32 v54, v3;
	v6 =	vmin.u32 v6, $0x2000;
	v60 =	vnsel vm5, $0x2000, v10;
	[tilespmem:$0x2A0] =	vst v61  }
0x44: {  	v8 =	vsub.s32 v56, v3;
	v62 =	vmin.u32 v9, $0x2000;
	v6 =	vnsel vm4, $0x2000, v6;
	[tilespmem:$0x370] =	vst v60  }
0x45: {  	v3 =	vsub.s32 v58, v3;
	v5 =	vmin.u32 v5, $0x2000;
	v7 =	vnsel vm2, $0x2000, v62;
	[tilespmem:$0x2F0] =	vst v6  }
0x46: {  	vm15 =	vlt.s32 v4, v2;
	v2 =	vmin.u32 v3, $0x2000;
	v5 =	vnsel vm1, $0x2000, v5;
	[tilespmem:$0x350] =	vst v7  }
0x47: {  	v63 =	vmin.u32 v8, $0x2000;
	v2 =	vnsel vm15, $0x2000, v2;
	[tilespmem:$0x2B0] =	vst v5  }
0x48: {  	v6 =	vnsel vm0, $0x2000, v63;
	[tilespmem:$0x330] =	vst v2  }
0x49: {  	[tilespmem:$0x2C0] =	vst v6  }
0x4a: {  	_ =	swait.ge [sflag:s18], $0x4000  }
0x4b: {  	[sflag:s18] =	ssyncset.done $0x0  }
0x4c: {  	[sflag:s18] =	ssyncadd.s32 $0xFFFFC000  }
0x4d: {  	[spmem:s2] =	stream.indirect.scatter.add.f32 [tilespmem:s20], [sflag:$0x2], $0x80, s22, s19, $0xb8;
	[tilespmem:$0x1C3C0] =	vst v63  }
0x4e: {  	_ =	swait.ge [sflag:s18], $0x4000  }
0x4f: {  	[sflag:s18] =	ssyncset.done $0x0  }
0x50: {  	[sflag:s18] =	ssyncadd.s32 $0xFFFFC000  }
0x51: {  	[spmem:s2] =	stream.indirect.scatter.add.f32 [tilespmem:s21], [sflag:$0x3], $0x80, s23, s19, $0xb8;
	[tilespmem:$0x1C3C0] =	vst v63  }
0x52: {  	_ =	swait.ge [sflag:s24], $0x4000  }
0x53: {  	[sflag:s24] =	ssyncset.done $0x0  }
0x54: {  	[sflag:s24] =	ssyncadd.s32 $0xFFFFC000  }
0x55: {  	_ =	swait.ge [sflag:s25], $0x4000  }
0x56: {  	[sflag:s25] =	ssyncset.done $0x0  }
0x57: {  	[sflag:s25] =	ssyncadd.s32 $0xFFFFC000  }
.LBB2_7:
0x58: {  	s14 =	stileid.u32  }
0x59: {  	[bflag:$0x0] =	sbarrier.arrive $0xFFFF;
	s0 =	sshll.u32 s29, $0x11;
	s1 =	sshll.u32 s14, $0x6  }
0x5a: {  	s5 =	sshrl.u32 s8, $0x3;
	s0 =	sadd.s32 s0, s13;
	s1 =	sor.u32 $0x1C04, s1  }
0x5b: {  	[hbm:s0], [sflag:s1] =	dma.local [spmem:s5], $0x2000  }
0x5c: {  	_ =	swait.ge [sflag:s15], $0x2000  }
0x5d: {  	[sflag:s15] =	ssyncset.done $0x0  }
0x5e: {  	[sflag:s15] =	ssyncadd.s32 $0xFFFFE000  }
.LBB2_8:
0x5f: {  	s28 =	sadd.s32 $0x1, s28  }
0x60: {  	p0 =	sne.s32 s28, $0x7  }
.Ltmp3:
0x61: {  	_ = 	snop;
	(pc) =	sbr.rel @!p0 .LBB2_9-.Ltmp3, $1  }
0x62: {  	_ =	sdelay $0x3  }
.LBB2_2:
0x63: {  	s0 =	sshll.u32 s28, $0x1  }
0x64: {  	s29 =	sor.u32 s6, s0  }
0x65: {  	p0 =	sgt.u32 s29, $0xC  }
.Ltmp4:
0x66: {  	_ = 	snop;
	(pc) =	sbr.rel @p0 .LBB2_8-.Ltmp4, $1  }
0x67: {  	_ =	sdelay $0x3  }
0x68: {  	[spmem:s8] =	stream.linear.scatter [tilespmem:s16], [sflag:$0x5], $0x4000, $0x38;
	[tilespmem:$0x1C3C0] =	vst v63  }
0x69: {  	_ =	swait.ge [sflag:s17], $0x4000  }
0x6a: {  	[sflag:s17] =	ssyncset.done $0x0  }
0x6b: {  	[sflag:s17] =	ssyncadd.s32 $0xFFFFC000  }
0x6c: {  	[spmem:s9] =	stream.linear.scatter [tilespmem:s16], [sflag:$0x5], $0x4000, $0x38;
	[tilespmem:$0x1C3C0] =	vst v63  }
0x6d: {  	_ =	swait.ge [sflag:s17], $0x4000  }
0x6e: {  	[sflag:s17] =	ssyncset.done $0x0  }
0x6f: {  	[sflag:s17] =	ssyncadd.s32 $0xFFFFC000  }
0x70: {  	[spmem:s10] =	stream.linear.scatter [tilespmem:s16], [sflag:$0x5], $0x4000, $0x38;
	[tilespmem:$0x1C3C0] =	vst v63  }
0x71: {  	_ =	swait.ge [sflag:s17], $0x4000  }
0x72: {  	[sflag:s17] =	ssyncset.done $0x0  }
0x73: {  	[sflag:s17] =	ssyncadd.s32 $0xFFFFC000  }
0x74: {  	[spmem:s11] =	stream.linear.scatter [tilespmem:s16], [sflag:$0x5], $0x4000, $0x38;
	[tilespmem:$0x1C3C0] =	vst v63  }
0x75: {  	_ =	swait.ge [sflag:s17], $0x4000  }
0x76: {  	v2 =	vmov s29;
	s0 =	sadd.s32 $0x1, s29;
	[sflag:s17] =	ssyncset.done $0x0  }
0x77: {  	vm0 =	veq.s32 v2, v0;
	v2 =	vmov s0;
	[sflag:s17] =	ssyncadd.s32 $0xFFFFC000  }
0x78: {  	v3 =	vnsel vm0, $0x40000000, v1;
	vm15 =	veq.s32 v2, v0;
	[bflag:$0x0] =	sbarrier.arrive $0xFFFF  }
0x79: {  	v2 =	vnsel vm15, $0x40000000, v1;
	(xrf0) =	vmax.scan.msk.u32 $0xffff, v3  }
0x7a: {  	(xrf0) =	vmax.scan.msk.u32 $0xffff, v2;
	_ =	sdelay $0x4  }
0x7b: {  	v2, _, _ =	vpop (xrf0)  }
0x7c: {  	(v2sf) =	vpush v2, $0xF;
	v2, _, _ =	vpop (xrf0)  }
0x7d: {  	(v2sf) =	vpush v2, $0xF;
	_ =	sdelay $0xd  }
0x7e: {  	s7 =	spop (v2sf)  }
0x7f: {  	s1 =	spop (v2sf)  }
0x80: {  	s0 =	sand.u32 $0xFFFFFFF8, s7;
	s1 =	sadd.s32 $0x80000007, s1  }
0x81: {  	s30 =	sxor.u32 $0x80000000, s0;
	s1 =	sand.u32 $0xFFFFFFF8, s1  }
0x82: {  	s1 =	ssub.s32 s1, s30  }
0x83: {  	s7 =	smul.u32 s14, s1  }
0x84: {  	s1 =	smul.u32 s12, s1;
	_ =	sdelay $0x1  }
0x85: {  	s31 =	sshra.s32 s7, $0x1F;
	s14 =	sshrl.u32 s7, $0x3;
	s26 =	sshrl.u32 s1, $0x3  }
0x86: {  	p0 =	slt.s32 s7, $0x1;
	p6 =	slt.s32 s1, $0x1;
	s5 =	sshra.s32 s1, $0x1F  }
0x87: {  	s31 =	sshrl.u32 s31, $0x1C;
	s14 =	sand.u32 $0x1, s14;
	s26 =	sand.u32 $0x1, s26  }
0x88: {  	s31 =	sadd.s32 s31, s7;
	p1 =	seq.s32 s14, $0x1;
	p2 =	seq.s32 s26, $0x1  }
0x89: {  	s26 =	simm.s32 $0x1;
	s14 =	sshrl.u32 s5, $0x1C;
	p0 =	por !p0, !p1  }
0x8a: {  	p1 =	por !p6, !p2;
	s7 =	sshra.s32 s31, $0x4;
	s1 =	sadd.s32 s14, s1  }
0x8b: {  	s14 =	simm.s32 $0x1;
	p0 =	por !p0, !p0;
	p1 =	por !p1, !p1  }
0x8c: {  	s1 =	sshra.s32 s1, $0x4;
	s26 =	simm.s32 @!p0 $0x0;
	s14 =	simm.s32 @!p1 $0x0  }
0x8d: {  	s7 =	ssub.s32 s7, s26;
	s14 =	ssub.s32 s1, s14  }
0x8e: {  	s1 =	sand.u32 $0xFFFFFFF8, s7;
	s7 =	sand.u32 $0xFFFFFFF8, s14  }
0x8f: {  	s14 =	ssub.s32 s7, s1  }
0x90: {  	s5 =	sadd.s32 $0xFF, s14  }
0x91: {  	s31 =	sshra.s32 s5, $0x1F  }
0x92: {  	s31 =	sshrl.u32 s31, $0x18  }
0x93: {  	p0 =	slt.s32 s14, $0xFFFFFF02;
	s14 =	simm.s32 $0x1;
	s26 =	sadd.s32 s31, s5  }
0x94: {  	s14 =	simm.s32 @!p0 $0x0;
	s26 =	sshra.s32 s26, $0x8  }
0x95: {  	s31 =	ssub.s32 s26, s14  }
0x96: {  	p0 =	slt.s32 s31, $0x1  }
.Ltmp5:
0x97: {  	_ = 	snop;
	(pc) =	sbr.rel @p0 .LBB2_7-.Ltmp5, $1  }
0x98: {  	_ =	sdelay $0x3  }
0x99: {  	s0 =	sadd.s32 s1, s0  }
0x9a: {  	s7 =	sadd.s32 s30, s7;
	s14 =	sshll.u32 s29, $0xD;
	s30 =	sadd.s32 $0x80000000, s0  }
0x9b: {  	p0 =	sne.s32 s31, $0x1;
	s5 =	sor.u32 $0x1, s14;
	s0 =	sadd.s32 $0x10, s30  }
0x9c: {  	v2 =	vmov s7;
	v3 =	vmov s5;
	v7 =	vadd.s32 s30, v0;
	s14 =	sadd.s32 $0x50, s30;
	s26 =	sadd.s32 $0x90, s30;
	s5 =	sadd.s32 $0x60, s30  }
.Ltmp6:
0x9d: {  	v6 =	vadd.s32 s0, v0;
	v8 =	vadd.s32 s14, v0;
	s14 =	sadd.s32 $0x80, s30;
	v9 =	vadd.s32 s26, v0;
	s26 =	sadd.s32 $0xA0, s30;
	(pc) =	sbr.rel @!p0 .LBB2_6-.Ltmp6, $4  }
0x9e: {  	v10 =	vadd.s32 s5, v0;
	s5 =	sadd.s32 $0x70, s30;
	v5 =	vadd.s32 s14, v0;
	v12 =	vadd.s32 s26, v0;
	s14 =	sadd.s32 $0xE0, s30;
	s26 =	sadd.s32 $0xC0, s30  }
0x9f: {  	v14 =	vadd.s32 s5, v0;
	s5 =	sadd.s32 $0xF0, s30;
	v15 =	vadd.s32 s14, v0;
	v11 =	vadd.s32 s26, v0;
	s14 =	sadd.s32 $0x20, s30;
	s26 =	sadd.s32 $0xD0, s30  }
0xa0: {  	v16 =	vadd.s32 s5, v0;
	s5 =	sadd.s32 $0x40, s30;
	v17 =	vadd.s32 s14, v0;
	s14 =	sadd.s32 $0x30, s30;
	v13 =	vadd.s32 s26, v0;
	s26 =	sadd.s32 $0xB0, s30  }
0xa1: {  	s31 =	sadd.s32 $0xFFFFFFFF, s31;
	s1 =	rddreg [dreg:$0x4];
	s0 =	sshrl.u32 s30, $0x3;
	v19 =	vadd.s32 s5, v0;
	v18 =	vadd.s32 s14, v0;
	v4 =	vadd.s32 s26, v0  }
.LBB2_5:
0xa2: {  	s30 =	sadd.s32 $0x100, s30  }
0xa3: {  	s1 =	sadd.s32 s1, s0;
	s14 =	sadd.s32 $0x10, s30  }
0xa4: {  	[tilespmem:s19], [sflag:$0x5] =	stream.linear.gather [hbm4b:s1+s3], $0x100, $0x38;
	[tilespmem:$0x1C3C0] =	vst v63  }
0xa5: {  	s26 =	sadd.s32 $0x50, s30;
	v22 =	vadd.s32 s14, v0;
	s14 =	sadd.s32 $0x90, s30;
	_ =	swait.ge [sflag:s17], $0x100  }
0xa6: {  	v23 =	vadd.s32 s26, v0;
	s26 =	sadd.s32 $0x80, s30;
	v24 =	vadd.s32 s14, v0;
	s14 =	rddreg [dreg:$0x5];
	[sflag:s17] =	ssyncset.done $0x0  }
0xa7: {  	v26 =	vadd.s32 s26, v0;
	s26 =	rddreg [dreg:$0x6];
	[sflag:s17] =	ssyncadd.s32 $0xFFFFFF00;
	s14 =	sadd.s32 s14, s0  }
0xa8: {  	[tilespmem:s26], [sflag:$0x5] =	stream.linear.gather [hbm4b:s14+s3], $0x100, $0x38;
	[tilespmem:$0x1C3C0] =	vst v63  }
0xa9: {  	_ =	swait.ge [sflag:s17], $0x100  }
0xaa: {  	[sflag:s17] =	ssyncset.done $0x0  }
0xab: {  	s26 =	sadd.s32 $0x40, s30;
	[sflag:s17] =	ssyncadd.s32 $0xFFFFFF00  }
0xac: {  	vm0 =	vlt.s32 v18, v2;
	vm1 =	vlt.s32 v19, v2;
	[tilespmem:s20], [sflag:$0x1] =	stream.indirect.gather [hbm4b:s4+s19], $0x80, s19, s19, $0xb8;
	[tilespmem:$0x1C3C0] =	vst v63  }
0xad: {  	vm2 =	vlt.s32 v13, v2;
	vm3 =	vlt.s32 v17, v2;
	v35 =	vadd.s32 s26, v0;
	s26 =	rddreg [dreg:$0x7]  }
0xae: {  	vm5 =	vlt.s32 v11, v2;
	vm4 =	vlt.s32 v16, v2;
	vm8 =	vlt.s32 v7, v2;
	[tilespmem:s21], [sflag:$0x1] =	stream.indirect.gather [hbm4b:s4+s19], $0x80, s26, s19, $0xb8;
	[tilespmem:$0x1C3C0] =	vst v63  }
0xaf: {  	vm6 =	vlt.s32 v14, v2;
	vm7 =	vlt.s32 v15, v2;
	vm11 =	vlt.s32 v8, v2;
	v18 =	vld [tilespmem:$0x210]  }
0xb0: {  	vm10 =	vlt.s32 v10, v2;
	vm9 =	vlt.s32 v12, v2;
	vm12 =	vlt.s32 v6, v2;
	s5 =	sadd.s32 $0x60, s30;
	v38 =	vld [tilespmem:$0x1D0]  }
0xb1: {  	vm13 =	vlt.s32 v9, v2;
	vm14 =	vlt.s32 v5, v2;
	s1 =	sadd.s32 $0xA0, s30;
	v25 =	vadd.s32 s5, v0;
	s5 =	sadd.s32 $0x70, s30;
	v37 =	vld [tilespmem:$0x1E0]  }
0xb2: {  	vm15 =	vlt.s32 v4, v2;
	v27 =	vadd.s32 s1, v0;
	s1 =	sadd.s32 $0xE0, s30;
	v28 =	vadd.s32 s5, v0;
	s5 =	sadd.s32 $0xC0, s30;
	v36 =	vld [tilespmem:$0x190]  }
0xb3: {  	v21 =	vadd.s32 s30, v0;
	v29 =	vadd.s32 s1, v0;
	v30 =	vadd.s32 s5, v0;
	s5 =	sadd.s32 $0xD0, s30;
	s14 =	sadd.s32 $0x30, s30;
	v17 =	vld [tilespmem:$0x200]  }
0xb4: {  	v33 =	vadd.s32 s5, v0;
	v34 =	vadd.s32 s14, v0;
	s14 =	sadd.s32 $0xB0, s30;
	v58 =	vld [tilespmem:$0x180];
	v63 =	vsub.s32 v18, v3  }
0xb5: {  	v20 =	vadd.s32 s14, v0;
	v19 =	vld [tilespmem:$0x220];
	v15 =	vsub.s32 v38, v3;
	v18 =	vmin.u32 v63, $0x2000  }
0xb6: {  	v59 =	vld [tilespmem:$0x260];
	v37 =	vsub.s32 v37, v3;
	v61 =	vmin.u32 v15, $0x2000;
	v40 =	vnsel vm13, $0x2000, v18  }
0xb7: {  	v6 =	vmovc v22;
	v41 =	vld [tilespmem:$0x270];
	v60 =	vsub.s32 v36, v3;
	v39 =	vmin.u32 v37, $0x2000;
	v22 =	vnsel vm11, $0x2000, v61;
	[tilespmem:$0x310] =	vst v40  }
0xb8: {  	v13 =	vmovc v33;
	v42 =	vld [tilespmem:$0x1A0];
	v43 =	vsub.s32 v17, v3;
	v33 =	vmin.u32 v60, $0x2000;
	v45 =	vnsel vm10, $0x2000, v39;
	[tilespmem:$0x2D0] =	vst v22  }
0xb9: {  	v7 =	vmovc v21;
	v62 =	vld [tilespmem:$0x1F0];
	v21 =	vsub.s32 v58, v3;
	v46 =	vmin.u32 v43, $0x2000;
	v38 =	vnsel vm12, $0x2000, v33;
	[tilespmem:$0x2E0] =	vst v45  }
0xba: {  	v44 =	vld [tilespmem:$0x1C0];
	v48 =	vsub.s32 v19, v3;
	v21 =	vmin.u32 v21, $0x2000;
	v47 =	vnsel vm14, $0x2000, v46;
	[tilespmem:$0x290] =	vst v38  }
0xbb: {  	v8 =	vmovc v23;
	v5 =	vmovc v26;
	v50 =	vld [tilespmem:$0x1B0];
	v23 =	vsub.s32 v59, v3;
	v26 =	vmin.u32 v48, $0x2000;
	v21 =	vnsel vm8, $0x2000, v21;
	[tilespmem:$0x300] =	vst v47  }
0xbc: {  	v36 =	vld [tilespmem:$0x240];
	v56 =	vsub.s32 v41, v3;
	v23 =	vmin.u32 v23, $0x2000;
	v51 =	vnsel vm9, $0x2000, v26;
	[tilespmem:$0x280] =	vst v21  }
0xbd: {  	v52 =	vld [tilespmem:$0x230];
	v53 =	vsub.s32 v42, v3;
	v58 =	vmin.u32 v56, $0x2000;
	v23 =	vnsel vm7, $0x2000, v23;
	[tilespmem:$0x320] =	vst v51  }
0xbe: {  	v49 =	vld [tilespmem:$0x250];
	v54 =	vsub.s32 v62, v3;
	[tilespmem:$0x360] =	vst v23;
	v21 =	vmin.u32 v53, $0x2000;
	v23 =	vnsel vm4, $0x2000, v58  }
0xbf: {  	v60 =	vsub.s32 v44, v3;
	v15 =	vmovc v29;
	v29 =	vmin.u32 v54, $0x2000;
	v21 =	vnsel vm3, $0x2000, v21;
	[tilespmem:$0x370] =	vst v23  }
0xc0: {  	v61 =	vsub.s32 v50, v3;
	v62 =	vmin.u32 v60, $0x2000;
	v57 =	vnsel vm6, $0x2000, v29;
	[tilespmem:$0x2A0] =	vst v21  }
0xc1: {  	v9 =	vmovc v24;
	v23 =	vnsel vm1, $0x2000, v62;
	v24 =	vsub.s32 v36, v3;
	v21 =	vmin.u32 v61, $0x2000;
	[tilespmem:$0x2F0] =	vst v57  }
0xc2: {  	v63 =	vsub.s32 v52, v3;
	[tilespmem:$0x2C0] =	vst v23;
	v55 =	vmin.u32 v24, $0x2000;
	v21 =	vnsel vm0, $0x2000, v21  }
0xc3: {  	v59 =	vsub.s32 v49, v3;
	v24 =	vmin.u32 v63, $0x2000;
	v22 =	vnsel vm5, $0x2000, v55;
	[tilespmem:$0x2B0] =	vst v21  }
0xc4: {  	v4 =	vmov v20;
	v20 =	vnsel vm15, $0x2000, v24;
	[tilespmem:$0x340] =	vst v22;
	v22 =	vmin.u32 v59, $0x2000  }
0xc5: {  	[tilespmem:$0x330] =	vst v20;
	v22 =	vnsel vm2, $0x2000, v22  }
0xc6: {  	[tilespmem:$0x350] =	vst v22  }
0xc7: {  	_ =	swait.ge [sflag:s18], $0x4000  }
0xc8: {  	[sflag:s18] =	ssyncset.done $0x0  }
0xc9: {  	[sflag:s18] =	ssyncadd.s32 $0xFFFFC000  }
0xca: {  	[spmem:s2] =	stream.indirect.scatter.add.f32 [tilespmem:s20], [sflag:$0x2], $0x80, s22, s19, $0xb8;
	[tilespmem:$0x1C3C0] =	vst v63  }
0xcb: {  	_ =	swait.ge [sflag:s18], $0x4000  }
0xcc: {  	[sflag:s18] =	ssyncset.done $0x0  }
0xcd: {  	[sflag:s18] =	ssyncadd.s32 $0xFFFFC000  }
0xce: {  	[spmem:s2] =	stream.indirect.scatter.add.f32 [tilespmem:s21], [sflag:$0x3], $0x80, s23, s19, $0xb8;
	[tilespmem:$0x1C3C0] =	vst v63  }
0xcf: {  	p0 =	sne.s32 s31, $0x1;
	_ =	swait.ge [sflag:s24], $0x4000  }
.Ltmp7:
0xd0: {  	[sflag:s24] =	ssyncset.done $0x0;
	(pc) =	sbr.rel @p0 .LBB2_5-.Ltmp7, $4  }
0xd1: {  	s1 =	sadd.s32 $0xF0, s30;
	[sflag:s24] =	ssyncadd.s32 $0xFFFFC000  }
0xd2: {  	v31 =	vadd.s32 s1, v0;
	s1 =	sadd.s32 $0x20, s30;
	_ =	swait.ge [sflag:s25], $0x4000  }
0xd3: {  	s31 =	sadd.s32 $0xFFFFFFFF, s31;
	s7 =	sshrl.u32 s30, $0x3;
	v10 =	vmovc v25;
	v12 =	vmov v27;
	v14 =	vmov v28;
	v32 =	vadd.s32 s1, v0;
	[sflag:s25] =	ssyncset.done $0x0  }
0xd4: {  	s0 =	smov.u32 s7;
	v11 =	vmovc v30;
	v16 =	vmovc v31;
	v17 =	vmov v32;
	v19 =	vmov v35;
	v18 =	vmov v34;
	s1 =	rddreg [dreg:$0x4];
	[sflag:s25] =	ssyncadd.s32 $0xFFFFC000  }
.Ltmp8:
0xd5: {  	_ = 	snop;
	(pc) =	sbr.rel .LBB2_6-.Ltmp8, $1  }
0xd6: {  	_ =	sdelay $0x3  }
.LBB2_10:
0xd7: {  	_ =	sfence.sel $0x180000  }
0xd8: {  	[bflag:$0x0] =	sbarrier.arrive $0xFFFF  }
0xd9: {  	_ =	strace $0x90000056  }
0xda: {  	[bflag:$0x2] =	sbarrier.arrive $0xFFFF  }
0xdb: {  	p0 =	sne.s32 s14, $0x0;
	s0 =	rddreg [dreg:$0x3]  }
0xdc: {  	s0 =	sadd.s32 @!p0 $0x100000, s0  }
0xdd: {  	[sflag:s0] =	ssyncadd.tile.s32 @!p0 $0x1;
	_ =	shalt  }
.Lfunc_end2:
_tile_overlayer_lowered:
.L_overlay_start_2:
0xde: {  	(tag) =	ssettag $0x2  }
0xdf: {  	s0 =	rddreg [dreg:$0x0];
	s2 =	stileid.u32  }
0xe0: {  	s1 =	rddreg [dreg:$0x1];
	p0 =	sne.s32 s2, $0x0  }
0xe1: {  	s3 =	rddreg [dreg:$0x2];
	[bflag:$0x3] =	sbarrier.arrive $0xFFFF;
	s2 =	simm.s32 @!p0 $0x1C04  }
0xe2: {  	[timem:s3], [sflag:s2] =	dma.local @!p0 [hbm:s0], s1  }
0xe3: {  	s0 =	simm.s32 @!p0 $0x4  }
0xe4: {  	_ =	swait.ge @!p0 [sflag:s0], s1  }
0xe5: {  	s1 =	ssub.s32 @!p0 $0x0, s1;
	[sflag:s0] =	ssyncset.done @!p0 $0x0  }
0xe6: {  	[sflag:s0] =	ssyncadd.s32 @!p0 s1  }
0xe7: {  	[bflag:$0x3] =	sbarrier.arrive $0xFFFF  }
0xe8: {  	_ =	shalt  }

// kernel: kernel.8.cloned.1.call-start
scs
__scs_entry_jumppad:
0x0: {  	(pc) =	sbr.rel $0x88, $3  }
0x1: {  	(tag) =	ssettag $0x0;
	lr =	simm.s32 $0x1  }
0x2: {  	[smem:$0x3F9B] =	sst lr;
	_ =	strace $0xD0000000  }
0x3: {  	_ = 	snop  }
0x4: {  	_ = 	snop  }
0x5: {  	_ = 	snop  }
0x6: {  	_ = 	snop  }
0x7: {  	_ = 	snop  }
__scs_overlays_trampoline_lowered:
0x8: {  	[smem:$0x3FAA] =	sst s0  }
0x9: {  	[smem:$0x3FAB] =	sst s1  }
0xa: {  	[smem:$0x3FAC] =	sst s2  }
0xb: {  	[smem:$0x3FAD] =	sst s3  }
0xc: {  	[smem:$0x3FAE] =	sst s4  }
0xd: {  	[smem:$0x3FAF] =	sst s5  }
0xe: {  	[smem:$0x3FB0] =	sst s6  }
0xf: {  	[smem:$0x3FB1] =	sst s7  }
0x10: {  	[smem:$0x3FB2] =	sst s8  }
0x11: {  	[smem:$0x3FB3] =	sst s9;
	s0 =	simm.s32 @!p0 $0x0  }
0x12: {  	s1 =	sld [smem:$0x3F99];
	s0 =	simm.s32 @p0 $0x1  }
0x13: {  	[smem:$0x3FB4] =	sst s0;
	s0 =	simm.s32 @!p1 $0x0  }
0x14: {  	s2 =	sld [smem:$0x3F98];
	s0 =	simm.s32 @p1 $0x1  }
0x15: {  	[smem:$0x3FB5] =	sst s0;
	s0 =	simm.s32 @!p2 $0x0  }
0x16: {  	s3 =	sld [smem:$0x3FDB];
	s0 =	simm.s32 @p2 $0x1  }
0x17: {  	s4 =	simm.s32 $0x1BF5;
	[smem:$0x3FB7] =	sst s0  }
0x18: {  	s0 =	sld [smem:$0x3F9A];
	_ =	swait.ge [sflag:s4], $0x0  }
0x19: {  	s7 =	sld [smem:$0x3F9B]  }
0x1a: {  	s8 =	sadd.s32 $0xFFFFE003, lr  }
0x1b: {  	s9 =	sadd.s32 $0xFFFFFEF7, lr;
	s5 =	simm.s32 $0xFFFFFFFF;
	p2 =	slt.u32 s8, $0xFFFFF086  }
0x1c: {  	p1 =	slt.u32 s9, $0xF7A;
	s5 =	simm.s32 @!p2 $0x0  }
0x1d: {  	s5 =	simm.s32 @p1 $0x1;
	p0 =	seq.s32 s7, s2  }
0x1e: {  	s7 =	smul.u32 @!p0 $0xF7A, s2;
	p2 =	seq.s32 @!p0 s5, $0x0  }
0x1f: {  	s9 =	smul.u32 $0xF7A, s1;
	s8 =	simm.s32 @!p0 $0x1BF5;
	p2 =	por !p2, p0  }
0x20: {  	[sflag:s8] =	ssyncset.s32 @!p0 $0xFFFFF086;
	s6 =	sadd.s32 @!p0 s3, s7;
	s7 =	simm.s32 @!p0 $0x108  }
0x21: {  	s3 =	sadd.s32 s3, s9;
	s6 =	sadd.s32 @!p0 $0x88, s6;
	s7 =	simm.s32 @p2 $0x1082  }
0x22: {  	[simem:s7], [sflag:s8] =	dma.local @!p0 [hbm:s6], $0xF7A  }
0x23: {  	s9 =	sor.u32 $0xD0000000, s2;
	s6 =	simm.s32 $0x108;
	_ =	swait.ge @!p0 [sflag:s8], $0x0  }
0x24: {  	s3 =	sadd.s32 $0x88, s3;
	s6 =	simm.s32 @!p1 $0x1082;
	[sflag:s4] =	ssyncset.s32 $0xFFFFF086  }
0x25: {  	[simem:s6], [sflag:s4] =	dma.local [hbm:s3], $0xF7A  }
0x26: {  	[smem:$0x3F9B] =	sst s1;
	(tag) =	ssettag s2;
	_ =	strace s9  }
0x27: {  	s1 =	sld [smem:$0x3FAB]  }
0x28: {  	s2 =	sld [smem:$0x3FAC]  }
0x29: {  	s4 =	sld [smem:$0x3FAE]  }
0x2a: {  	p0 =	seq.s32 s5, $0x0;
	s5 =	sld [smem:$0x3FAF]  }
0x2b: {  	s6 =	sld [smem:$0x3FB0]  }
0x2c: {  	s7 =	sld [smem:$0x3FB1]  }
0x2d: {  	s3 =	simm.s32 $0x108;
	s8 =	sld [smem:$0x3FB2]  }
0x2e: {  	s3 =	simm.s32 @!p0 $0x1082;
	s9 =	sld [smem:$0x3FB3]  }
0x2f: {  	lr =	sadd.s32 s0, s3;
	s0 =	sld [smem:$0x3FAA]  }
0x30: {  	s3 =	sld [smem:$0x3FAD]  }
0x31: {  	[smem:$0x3FB6] =	sst s10  }
0x32: {  	s10 =	sld [smem:$0x3FB4];
	_ =	sdelay $0x3  }
0x33: {  	p0 =	seq.s32 s10, $0x1;
	s10 =	sld [smem:$0x3FB6];
	_ =	sdelay $0x3  }
0x34: {  	[smem:$0x3FB6] =	sst s10  }
0x35: {  	s10 =	sld [smem:$0x3FB5];
	_ =	sdelay $0x3  }
0x36: {  	p1 =	seq.s32 s10, $0x1;
	s10 =	sld [smem:$0x3FB6];
	_ =	sdelay $0x3  }
0x37: {  	[smem:$0x3FB6] =	sst s10  }
0x38: {  	s10 =	sld [smem:$0x3FB7]  }
0x39: {  	_ = 	snop;
	(pc) =	sbr.ind lr, $3  }
0x3a: {  	_ = 	snop  }
0x3b: {  	_ = 	snop  }
0x3c: {  	p2 =	seq.s32 s10, $0x1;
	s10 =	sld [smem:$0x3FB6]  }
0x3d: {  	_ =	shalt  }
0x3e: {  	_ =	shalt  }
0x3f: {  	_ =	shalt  }
0x40: {  	_ =	shalt  }
0x41: {  	_ =	shalt  }
0x42: {  	_ =	shalt  }
0x43: {  	_ =	shalt  }
0x44: {  	_ =	shalt  }
0x45: {  	_ =	shalt  }
0x46: {  	_ =	shalt  }
0x47: {  	_ =	shalt  }
0x48: {  	_ =	shalt  }
0x49: {  	_ =	shalt  }
0x4a: {  	_ =	shalt  }
0x4b: {  	_ =	shalt  }
0x4c: {  	_ =	shalt  }
0x4d: {  	_ =	shalt  }
0x4e: {  	_ =	shalt  }
0x4f: {  	_ =	shalt  }
0x50: {  	_ =	shalt  }
0x51: {  	_ =	shalt  }
0x52: {  	_ =	shalt  }
0x53: {  	_ =	shalt  }
0x54: {  	_ =	shalt  }
0x55: {  	_ =	shalt  }
0x56: {  	_ =	shalt  }
0x57: {  	_ =	shalt  }
0x58: {  	_ =	shalt  }
0x59: {  	_ =	shalt  }
0x5a: {  	_ =	shalt  }
0x5b: {  	_ =	shalt  }
0x5c: {  	_ =	shalt  }
0x5d: {  	_ =	shalt  }
0x5e: {  	_ =	shalt  }
0x5f: {  	_ =	shalt  }
0x60: {  	_ =	shalt  }
0x61: {  	_ =	shalt  }
0x62: {  	_ =	shalt  }
0x63: {  	_ =	shalt  }
0x64: {  	_ =	shalt  }
0x65: {  	_ =	shalt  }
0x66: {  	_ =	shalt  }
0x67: {  	_ =	shalt  }
0x68: {  	_ =	shalt  }
0x69: {  	_ =	shalt  }
0x6a: {  	_ =	shalt  }
0x6b: {  	_ =	shalt  }
0x6c: {  	_ =	shalt  }
0x6d: {  	_ =	shalt  }
0x6e: {  	_ =	shalt  }
0x6f: {  	_ =	shalt  }
0x70: {  	_ =	shalt  }
0x71: {  	_ =	shalt  }
0x72: {  	_ =	shalt  }
0x73: {  	_ =	shalt  }
0x74: {  	_ =	shalt  }
0x75: {  	_ =	shalt  }
0x76: {  	_ =	shalt  }
0x77: {  	_ =	shalt  }
0x78: {  	_ =	shalt  }
0x79: {  	_ =	shalt  }
0x7a: {  	_ =	shalt  }
0x7b: {  	_ =	shalt  }
0x7c: {  	_ =	shalt  }
0x7d: {  	_ =	shalt  }
0x7e: {  	_ =	shalt  }
0x7f: {  	_ =	shalt  }
0x80: {  	_ =	shalt  }
0x81: {  	_ =	shalt  }
0x82: {  	_ =	shalt  }
0x83: {  	_ =	shalt  }
0x84: {  	_ =	shalt  }
0x85: {  	_ =	shalt  }
0x86: {  	_ =	shalt  }
0x87: {  	_ =	shalt  }
.Lfunc_end0:
.L_simem_size_0:
called_computation.2_lowered:
.L_overlay_start_0:
0x88: {  	s2 =	sld [smem:$0x3FD9]  }
0x89: {  	s3 =	sld [smem:$0x3FFE];
	_ =	sdelay $0x1  }
0x8a: {  	s1 =	srdreg.scid  }
0x8b: {  	s0 =	sand.u32 $0x1, s1  }
0x8c: {  	s17 =	sshll.u32 s0, $0xA;
	s2 =	sadd.s32 s3, s2  }
0x8d: {  	s2 =	sadd.s32 s2, s17  }
0x8e: {  	[smem:$0x3FC2] =	sst s2  }
0x8f: {  	_ = 	snop  }
0x90: {  	s2 =	sld [smem:$0x3FD0];
	(tm) =	ssettm $0x1  }
0x91: {  	s18 =	sld [smem:$0x3FFB];
	_ =	sdelay $0x3  }
0x92: {  	_ =	strace s18  }
0x93: {  	s3 =	sld [smem:$0x3FFC];
	_ =	sdelay $0x3  }
0x94: {  	_ =	strace s3  }
0x95: {  	s3 =	sld [smem:$0x3FFD];
	_ =	sdelay $0x3  }
0x96: {  	_ =	strace s3  }
0x97: {  	_ =	strace $0x8FFFFFFF  }
0x98: {  	s19 =	sld [smem:$0x3FDB];
	_ =	sdelay $0x1  }
0x99: {  	s4 =	simm.s32 $_scs_section_size  }
0x9a: {  	s5 =	simm.s32 $_size__tile_overlayer_lowered;
	s6 =	simm.s32 $_tile_overlayer_lowered  }
0x9b: {  	s22 =	simm.s32 $0x1BFF;
	s21 =	sshll.u32 s6, $0x1;
	s3 =	sadd.s32 s4, s19  }
0x9c: {  	s7 =	simm.s32 $0x0;
	s20 =	sshll.u32 s5, $0x1;
	s5 =	sadd.s32 s21, s3  }
0x9d: {  	[timem:s7], [sflag:s22] =	dma.local [hbm:s5], s20  }
0x9e: {  	_ =	swait.ge [sflag:s22], s20  }
0x9f: {  	s4 =	ssub.s32 $0x0, s20;
	[sflag:s22] =	ssyncset.done $0x0  }
0xa0: {  	[sflag:s22] =	ssyncadd.s32 s4;
	_ =	sdelay $0x1  }
0xa1: {  	s23 =	simm.s32 $0x1B8B  }
0xa2: {  	_ =	swait.ge [sflag:s23], $0x1  }
0xa3: {  	[sflag:s23] =	ssyncset.done $0x0  }
0xa4: {  	s25 =	simm.s32 $0x1B8E;
	s24 =	sld [smem:$0x3FFE];
	[sflag:s23] =	ssyncadd.s32 $0xFFFFFFFF  }
0xa5: {  	s26 =	simm.s32 $execute0_lowered;
	[smem:$0x3FD2] =	sst s25  }
0xa6: {  	s5 =	sshll.u32 s26, $0x1;
	_ =	strace $0x80000052;
	[dreg:$0x1] =	wrdreg $0xFFFFFFFF  }
0xa7: {  	s28 =	simm.s32 $_size_execute0_lowered;
	s3 =	sadd.s32 s3, s5;
	[dreg:$0x0] =	wrdreg $0x0  }
0xa8: {  	s5 =	sshll.u32 s28, $0x1;
	[dreg:$0x2] =	wrdreg s3  }
0xa9: {  	[dreg:$0x3] =	wrdreg s5  }
0xaa: {  	[dreg:$0x4] =	wrdreg $0xC0  }
0xab: {  	_ =	task [dreg:s7], $0x5FFFF  }
0xac: {  	[dreg:$0x1] =	wrdreg $0xFFFFFFFF  }
0xad: {  	[dreg:$0x0] =	wrdreg $0x60  }
0xae: {  	[dreg:$0x2] =	wrdreg s24  }
0xaf: {  	[dreg:$0x3] =	wrdreg s2  }
0xb0: {  	[dreg:$0x4] =	wrdreg $0xC3800  }
0xb1: {  	[dreg:$0x5] =	wrdreg $0x9  }
0xb2: {  	_ =	task.clear_ibuf [dreg:s7], $0x6FFFF;
	_ =	strace $0x90000052  }
0xb3: {  	s29 =	simm.s32 $0x9;
	_ =	strace $0x80000054  }
0xb4: {  	_ =	swait.ge [sflag:s29], $0x1  }
0xb5: {  	[sflag:s29] =	ssyncadd.s32 $0xFFFFFFFF  }
0xb6: {  	_ =	strace $0x90000054  }
0xb7: {  	_ =	sfence  }
0xb8: {  	s30 =	sld [smem:$0x0];
	_ =	sdelay $0x2  }
0xb9: {  	s31 =	sshll.u32 s1, $0xD;
	s1 =	sshrl.u32 s1, $0x2  }
0xba: {  	s3 =	sand.u32 $0x4000, s31;
	s1 =	sadd.s32 s1, s30  }
0xbb: {  	s0 =	sor.u32 s3, s0;
	s1 =	sshll.u32 s1, $0x11  }
0xbc: {  	s0 =	sor.u32 s1, s0  }
0xbd: {  	s0 =	sadd.s32 $0x8F2B, s0  }
0xbe: {  	[sflag:s0] =	ssyncadd.remote.s32 $0x1  }
0xbf: {  	_ =	sfence.sel $0xFFFF  }
0xc0: {  	[dreg:$0x0] =	wrdreg $0xFFFFFFFF;
	(pc) =	sbr.abs _section_cstart, $3  }
0xc1: {  	[dreg:$0x1] =	wrdreg $0xFFFFFFFF  }
0xc2: {  	_ =	task.clear_ibuf [dreg:s7], $0x2FFFF;
	_ =	strace $0x9FFFFFFF  }
0xc3: {  	(tm) =	ssettm $0x7FFFFFFF  }
tec
execute0_lowered:
.L_overlay_start_1:
0x0: {  	(tag) =	ssettag $0x1  }
0x1: {  	s5 =	rddreg [dreg:$0x0]  }
0x2: {  	s3 =	rddreg [dreg:$0x2];
	s4 =	simm.s32 $0x0  }
0x3: {  	s26 =	srdreg.scid;
	s2 =	stileid.u32;
	s15 =	simm.s32 $0x4  }
0x4: {  	s16 =	simm.s32 $0x8380;
	s17 =	simm.s32 $0x5;
	s30 =	simm.s32 $0x180  }
0x5: {  	s18 =	simm.s32 $0x1;
	s31 =	simm.s32 $0x100;
	s19 =	simm.s32 $0x80  }
0x6: {  	s20 =	simm.s32 $0x380;
	s21 =	simm.s32 $0x4380;
	s22 =	simm.s32 $0x280  }
0x7: {  	s23 =	simm.s32 $0x300;
	s24 =	simm.s32 $0x2;
	s25 =	simm.s32 $0x3  }
0x8: {  	[smem:$0x7FF] =	sst s4;
	s0 =	sadd.s32 $0x28A00, s5;
	s6 =	sadd.s32 $0x4D600, s5  }
0x9: {  	s1 =	sadd.s32 $0x35AA00, s5;
	s7 =	sand.u32 $0x1, s26;
	s28 =	sshll.u32 s2, $0x10  }
0xa: {  	s2 =	sshll.u32 s2, $0xD;
	_ =	strace $0x80000053;
	[dreg:$0x4] =	wrdreg s0  }
0xb: {  	[dreg:$0x5] =	wrdreg s1;
	s0 =	ssub.s32 $0x2, s7;
	s8 =	sadd.s32 s28, s3  }
.Ltmp0:
0xc: {  	s29 =	sadd.s32 s2, s5;
	[dreg:$0x6] =	wrdreg s30;
	(pc) =	sbr.rel .LBB2_1-.Ltmp0, $4  }
0xd: {  	s5 =	stileid.u32;
	[dreg:$0x7] =	wrdreg s31;
	s9 =	sshrl.u32 s0, $0x1  }
0xe: {  	s1 =	simm.s32 $0x0;
	s10 =	sadd.s32 $0x8000, s8;
	s0 =	ssub.s32 s0, s9  }
0xf: {  	s11 =	sadd.s32 $0xC000, s8;
	s12 =	sadd.s32 $0x1, s5;
	s0 =	smax.u32 s0, $0x1  }
0x10: {  	v0 =	vlaneseq.u32;
	s13 =	sadd.s32 $0x36D000, s29;
	s9 =	sadd.s32 $0x4000, s8;
	[dreg:$0x8] =	wrdreg s0  }
.LBB2_9:
0x11: {  	s1 =	rddreg [dreg:$0x9]  }
0x12: {  	s0 =	rddreg [dreg:$0x8];
	s1 =	sadd.s32 $0x1, s1  }
0x13: {  	p0 =	sne.s32 s1, s0  }
.Ltmp1:
0x14: {  	_ = 	snop;
	(pc) =	sbr.rel @!p0 .LBB2_10-.Ltmp1, $1  }
0x15: {  	_ =	sdelay $0x3  }
.LBB2_1:
0x16: {  	[dreg:$0x9] =	wrdreg s1  }
0x17: {  	s0 =	rddreg [dreg:$0x0]  }
0x18: {  	[tilespmem:s4], [sflag:$0x4] =	stream.linear.gather [hbm4b:s0+s4], $0x80, $0x38;
	[tilespmem:$0x1C3C0] =	vst v63  }
0x19: {  	_ =	swait.ge [sflag:s15], $0x80  }
0x1a: {  	[sflag:s15] =	ssyncset.done $0x0  }
0x1b: {  	[sflag:s15] =	ssyncadd.s32 $0xFFFFFF80  }
0x1c: {  	s31 =	rddreg [dreg:$0x1]  }
0x1d: {  	[tilespmem:s16], [sflag:$0x4] =	stream.linear.gather [hbm4b:s31+s4], $0x4000, $0x38;
	[tilespmem:$0x1C3C0] =	vst v63  }
0x1e: {  	_ =	swait.ge [sflag:s15], $0x4000  }
0x1f: {  	[sflag:s15] =	ssyncset.done $0x0  }
0x20: {  	[sflag:s15] =	ssyncadd.s32 $0xFFFFC000  }
0x21: {  	v1 =	vld [tilespmem:$0x0]  }
0x22: {  	v2 =	vld [tilespmem:$0x10]  }
.Ltmp2:
0x23: {  	_ = 	snop;
	(pc) =	sbr.rel .LBB2_2-.Ltmp2, $2  }
0x24: {  	_ =	sdelay $0x2  }
0x25: {  	s28 =	simm.s32 $0x0;
	v1 =	vxor.u32 $0x80000000, v1;
	v2 =	vxor.u32 $0x80000000, v2  }
.LBB2_6:
0x26: {  	s1 =	sadd.s32 s2, s0  }
0x27: {  	[tilespmem:s19], [sflag:$0x5] =	stream.linear.gather [hbm4b:s1+s4], $0x100, $0x38;
	[tilespmem:$0x1C3C0] =	vst v63  }
0x28: {  	_ =	swait.ge [sflag:s17], $0x100  }
0x29: {  	s14 =	rddreg [dreg:$0x5];
	[sflag:s17] =	ssyncset.done $0x0  }
0x2a: {  	s26 =	rddreg [dreg:$0x6];
	[sflag:s17] =	ssyncadd.s32 $0xFFFFFF00;
	s30 =	sadd.s32 s14, s0  }
0x2b: {  	[tilespmem:s26], [sflag:$0x5] =	stream.linear.gather [hbm4b:s30+s4], $0x100, $0x38;
	[tilespmem:$0x1C3C0] =	vst v63  }
0x2c: {  	_ =	swait.ge [sflag:s17], $0x100  }
0x2d: {  	[sflag:s17] =	ssyncset.done $0x0  }
0x2e: {  	[sflag:s17] =	ssyncadd.s32 $0xFFFFFF00  }
0x2f: {  	[tilespmem:s20], [sflag:$0x1] =	stream.indirect.gather [hbm4b:s6+s19], $0x80, s19, s19, $0xb8;
	[tilespmem:$0x1C3C0] =	vst v63  }
0x30: {  	s31 =	rddreg [dreg:$0x7]  }
0x31: {  	[tilespmem:s21], [sflag:$0x1] =	stream.indirect.gather [hbm4b:s6+s19], $0x80, s31, s19, $0xb8;
	[tilespmem:$0x1C3C0] =	vst v63  }
0x32: {  	vm1 =	vlt.s32 v19, v3;
	v22 =	vld [tilespmem:$0x210]  }
0x33: {  	vm0 =	vlt.s32 v20, v3;
	vm2 =	vlt.s32 v14, v3;
	vm3 =	vlt.s32 v18, v3;
	v21 =	vld [tilespmem:$0x1D0]  }
0x34: {  	vm6 =	vlt.s32 v12, v3;
	vm5 =	vlt.s32 v17, v3;
	vm8 =	vlt.s32 v8, v3;
	v36 =	vld [tilespmem:$0x1E0]  }
0x35: {  	vm4 =	vlt.s32 v15, v3;
	vm7 =	vlt.s32 v16, v3;
	vm10 =	vlt.s32 v9, v3;
	v23 =	vld [tilespmem:$0x190]  }
0x36: {  	vm11 =	vlt.s32 v11, v3;
	vm9 =	vlt.s32 v13, v3;
	vm12 =	vlt.s32 v7, v3;
	v37 =	vld [tilespmem:$0x200]  }
0x37: {  	vm13 =	vlt.s32 v10, v3;
	vm14 =	vlt.s32 v6, v3;
	v38 =	vld [tilespmem:$0x180];
	v40 =	vsub.s32 v22, v4  }
0x38: {  	vm15 =	vlt.s32 v5, v3;
	v41 =	vld [tilespmem:$0x220];
	v39 =	vsub.s32 v21, v4;
	v11 =	vmin.u32 v40, $0x2000  }
0x39: {  	v43 =	vld [tilespmem:$0x260];
	v14 =	vsub.s32 v36, v4;
	v7 =	vmin.u32 v39, $0x2000;
	v11 =	vnsel vm13, $0x2000, v11  }
0x3a: {  	v57 =	vld [tilespmem:$0x230];
	v42 =	vsub.s32 v23, v4;
	v14 =	vmin.u32 v14, $0x2000;
	v7 =	vnsel vm10, $0x2000, v7;
	[tilespmem:$0x310] =	vst v11  }
0x3b: {  	v44 =	vld [tilespmem:$0x240];
	v8 =	vsub.s32 v37, v4;
	v10 =	vmin.u32 v42, $0x2000;
	v46 =	vnsel vm11, $0x2000, v14;
	[tilespmem:$0x2D0] =	vst v7  }
0x3c: {  	v47 =	vld [tilespmem:$0x1A0];
	v9 =	vsub.s32 v38, v4;
	v48 =	vmin.u32 v8, $0x2000;
	v10 =	vnsel vm12, $0x2000, v10;
	[tilespmem:$0x2E0] =	vst v46  }
0x3d: {  	v45 =	vld [tilespmem:$0x270];
	v50 =	vsub.s32 v41, v4;
	v9 =	vmin.u32 v9, $0x2000;
	v6 =	vnsel vm14, $0x2000, v48;
	[tilespmem:$0x290] =	vst v10  }
0x3e: {  	v49 =	vld [tilespmem:$0x1F0];
	v52 =	vsub.s32 v43, v4;
	v8 =	vmin.u32 v50, $0x2000;
	v9 =	vnsel vm8, $0x2000, v9;
	[tilespmem:$0x300] =	vst v6  }
0x3f: {  	v51 =	vld [tilespmem:$0x250];
	v63 =	vsub.s32 v57, v4;
	v12 =	vmin.u32 v52, $0x2000;
	v8 =	vnsel vm9, $0x2000, v8;
	[tilespmem:$0x280] =	vst v9  }
0x40: {  	v53 =	vld [tilespmem:$0x1B0];
	v54 =	vsub.s32 v44, v4;
	v3 =	vmin.u32 v63, $0x2000;
	v12 =	vnsel vm7, $0x2000, v12;
	[tilespmem:$0x320] =	vst v8  }
0x41: {  	v55 =	vld [tilespmem:$0x1C0];
	v56 =	vmin.u32 v54, $0x2000;
	v14 =	vsub.s32 v47, v4;
	v3 =	vnsel vm15, $0x2000, v3;
	[tilespmem:$0x360] =	vst v12  }
0x42: {  	v11 =	vsub.s32 v45, v4;
	v8 =	vnsel vm6, $0x2000, v56;
	v58 =	vmin.u32 v14, $0x2000;
	[tilespmem:$0x330] =	vst v3  }
0x43: {  	v7 =	vsub.s32 v49, v4;
	v11 =	vmin.u32 v11, $0x2000;
	[tilespmem:$0x340] =	vst v8;
	v60 =	vnsel vm3, $0x2000, v58  }
0x44: {  	v10 =	vsub.s32 v51, v4;
	v7 =	vmin.u32 v7, $0x2000;
	v59 =	vnsel vm5, $0x2000, v11;
	[tilespmem:$0x2A0] =	vst v60  }
0x45: {  	v6 =	vsub.s32 v53, v4;
	v61 =	vmin.u32 v10, $0x2000;
	v7 =	vnsel vm4, $0x2000, v7;
	[tilespmem:$0x370] =	vst v59  }
0x46: {  	v9 =	vsub.s32 v55, v4;
	v6 =	vmin.u32 v6, $0x2000;
	v8 =	vnsel vm2, $0x2000, v61;
	[tilespmem:$0x2F0] =	vst v7  }
0x47: {  	v62 =	vmin.u32 v9, $0x2000;
	v6 =	vnsel vm1, $0x2000, v6;
	[tilespmem:$0x350] =	vst v8  }
0x48: {  	v7 =	vnsel vm0, $0x2000, v62;
	[tilespmem:$0x2B0] =	vst v6  }
0x49: {  	[tilespmem:$0x2C0] =	vst v7  }
0x4a: {  	_ =	swait.ge [sflag:s18], $0x4000  }
0x4b: {  	[sflag:s18] =	ssyncset.done $0x0  }
0x4c: {  	[sflag:s18] =	ssyncadd.s32 $0xFFFFC000  }
0x4d: {  	[spmem:s3] =	stream.indirect.scatter.add.f32 [tilespmem:s20], [sflag:$0x2], $0x80, s22, s19, $0xb8;
	[tilespmem:$0x1C3C0] =	vst v63  }
0x4e: {  	_ =	swait.ge [sflag:s18], $0x4000  }
0x4f: {  	[sflag:s18] =	ssyncset.done $0x0  }
0x50: {  	[sflag:s18] =	ssyncadd.s32 $0xFFFFC000  }
0x51: {  	[spmem:s3] =	stream.indirect.scatter.add.f32 [tilespmem:s21], [sflag:$0x3], $0x80, s23, s19, $0xb8;
	[tilespmem:$0x1C3C0] =	vst v63  }
0x52: {  	_ =	swait.ge [sflag:s24], $0x4000  }
0x53: {  	[sflag:s24] =	ssyncset.done $0x0  }
0x54: {  	[sflag:s24] =	ssyncadd.s32 $0xFFFFC000  }
0x55: {  	_ =	swait.ge [sflag:s25], $0x4000  }
0x56: {  	[sflag:s25] =	ssyncset.done $0x0  }
0x57: {  	s5 =	stileid.u32;
	[sflag:s25] =	ssyncadd.s32 $0xFFFFC000  }
.LBB2_7:
0x58: {  	[bflag:$0x0] =	sbarrier.arrive $0xFFFF;
	s0 =	sshll.u32 s29, $0x11;
	s1 =	sshll.u32 s5, $0x6  }
0x59: {  	s2 =	sshrl.u32 s8, $0x3;
	s0 =	sadd.s32 s0, s13;
	s1 =	sor.u32 $0x1C04, s1  }
0x5a: {  	[hbm:s0], [sflag:s1] =	dma.local [spmem:s2], $0x2000  }
0x5b: {  	_ =	swait.ge [sflag:s15], $0x2000  }
0x5c: {  	[sflag:s15] =	ssyncset.done $0x0  }
0x5d: {  	[sflag:s15] =	ssyncadd.s32 $0xFFFFE000  }
.LBB2_8:
0x5e: {  	s28 =	sadd.s32 $0x1, s28  }
0x5f: {  	p0 =	sne.s32 s28, $0xA  }
.Ltmp3:
0x60: {  	_ = 	snop;
	(pc) =	sbr.rel @!p0 .LBB2_9-.Ltmp3, $1  }
0x61: {  	_ =	sdelay $0x3  }
.LBB2_2:
0x62: {  	s0 =	sshll.u32 s28, $0x1  }
0x63: {  	s29 =	sor.u32 s7, s0  }
0x64: {  	p0 =	sgt.u32 s29, $0x12  }
.Ltmp4:
0x65: {  	_ = 	snop;
	(pc) =	sbr.rel @p0 .LBB2_8-.Ltmp4, $1  }
0x66: {  	_ =	sdelay $0x3  }
0x67: {  	[spmem:s8] =	stream.linear.scatter [tilespmem:s16], [sflag:$0x5], $0x4000, $0x38;
	[tilespmem:$0x1C3C0] =	vst v63  }
0x68: {  	_ =	swait.ge [sflag:s17], $0x4000  }
0x69: {  	[sflag:s17] =	ssyncset.done $0x0  }
0x6a: {  	[sflag:s17] =	ssyncadd.s32 $0xFFFFC000  }
0x6b: {  	[spmem:s9] =	stream.linear.scatter [tilespmem:s16], [sflag:$0x5], $0x4000, $0x38;
	[tilespmem:$0x1C3C0] =	vst v63  }
0x6c: {  	_ =	swait.ge [sflag:s17], $0x4000  }
0x6d: {  	[sflag:s17] =	ssyncset.done $0x0  }
0x6e: {  	[sflag:s17] =	ssyncadd.s32 $0xFFFFC000  }
0x6f: {  	[spmem:s10] =	stream.linear.scatter [tilespmem:s16], [sflag:$0x5], $0x4000, $0x38;
	[tilespmem:$0x1C3C0] =	vst v63  }
0x70: {  	_ =	swait.ge [sflag:s17], $0x4000  }
0x71: {  	[sflag:s17] =	ssyncset.done $0x0  }
0x72: {  	[sflag:s17] =	ssyncadd.s32 $0xFFFFC000  }
0x73: {  	[spmem:s11] =	stream.linear.scatter [tilespmem:s16], [sflag:$0x5], $0x4000, $0x38;
	[tilespmem:$0x1C3C0] =	vst v63  }
0x74: {  	_ =	swait.ge [sflag:s17], $0x4000  }
0x75: {  	v3 =	vmov s29;
	s0 =	sadd.s32 $0xFFFFFFF0, s29;
	[sflag:s17] =	ssyncset.done $0x0  }
0x76: {  	s1 =	sadd.s32 $0x1, s29;
	vm0 =	veq.s32 v3, v0;
	v3 =	vmov s0;
	[sflag:s17] =	ssyncadd.s32 $0xFFFFC000  }
0x77: {  	s2 =	sadd.s32 $0xFFFFFFF1, s29;
	v4 =	vnsel vm0, $0x40000000, v1;
	vm13 =	veq.s32 v3, v0;
	v3 =	vmov s1;
	[bflag:$0x0] =	sbarrier.arrive $0xFFFF  }
0x78: {  	v61 =	vnsel vm13, $0x40000000, v2;
	vm14 =	veq.s32 v3, v0;
	v3 =	vmov s2;
	(xrf0) =	vmax.scan.msk.u32 $0xffff, v4  }
0x79: {  	v62 =	vnsel vm14, $0x40000000, v1;
	vm15 =	veq.s32 v3, v0;
	(xrf0) =	vmax.scan.msk.u32 $0xffff, v61  }
0x7a: {  	v3 =	vnsel vm15, $0x40000000, v2;
	(xrf0) =	vmax.scan.msk.u32 $0xffff, v62  }
0x7b: {  	(xrf0) =	vmax.scan.msk.u32 $0xffff, v3;
	_ =	sdelay $0x2  }
0x7c: {  	v3, _, _ =	vpop (xrf0)  }
0x7d: {  	v63, _, _ =	vpop (xrf0);
	(v2sf) =	vpush v3, $0xF  }
0x7e: {  	v3, _, _ =	vpop (xrf0);
	(v2sf) =	vpush v63, $0xF  }
0x7f: {  	(v2sf) =	vpush v3, $0xF;
	v3, _, _ =	vpop (xrf0)  }
0x80: {  	(v2sf) =	vpush v3, $0xF;
	_ =	sdelay $0xb  }
0x81: {  	s0 =	spop (v2sf)  }
0x82: {  	s1 =	spop (v2sf)  }
0x83: {  	s2 =	spop (v2sf)  }
0x84: {  	p0 =	slt.u32 s28, $0x8;
	p1 =	slt.u32 s29, $0xF;
	s30 =	spop (v2sf)  }
0x85: {  	s1 =	smov.u32 @p0 s0;
	s30 =	smov.u32 @p1 s2  }
0x86: {  	s0 =	sand.u32 $0xFFFFFFF8, s1;
	s14 =	sadd.s32 $0x80000007, s30  }
0x87: {  	s30 =	sxor.u32 $0x80000000, s0;
	s1 =	sand.u32 $0xFFFFFFF8, s14  }
0x88: {  	s1 =	ssub.s32 s1, s30  }
0x89: {  	s2 =	smul.u32 s5, s1  }
0x8a: {  	s1 =	smul.u32 s12, s1;
	_ =	sdelay $0x1  }
0x8b: {  	s31 =	sshra.s32 s2, $0x1F;
	s14 =	sshrl.u32 s2, $0x3;
	s26 =	sshrl.u32 s1, $0x3  }
0x8c: {  	p4 =	slt.s32 s2, $0x1;
	p6 =	slt.s32 s1, $0x1;
	s31 =	sshrl.u32 s31, $0x1C  }
0x8d: {  	s14 =	sand.u32 $0x1, s14;
	s26 =	sand.u32 $0x1, s26;
	s31 =	sadd.s32 s31, s2  }
0x8e: {  	p5 =	seq.s32 s14, $0x1;
	p2 =	seq.s32 s26, $0x1;
	s14 =	sshra.s32 s1, $0x1F  }
0x8f: {  	s26 =	simm.s32 $0x1;
	p0 =	por !p4, !p5;
	p1 =	por !p6, !p2  }
0x90: {  	s2 =	sshra.s32 s31, $0x4;
	s14 =	sshrl.u32 s14, $0x1C;
	p0 =	por !p0, !p0  }
0x91: {  	s1 =	sadd.s32 s14, s1;
	p1 =	por !p1, !p1;
	s14 =	simm.s32 $0x1  }
0x92: {  	s26 =	simm.s32 @!p0 $0x0;
	s1 =	sshra.s32 s1, $0x4;
	s14 =	simm.s32 @!p1 $0x0  }
0x93: {  	s2 =	ssub.s32 s2, s26;
	s1 =	ssub.s32 s1, s14  }
0x94: {  	s2 =	sand.u32 $0xFFFFFFF8, s2;
	s1 =	sand.u32 $0xFFFFFFF8, s1  }
0x95: {  	s14 =	ssub.s32 s1, s2  }
0x96: {  	s26 =	sadd.s32 $0xFF, s14  }
0x97: {  	s31 =	sshra.s32 s26, $0x1F  }
0x98: {  	s31 =	sshrl.u32 s31, $0x18  }
0x99: {  	p0 =	slt.s32 s14, $0xFFFFFF02;
	s14 =	simm.s32 $0x1;
	s26 =	sadd.s32 s31, s26  }
0x9a: {  	s14 =	simm.s32 @!p0 $0x0;
	s26 =	sshra.s32 s26, $0x8  }
0x9b: {  	s31 =	ssub.s32 s26, s14  }
0x9c: {  	p0 =	slt.s32 s31, $0x1  }
.Ltmp5:
0x9d: {  	_ = 	snop;
	(pc) =	sbr.rel @p0 .LBB2_7-.Ltmp5, $1  }
0x9e: {  	_ =	sdelay $0x3  }
0x9f: {  	s0 =	sadd.s32 s2, s0  }
0xa0: {  	s1 =	sadd.s32 s30, s1;
	s14 =	sshll.u32 s29, $0xD;
	s30 =	sadd.s32 $0x80000000, s0  }
0xa1: {  	p0 =	sne.s32 s31, $0x1;
	s5 =	sor.u32 $0x1, s14;
	s0 =	sadd.s32 $0x10, s30  }
0xa2: {  	v3 =	vmov s1;
	v4 =	vmov s5;
	v8 =	vadd.s32 s30, v0;
	s14 =	sadd.s32 $0x50, s30;
	s26 =	sadd.s32 $0x90, s30;
	s5 =	sadd.s32 $0x60, s30  }
.Ltmp6:
0xa3: {  	v7 =	vadd.s32 s0, v0;
	v9 =	vadd.s32 s14, v0;
	s14 =	sadd.s32 $0x80, s30;
	v10 =	vadd.s32 s26, v0;
	s26 =	sadd.s32 $0xA0, s30;
	(pc) =	sbr.rel @!p0 .LBB2_6-.Ltmp6, $4  }
0xa4: {  	v11 =	vadd.s32 s5, v0;
	s5 =	sadd.s32 $0x70, s30;
	v6 =	vadd.s32 s14, v0;
	v13 =	vadd.s32 s26, v0;
	s14 =	sadd.s32 $0xE0, s30;
	s26 =	sadd.s32 $0xC0, s30  }
0xa5: {  	v15 =	vadd.s32 s5, v0;
	s5 =	sadd.s32 $0xF0, s30;
	v16 =	vadd.s32 s14, v0;
	v12 =	vadd.s32 s26, v0;
	s14 =	sadd.s32 $0x20, s30;
	s26 =	sadd.s32 $0xD0, s30  }
0xa6: {  	v17 =	vadd.s32 s5, v0;
	s5 =	sadd.s32 $0x40, s30;
	v18 =	vadd.s32 s14, v0;
	s14 =	sadd.s32 $0x30, s30;
	v14 =	vadd.s32 s26, v0;
	s26 =	sadd.s32 $0xB0, s30  }
0xa7: {  	s31 =	sadd.s32 $0xFFFFFFFF, s31;
	s2 =	rddreg [dreg:$0x4];
	s0 =	sshrl.u32 s30, $0x3;
	v20 =	vadd.s32 s5, v0;
	v19 =	vadd.s32 s14, v0;
	v5 =	vadd.s32 s26, v0  }
.LBB2_5:
0xa8: {  	s30 =	sadd.s32 $0x100, s30  }
0xa9: {  	s2 =	sadd.s32 s2, s0;
	s14 =	sadd.s32 $0x10, s30  }
0xaa: {  	[tilespmem:s19], [sflag:$0x5] =	stream.linear.gather [hbm4b:s2+s4], $0x100, $0x38;
	[tilespmem:$0x1C3C0] =	vst v63  }
0xab: {  	s26 =	sadd.s32 $0x50, s30;
	v23 =	vadd.s32 s14, v0;
	s14 =	sadd.s32 $0x90, s30;
	_ =	swait.ge [sflag:s17], $0x100  }
0xac: {  	v24 =	vadd.s32 s26, v0;
	s26 =	sadd.s32 $0x80, s30;
	v25 =	vadd.s32 s14, v0;
	s14 =	rddreg [dreg:$0x5];
	[sflag:s17] =	ssyncset.done $0x0  }
0xad: {  	v27 =	vadd.s32 s26, v0;
	s26 =	rddreg [dreg:$0x6];
	[sflag:s17] =	ssyncadd.s32 $0xFFFFFF00;
	s14 =	sadd.s32 s14, s0  }
0xae: {  	[tilespmem:s26], [sflag:$0x5] =	stream.linear.gather [hbm4b:s14+s4], $0x100, $0x38;
	[tilespmem:$0x1C3C0] =	vst v63  }
0xaf: {  	_ =	swait.ge [sflag:s17], $0x100  }
0xb0: {  	[sflag:s17] =	ssyncset.done $0x0  }
0xb1: {  	s26 =	sadd.s32 $0x40, s30;
	[sflag:s17] =	ssyncadd.s32 $0xFFFFFF00  }
0xb2: {  	vm0 =	vlt.s32 v19, v3;
	vm1 =	vlt.s32 v20, v3;
	[tilespmem:s20], [sflag:$0x1] =	stream.indirect.gather [hbm4b:s6+s19], $0x80, s19, s19, $0xb8;
	[tilespmem:$0x1C3C0] =	vst v63  }
0xb3: {  	vm2 =	vlt.s32 v14, v3;
	vm3 =	vlt.s32 v18, v3;
	v36 =	vadd.s32 s26, v0;
	s26 =	rddreg [dreg:$0x7]  }
0xb4: {  	vm5 =	vlt.s32 v12, v3;
	vm4 =	vlt.s32 v17, v3;
	vm8 =	vlt.s32 v8, v3;
	[tilespmem:s21], [sflag:$0x1] =	stream.indirect.gather [hbm4b:s6+s19], $0x80, s26, s19, $0xb8;
	[tilespmem:$0x1C3C0] =	vst v63  }
0xb5: {  	vm6 =	vlt.s32 v15, v3;
	vm7 =	vlt.s32 v16, v3;
	vm11 =	vlt.s32 v9, v3;
	v19 =	vld [tilespmem:$0x210]  }
0xb6: {  	vm10 =	vlt.s32 v11, v3;
	vm9 =	vlt.s32 v13, v3;
	vm12 =	vlt.s32 v7, v3;
	s5 =	sadd.s32 $0x60, s30;
	v39 =	vld [tilespmem:$0x1D0]  }
0xb7: {  	vm13 =	vlt.s32 v10, v3;
	v22 =	vadd.s32 s30, v0;
	s2 =	sadd.s32 $0xA0, s30;
	v26 =	vadd.s32 s5, v0;
	s5 =	sadd.s32 $0x70, s30;
	v37 =	vld [tilespmem:$0x190]  }
0xb8: {  	vm14 =	vlt.s32 v6, v3;
	v28 =	vadd.s32 s2, v0;
	s2 =	sadd.s32 $0xE0, s30;
	v8 =	vmovc v22;
	v29 =	vadd.s32 s5, v0;
	s5 =	sadd.s32 $0xC0, s30;
	v22 =	vld [tilespmem:$0x180]  }
0xb9: {  	vm15 =	vlt.s32 v5, v3;
	v30 =	vadd.s32 s2, v0;
	v31 =	vadd.s32 s5, v0;
	s5 =	sadd.s32 $0xD0, s30;
	s14 =	sadd.s32 $0x30, s30;
	v40 =	vld [tilespmem:$0x260]  }
0xba: {  	v34 =	vadd.s32 s5, v0;
	v35 =	vadd.s32 s14, v0;
	s14 =	sadd.s32 $0xB0, s30;
	v38 =	vld [tilespmem:$0x1E0];
	v43 =	vsub.s32 v19, v4  }
0xbb: {  	v21 =	vadd.s32 s14, v0;
	v48 =	vld [tilespmem:$0x270];
	v16 =	vsub.s32 v39, v4;
	v19 =	vmin.u32 v43, $0x2000  }
0xbc: {  	v7 =	vmovc v23;
	v18 =	vld [tilespmem:$0x200];
	v41 =	vsub.s32 v37, v4;
	v23 =	vmin.u32 v16, $0x2000;
	v47 =	vnsel vm13, $0x2000, v19  }
0xbd: {  	v14 =	vmovc v34;
	v42 =	vld [tilespmem:$0x1F0];
	v22 =	vsub.s32 v22, v4;
	v34 =	vmin.u32 v41, $0x2000;
	v23 =	vnsel vm11, $0x2000, v23;
	[tilespmem:$0x310] =	vst v47  }
0xbe: {  	v9 =	vmovc v24;
	v51 =	vld [tilespmem:$0x1C0];
	v24 =	vsub.s32 v40, v4;
	v22 =	vmin.u32 v22, $0x2000;
	v45 =	vnsel vm12, $0x2000, v34;
	[tilespmem:$0x2D0] =	vst v23  }
0xbf: {  	v20 =	vld [tilespmem:$0x220];
	v38 =	vsub.s32 v38, v4;
	v24 =	vmin.u32 v24, $0x2000;
	v22 =	vnsel vm8, $0x2000, v22;
	[tilespmem:$0x290] =	vst v45  }
0xc0: {  	v49 =	vld [tilespmem:$0x1A0];
	v58 =	vsub.s32 v48, v4;
	v46 =	vmin.u32 v38, $0x2000;
	v24 =	vnsel vm7, $0x2000, v24;
	[tilespmem:$0x280] =	vst v22  }
0xc1: {  	v44 =	vld [tilespmem:$0x240];
	v50 =	vsub.s32 v18, v4;
	v60 =	vmin.u32 v58, $0x2000;
	v23 =	vnsel vm10, $0x2000, v46;
	[tilespmem:$0x360] =	vst v24  }
0xc2: {  	v56 =	vld [tilespmem:$0x230];
	v57 =	vsub.s32 v42, v4;
	v52 =	vmin.u32 v50, $0x2000;
	v24 =	vnsel vm4, $0x2000, v60;
	[tilespmem:$0x2E0] =	vst v23  }
0xc3: {  	v55 =	vld [tilespmem:$0x1B0];
	v61 =	vsub.s32 v51, v4;
	v16 =	vmovc v30;
	v30 =	vmin.u32 v57, $0x2000;
	v23 =	vnsel vm14, $0x2000, v52;
	[tilespmem:$0x370] =	vst v24  }
0xc4: {  	v54 =	vld [tilespmem:$0x250];
	v53 =	vsub.s32 v20, v4;
	v62 =	vmin.u32 v61, $0x2000;
	v59 =	vnsel vm6, $0x2000, v30;
	[tilespmem:$0x300] =	vst v23  }
0xc5: {  	v6 =	vmovc v27;
	v27 =	vmin.u32 v53, $0x2000;
	v22 =	vsub.s32 v49, v4;
	v24 =	vnsel vm1, $0x2000, v62;
	[tilespmem:$0x2F0] =	vst v59  }
0xc6: {  	v10 =	vmovc v25;
	v25 =	vsub.s32 v44, v4;
	v22 =	vmin.u32 v22, $0x2000;
	v23 =	vnsel vm9, $0x2000, v27;
	[tilespmem:$0x2C0] =	vst v24  }
0xc7: {  	v63 =	vsub.s32 v56, v4;
	v22 =	vnsel vm3, $0x2000, v22;
	[tilespmem:$0x320] =	vst v23;
	v23 =	vmin.u32 v25, $0x2000  }
0xc8: {  	[tilespmem:$0x2A0] =	vst v22;
	v22 =	vsub.s32 v55, v4;
	v25 =	vmin.u32 v63, $0x2000;
	v23 =	vnsel vm5, $0x2000, v23  }
0xc9: {  	v5 =	vmovc v21;
	v22 =	vmin.u32 v22, $0x2000;
	v21 =	vnsel vm15, $0x2000, v25;
	[tilespmem:$0x340] =	vst v23;
	v23 =	vsub.s32 v54, v4  }
0xca: {  	v22 =	vnsel vm0, $0x2000, v22;
	[tilespmem:$0x330] =	vst v21;
	v23 =	vmin.u32 v23, $0x2000  }
0xcb: {  	[tilespmem:$0x2B0] =	vst v22;
	v23 =	vnsel vm2, $0x2000, v23  }
0xcc: {  	[tilespmem:$0x350] =	vst v23  }
0xcd: {  	_ =	swait.ge [sflag:s18], $0x4000  }
0xce: {  	[sflag:s18] =	ssyncset.done $0x0  }
0xcf: {  	[sflag:s18] =	ssyncadd.s32 $0xFFFFC000  }
0xd0: {  	[spmem:s3] =	stream.indirect.scatter.add.f32 [tilespmem:s20], [sflag:$0x2], $0x80, s22, s19, $0xb8;
	[tilespmem:$0x1C3C0] =	vst v63  }
0xd1: {  	_ =	swait.ge [sflag:s18], $0x4000  }
0xd2: {  	[sflag:s18] =	ssyncset.done $0x0  }
0xd3: {  	[sflag:s18] =	ssyncadd.s32 $0xFFFFC000  }
0xd4: {  	[spmem:s3] =	stream.indirect.scatter.add.f32 [tilespmem:s21], [sflag:$0x3], $0x80, s23, s19, $0xb8;
	[tilespmem:$0x1C3C0] =	vst v63  }
0xd5: {  	p0 =	sne.s32 s31, $0x1;
	_ =	swait.ge [sflag:s24], $0x4000  }
.Ltmp7:
0xd6: {  	[sflag:s24] =	ssyncset.done $0x0;
	(pc) =	sbr.rel @p0 .LBB2_5-.Ltmp7, $4  }
0xd7: {  	s2 =	sadd.s32 $0xF0, s30;
	[sflag:s24] =	ssyncadd.s32 $0xFFFFC000  }
0xd8: {  	v32 =	vadd.s32 s2, v0;
	s2 =	sadd.s32 $0x20, s30;
	_ =	swait.ge [sflag:s25], $0x4000  }
0xd9: {  	s31 =	sadd.s32 $0xFFFFFFFF, s31;
	s1 =	sshrl.u32 s30, $0x3;
	v11 =	vmovc v26;
	v13 =	vmov v28;
	v15 =	vmov v29;
	v33 =	vadd.s32 s2, v0;
	[sflag:s25] =	ssyncset.done $0x0  }
0xda: {  	s0 =	smov.u32 s1;
	v12 =	vmovc v31;
	v17 =	vmovc v32;
	v18 =	vmov v33;
	v20 =	vmov v36;
	v19 =	vmov v35;
	s2 =	rddreg [dreg:$0x4];
	[sflag:s25] =	ssyncadd.s32 $0xFFFFC000  }
.Ltmp8:
0xdb: {  	_ = 	snop;
	(pc) =	sbr.rel .LBB2_6-.Ltmp8, $1  }
0xdc: {  	_ =	sdelay $0x3  }
.LBB2_10:
0xdd: {  	_ =	sfence.sel $0x180000  }
0xde: {  	[bflag:$0x0] =	sbarrier.arrive $0xFFFF  }
0xdf: {  	_ =	strace $0x90000053  }
0xe0: {  	[bflag:$0x2] =	sbarrier.arrive $0xFFFF  }
0xe1: {  	p0 =	sne.s32 s5, $0x0;
	s0 =	rddreg [dreg:$0x3]  }
0xe2: {  	s0 =	sadd.s32 @!p0 $0x100000, s0  }
0xe3: {  	[sflag:s0] =	ssyncadd.tile.s32 @!p0 $0x1;
	_ =	shalt  }
.Lfunc_end2:
_tile_overlayer_lowered:
.L_overlay_start_2:
0xe4: {  	(tag) =	ssettag $0x2  }
0xe5: {  	s0 =	rddreg [dreg:$0x0];
	s2 =	stileid.u32  }
0xe6: {  	s1 =	rddreg [dreg:$0x1];
	p0 =	sne.s32 s2, $0x0  }
0xe7: {  	s3 =	rddreg [dreg:$0x2];
	[bflag:$0x3] =	sbarrier.arrive $0xFFFF;
	s2 =	simm.s32 @!p0 $0x1C04  }
0xe8: {  	[timem:s3], [sflag:s2] =	dma.local @!p0 [hbm:s0], s1  }
0xe9: {  	s0 =	simm.s32 @!p0 $0x4  }
0xea: {  	_ =	swait.ge @!p0 [sflag:s0], s1  }
0xeb: {  	s1 =	ssub.s32 @!p0 $0x0, s1;
	[sflag:s0] =	ssyncset.done @!p0 $0x0  }
0xec: {  	[sflag:s0] =	ssyncadd.s32 @!p0 s1  }
0xed: {  	[bflag:$0x3] =	sbarrier.arrive $0xFFFF  }
0xee: {  	_ =	shalt  }

// kernel: scatter_offload_async_start.1
scs
__scs_entry_jumppad:
0x0: {  	(pc) =	sbr.rel $0x88, $3  }
0x1: {  	(tag) =	ssettag $0x0;
	lr =	simm.s32 $0x1  }
0x2: {  	[smem:$0x3F9B] =	sst lr;
	_ =	strace $0xD0000000  }
0x3: {  	_ = 	snop  }
0x4: {  	_ = 	snop  }
0x5: {  	_ = 	snop  }
0x6: {  	_ = 	snop  }
0x7: {  	_ = 	snop  }
__scs_overlays_trampoline_lowered:
0x8: {  	[smem:$0x3FAA] =	sst s0  }
0x9: {  	[smem:$0x3FAB] =	sst s1  }
0xa: {  	[smem:$0x3FAC] =	sst s2  }
0xb: {  	[smem:$0x3FAD] =	sst s3  }
0xc: {  	[smem:$0x3FAE] =	sst s4  }
0xd: {  	[smem:$0x3FAF] =	sst s5  }
0xe: {  	[smem:$0x3FB0] =	sst s6  }
0xf: {  	[smem:$0x3FB1] =	sst s7  }
0x10: {  	[smem:$0x3FB2] =	sst s8  }
0x11: {  	[smem:$0x3FB3] =	sst s9;
	s0 =	simm.s32 @!p0 $0x0  }
0x12: {  	s1 =	sld [smem:$0x3F99];
	s0 =	simm.s32 @p0 $0x1  }
0x13: {  	[smem:$0x3FB4] =	sst s0;
	s0 =	simm.s32 @!p1 $0x0  }
0x14: {  	s2 =	sld [smem:$0x3F98];
	s0 =	simm.s32 @p1 $0x1  }
0x15: {  	[smem:$0x3FB5] =	sst s0;
	s0 =	simm.s32 @!p2 $0x0  }
0x16: {  	s3 =	sld [smem:$0x3FDB];
	s0 =	simm.s32 @p2 $0x1  }
0x17: {  	s4 =	simm.s32 $0x1BF5;
	[smem:$0x3FB7] =	sst s0  }
0x18: {  	s0 =	sld [smem:$0x3F9A];
	_ =	swait.ge [sflag:s4], $0x0  }
0x19: {  	s7 =	sld [smem:$0x3F9B]  }
0x1a: {  	s8 =	sadd.s32 $0xFFFFE003, lr  }
0x1b: {  	s9 =	sadd.s32 $0xFFFFFEF7, lr;
	s5 =	simm.s32 $0xFFFFFFFF;
	p2 =	slt.u32 s8, $0xFFFFF086  }
0x1c: {  	p1 =	slt.u32 s9, $0xF7A;
	s5 =	simm.s32 @!p2 $0x0  }
0x1d: {  	s5 =	simm.s32 @p1 $0x1;
	p0 =	seq.s32 s7, s2  }
0x1e: {  	s7 =	smul.u32 @!p0 $0xF7A, s2;
	p2 =	seq.s32 @!p0 s5, $0x0  }
0x1f: {  	s9 =	smul.u32 $0xF7A, s1;
	s8 =	simm.s32 @!p0 $0x1BF5;
	p2 =	por !p2, p0  }
0x20: {  	[sflag:s8] =	ssyncset.s32 @!p0 $0xFFFFF086;
	s6 =	sadd.s32 @!p0 s3, s7;
	s7 =	simm.s32 @!p0 $0x108  }
0x21: {  	s3 =	sadd.s32 s3, s9;
	s6 =	sadd.s32 @!p0 $0x88, s6;
	s7 =	simm.s32 @p2 $0x1082  }
0x22: {  	[simem:s7], [sflag:s8] =	dma.local @!p0 [hbm:s6], $0xF7A  }
0x23: {  	s9 =	sor.u32 $0xD0000000, s2;
	s6 =	simm.s32 $0x108;
	_ =	swait.ge @!p0 [sflag:s8], $0x0  }
0x24: {  	s3 =	sadd.s32 $0x88, s3;
	s6 =	simm.s32 @!p1 $0x1082;
	[sflag:s4] =	ssyncset.s32 $0xFFFFF086  }
0x25: {  	[simem:s6], [sflag:s4] =	dma.local [hbm:s3], $0xF7A  }
0x26: {  	[smem:$0x3F9B] =	sst s1;
	(tag) =	ssettag s2;
	_ =	strace s9  }
0x27: {  	s1 =	sld [smem:$0x3FAB]  }
0x28: {  	s2 =	sld [smem:$0x3FAC]  }
0x29: {  	s4 =	sld [smem:$0x3FAE]  }
0x2a: {  	p0 =	seq.s32 s5, $0x0;
	s5 =	sld [smem:$0x3FAF]  }
0x2b: {  	s6 =	sld [smem:$0x3FB0]  }
0x2c: {  	s7 =	sld [smem:$0x3FB1]  }
0x2d: {  	s3 =	simm.s32 $0x108;
	s8 =	sld [smem:$0x3FB2]  }
0x2e: {  	s3 =	simm.s32 @!p0 $0x1082;
	s9 =	sld [smem:$0x3FB3]  }
0x2f: {  	lr =	sadd.s32 s0, s3;
	s0 =	sld [smem:$0x3FAA]  }
0x30: {  	s3 =	sld [smem:$0x3FAD]  }
0x31: {  	[smem:$0x3FB6] =	sst s10  }
0x32: {  	s10 =	sld [smem:$0x3FB4];
	_ =	sdelay $0x3  }
0x33: {  	p0 =	seq.s32 s10, $0x1;
	s10 =	sld [smem:$0x3FB6];
	_ =	sdelay $0x3  }
0x34: {  	[smem:$0x3FB6] =	sst s10  }
0x35: {  	s10 =	sld [smem:$0x3FB5];
	_ =	sdelay $0x3  }
0x36: {  	p1 =	seq.s32 s10, $0x1;
	s10 =	sld [smem:$0x3FB6];
	_ =	sdelay $0x3  }
0x37: {  	[smem:$0x3FB6] =	sst s10  }
0x38: {  	s10 =	sld [smem:$0x3FB7]  }
0x39: {  	_ = 	snop;
	(pc) =	sbr.ind lr, $3  }
0x3a: {  	_ = 	snop  }
0x3b: {  	_ = 	snop  }
0x3c: {  	p2 =	seq.s32 s10, $0x1;
	s10 =	sld [smem:$0x3FB6]  }
0x3d: {  	_ =	shalt  }
0x3e: {  	_ =	shalt  }
0x3f: {  	_ =	shalt  }
0x40: {  	_ =	shalt  }
0x41: {  	_ =	shalt  }
0x42: {  	_ =	shalt  }
0x43: {  	_ =	shalt  }
0x44: {  	_ =	shalt  }
0x45: {  	_ =	shalt  }
0x46: {  	_ =	shalt  }
0x47: {  	_ =	shalt  }
0x48: {  	_ =	shalt  }
0x49: {  	_ =	shalt  }
0x4a: {  	_ =	shalt  }
0x4b: {  	_ =	shalt  }
0x4c: {  	_ =	shalt  }
0x4d: {  	_ =	shalt  }
0x4e: {  	_ =	shalt  }
0x4f: {  	_ =	shalt  }
0x50: {  	_ =	shalt  }
0x51: {  	_ =	shalt  }
0x52: {  	_ =	shalt  }
0x53: {  	_ =	shalt  }
0x54: {  	_ =	shalt  }
0x55: {  	_ =	shalt  }
0x56: {  	_ =	shalt  }
0x57: {  	_ =	shalt  }
0x58: {  	_ =	shalt  }
0x59: {  	_ =	shalt  }
0x5a: {  	_ =	shalt  }
0x5b: {  	_ =	shalt  }
0x5c: {  	_ =	shalt  }
0x5d: {  	_ =	shalt  }
0x5e: {  	_ =	shalt  }
0x5f: {  	_ =	shalt  }
0x60: {  	_ =	shalt  }
0x61: {  	_ =	shalt  }
0x62: {  	_ =	shalt  }
0x63: {  	_ =	shalt  }
0x64: {  	_ =	shalt  }
0x65: {  	_ =	shalt  }
0x66: {  	_ =	shalt  }
0x67: {  	_ =	shalt  }
0x68: {  	_ =	shalt  }
0x69: {  	_ =	shalt  }
0x6a: {  	_ =	shalt  }
0x6b: {  	_ =	shalt  }
0x6c: {  	_ =	shalt  }
0x6d: {  	_ =	shalt  }
0x6e: {  	_ =	shalt  }
0x6f: {  	_ =	shalt  }
0x70: {  	_ =	shalt  }
0x71: {  	_ =	shalt  }
0x72: {  	_ =	shalt  }
0x73: {  	_ =	shalt  }
0x74: {  	_ =	shalt  }
0x75: {  	_ =	shalt  }
0x76: {  	_ =	shalt  }
0x77: {  	_ =	shalt  }
0x78: {  	_ =	shalt  }
0x79: {  	_ =	shalt  }
0x7a: {  	_ =	shalt  }
0x7b: {  	_ =	shalt  }
0x7c: {  	_ =	shalt  }
0x7d: {  	_ =	shalt  }
0x7e: {  	_ =	shalt  }
0x7f: {  	_ =	shalt  }
0x80: {  	_ =	shalt  }
0x81: {  	_ =	shalt  }
0x82: {  	_ =	shalt  }
0x83: {  	_ =	shalt  }
0x84: {  	_ =	shalt  }
0x85: {  	_ =	shalt  }
0x86: {  	_ =	shalt  }
0x87: {  	_ =	shalt  }
.Lfunc_end0:
.L_simem_size_0:
called_computation.1_lowered:
.L_overlay_start_0:
0x88: {  	s0 =	sld [smem:$0x3FD9]  }
0x89: {  	s1 =	sld [smem:$0x3FFE];
	_ =	sdelay $0x3  }
0x8a: {  	s0 =	sadd.s32 s1, s0  }
0x8b: {  	[smem:$0x3FC2] =	sst s0  }
0x8c: {  	_ = 	snop  }
0x8d: {  	s14 =	sld [smem:$0x3FD0];
	(tm) =	ssettm $0x1  }
0x8e: {  	s15 =	sld [smem:$0x3FFB];
	_ =	sdelay $0x3  }
0x8f: {  	_ =	strace s15  }
0x90: {  	s0 =	sld [smem:$0x3FFC];
	_ =	sdelay $0x3  }
0x91: {  	_ =	strace s0  }
0x92: {  	s0 =	sld [smem:$0x3FFD];
	_ =	sdelay $0x3  }
0x93: {  	_ =	strace s0  }
0x94: {  	_ =	strace $0x8FFFFFFF  }
0x95: {  	s16 =	sld [smem:$0x3FDB];
	_ =	sdelay $0x1  }
0x96: {  	s2 =	simm.s32 $_scs_section_size  }
0x97: {  	s3 =	simm.s32 $_size__tile_overlayer_lowered;
	s4 =	simm.s32 $_tile_overlayer_lowered  }
0x98: {  	s5 =	simm.s32 $0x1BFF;
	s17 =	sshll.u32 s4, $0x1;
	s2 =	sadd.s32 s2, s16  }
0x99: {  	s18 =	simm.s32 $0x0;
	s3 =	sshll.u32 s3, $0x1;
	s4 =	sadd.s32 s17, s2  }
0x9a: {  	[timem:s18], [sflag:s5] =	dma.local [hbm:s4], s3  }
0x9b: {  	_ =	swait.ge [sflag:s5], s3  }
0x9c: {  	s3 =	ssub.s32 $0x0, s3;
	[sflag:s5] =	ssyncset.done $0x0  }
0x9d: {  	[sflag:s5] =	ssyncadd.s32 s3;
	_ =	sdelay $0x1  }
0x9e: {  	s19 =	simm.s32 $0x1B8B  }
0x9f: {  	_ =	swait.ge [sflag:s19], $0x1  }
0xa0: {  	[sflag:s19] =	ssyncset.done $0x0  }
0xa1: {  	s21 =	simm.s32 $0x1B8E;
	s20 =	sld [smem:$0x3FFE];
	[sflag:s19] =	ssyncadd.s32 $0xFFFFFFFF  }
0xa2: {  	s22 =	simm.s32 $execute0_lowered;
	[smem:$0x3FD2] =	sst s21  }
0xa3: {  	s4 =	sshll.u32 s22, $0x1;
	_ =	strace $0x80000046;
	[dreg:$0x1] =	wrdreg $0xFFFFFFFF  }
0xa4: {  	s23 =	simm.s32 $_size_execute0_lowered;
	s4 =	sadd.s32 s2, s4;
	[dreg:$0x0] =	wrdreg $0x0  }
0xa5: {  	s5 =	sshll.u32 s23, $0x1;
	[dreg:$0x2] =	wrdreg s4  }
0xa6: {  	[dreg:$0x3] =	wrdreg s5  }
0xa7: {  	[dreg:$0x4] =	wrdreg $0xC0  }
0xa8: {  	s24 =	simm.s32 $execute1_lowered;
	_ =	task [dreg:s18], $0x5FFFF  }
0xa9: {  	s4 =	sshll.u32 s24, $0x1;
	[dreg:$0x1] =	wrdreg $0xFFFFFFFF  }
0xaa: {  	s2 =	sadd.s32 s2, s4;
	[dreg:$0x0] =	wrdreg $0x60  }
0xab: {  	[dreg:$0x2] =	wrdreg s2  }
0xac: {  	[dreg:$0x3] =	wrdreg s14  }
0xad: {  	[dreg:$0x4] =	wrdreg s20  }
0xae: {  	[dreg:$0x5] =	wrdreg $0xB  }
0xaf: {  	_ =	task.clear_ibuf [dreg:s18], $0x6FFFF;
	_ =	strace $0x90000046  }
0xb0: {  	s25 =	simm.s32 $0xB;
	_ =	strace $0x80000048  }
0xb1: {  	_ =	swait.ge [sflag:s25], $0x1  }
0xb2: {  	[sflag:s25] =	ssyncadd.s32 $0xFFFFFFFF  }
0xb3: {  	_ =	strace $0x90000048  }
0xb4: {  	_ =	strace $0x80000049;
	[dreg:$0x1] =	wrdreg $0xFFFFFFFF  }
0xb5: {  	[dreg:$0x0] =	wrdreg $0x2030  }
0xb6: {  	[dreg:$0x2] =	wrdreg s20  }
0xb7: {  	[dreg:$0x3] =	wrdreg $0xC  }
0xb8: {  	_ =	task.clear_ibuf [dreg:s18], $0x4FFFF;
	_ =	strace $0x90000049  }
0xb9: {  	s26 =	simm.s32 $0xC;
	_ =	strace $0x8000004B  }
0xba: {  	_ =	swait.ge [sflag:s26], $0x1  }
0xbb: {  	[sflag:s26] =	ssyncadd.s32 $0xFFFFFFFF  }
0xbc: {  	_ =	strace $0x9000004B  }
0xbd: {  	_ =	sfence  }
0xbe: {  	s28 =	sld [smem:$0x0];
	_ =	sdelay $0x1  }
0xbf: {  	s29 =	srdreg.scid  }
0xc0: {  	s30 =	sshll.u32 s29, $0xD;
	s31 =	sshrl.u32 s29, $0x2  }
0xc1: {  	s3 =	sand.u32 $0x4000, s30;
	s2 =	sand.u32 $0x1, s29;
	s1 =	sadd.s32 s31, s28  }
0xc2: {  	s2 =	sor.u32 s3, s2;
	s1 =	sshll.u32 s1, $0x11  }
0xc3: {  	s1 =	sor.u32 s1, s2  }
0xc4: {  	s1 =	sadd.s32 $0x8F2B, s1  }
0xc5: {  	[sflag:s1] =	ssyncadd.remote.s32 $0x1  }
0xc6: {  	_ =	sfence.sel $0xFFFF  }
0xc7: {  	[dreg:$0x0] =	wrdreg $0xFFFFFFFF;
	(pc) =	sbr.abs _section_cstart, $3  }
0xc8: {  	[dreg:$0x1] =	wrdreg $0xFFFFFFFF  }
0xc9: {  	_ =	task.clear_ibuf [dreg:s18], $0x2FFFF;
	_ =	strace $0x9FFFFFFF  }
0xca: {  	(tm) =	ssettm $0x7FFFFFFF  }
0xcb: {  	_ =	shalt  }
tec
execute0_lowered:
.L_overlay_start_1:
0x0: {  	(tag) =	ssettag $0x1  }
0x1: {  	s4 =	rddreg [dreg:$0x0]  }
0x2: {  	s2 =	rddreg [dreg:$0x1];
	s6 =	stileid.u32  }
0x3: {  	s5 =	rddreg [dreg:$0x2];
	s3 =	smul.u32 $0x24B0, s6  }
0x4: {  	s0 =	rddreg [dreg:$0x3];
	[bflag:$0x3] =	sbarrier.arrive $0xFFFF;
	s1 =	simm.s32 $_size_execute1_lowered  }
0x5: {  	s1 =	sshll.u32 s1, $0x1;
	p0 =	sne.s32 s6, $0x0;
	s28 =	ssub.s32 $0x92C00, s3  }
0x6: {  	s7 =	simm.s32 @!p0 $0x1C3F;
	s8 =	simm.s32 @!p0 $0x4060;
	s9 =	smulhi.u32 $0x6FA55, s28  }
0x7: {  	[timem:s8], [sflag:s7] =	dma.local @!p0 [hbm:s4], s1  }
0x8: {  	s29 =	sshrl.u32 s9, $0x4  }
0x9: {  	s30 =	smul.u32 $0x24B00, s29  }
.Ltmp0:
0xa: {  	s31 =	simm.s32 $0x2;
	s10 =	simm.s32 $0x0;
	(pc) =	sbr.rel .LBB2_1-.Ltmp0, $4  }
0xb: {  	s6 =	simm.s32 $0x1;
	s5 =	sadd.s32 $0x28A00, s5;
	p1 =	sne.s32 s28, s30  }
0xc: {  	s4 =	simm.s32 $0x1;
	_ =	strace $0x80000047;
	s6 =	simm.s32 @!p1 $0x0  }
0xd: {  	s8 =	smov.u32 s3;
	[sflag:s4] =	ssyncpa.u1 $0x0;
	s6 =	sadd.s32 s6, s29  }
0xe: {  	[sflag:s31] =	ssyncpa.u1 $0x0;
	s9 =	simm.s32 $0x0;
	s7 =	sadd.s32 $0x1, s6  }
.LBB2_7:
0xf: {  	s12 =	sadd.s32 $0x24B00, s8  }
0x10: {  	p2 =	sgt.s32 s12, $0x92BFF  }
0x11: {  	s12 =	smov.u32 @p2 s3;
	p2 =	sne.s32 s9, s7  }
.Ltmp1:
0x12: {  	p1 =	slt.u32 s9, $0x2;
	(pc) =	sbr.rel @!p2 .LBB2_8-.Ltmp1, $4  }
0x13: {  	s11 =	simm.s32 @!p1 $0x2  }
0x14: {  	_ =	swait.ge @!p1 [sflag:s11], $0x24B0  }
0x15: {  	s13 =	sadd.s32 $0x1, s9;
	s10 =	smov.u32 s8;
	[sflag:s11] =	ssyncset.done @!p1 $0x0  }
0x16: {  	s9 =	smov.u32 s13;
	s8 =	smov.u32 s12;
	[sflag:s11] =	ssyncadd.s32 @!p1 $0xFFFFDB50  }
.LBB2_1:
0x17: {  	p1 =	sge.u32 s9, s6  }
0x18: {  	s11 =	sxor.u32 @!p1 $0xFFFFFFFF, s9  }
0x19: {  	s11 =	sand.u32 @!p1 $0x1, s11  }
0x1a: {  	s11 =	smul.u32 @!p1 $0x92C0, s11  }
0x1b: {  	s31 =	sadd.s32 $0xFFFFFFFF, s9;
	s12 =	sshrl.u32 @!p1 s8, $0x3  }
0x1c: {  	s13 =	sand.u32 @!p1 $0x7, s8;
	s12 =	sadd.s32 @!p1 s2, s12;
	s11 =	sshrl.u32 @!p1 s11, $0x2  }
0x1d: {  	[tilespmem:s11], [sflag:$0x1] =	stream.linear.gather @!p1 [hbm4b:s12+s13], $0x24B0, $0x38;
	[tilespmem:$0x92C0] =	vst v63  }
0x1e: {  	p1 =	sge.u32 s31, s6  }
.Ltmp2:
0x1f: {  	_ = 	snop;
	(pc) =	sbr.rel @p1 .LBB2_7-.Ltmp2, $1  }
0x20: {  	_ =	sdelay $0x3  }
0x21: {  	s11 =	sand.u32 $0x1, s9  }
0x22: {  	_ =	swait.ge [sflag:s4], $0x24B0;
	s13 =	simm.s32 $0x24B0;
	p1 =	seq.s32 s11, $0x1  }
0x23: {  	[sflag:s4] =	ssyncset.done $0x0;
	s13 =	simm.s32 @!p1 $0x0  }
0x24: {  	[sflag:s4] =	ssyncadd.s32 $0xFFFFDB50;
	s15 =	sadd.s32 $0x80, s13  }
0x25: {  	v0 =	vld [tilespmem:s15+$0x70]  }
0x26: {  	v1 =	vld [tilespmem:s15+$0xFFFFFF90]  }
0x27: {  	v2 =	vld [tilespmem:s15+$0xFFFFFFA0]  }
0x28: {  	v3 =	vld [tilespmem:s15+$0xFFFFFFB0]  }
0x29: {  	s11 =	sadd.s32 $0x49E0, s13;
	v4 =	vld [tilespmem:s15+$0xFFFFFFC0]  }
0x2a: {  	v5 =	vld [tilespmem:s15+$0xFFFFFFD0];
	[tilespmem:s11+$0x70] =	vst v0  }
0x2b: {  	[tilespmem:s11+$0xFFFFFF90] =	vst v1;
	v0 =	vld [tilespmem:s15+$0xFFFFFFE0]  }
0x2c: {  	[tilespmem:s11+$0xFFFFFFA0] =	vst v2;
	v1 =	vld [tilespmem:s15+$0xFFFFFFF0]  }
0x2d: {  	[tilespmem:s11+$0xFFFFFFB0] =	vst v3;
	v2 =	vld [tilespmem:s15+$0x0]  }
0x2e: {  	[tilespmem:s11+$0xFFFFFFC0] =	vst v4;
	v3 =	vld [tilespmem:s15+$0x10]  }
0x2f: {  	[tilespmem:s11+$0xFFFFFFD0] =	vst v5;
	v5 =	vld [tilespmem:s15+$0x20]  }
0x30: {  	[tilespmem:s11+$0xFFFFFFE0] =	vst v0;
	v0 =	vld [tilespmem:s15+$0x30]  }
0x31: {  	[tilespmem:s11+$0xFFFFFFF0] =	vst v1;
	v1 =	vld [tilespmem:s15+$0x40]  }
0x32: {  	[tilespmem:s11+$0x0] =	vst v2;
	v2 =	vld [tilespmem:s15+$0x50]  }
0x33: {  	s14 =	simm.s32 $0x0;
	[tilespmem:s11+$0x10] =	vst v3;
	v3 =	vld [tilespmem:s15+$0x60]  }
0x34: {  	s12 =	sadd.s32 $0x4960, s13;
	s13 =	sshll.u32 s13, $0x2;
	v4 =	vld [tilespmem:s15+$0xFFFFFF80];
	[tilespmem:s11+$0x20] =	vst v5;
	s15 =	sadd.s32 $0x100, s15  }
.LBB2_3:
0x35: {  	v5 =	vld [tilespmem:s15+$0x70];
	s14 =	sadd.s32 $0x100, s14;
	[tilespmem:s11+$0x30] =	vst v0  }
0x36: {  	v0 =	vld [tilespmem:s15+$0xFFFFFF90];
	p1 =	slt.u32 s14, $0x2300;
	[tilespmem:s11+$0x40] =	vst v1  }
0x37: {  	v1 =	vld [tilespmem:s15+$0xFFFFFFA0];
	[tilespmem:s11+$0x50] =	vst v2  }
0x38: {  	v2 =	vld [tilespmem:s15+$0xFFFFFFB0];
	[tilespmem:s11+$0x60] =	vst v3  }
0x39: {  	v3 =	vld [tilespmem:s15+$0xFFFFFFC0];
	[tilespmem:s11+$0xFFFFFF80] =	vst v4;
	s11 =	sadd.s32 $0x100, s11  }
0x3a: {  	v4 =	vld [tilespmem:s15+$0xFFFFFFD0];
	[tilespmem:s11+$0x70] =	vst v5  }
0x3b: {  	[tilespmem:s11+$0xFFFFFF90] =	vst v0;
	v0 =	vld [tilespmem:s15+$0xFFFFFFE0]  }
0x3c: {  	[tilespmem:s11+$0xFFFFFFA0] =	vst v1;
	v1 =	vld [tilespmem:s15+$0xFFFFFFF0]  }
0x3d: {  	[tilespmem:s11+$0xFFFFFFB0] =	vst v2;
	v2 =	vld [tilespmem:s15+$0x0]  }
0x3e: {  	[tilespmem:s11+$0xFFFFFFC0] =	vst v3;
	v3 =	vld [tilespmem:s15+$0x10]  }
0x3f: {  	[tilespmem:s11+$0xFFFFFFD0] =	vst v4;
	v5 =	vld [tilespmem:s15+$0x20]  }
.Ltmp3:
0x40: {  	[tilespmem:s11+$0xFFFFFFE0] =	vst v0;
	v0 =	vld [tilespmem:s15+$0x30];
	(pc) =	sbr.rel @p1 .LBB2_3-.Ltmp3, $4  }
0x41: {  	[tilespmem:s11+$0xFFFFFFF0] =	vst v1;
	v1 =	vld [tilespmem:s15+$0x40]  }
0x42: {  	[tilespmem:s11+$0x0] =	vst v2;
	v2 =	vld [tilespmem:s15+$0x50]  }
0x43: {  	[tilespmem:s11+$0x10] =	vst v3;
	v3 =	vld [tilespmem:s15+$0x60]  }
0x44: {  	v4 =	vld [tilespmem:s15+$0xFFFFFF80];
	[tilespmem:s11+$0x20] =	vst v5;
	s15 =	sadd.s32 $0x100, s15  }
0x45: {  	[tilespmem:s11+$0x30] =	vst v0  }
0x46: {  	[tilespmem:s11+$0x40] =	vst v1  }
0x47: {  	[tilespmem:s11+$0x50] =	vst v2  }
0x48: {  	s13 =	sshrl.u32 s13, $0x2;
	[tilespmem:s11+$0x60] =	vst v3  }
0x49: {  	s14 =	simm.s32 $0x23F0;
	[tilespmem:s11+$0xFFFFFF80] =	vst v4;
	s11 =	sadd.s32 $0x6D60, s13;
	s13 =	sadd.s32 $0x2400, s13  }
.LBB2_5:
0x4a: {  	s14 =	sadd.s32 $0x10, s14  }
0x4b: {  	v0 =	vld [tilespmem:s13+$0x0];
	p1 =	slt.u32 s14, $0x24A0  }
.Ltmp4:
0x4c: {  	_ = 	snop;
	(pc) =	sbr.rel @p1 .LBB2_5-.Ltmp4, $2  }
0x4d: {  	_ =	sdelay $0x2  }
0x4e: {  	s13 =	sadd.s32 $0x10, s13;
	[tilespmem:s11+$0x0] =	vst v0;
	s11 =	sadd.s32 $0x10, s11  }
.Ltmp5:
0x4f: {  	(pc) =	sbr.rel .LBB2_7-.Ltmp5, $4  }
0x50: {  	_ = 	snop  }
0x51: {  	s11 =	sshrl.u32 s10, $0x3  }
0x52: {  	s31 =	sand.u32 $0x7, s10;
	s11 =	sadd.s32 s5, s11  }
0x53: {  	[hbm4b:s11+s31] =	stream.linear.scatter [tilespmem:s12], [sflag:$0x2], $0x24B0, $0x38;
	[tilespmem:$0x92C0] =	vst v63  }
.LBB2_8:
0x54: {  	_ =	sfence.sel $0x180000  }
0x55: {  	s2 =	simm.s32 $0x1;
	[bflag:$0x0] =	sbarrier.arrive $0xFFFF  }
0x56: {  	s31 =	simm.s32 $0x2;
	[sflag:s2] =	ssyncpa.u1 $0x1  }
0x57: {  	[sflag:s31] =	ssyncpa.u1 $0x1  }
0x58: {  	_ =	strace $0x90000047  }
0x59: {  	s0 =	sadd.s32 @!p0 $0x100000, s0;
	[bflag:$0x2] =	sbarrier.arrive $0xFFFF  }
0x5a: {  	[sflag:s0] =	ssyncadd.tile.s32 @!p0 $0x1;
	s0 =	simm.s32 @!p0 $0x3F  }
0x5b: {  	_ =	swait.ge @!p0 [sflag:s0], s1  }
0x5c: {  	s1 =	ssub.s32 @!p0 $0x0, s1;
	[sflag:s0] =	ssyncset.done @!p0 $0x0  }
0x5d: {  	[sflag:s0] =	ssyncadd.s32 @!p0 s1  }
0x5e: {  	[bflag:$0x3] =	sbarrier.arrive $0xFFFF  }
0x5f: {  	_ =	shalt  }
.Lfunc_end2:
execute1_lowered:
.L_overlay_start_2:
0x60: {  	(tag) =	ssettag $0x2  }
0x61: {  	s7 =	rddreg [dreg:$0x0]  }
0x62: {  	s0 =	rddreg [dreg:$0x1];
	_ =	strace $0x8000004A  }
0x63: {  	s3 =	stileid.u32;
	s4 =	simm.s32 $0x3E;
	s1 =	sadd.s32 $0x28A00, s7  }
0x64: {  	p0 =	sne.s32 s3, $0x0;
	[sflag:s4] =	ssyncpa.u1 $0x0;
	s29 =	smin.u32 s3, $0xB  }
0x65: {  	s30 =	sshll.u32 s3, $0x2;
	s2 =	simm.s32 @!p0 $0x1C3E;
	s5 =	simm.s32 @!p0 $0x0  }
0x66: {  	[spmem:s5], [sflag:s2] =	dma.local @!p0 [hbm:s1], $0x12580  }
0x67: {  	s2 =	sadd.s32 s29, s30  }
0x68: {  	p1 =	slt.u32 s3, $0xB;
	s3 =	simm.s32 $0x9C40;
	s2 =	smul.u32 $0x1F40, s2  }
0x69: {  	s3 =	simm.s32 @!p1 $0x7D00  }
0x6a: {  	s3 =	sadd.s32 s3, s2  }
0x6b: {  	s3 =	smin.u32 s3, $0x927C0  }
0x6c: {  	s8 =	ssub.s32 s3, s2  }
0x6d: {  	p1 =	sgt.s32 s8, $0x0  }
0x6e: {  	s8 =	simm.s32 @!p1 $0x0  }
0x6f: {  	s5 =	simm.s32 @!p0 $0x3E;
	s31 =	smulhi.u32 $0x10624DD3, s8  }
0x70: {  	_ =	swait.ge @!p0 [sflag:s5], $0x12580  }
0x71: {  	s6 =	simm.s32 $0x2;
	[sflag:s5] =	ssyncset.done @!p0 $0x0;
	s9 =	sshrl.u32 s31, $0x9  }
0x72: {  	s11 =	simm.s32 $0x0;
	[sflag:s5] =	ssyncadd.s32 @!p0 $0xFFFEDA80;
	s10 =	smul.u32 $0x1F40, s9  }
.Ltmp6:
0x73: {  	s5 =	sadd.s32 $0x16400, s7;
	[bflag:$0x0] =	sbarrier.arrive $0xFFFF;
	(pc) =	sbr.rel .LBB3_1-.Ltmp6, $4  }
0x74: {  	s7 =	sadd.s32 $0x3E00, s7;
	[sflag:s4] =	ssyncpa.u1 $0x1;
	s4 =	simm.s32 $0x1  }
0x75: {  	[sflag:s4] =	ssyncpa.u1 $0x0;
	p1 =	sne.s32 s8, s10;
	s8 =	simm.s32 $0x1  }
0x76: {  	(ifvalue) =	ssetifvalue $0x92C00;
	[sflag:s6] =	ssyncpa.u1 $0x0;
	s8 =	simm.s32 @!p1 $0x0  }
0x77: {  	vm0 =	vmmov $0xffff;
	s10 =	smov.u32 s2;
	s8 =	sadd.s32 s8, s9;
	s9 =	simm.s32 $0x0  }
.LBB3_5:
0x78: {  	p2 =	sne.s32 s11, s8  }
.Ltmp7:
0x79: {  	_ = 	snop;
	(pc) =	sbr.rel @!p2 .LBB3_6-.Ltmp7, $4  }
0x7a: {  	_ = 	snop  }
0x7b: {  	s12 =	sadd.s32 $0x1F40, s10  }
0x7c: {  	s10 =	smov.u32 s2;
	s13 =	sadd.s32 $0x1, s11;
	p1 =	slt.s32 s12, s3  }
0x7d: {  	s11 =	smov.u32 s13;
	s10 =	smov.u32 @p1 s12  }
.LBB3_1:
0x7e: {  	p1 =	sge.u32 s11, s8  }
0x7f: {  	s12 =	sxor.u32 @!p1 $0xFFFFFFFF, s11  }
0x80: {  	s12 =	sand.u32 @!p1 $0x1, s12  }
0x81: {  	s12 =	smul.u32 @!p1 $0x1F40, s12  }
0x82: {  	s13 =	sshrl.u32 @!p1 s10, $0x3  }
0x83: {  	s16 =	sand.u32 @!p1 $0x7, s10;
	s14 =	sadd.s32 @!p1 s5, s13;
	s15 =	sadd.s32 @!p1 $0x92C0, s12  }
0x84: {  	[tilespmem:s15], [sflag:$0x2] =	stream.linear.gather @!p1 [hbm4b:s14+s16], $0x1F40, $0x38;
	[tilespmem:$0x10FC0] =	vst v63  }
0x85: {  	s13 =	sadd.s32 @!p1 s7, s13;
	s12 =	sadd.s32 @!p1 $0xD140, s12  }
0x86: {  	[tilespmem:s12], [sflag:$0x2] =	stream.linear.gather @!p1 [hbm4b:s13+s16], $0x1F40, $0x38;
	[tilespmem:$0x10FC0] =	vst v63  }
0x87: {  	p1 =	seq.s32 s11, $0x0  }
.Ltmp8:
0x88: {  	_ = 	snop;
	(pc) =	sbr.rel @p1 .LBB3_5-.Ltmp8, $1  }
0x89: {  	_ =	sdelay $0x3  }
0x8a: {  	s12 =	sand.u32 $0x1, s11  }
0x8b: {  	_ =	swait.ge [sflag:s6], $0x3E80;
	p1 =	seq.s32 s12, $0x1;
	s12 =	simm.s32 $0x1F40  }
0x8c: {  	[sflag:s6] =	ssyncset.done $0x0;
	s12 =	simm.s32 @!p1 $0x0  }
0x8d: {  	[sflag:s6] =	ssyncadd.s32 $0xFFFFC180;
	s14 =	sadd.s32 $0x92C0, s12  }
0x8e: {  	v0 =	vld.msk [tilespmem:s14+$0x0 ss:$0x1], $0xffff;
	_ =	sdelay $0x4  }
0x8f: {  	v0 =	vmin.u32 v0, $0x92C00;
	_ =	sdelay $0x3  }
0x90: {  	s13 =	simm.s32 $0x0;
	s12 =	sadd.s32 $0xD140, s12;
	s14 =	sadd.s32 $0x10, s14  }
0x91: {  	[spmem:s9] =	stream.indirect_vreg.scatter.add.s32 [tilespmem:s12], [sflag:$0x1], $0x1, v0, vm0, $0x4038;
	[tilespmem:$0x10FC0] =	vst v63  }
.LBB3_3:
0x92: {  	v0 =	vld.msk [tilespmem:s14+$0x0 ss:$0x1], $0xffff;
	s13 =	sadd.s32 $0x10, s13  }
0x93: {  	p1 =	slt.u32 s13, $0x1F30;
	_ =	sdelay $0x4  }
0x94: {  	v0 =	vmin.u32 v0, $0x92C00  }
.Ltmp9:
0x95: {  	(pc) =	sbr.rel @p1 .LBB3_3-.Ltmp9, $3  }
0x96: {  	_ =	sdelay $0x1  }
0x97: {  	s14 =	sadd.s32 $0x10, s14;
	s12 =	sadd.s32 $0x10, s12  }
0x98: {  	[spmem:s9] =	stream.indirect_vreg.scatter.add.s32 [tilespmem:s12], [sflag:$0x1], $0x1, v0, vm0, $0x4038;
	[tilespmem:$0x10FC0] =	vst v63  }
.Ltmp10:
0x99: {  	(pc) =	sbr.rel .LBB3_5-.Ltmp10, $4  }
0x9a: {  	_ = 	snop  }
0x9b: {  	_ =	swait.ge [sflag:s4], $0x1F40  }
0x9c: {  	[sflag:s4] =	ssyncset.done $0x0  }
0x9d: {  	[sflag:s4] =	ssyncadd.s32 $0xFFFFE0C0  }
.LBB3_6:
0x9e: {  	_ =	sfence.sel $0x180000  }
0x9f: {  	s2 =	simm.s32 $0x2;
	[bflag:$0x0] =	sbarrier.arrive $0xFFFF  }
0xa0: {  	s30 =	simm.s32 $0x1;
	[sflag:s2] =	ssyncpa.u1 $0x1  }
0xa1: {  	[sflag:s30] =	ssyncpa.u1 $0x1  }
0xa2: {  	_ =	sfence.stream.spmem  }
0xa3: {  	s31 =	simm.s32 $0x3D;
	[bflag:$0x0] =	sbarrier.arrive $0xFFFF  }
0xa4: {  	s2 =	simm.s32 @p0 $0x3D;
	[sflag:s31] =	ssyncpa.u1 $0x0  }
0xa5: {  	[sflag:s2] =	ssyncpa.u1 @p0 $0x1  }
0xa6: {  	[bflag:$0x0] =	sbarrier.arrive @p0 $0xFFFF  }
0xa7: {  	_ =	strace @p0 $0x9000004A  }
0xa8: {  	s3 =	simm.s32 @!p0 $0x1C3D;
	s2 =	simm.s32 @!p0 $0x0;
	[bflag:$0x2] =	sbarrier.arrive @p0 $0xFFFF  }
0xa9: {  	[hbm:s1], [sflag:s3] =	dma.local @!p0 [spmem:s2], $0x12580  }
0xaa: {  	s1 =	simm.s32 @!p0 $0x3D  }
0xab: {  	_ =	swait.ge @!p0 [sflag:s1], $0x12580  }
0xac: {  	[sflag:s1] =	ssyncset.done @!p0 $0x0  }
0xad: {  	[sflag:s1] =	ssyncadd.s32 @!p0 $0xFFFEDA80  }
0xae: {  	[sflag:s1] =	ssyncpa.u1 @!p0 $0x1  }
0xaf: {  	[bflag:$0x0] =	sbarrier.arrive @!p0 $0xFFFF  }
0xb0: {  	_ =	strace @!p0 $0x9000004A  }
0xb1: {  	s0 =	sadd.s32 @!p0 $0x100000, s0;
	[bflag:$0x2] =	sbarrier.arrive @!p0 $0xFFFF  }
0xb2: {  	[sflag:s0] =	ssyncadd.tile.s32 @!p0 $0x1;
	_ =	shalt  }
.Lfunc_end3:
_tile_overlayer_lowered:
.L_overlay_start_3:
0xb3: {  	(tag) =	ssettag $0x3  }
0xb4: {  	s0 =	rddreg [dreg:$0x0];
	s2 =	stileid.u32  }
0xb5: {  	s1 =	rddreg [dreg:$0x1];
	p0 =	sne.s32 s2, $0x0  }
0xb6: {  	s3 =	rddreg [dreg:$0x2];
	[bflag:$0x3] =	sbarrier.arrive $0xFFFF;
	s2 =	simm.s32 @!p0 $0x1C01  }
0xb7: {  	[timem:s3], [sflag:s2] =	dma.local @!p0 [hbm:s0], s1  }
0xb8: {  	s0 =	simm.s32 @!p0 $0x1  }
0xb9: {  	_ =	swait.ge @!p0 [sflag:s0], s1  }
0xba: {  	s1 =	ssub.s32 @!p0 $0x0, s1;
	[sflag:s0] =	ssyncset.done @!p0 $0x0  }
0xbb: {  	[sflag:s0] =	ssyncadd.s32 @!p0 s1  }
0xbc: {  	[bflag:$0x3] =	sbarrier.arrive $0xFFFF  }
0xbd: {  	_ =	shalt  }

// kernel: scatter_offload_async_start
scs
__scs_entry_jumppad:
0x0: {  	(pc) =	sbr.rel $0x88, $3  }
0x1: {  	(tag) =	ssettag $0x0;
	lr =	simm.s32 $0x1  }
0x2: {  	[smem:$0x3F9B] =	sst lr;
	_ =	strace $0xD0000000  }
0x3: {  	_ = 	snop  }
0x4: {  	_ = 	snop  }
0x5: {  	_ = 	snop  }
0x6: {  	_ = 	snop  }
0x7: {  	_ = 	snop  }
__scs_overlays_trampoline_lowered:
0x8: {  	[smem:$0x3FAA] =	sst s0  }
0x9: {  	[smem:$0x3FAB] =	sst s1  }
0xa: {  	[smem:$0x3FAC] =	sst s2  }
0xb: {  	[smem:$0x3FAD] =	sst s3  }
0xc: {  	[smem:$0x3FAE] =	sst s4  }
0xd: {  	[smem:$0x3FAF] =	sst s5  }
0xe: {  	[smem:$0x3FB0] =	sst s6  }
0xf: {  	[smem:$0x3FB1] =	sst s7  }
0x10: {  	[smem:$0x3FB2] =	sst s8  }
0x11: {  	[smem:$0x3FB3] =	sst s9;
	s0 =	simm.s32 @!p0 $0x0  }
0x12: {  	s1 =	sld [smem:$0x3F99];
	s0 =	simm.s32 @p0 $0x1  }
0x13: {  	[smem:$0x3FB4] =	sst s0;
	s0 =	simm.s32 @!p1 $0x0  }
0x14: {  	s2 =	sld [smem:$0x3F98];
	s0 =	simm.s32 @p1 $0x1  }
0x15: {  	[smem:$0x3FB5] =	sst s0;
	s0 =	simm.s32 @!p2 $0x0  }
0x16: {  	s3 =	sld [smem:$0x3FDB];
	s0 =	simm.s32 @p2 $0x1  }
0x17: {  	s4 =	simm.s32 $0x1BF5;
	[smem:$0x3FB7] =	sst s0  }
0x18: {  	s0 =	sld [smem:$0x3F9A];
	_ =	swait.ge [sflag:s4], $0x0  }
0x19: {  	s7 =	sld [smem:$0x3F9B]  }
0x1a: {  	s8 =	sadd.s32 $0xFFFFE003, lr  }
0x1b: {  	s9 =	sadd.s32 $0xFFFFFEF7, lr;
	s5 =	simm.s32 $0xFFFFFFFF;
	p2 =	slt.u32 s8, $0xFFFFF086  }
0x1c: {  	p1 =	slt.u32 s9, $0xF7A;
	s5 =	simm.s32 @!p2 $0x0  }
0x1d: {  	s5 =	simm.s32 @p1 $0x1;
	p0 =	seq.s32 s7, s2  }
0x1e: {  	s7 =	smul.u32 @!p0 $0xF7A, s2;
	p2 =	seq.s32 @!p0 s5, $0x0  }
0x1f: {  	s9 =	smul.u32 $0xF7A, s1;
	s8 =	simm.s32 @!p0 $0x1BF5;
	p2 =	por !p2, p0  }
0x20: {  	[sflag:s8] =	ssyncset.s32 @!p0 $0xFFFFF086;
	s6 =	sadd.s32 @!p0 s3, s7;
	s7 =	simm.s32 @!p0 $0x108  }
0x21: {  	s3 =	sadd.s32 s3, s9;
	s6 =	sadd.s32 @!p0 $0x88, s6;
	s7 =	simm.s32 @p2 $0x1082  }
0x22: {  	[simem:s7], [sflag:s8] =	dma.local @!p0 [hbm:s6], $0xF7A  }
0x23: {  	s9 =	sor.u32 $0xD0000000, s2;
	s6 =	simm.s32 $0x108;
	_ =	swait.ge @!p0 [sflag:s8], $0x0  }
0x24: {  	s3 =	sadd.s32 $0x88, s3;
	s6 =	simm.s32 @!p1 $0x1082;
	[sflag:s4] =	ssyncset.s32 $0xFFFFF086  }
0x25: {  	[simem:s6], [sflag:s4] =	dma.local [hbm:s3], $0xF7A  }
0x26: {  	[smem:$0x3F9B] =	sst s1;
	(tag) =	ssettag s2;
	_ =	strace s9  }
0x27: {  	s1 =	sld [smem:$0x3FAB]  }
0x28: {  	s2 =	sld [smem:$0x3FAC]  }
0x29: {  	s4 =	sld [smem:$0x3FAE]  }
0x2a: {  	p0 =	seq.s32 s5, $0x0;
	s5 =	sld [smem:$0x3FAF]  }
0x2b: {  	s6 =	sld [smem:$0x3FB0]  }
0x2c: {  	s7 =	sld [smem:$0x3FB1]  }
0x2d: {  	s3 =	simm.s32 $0x108;
	s8 =	sld [smem:$0x3FB2]  }
0x2e: {  	s3 =	simm.s32 @!p0 $0x1082;
	s9 =	sld [smem:$0x3FB3]  }
0x2f: {  	lr =	sadd.s32 s0, s3;
	s0 =	sld [smem:$0x3FAA]  }
0x30: {  	s3 =	sld [smem:$0x3FAD]  }
0x31: {  	[smem:$0x3FB6] =	sst s10  }
0x32: {  	s10 =	sld [smem:$0x3FB4];
	_ =	sdelay $0x3  }
0x33: {  	p0 =	seq.s32 s10, $0x1;
	s10 =	sld [smem:$0x3FB6];
	_ =	sdelay $0x3  }
0x34: {  	[smem:$0x3FB6] =	sst s10  }
0x35: {  	s10 =	sld [smem:$0x3FB5];
	_ =	sdelay $0x3  }
0x36: {  	p1 =	seq.s32 s10, $0x1;
	s10 =	sld [smem:$0x3FB6];
	_ =	sdelay $0x3  }
0x37: {  	[smem:$0x3FB6] =	sst s10  }
0x38: {  	s10 =	sld [smem:$0x3FB7]  }
0x39: {  	_ = 	snop;
	(pc) =	sbr.ind lr, $3  }
0x3a: {  	_ = 	snop  }
0x3b: {  	_ = 	snop  }
0x3c: {  	p2 =	seq.s32 s10, $0x1;
	s10 =	sld [smem:$0x3FB6]  }
0x3d: {  	_ =	shalt  }
0x3e: {  	_ =	shalt  }
0x3f: {  	_ =	shalt  }
0x40: {  	_ =	shalt  }
0x41: {  	_ =	shalt  }
0x42: {  	_ =	shalt  }
0x43: {  	_ =	shalt  }
0x44: {  	_ =	shalt  }
0x45: {  	_ =	shalt  }
0x46: {  	_ =	shalt  }
0x47: {  	_ =	shalt  }
0x48: {  	_ =	shalt  }
0x49: {  	_ =	shalt  }
0x4a: {  	_ =	shalt  }
0x4b: {  	_ =	shalt  }
0x4c: {  	_ =	shalt  }
0x4d: {  	_ =	shalt  }
0x4e: {  	_ =	shalt  }
0x4f: {  	_ =	shalt  }
0x50: {  	_ =	shalt  }
0x51: {  	_ =	shalt  }
0x52: {  	_ =	shalt  }
0x53: {  	_ =	shalt  }
0x54: {  	_ =	shalt  }
0x55: {  	_ =	shalt  }
0x56: {  	_ =	shalt  }
0x57: {  	_ =	shalt  }
0x58: {  	_ =	shalt  }
0x59: {  	_ =	shalt  }
0x5a: {  	_ =	shalt  }
0x5b: {  	_ =	shalt  }
0x5c: {  	_ =	shalt  }
0x5d: {  	_ =	shalt  }
0x5e: {  	_ =	shalt  }
0x5f: {  	_ =	shalt  }
0x60: {  	_ =	shalt  }
0x61: {  	_ =	shalt  }
0x62: {  	_ =	shalt  }
0x63: {  	_ =	shalt  }
0x64: {  	_ =	shalt  }
0x65: {  	_ =	shalt  }
0x66: {  	_ =	shalt  }
0x67: {  	_ =	shalt  }
0x68: {  	_ =	shalt  }
0x69: {  	_ =	shalt  }
0x6a: {  	_ =	shalt  }
0x6b: {  	_ =	shalt  }
0x6c: {  	_ =	shalt  }
0x6d: {  	_ =	shalt  }
0x6e: {  	_ =	shalt  }
0x6f: {  	_ =	shalt  }
0x70: {  	_ =	shalt  }
0x71: {  	_ =	shalt  }
0x72: {  	_ =	shalt  }
0x73: {  	_ =	shalt  }
0x74: {  	_ =	shalt  }
0x75: {  	_ =	shalt  }
0x76: {  	_ =	shalt  }
0x77: {  	_ =	shalt  }
0x78: {  	_ =	shalt  }
0x79: {  	_ =	shalt  }
0x7a: {  	_ =	shalt  }
0x7b: {  	_ =	shalt  }
0x7c: {  	_ =	shalt  }
0x7d: {  	_ =	shalt  }
0x7e: {  	_ =	shalt  }
0x7f: {  	_ =	shalt  }
0x80: {  	_ =	shalt  }
0x81: {  	_ =	shalt  }
0x82: {  	_ =	shalt  }
0x83: {  	_ =	shalt  }
0x84: {  	_ =	shalt  }
0x85: {  	_ =	shalt  }
0x86: {  	_ =	shalt  }
0x87: {  	_ =	shalt  }
.Lfunc_end0:
.L_simem_size_0:
called_computation_lowered:
.L_overlay_start_0:
0x88: {  	s0 =	sld [smem:$0x3FD9]  }
0x89: {  	s1 =	sld [smem:$0x3FFE];
	_ =	sdelay $0x3  }
0x8a: {  	s0 =	sadd.s32 s1, s0  }
0x8b: {  	[smem:$0x3FC2] =	sst s0  }
0x8c: {  	_ = 	snop  }
0x8d: {  	s14 =	sld [smem:$0x3FD0];
	(tm) =	ssettm $0x1  }
0x8e: {  	s15 =	sld [smem:$0x3FFB];
	_ =	sdelay $0x3  }
0x8f: {  	_ =	strace s15  }
0x90: {  	s0 =	sld [smem:$0x3FFC];
	_ =	sdelay $0x3  }
0x91: {  	_ =	strace s0  }
0x92: {  	s0 =	sld [smem:$0x3FFD];
	_ =	sdelay $0x3  }
0x93: {  	_ =	strace s0  }
0x94: {  	_ =	strace $0x8FFFFFFF  }
0x95: {  	s16 =	sld [smem:$0x3FDB];
	_ =	sdelay $0x1  }
0x96: {  	s2 =	simm.s32 $_scs_section_size  }
0x97: {  	s3 =	simm.s32 $_size__tile_overlayer_lowered;
	s4 =	simm.s32 $_tile_overlayer_lowered  }
0x98: {  	s5 =	simm.s32 $0x1BFF;
	s17 =	sshll.u32 s4, $0x1;
	s2 =	sadd.s32 s2, s16  }
0x99: {  	s18 =	simm.s32 $0x0;
	s3 =	sshll.u32 s3, $0x1;
	s4 =	sadd.s32 s17, s2  }
0x9a: {  	[timem:s18], [sflag:s5] =	dma.local [hbm:s4], s3  }
0x9b: {  	_ =	swait.ge [sflag:s5], s3  }
0x9c: {  	s3 =	ssub.s32 $0x0, s3;
	[sflag:s5] =	ssyncset.done $0x0  }
0x9d: {  	[sflag:s5] =	ssyncadd.s32 s3;
	_ =	sdelay $0x1  }
0x9e: {  	s19 =	simm.s32 $0x1B8B  }
0x9f: {  	_ =	swait.ge [sflag:s19], $0x1  }
0xa0: {  	[sflag:s19] =	ssyncset.done $0x0  }
0xa1: {  	s21 =	simm.s32 $0x1B8E;
	s20 =	sld [smem:$0x3FFE];
	[sflag:s19] =	ssyncadd.s32 $0xFFFFFFFF  }
0xa2: {  	s22 =	simm.s32 $execute0_lowered;
	[smem:$0x3FD2] =	sst s21  }
0xa3: {  	s4 =	sshll.u32 s22, $0x1;
	_ =	strace $0x8000004C;
	[dreg:$0x1] =	wrdreg $0xFFFFFFFF  }
0xa4: {  	s23 =	simm.s32 $_size_execute0_lowered;
	s4 =	sadd.s32 s2, s4;
	[dreg:$0x0] =	wrdreg $0x0  }
0xa5: {  	s5 =	sshll.u32 s23, $0x1;
	[dreg:$0x2] =	wrdreg s4  }
0xa6: {  	[dreg:$0x3] =	wrdreg s5  }
0xa7: {  	[dreg:$0x4] =	wrdreg $0xC0  }
0xa8: {  	s24 =	simm.s32 $execute1_lowered;
	_ =	task [dreg:s18], $0x5FFFF  }
0xa9: {  	s4 =	sshll.u32 s24, $0x1;
	[dreg:$0x1] =	wrdreg $0xFFFFFFFF  }
0xaa: {  	s2 =	sadd.s32 s2, s4;
	[dreg:$0x0] =	wrdreg $0x60  }
0xab: {  	[dreg:$0x2] =	wrdreg s2  }
0xac: {  	[dreg:$0x3] =	wrdreg s14  }
0xad: {  	[dreg:$0x4] =	wrdreg s20  }
0xae: {  	[dreg:$0x5] =	wrdreg $0x9  }
0xaf: {  	_ =	task.clear_ibuf [dreg:s18], $0x6FFFF;
	_ =	strace $0x9000004C  }
0xb0: {  	s25 =	simm.s32 $0x9;
	_ =	strace $0x8000004E  }
0xb1: {  	_ =	swait.ge [sflag:s25], $0x1  }
0xb2: {  	[sflag:s25] =	ssyncadd.s32 $0xFFFFFFFF  }
0xb3: {  	_ =	strace $0x9000004E  }
0xb4: {  	_ =	strace $0x8000004F;
	[dreg:$0x1] =	wrdreg $0xFFFFFFFF  }
0xb5: {  	[dreg:$0x0] =	wrdreg $0x2030  }
0xb6: {  	[dreg:$0x2] =	wrdreg s20  }
0xb7: {  	[dreg:$0x3] =	wrdreg $0xA  }
0xb8: {  	_ =	task.clear_ibuf [dreg:s18], $0x4FFFF;
	_ =	strace $0x9000004F  }
0xb9: {  	s26 =	simm.s32 $0xA;
	_ =	strace $0x80000051  }
0xba: {  	_ =	swait.ge [sflag:s26], $0x1  }
0xbb: {  	[sflag:s26] =	ssyncadd.s32 $0xFFFFFFFF  }
0xbc: {  	_ =	strace $0x90000051  }
0xbd: {  	_ =	sfence  }
0xbe: {  	s28 =	sld [smem:$0x0];
	_ =	sdelay $0x1  }
0xbf: {  	s29 =	srdreg.scid  }
0xc0: {  	s30 =	sshll.u32 s29, $0xD;
	s31 =	sshrl.u32 s29, $0x2  }
0xc1: {  	s3 =	sand.u32 $0x4000, s30;
	s2 =	sand.u32 $0x1, s29;
	s1 =	sadd.s32 s31, s28  }
0xc2: {  	s2 =	sor.u32 s3, s2;
	s1 =	sshll.u32 s1, $0x11  }
0xc3: {  	s1 =	sor.u32 s1, s2  }
0xc4: {  	s1 =	sadd.s32 $0x8F2B, s1  }
0xc5: {  	[sflag:s1] =	ssyncadd.remote.s32 $0x1  }
0xc6: {  	_ =	sfence.sel $0xFFFF  }
0xc7: {  	[dreg:$0x0] =	wrdreg $0xFFFFFFFF;
	(pc) =	sbr.abs _section_cstart, $3  }
0xc8: {  	[dreg:$0x1] =	wrdreg $0xFFFFFFFF  }
0xc9: {  	_ =	task.clear_ibuf [dreg:s18], $0x2FFFF;
	_ =	strace $0x9FFFFFFF  }
0xca: {  	(tm) =	ssettm $0x7FFFFFFF  }
0xcb: {  	_ =	shalt  }
tec
execute0_lowered:
.L_overlay_start_1:
0x0: {  	(tag) =	ssettag $0x1  }
0x1: {  	s4 =	rddreg [dreg:$0x0]  }
0x2: {  	s2 =	rddreg [dreg:$0x1];
	s6 =	stileid.u32  }
0x3: {  	s5 =	rddreg [dreg:$0x2];
	s3 =	smul.u32 $0x24B0, s6  }
0x4: {  	s0 =	rddreg [dreg:$0x3];
	[bflag:$0x3] =	sbarrier.arrive $0xFFFF;
	s1 =	simm.s32 $_size_execute1_lowered  }
0x5: {  	s1 =	sshll.u32 s1, $0x1;
	p0 =	sne.s32 s6, $0x0;
	s28 =	ssub.s32 $0x92C00, s3  }
0x6: {  	s7 =	simm.s32 @!p0 $0x1C3F;
	s8 =	simm.s32 @!p0 $0x4060;
	s9 =	smulhi.u32 $0x6FA55, s28  }
0x7: {  	[timem:s8], [sflag:s7] =	dma.local @!p0 [hbm:s4], s1  }
0x8: {  	s29 =	sshrl.u32 s9, $0x4  }
0x9: {  	s30 =	smul.u32 $0x24B00, s29  }
.Ltmp0:
0xa: {  	s31 =	simm.s32 $0x2;
	s10 =	simm.s32 $0x0;
	(pc) =	sbr.rel .LBB2_1-.Ltmp0, $4  }
0xb: {  	s6 =	simm.s32 $0x1;
	s5 =	sadd.s32 $0x35AA00, s5;
	p1 =	sne.s32 s28, s30  }
0xc: {  	s4 =	simm.s32 $0x1;
	_ =	strace $0x8000004D;
	s6 =	simm.s32 @!p1 $0x0  }
0xd: {  	s8 =	smov.u32 s3;
	[sflag:s4] =	ssyncpa.u1 $0x0;
	s6 =	sadd.s32 s6, s29  }
0xe: {  	[sflag:s31] =	ssyncpa.u1 $0x0;
	s9 =	simm.s32 $0x0;
	s7 =	sadd.s32 $0x1, s6  }
.LBB2_7:
0xf: {  	s12 =	sadd.s32 $0x24B00, s8  }
0x10: {  	p2 =	sgt.s32 s12, $0x92BFF  }
0x11: {  	s12 =	smov.u32 @p2 s3;
	p2 =	sne.s32 s9, s7  }
.Ltmp1:
0x12: {  	p1 =	slt.u32 s9, $0x2;
	(pc) =	sbr.rel @!p2 .LBB2_8-.Ltmp1, $4  }
0x13: {  	s11 =	simm.s32 @!p1 $0x2  }
0x14: {  	_ =	swait.ge @!p1 [sflag:s11], $0x24B0  }
0x15: {  	s13 =	sadd.s32 $0x1, s9;
	s10 =	smov.u32 s8;
	[sflag:s11] =	ssyncset.done @!p1 $0x0  }
0x16: {  	s9 =	smov.u32 s13;
	s8 =	smov.u32 s12;
	[sflag:s11] =	ssyncadd.s32 @!p1 $0xFFFFDB50  }
.LBB2_1:
0x17: {  	p1 =	sge.u32 s9, s6  }
0x18: {  	s11 =	sxor.u32 @!p1 $0xFFFFFFFF, s9  }
0x19: {  	s11 =	sand.u32 @!p1 $0x1, s11  }
0x1a: {  	s11 =	smul.u32 @!p1 $0x92C0, s11  }
0x1b: {  	s31 =	sadd.s32 $0xFFFFFFFF, s9;
	s12 =	sshrl.u32 @!p1 s8, $0x3  }
0x1c: {  	s13 =	sand.u32 @!p1 $0x7, s8;
	s12 =	sadd.s32 @!p1 s2, s12;
	s11 =	sshrl.u32 @!p1 s11, $0x2  }
0x1d: {  	[tilespmem:s11], [sflag:$0x1] =	stream.linear.gather @!p1 [hbm4b:s12+s13], $0x24B0, $0x38;
	[tilespmem:$0x92C0] =	vst v63  }
0x1e: {  	p1 =	sge.u32 s31, s6  }
.Ltmp2:
0x1f: {  	_ = 	snop;
	(pc) =	sbr.rel @p1 .LBB2_7-.Ltmp2, $1  }
0x20: {  	_ =	sdelay $0x3  }
0x21: {  	s11 =	sand.u32 $0x1, s9  }
0x22: {  	_ =	swait.ge [sflag:s4], $0x24B0;
	s13 =	simm.s32 $0x24B0;
	p1 =	seq.s32 s11, $0x1  }
0x23: {  	[sflag:s4] =	ssyncset.done $0x0;
	s13 =	simm.s32 @!p1 $0x0  }
0x24: {  	[sflag:s4] =	ssyncadd.s32 $0xFFFFDB50;
	s15 =	sadd.s32 $0x80, s13  }
0x25: {  	v0 =	vld [tilespmem:s15+$0x70]  }
0x26: {  	v1 =	vld [tilespmem:s15+$0xFFFFFF90]  }
0x27: {  	v2 =	vld [tilespmem:s15+$0xFFFFFFA0]  }
0x28: {  	v3 =	vld [tilespmem:s15+$0xFFFFFFB0]  }
0x29: {  	s11 =	sadd.s32 $0x49E0, s13;
	v4 =	vld [tilespmem:s15+$0xFFFFFFC0]  }
0x2a: {  	v5 =	vld [tilespmem:s15+$0xFFFFFFD0];
	[tilespmem:s11+$0x70] =	vst v0  }
0x2b: {  	[tilespmem:s11+$0xFFFFFF90] =	vst v1;
	v0 =	vld [tilespmem:s15+$0xFFFFFFE0]  }
0x2c: {  	[tilespmem:s11+$0xFFFFFFA0] =	vst v2;
	v1 =	vld [tilespmem:s15+$0xFFFFFFF0]  }
0x2d: {  	[tilespmem:s11+$0xFFFFFFB0] =	vst v3;
	v2 =	vld [tilespmem:s15+$0x0]  }
0x2e: {  	[tilespmem:s11+$0xFFFFFFC0] =	vst v4;
	v3 =	vld [tilespmem:s15+$0x10]  }
0x2f: {  	[tilespmem:s11+$0xFFFFFFD0] =	vst v5;
	v5 =	vld [tilespmem:s15+$0x20]  }
0x30: {  	[tilespmem:s11+$0xFFFFFFE0] =	vst v0;
	v0 =	vld [tilespmem:s15+$0x30]  }
0x31: {  	[tilespmem:s11+$0xFFFFFFF0] =	vst v1;
	v1 =	vld [tilespmem:s15+$0x40]  }
0x32: {  	[tilespmem:s11+$0x0] =	vst v2;
	v2 =	vld [tilespmem:s15+$0x50]  }
0x33: {  	s14 =	simm.s32 $0x0;
	[tilespmem:s11+$0x10] =	vst v3;
	v3 =	vld [tilespmem:s15+$0x60]  }
0x34: {  	s12 =	sadd.s32 $0x4960, s13;
	s13 =	sshll.u32 s13, $0x2;
	v4 =	vld [tilespmem:s15+$0xFFFFFF80];
	[tilespmem:s11+$0x20] =	vst v5;
	s15 =	sadd.s32 $0x100, s15  }
.LBB2_3:
0x35: {  	v5 =	vld [tilespmem:s15+$0x70];
	s14 =	sadd.s32 $0x100, s14;
	[tilespmem:s11+$0x30] =	vst v0  }
0x36: {  	v0 =	vld [tilespmem:s15+$0xFFFFFF90];
	p1 =	slt.u32 s14, $0x2300;
	[tilespmem:s11+$0x40] =	vst v1  }
0x37: {  	v1 =	vld [tilespmem:s15+$0xFFFFFFA0];
	[tilespmem:s11+$0x50] =	vst v2  }
0x38: {  	v2 =	vld [tilespmem:s15+$0xFFFFFFB0];
	[tilespmem:s11+$0x60] =	vst v3  }
0x39: {  	v3 =	vld [tilespmem:s15+$0xFFFFFFC0];
	[tilespmem:s11+$0xFFFFFF80] =	vst v4;
	s11 =	sadd.s32 $0x100, s11  }
0x3a: {  	v4 =	vld [tilespmem:s15+$0xFFFFFFD0];
	[tilespmem:s11+$0x70] =	vst v5  }
0x3b: {  	[tilespmem:s11+$0xFFFFFF90] =	vst v0;
	v0 =	vld [tilespmem:s15+$0xFFFFFFE0]  }
0x3c: {  	[tilespmem:s11+$0xFFFFFFA0] =	vst v1;
	v1 =	vld [tilespmem:s15+$0xFFFFFFF0]  }
0x3d: {  	[tilespmem:s11+$0xFFFFFFB0] =	vst v2;
	v2 =	vld [tilespmem:s15+$0x0]  }
0x3e: {  	[tilespmem:s11+$0xFFFFFFC0] =	vst v3;
	v3 =	vld [tilespmem:s15+$0x10]  }
0x3f: {  	[tilespmem:s11+$0xFFFFFFD0] =	vst v4;
	v5 =	vld [tilespmem:s15+$0x20]  }
.Ltmp3:
0x40: {  	[tilespmem:s11+$0xFFFFFFE0] =	vst v0;
	v0 =	vld [tilespmem:s15+$0x30];
	(pc) =	sbr.rel @p1 .LBB2_3-.Ltmp3, $4  }
0x41: {  	[tilespmem:s11+$0xFFFFFFF0] =	vst v1;
	v1 =	vld [tilespmem:s15+$0x40]  }
0x42: {  	[tilespmem:s11+$0x0] =	vst v2;
	v2 =	vld [tilespmem:s15+$0x50]  }
0x43: {  	[tilespmem:s11+$0x10] =	vst v3;
	v3 =	vld [tilespmem:s15+$0x60]  }
0x44: {  	v4 =	vld [tilespmem:s15+$0xFFFFFF80];
	[tilespmem:s11+$0x20] =	vst v5;
	s15 =	sadd.s32 $0x100, s15  }
0x45: {  	[tilespmem:s11+$0x30] =	vst v0  }
0x46: {  	[tilespmem:s11+$0x40] =	vst v1  }
0x47: {  	[tilespmem:s11+$0x50] =	vst v2  }
0x48: {  	s13 =	sshrl.u32 s13, $0x2;
	[tilespmem:s11+$0x60] =	vst v3  }
0x49: {  	s14 =	simm.s32 $0x23F0;
	[tilespmem:s11+$0xFFFFFF80] =	vst v4;
	s11 =	sadd.s32 $0x6D60, s13;
	s13 =	sadd.s32 $0x2400, s13  }
.LBB2_5:
0x4a: {  	s14 =	sadd.s32 $0x10, s14  }
0x4b: {  	v0 =	vld [tilespmem:s13+$0x0];
	p1 =	slt.u32 s14, $0x24A0  }
.Ltmp4:
0x4c: {  	_ = 	snop;
	(pc) =	sbr.rel @p1 .LBB2_5-.Ltmp4, $2  }
0x4d: {  	_ =	sdelay $0x2  }
0x4e: {  	s13 =	sadd.s32 $0x10, s13;
	[tilespmem:s11+$0x0] =	vst v0;
	s11 =	sadd.s32 $0x10, s11  }
.Ltmp5:
0x4f: {  	(pc) =	sbr.rel .LBB2_7-.Ltmp5, $4  }
0x50: {  	_ = 	snop  }
0x51: {  	s11 =	sshrl.u32 s10, $0x3  }
0x52: {  	s31 =	sand.u32 $0x7, s10;
	s11 =	sadd.s32 s5, s11  }
0x53: {  	[hbm4b:s11+s31] =	stream.linear.scatter [tilespmem:s12], [sflag:$0x2], $0x24B0, $0x38;
	[tilespmem:$0x92C0] =	vst v63  }
.LBB2_8:
0x54: {  	_ =	sfence.sel $0x180000  }
0x55: {  	s2 =	simm.s32 $0x1;
	[bflag:$0x0] =	sbarrier.arrive $0xFFFF  }
0x56: {  	s31 =	simm.s32 $0x2;
	[sflag:s2] =	ssyncpa.u1 $0x1  }
0x57: {  	[sflag:s31] =	ssyncpa.u1 $0x1  }
0x58: {  	_ =	strace $0x9000004D  }
0x59: {  	s0 =	sadd.s32 @!p0 $0x100000, s0;
	[bflag:$0x2] =	sbarrier.arrive $0xFFFF  }
0x5a: {  	[sflag:s0] =	ssyncadd.tile.s32 @!p0 $0x1;
	s0 =	simm.s32 @!p0 $0x3F  }
0x5b: {  	_ =	swait.ge @!p0 [sflag:s0], s1  }
0x5c: {  	s1 =	ssub.s32 @!p0 $0x0, s1;
	[sflag:s0] =	ssyncset.done @!p0 $0x0  }
0x5d: {  	[sflag:s0] =	ssyncadd.s32 @!p0 s1  }
0x5e: {  	[bflag:$0x3] =	sbarrier.arrive $0xFFFF  }
0x5f: {  	_ =	shalt  }
.Lfunc_end2:
execute1_lowered:
.L_overlay_start_2:
0x60: {  	(tag) =	ssettag $0x2  }
0x61: {  	s7 =	rddreg [dreg:$0x0]  }
0x62: {  	s0 =	rddreg [dreg:$0x1];
	_ =	strace $0x80000050  }
0x63: {  	s3 =	stileid.u32;
	s4 =	simm.s32 $0x3E;
	s1 =	sadd.s32 $0x35AA00, s7  }
0x64: {  	p0 =	sne.s32 s3, $0x0;
	[sflag:s4] =	ssyncpa.u1 $0x0;
	s29 =	smin.u32 s3, $0xB  }
0x65: {  	s30 =	sshll.u32 s3, $0x2;
	s2 =	simm.s32 @!p0 $0x1C3E;
	s5 =	simm.s32 @!p0 $0x0  }
0x66: {  	[spmem:s5], [sflag:s2] =	dma.local @!p0 [hbm:s1], $0x12580  }
0x67: {  	s2 =	sadd.s32 s29, s30  }
0x68: {  	p1 =	slt.u32 s3, $0xB;
	s3 =	simm.s32 $0x9C40;
	s2 =	smul.u32 $0x1F40, s2  }
0x69: {  	s3 =	simm.s32 @!p1 $0x7D00  }
0x6a: {  	s3 =	sadd.s32 s3, s2  }
0x6b: {  	s3 =	smin.u32 s3, $0x927C0  }
0x6c: {  	s8 =	ssub.s32 s3, s2  }
0x6d: {  	p1 =	sgt.s32 s8, $0x0  }
0x6e: {  	s8 =	simm.s32 @!p1 $0x0  }
0x6f: {  	s5 =	simm.s32 @!p0 $0x3E;
	s31 =	smulhi.u32 $0x10624DD3, s8  }
0x70: {  	_ =	swait.ge @!p0 [sflag:s5], $0x12580  }
0x71: {  	s6 =	simm.s32 $0x2;
	[sflag:s5] =	ssyncset.done @!p0 $0x0;
	s9 =	sshrl.u32 s31, $0x9  }
0x72: {  	s11 =	simm.s32 $0x0;
	[sflag:s5] =	ssyncadd.s32 @!p0 $0xFFFEDA80;
	s10 =	smul.u32 $0x1F40, s9  }
.Ltmp6:
0x73: {  	s5 =	sadd.s32 $0x16400, s7;
	[bflag:$0x0] =	sbarrier.arrive $0xFFFF;
	(pc) =	sbr.rel .LBB3_1-.Ltmp6, $4  }
0x74: {  	s7 =	sadd.s32 $0x3B000, s7;
	[sflag:s4] =	ssyncpa.u1 $0x1;
	s4 =	simm.s32 $0x1  }
0x75: {  	[sflag:s4] =	ssyncpa.u1 $0x0;
	p1 =	sne.s32 s8, s10;
	s8 =	simm.s32 $0x1  }
0x76: {  	(ifvalue) =	ssetifvalue $0x92C00;
	[sflag:s6] =	ssyncpa.u1 $0x0;
	s8 =	simm.s32 @!p1 $0x0  }
0x77: {  	vm0 =	vmmov $0xffff;
	s10 =	smov.u32 s2;
	s8 =	sadd.s32 s8, s9;
	s9 =	simm.s32 $0x0  }
.LBB3_5:
0x78: {  	p2 =	sne.s32 s11, s8  }
.Ltmp7:
0x79: {  	_ = 	snop;
	(pc) =	sbr.rel @!p2 .LBB3_6-.Ltmp7, $4  }
0x7a: {  	_ = 	snop  }
0x7b: {  	s12 =	sadd.s32 $0x1F40, s10  }
0x7c: {  	s10 =	smov.u32 s2;
	s13 =	sadd.s32 $0x1, s11;
	p1 =	slt.s32 s12, s3  }
0x7d: {  	s11 =	smov.u32 s13;
	s10 =	smov.u32 @p1 s12  }
.LBB3_1:
0x7e: {  	p1 =	sge.u32 s11, s8  }
0x7f: {  	s12 =	sxor.u32 @!p1 $0xFFFFFFFF, s11  }
0x80: {  	s12 =	sand.u32 @!p1 $0x1, s12  }
0x81: {  	s12 =	smul.u32 @!p1 $0x1F40, s12  }
0x82: {  	s13 =	sshrl.u32 @!p1 s10, $0x3  }
0x83: {  	s16 =	sand.u32 @!p1 $0x7, s10;
	s14 =	sadd.s32 @!p1 s5, s13;
	s15 =	sadd.s32 @!p1 $0x92C0, s12  }
0x84: {  	[tilespmem:s15], [sflag:$0x2] =	stream.linear.gather @!p1 [hbm4b:s14+s16], $0x1F40, $0x38;
	[tilespmem:$0x10FC0] =	vst v63  }
0x85: {  	s13 =	sadd.s32 @!p1 s7, s13;
	s12 =	sadd.s32 @!p1 $0xD140, s12  }
0x86: {  	[tilespmem:s12], [sflag:$0x2] =	stream.linear.gather @!p1 [hbm4b:s13+s16], $0x1F40, $0x38;
	[tilespmem:$0x10FC0] =	vst v63  }
0x87: {  	p1 =	seq.s32 s11, $0x0  }
.Ltmp8:
0x88: {  	_ = 	snop;
	(pc) =	sbr.rel @p1 .LBB3_5-.Ltmp8, $1  }
0x89: {  	_ =	sdelay $0x3  }
0x8a: {  	s12 =	sand.u32 $0x1, s11  }
0x8b: {  	_ =	swait.ge [sflag:s6], $0x3E80;
	p1 =	seq.s32 s12, $0x1;
	s12 =	simm.s32 $0x1F40  }
0x8c: {  	[sflag:s6] =	ssyncset.done $0x0;
	s12 =	simm.s32 @!p1 $0x0  }
0x8d: {  	[sflag:s6] =	ssyncadd.s32 $0xFFFFC180;
	s14 =	sadd.s32 $0x92C0, s12  }
0x8e: {  	v0 =	vld.msk [tilespmem:s14+$0x0 ss:$0x1], $0xffff;
	_ =	sdelay $0x4  }
0x8f: {  	v0 =	vmin.u32 v0, $0x92C00;
	_ =	sdelay $0x3  }
0x90: {  	s13 =	simm.s32 $0x0;
	s12 =	sadd.s32 $0xD140, s12;
	s14 =	sadd.s32 $0x10, s14  }
0x91: {  	[spmem:s9] =	stream.indirect_vreg.scatter.add.s32 [tilespmem:s12], [sflag:$0x1], $0x1, v0, vm0, $0x4038;
	[tilespmem:$0x10FC0] =	vst v63  }
.LBB3_3:
0x92: {  	v0 =	vld.msk [tilespmem:s14+$0x0 ss:$0x1], $0xffff;
	s13 =	sadd.s32 $0x10, s13  }
0x93: {  	p1 =	slt.u32 s13, $0x1F30;
	_ =	sdelay $0x4  }
0x94: {  	v0 =	vmin.u32 v0, $0x92C00  }
.Ltmp9:
0x95: {  	(pc) =	sbr.rel @p1 .LBB3_3-.Ltmp9, $3  }
0x96: {  	_ =	sdelay $0x1  }
0x97: {  	s14 =	sadd.s32 $0x10, s14;
	s12 =	sadd.s32 $0x10, s12  }
0x98: {  	[spmem:s9] =	stream.indirect_vreg.scatter.add.s32 [tilespmem:s12], [sflag:$0x1], $0x1, v0, vm0, $0x4038;
	[tilespmem:$0x10FC0] =	vst v63  }
.Ltmp10:
0x99: {  	(pc) =	sbr.rel .LBB3_5-.Ltmp10, $4  }
0x9a: {  	_ = 	snop  }
0x9b: {  	_ =	swait.ge [sflag:s4], $0x1F40  }
0x9c: {  	[sflag:s4] =	ssyncset.done $0x0  }
0x9d: {  	[sflag:s4] =	ssyncadd.s32 $0xFFFFE0C0  }
.LBB3_6:
0x9e: {  	_ =	sfence.sel $0x180000  }
0x9f: {  	s2 =	simm.s32 $0x2;
	[bflag:$0x0] =	sbarrier.arrive $0xFFFF  }
0xa0: {  	s30 =	simm.s32 $0x1;
	[sflag:s2] =	ssyncpa.u1 $0x1  }
0xa1: {  	[sflag:s30] =	ssyncpa.u1 $0x1  }
0xa2: {  	_ =	sfence.stream.spmem  }
0xa3: {  	s31 =	simm.s32 $0x3D;
	[bflag:$0x0] =	sbarrier.arrive $0xFFFF  }
0xa4: {  	s2 =	simm.s32 @p0 $0x3D;
	[sflag:s31] =	ssyncpa.u1 $0x0  }
0xa5: {  	[sflag:s2] =	ssyncpa.u1 @p0 $0x1  }
0xa6: {  	[bflag:$0x0] =	sbarrier.arrive @p0 $0xFFFF  }
0xa7: {  	_ =	strace @p0 $0x90000050  }
0xa8: {  	s3 =	simm.s32 @!p0 $0x1C3D;
	s2 =	simm.s32 @!p0 $0x0;
	[bflag:$0x2] =	sbarrier.arrive @p0 $0xFFFF  }
0xa9: {  	[hbm:s1], [sflag:s3] =	dma.local @!p0 [spmem:s2], $0x12580  }
0xaa: {  	s1 =	simm.s32 @!p0 $0x3D  }
0xab: {  	_ =	swait.ge @!p0 [sflag:s1], $0x12580  }
0xac: {  	[sflag:s1] =	ssyncset.done @!p0 $0x0  }
0xad: {  	[sflag:s1] =	ssyncadd.s32 @!p0 $0xFFFEDA80  }
0xae: {  	[sflag:s1] =	ssyncpa.u1 @!p0 $0x1  }
0xaf: {  	[bflag:$0x0] =	sbarrier.arrive @!p0 $0xFFFF  }
0xb0: {  	_ =	strace @!p0 $0x90000050  }
0xb1: {  	s0 =	sadd.s32 @!p0 $0x100000, s0;
	[bflag:$0x2] =	sbarrier.arrive @!p0 $0xFFFF  }
0xb2: {  	[sflag:s0] =	ssyncadd.tile.s32 @!p0 $0x1;
	_ =	shalt  }
.Lfunc_end3:
_tile_overlayer_lowered:
.L_overlay_start_3:
0xb3: {  	(tag) =	ssettag $0x3  }
0xb4: {  	s0 =	rddreg [dreg:$0x0];
	s2 =	stileid.u32  }
0xb5: {  	s1 =	rddreg [dreg:$0x1];
	p0 =	sne.s32 s2, $0x0  }
0xb6: {  	s3 =	rddreg [dreg:$0x2];
	[bflag:$0x3] =	sbarrier.arrive $0xFFFF;
	s2 =	simm.s32 @!p0 $0x1C01  }
0xb7: {  	[timem:s3], [sflag:s2] =	dma.local @!p0 [hbm:s0], s1  }
0xb8: {  	s0 =	simm.s32 @!p0 $0x1  }
0xb9: {  	_ =	swait.ge @!p0 [sflag:s0], s1  }
0xba: {  	s1 =	ssub.s32 @!p0 $0x0, s1;
	[sflag:s0] =	ssyncset.done @!p0 $0x0  }
0xbb: {  	[sflag:s0] =	ssyncadd.s32 @!p0 s1  }
0xbc: {  	[bflag:$0x3] =	sbarrier.arrive $0xFFFF  }
0xbd: {  	_ =	shalt  }

</sc_bundles>
